<compile_context>
chip_gen: v7x
topology: tpu7x:2x2x1
jax: 0.10.2.dev20260603
libtpu: 0.0.44.dev20260713+nightly
codegen_flags: <defaults>
</compile_context>

<pallas_src>
import functools

import jax
import jax.numpy as jnp
from jax import lax
from jax.experimental import pallas as pl
from jax.experimental.pallas import tpu as pltpu
from jax.experimental.pallas import tpu_sc as plsc

E = 8
K = 2
D = 1024
C = 1024
B = 2
N = 2048
T = B * N
A = K * T
BLK = 512
CAP = A + E * BLK
NBLK = CAP // BLK
TT = 512
NT = T // TT
TILES_PER_B = NT // B
AB = 512
NAB = A // AB

NC = 2
NS = 16
NW = NC * NS

_F32 = jnp.float32
_I32 = jnp.int32
_BF16 = jnp.bfloat16


def _erf(x):
    s = jnp.sign(x)
    a = jnp.abs(x)
    t = 1.0 / (1.0 + 0.3275911 * a)
    poly = t * (0.254829592
                + t * (-0.284496736
                       + t * (1.421413741
                              + t * (-1.453152027 + t * 1.061405429))))
    return s * (1.0 - poly * jnp.exp(-a * a))


def _gelu_exact(x):
    return 0.5 * x * (1.0 + _erf(x * 0.7071067811865476))



def _gate_kernel(x_ref, gw_ref, e1_ref, e2_ref, w1n_ref, w2n_ref, bal_ref,
                 z_ref, cnt_ref, proxy_acc, dens_acc, z_acc, cnt_acc):
    i = pl.program_id(0)
    x = x_ref[...]
    gw = gw_ref[...]
    logits = jax.lax.dot_general(x, gw, (((1,), (1,)), ((), ())),
                                 preferred_element_type=_F32)
    m = jnp.max(logits, axis=1, keepdims=True)
    ex = jnp.exp(logits - m)
    sumex = jnp.sum(ex, axis=1, keepdims=True)
    lse = m[:, 0] + jnp.log(sumex[:, 0])
    p = ex / sumex

    lane = jax.lax.broadcasted_iota(_I32, p.shape, 1)
    m1 = jnp.max(p, axis=1, keepdims=True)
    i1 = jnp.min(jnp.where(p == m1, lane, E), axis=1, keepdims=True)
    oh1 = lane == i1
    p2 = jnp.where(oh1, -jnp.inf, p)
    m2 = jnp.max(p2, axis=1, keepdims=True)
    i2 = jnp.min(jnp.where(p2 == m2, lane, E), axis=1, keepdims=True)
    oh2 = lane == i2
    denom = m1 + m2
    e1_ref[...] = i1
    e2_ref[...] = i2
    w1n_ref[...] = m1 / denom
    w2n_ref[...] = m2 / denom

    @pl.when(i == 0)
    def _():
        proxy_acc[...] = jnp.zeros_like(proxy_acc)
        dens_acc[...] = jnp.zeros_like(dens_acc)
        z_acc[...] = jnp.zeros_like(z_acc)
        cnt_acc[...] = jnp.zeros_like(cnt_acc)

    b = i // TILES_PER_B
    rows = jax.lax.broadcasted_iota(_I32, (B, E), 0)
    sel = (rows == b).astype(_F32)
    proxy_acc[...] += sel * jnp.sum(p, axis=0)[None, :]
    dens_acc[...] += sel * jnp.sum(oh1.astype(_F32), axis=0)[None, :]
    z_acc[...] += jnp.sum(lse * lse).reshape(1, 1)
    cnt_acc[...] += (jnp.sum(oh1.astype(_F32), axis=0)
                     + jnp.sum(oh2.astype(_F32), axis=0))[None, :]

    @pl.when(i == NT - 1)
    def _():
        proxy = proxy_acc[...] / jnp.float32(N)
        dens = dens_acc[...] / jnp.float32(N)
        bal_ref[...] = (jnp.sum(proxy * dens) / jnp.float32(B * E)
                        * jnp.float32(E * E)).reshape(1, 1)
        z_ref[...] = (z_acc[0, 0] / jnp.float32(T)).reshape(1, 1)
        cnt_ref[...] = cnt_acc[...].astype(_I32)


def _gate(x2d, gate_w):
    return pl.pallas_call(
        _gate_kernel,
        grid=(NT,),
        in_specs=[
            pl.BlockSpec((TT, D), lambda i: (i, 0)),
            pl.BlockSpec((E, D), lambda i: (0, 0)),
        ],
        out_specs=[
            pl.BlockSpec((TT, 1), lambda i: (i, 0)),
            pl.BlockSpec((TT, 1), lambda i: (i, 0)),
            pl.BlockSpec((TT, 1), lambda i: (i, 0)),
            pl.BlockSpec((TT, 1), lambda i: (i, 0)),
            pl.BlockSpec((1, 1), lambda i: (0, 0)),
            pl.BlockSpec((1, 1), lambda i: (0, 0)),
            pl.BlockSpec((1, E), lambda i: (0, 0)),
        ],
        out_shape=[
            jax.ShapeDtypeStruct((T, 1), _I32),
            jax.ShapeDtypeStruct((T, 1), _I32),
            jax.ShapeDtypeStruct((T, 1), _F32),
            jax.ShapeDtypeStruct((T, 1), _F32),
            jax.ShapeDtypeStruct((1, 1), _F32),
            jax.ShapeDtypeStruct((1, 1), _F32),
            jax.ShapeDtypeStruct((1, E), _I32),
        ],
        scratch_shapes=[
            pltpu.VMEM((B, E), _F32),
            pltpu.VMEM((B, E), _F32),
            pltpu.VMEM((1, 1), _F32),
            pltpu.VMEM((1, E), _F32),
        ],
    )(x2d, gate_w)



_MG = 16
_MGW = A // _MG


def _meta_kernel(cnt_ref, esel_ref, slots_ref, be_ref, act_ref):
    off = []
    run = 0
    for e in range(E):
        off.append(run)
        pad_e = ((cnt_ref[e] + (BLK - 1)) // BLK) * BLK
        run = run + pad_e
    starts = jax.lax.broadcasted_iota(_I32, (1, NBLK), 1) * BLK
    be = jnp.zeros((1, NBLK), _I32)
    maxe = 0
    for e in range(E):
        pad_e = ((cnt_ref[e] + (BLK - 1)) // BLK) * BLK
        end_e = off[e] + pad_e
        be = be + (starts >= end_e).astype(_I32)
        maxe = jnp.where(pad_e > 0, e, maxe)
    be_ref[...] = jnp.minimum(be, maxe)
    act_ref[...] = (starts < run).astype(_I32)

    r = jax.lax.broadcasted_iota(_I32, (_MGW, _MGW), 0)
    c = jax.lax.broadcasted_iota(_I32, (_MGW, _MGW), 1)
    triu = (r < c).astype(_F32)
    sub = jax.lax.broadcasted_iota(_I32, (E, _MGW), 0)
    runf = [jnp.float32(0.0)] * E
    for g in range(_MG):
        ev = esel_ref[g, :][None, :]
        onehot = (jnp.broadcast_to(ev, (E, _MGW)) == sub).astype(_F32)
        rank = jax.lax.dot_general(onehot, triu, (((1,), (0,)), ((), ())),
                                   preferred_element_type=_F32)
        rank_row = jnp.sum(rank * onehot, axis=0, keepdims=True)
        base = jnp.zeros((1, _MGW), _F32)
        for e in range(E):
            base = base + jnp.where(ev == e,
                                    jnp.float32(off[e]) + runf[e], 0.0)
            runf[e] = runf[e] + jnp.sum(onehot[e, :])
        slots_ref[g, :] = (base + rank_row).astype(_I32)[0, :]


def _meta(cnt, esel2d):
    grid_spec = pltpu.PrefetchScalarGridSpec(
        num_scalar_prefetch=1,
        grid=(1,),
        in_specs=[
            pl.BlockSpec((_MG, _MGW), lambda i, cnt: (0, 0)),
        ],
        out_specs=[
            pl.BlockSpec((_MG, _MGW), lambda i, cnt: (0, 0)),
            pl.BlockSpec((1, NBLK), lambda i, cnt: (0, 0)),
            pl.BlockSpec((1, NBLK), lambda i, cnt: (0, 0)),
        ],
    )
    return pl.pallas_call(
        _meta_kernel,
        grid_spec=grid_spec,
        out_shape=[
            jax.ShapeDtypeStruct((_MG, _MGW), _I32),
            jax.ShapeDtypeStruct((1, NBLK), _I32),
            jax.ShapeDtypeStruct((1, NBLK), _I32),
        ],
    )(cnt, esel2d)



_A_PER_W = A // NW
_DCH = 32
_NDCH = _A_PER_W // _DCH


@functools.cache
def _vmesh():
    return plsc.VectorSubcoreMesh(core_axis_name="c", subcore_axis_name="s")


@functools.cache
def _dispatch_kernel():
    @functools.partial(
        pl.kernel,
        mesh=_vmesh(),
        out_type=jax.ShapeDtypeStruct((CAP, D), _F32),
        scratch_types=[
            pltpu.VMEM((_DCH,), _I32),
            pltpu.VMEM((_DCH,), _I32),
            pltpu.VMEM((_DCH, D), _F32),
            pltpu.VMEM((_DCH, D), _F32),
            pltpu.SemaphoreType.DMA,
            pltpu.SemaphoreType.DMA,
            pltpu.SemaphoreType.DMA,
            pltpu.SemaphoreType.DMA,
        ],
    )
    def _dispatch(slots_hbm, x_hbm, xg_hbm, s0, s1,
                  rows0, rows1, g0, g1, w0, w1):
        sid = lax.axis_index("s")
        cid = lax.axis_index("c")
        wid = sid * NC + cid
        abase = wid * _A_PER_W
        xbase = lax.rem(abase, T)
        slotb = (s0, s1)
        rowb = (rows0, rows1)
        gsem = (g0, g1)
        wsem = (w0, w1)
        ghandles = [None, None]
        whandles = [None, None]
        for j in range(_NDCH):
            b = j % 2
            off = abase + j * _DCH
            if whandles[b] is not None:
                whandles[b].wait()
            pltpu.sync_copy(slots_hbm.at[pl.ds(off, _DCH)], slotb[b])
            ghandles[b] = pltpu.async_copy(
                x_hbm.at[pl.ds(xbase + j * _DCH, _DCH)], rowb[b], gsem[b])
            if j >= 1:
                pb = 1 - b
                ghandles[pb].wait()
                whandles[pb] = pltpu.async_copy(rowb[pb],
                                                xg_hbm.at[slotb[pb]],
                                                wsem[pb])
        lb = (_NDCH - 1) % 2
        ghandles[lb].wait()
        whandles[lb] = pltpu.async_copy(rowb[lb], xg_hbm.at[slotb[lb]],
                                        wsem[lb])
        whandles[0].wait()
        whandles[1].wait()

    return _dispatch



def _mlp_kernel(be_ref, act_ref, xg_ref, w1_ref, b1_ref, w2_ref, b2_ref,
                yg_ref):
    @pl.when(act_ref[pl.program_id(0)] == 1)
    def _():
        h = jax.lax.dot_general(xg_ref[...], w1_ref[0],
                                (((1,), (1,)), ((), ())),
                                preferred_element_type=_F32)
        h = h + b1_ref[0]
        h = _gelu_exact(h)
        o = jax.lax.dot_general(h, w2_ref[0], (((1,), (1,)), ((), ())),
                                preferred_element_type=_F32)
        yg_ref[...] = o + b2_ref[0]


def _mlp(block_expert, act, xg, w1, b1, w2, b2):
    grid_spec = pltpu.PrefetchScalarGridSpec(
        num_scalar_prefetch=2,
        grid=(NBLK,),
        in_specs=[
            pl.BlockSpec((BLK, D),
                         lambda i, be, act: (act[i] * i, 0)),
            pl.BlockSpec((1, C, D), lambda i, be, act: (be[i], 0, 0)),
            pl.BlockSpec((1, 1, C), lambda i, be, act: (be[i], 0, 0)),
            pl.BlockSpec((1, C, C), lambda i, be, act: (be[i], 0, 0)),
            pl.BlockSpec((1, 1, C), lambda i, be, act: (be[i], 0, 0)),
        ],
        out_specs=pl.BlockSpec(
            (BLK, C), lambda i, be, act: (jnp.where(act[i] == 1, i, NBLK), 0)),
    )
    return pl.pallas_call(
        _mlp_kernel,
        grid_spec=grid_spec,
        out_shape=jax.ShapeDtypeStruct((CAP + BLK, C), _F32),
    )(block_expert, act, xg, w1, b1.reshape(E, 1, C), w2, b2.reshape(E, 1, C))



_T_PER_W = T // NW
_CCH = 32
_NCCH = _T_PER_W // _CCH


@functools.cache
def _combine_kernel():
    @functools.partial(
        pl.kernel,
        mesh=_vmesh(),
        out_type=[
            jax.ShapeDtypeStruct((T, C), _F32),
            jax.ShapeDtypeStruct((T, C), _F32),
        ],
        scratch_types=[
            pltpu.VMEM((_CCH,), _I32),
            pltpu.VMEM((_CCH,), _I32),
            pltpu.VMEM((_CCH, C), _F32),
            pltpu.VMEM((_CCH, C), _F32),
            pltpu.SemaphoreType.DMA,
            pltpu.SemaphoreType.DMA,
            pltpu.SemaphoreType.DMA,
            pltpu.SemaphoreType.DMA,
        ],
    )
    def _combine(yg_hbm, s1_hbm, s2_hbm, y1_hbm, y2_hbm, i0, i1, v0, v1,
                 g0, g1, w0, w1):
        sid = lax.axis_index("s")
        cid = lax.axis_index("c")
        wid = sid * NC + cid
        tbase = wid * _T_PER_W
        tasks = []
        for j in range(_NCCH):
            off = tbase + j * _CCH
            tasks.append((s1_hbm, y1_hbm, off))
            tasks.append((s2_hbm, y2_hbm, off))
        idxb = (i0, i1)
        rowb = (v0, v1)
        gsem = (g0, g1)
        wsem = (w0, w1)
        ghandles = [None, None]
        whandles = [None, None]
        nt = len(tasks)
        for t, (sh, yh, off) in enumerate(tasks):
            b = t % 2
            if whandles[b] is not None:
                whandles[b].wait()
            pltpu.sync_copy(sh.at[pl.ds(off, _CCH)], idxb[b])
            ghandles[b] = pltpu.async_copy(yg_hbm.at[idxb[b]], rowb[b],
                                           gsem[b])
            if t >= 1:
                pb = 1 - b
                psh, pyh, poff = tasks[t - 1]
                ghandles[pb].wait()
                whandles[pb] = pltpu.async_copy(
                    rowb[pb], pyh.at[pl.ds(poff, _CCH)], wsem[pb])
        lb = (nt - 1) % 2
        ghandles[lb].wait()
        lsh, lyh, loff = tasks[nt - 1]
        whandles[lb] = pltpu.async_copy(rowb[lb], lyh.at[pl.ds(loff, _CCH)],
                                        wsem[lb])
        whandles[0].wait()
        whandles[1].wait()

    return _combine



def _finish_kernel(y1_ref, y2_ref, w1n_ref, w2n_ref, out_ref):
    out_ref[...] = (w1n_ref[...] * y1_ref[...]
                    + w2n_ref[...] * y2_ref[...])


def _finish(y1, y2, w1n, w2n):
    return pl.pallas_call(
        _finish_kernel,
        grid=(NT,),
        in_specs=[
            pl.BlockSpec((TT, C), lambda i: (i, 0)),
            pl.BlockSpec((TT, C), lambda i: (i, 0)),
            pl.BlockSpec((TT, 1), lambda i: (i, 0)),
            pl.BlockSpec((TT, 1), lambda i: (i, 0)),
        ],
        out_specs=pl.BlockSpec((TT, C), lambda i: (i, 0)),
        out_shape=jax.ShapeDtypeStruct((T, C), _F32),
    )(y1, y2, w1n, w2n)


@jax.jit
def kernel(x_img, gate_w, w1, b1, w2, b2):
    x2d = x_img.reshape(T, D)
    e1, e2, w1n, w2n, bal, z, cnt = _gate(x2d, gate_w)
    esel = jnp.concatenate([e1, e2], axis=0)
    slots, be, act = _meta(cnt.reshape(E), esel.reshape(_MG, _MGW))
    slots_flat = slots.reshape(A)
    xg = _dispatch_kernel()(slots_flat, x2d)
    yg = _mlp(be.reshape(NBLK), act.reshape(NBLK), xg, w1, b1, w2, b2)
    y1, y2 = _combine_kernel()(yg, slots_flat[:T], slots_flat[T:])
    out = _finish(y1, y2, w1n, w2n)
    return (out.reshape(B, N, C), bal[0, 0], z[0, 0])

# --- scband reference (transcript-rebuilt; emitter-appended) ---
"""Pipeline reference for scband-mlpmo-e-5282809774198 (READ-ONLY COPY).

The authoritative reference and input builder live on the scoring server;
editing this copy changes nothing except your own understanding.
"""

import jax, jax.numpy as jnp
import numpy as np

E = 8
K = 2
D = 1024  # mm_channels
C = 1024  # channels
B = 2
N = 2048


def setup_inputs(seed: int = 0) -> dict:
    key = jax.random.key(seed)
    ks = jax.random.split(key, 6)
    x_img = jax.random.normal(ks[0], (B, N, D), dtype=jnp.float32)
    gate_w = jax.random.normal(ks[1], (E, D), dtype=jnp.float32) * 0.02
    w1 = jax.random.normal(ks[2], (E, C, D), dtype=jnp.float32) * 0.02
    b1 = jnp.zeros((E, C), dtype=jnp.float32)
    w2 = jax.random.normal(ks[3], (E, C, C), dtype=jnp.float32) * 0.02
    b2 = jnp.zeros((E, C), dtype=jnp.float32)
    return {"x_img": x_img, "gate_w": gate_w, "w1": w1, "b1": b1, "w2": w2, "b2": b2}


def reference(x_img, gate_w, w1, b1, w2, b2):
    # gate: Linear(mm_channels, num_experts, bias=False)
    gate_logits = jnp.einsum('bnd,ed->bne', x_img, gate_w)
    # router z-loss
    router_z_loss = jax.scipy.special.logsumexp(gate_logits, axis=-1)
    router_z_loss = jnp.mean(jnp.square(router_z_loss))
    # softmax in float32, cast back
    gate_softmax = jax.nn.softmax(gate_logits.astype(jnp.float32), axis=-1).astype(x_img.dtype)
    # density proxy: mean over token dim n
    density_1_proxy = jnp.mean(gate_softmax, axis=-2)  # [B, E]
    # top-k routing
    weights, selected_experts = jax.lax.top_k(gate_softmax, K)  # [B, N, K]
    # one_hot(rearrange(sel, '... k -> k ...'))[0] == one-hot of the top-1 expert
    one_hot_gate_indices = jax.nn.one_hot(selected_experts[..., 0], E, dtype=jnp.float32)  # [B, N, E]
    density_1 = jnp.mean(one_hot_gate_indices, axis=-2)  # [B, E]
    balance_loss = jnp.mean(density_1_proxy * density_1) * float(E ** 2)
    # normalize selected weights
    weights = weights / jnp.sum(weights, axis=-1, keepdims=True)
    weights = weights.astype(x_img.dtype)
    # expert MLPs: Linear(D->C), GELU (exact, erf-based like torch nn.GELU default), Linear(C->C)
    h = jnp.einsum('bnd,ecd->ebnc', x_img, w1) + b1[:, None, None, :]
    h = jax.nn.gelu(h, approximate=False)
    expert_out = jnp.einsum('ebnc,efc->ebnf', h, w2) + b2[:, None, None, :]  # [E, B, N, C]
    # combine: results[b, n] = sum_k weights[b, n, k] * expert_{sel[b,n,k]}(x[b, n])
    sel_one_hot = jax.nn.one_hot(selected_experts, E, dtype=weights.dtype)  # [B, N, K, E]
    combine = jnp.einsum('bnke,bnk->bne', sel_one_hot, weights)  # [B, N, E]
    results = jnp.einsum('bne,ebnc->bnc', combine, expert_out)  # [B, N, C]
    return results, balance_loss, router_z_loss

if __name__ == "__main__":
    import jax
    _d = setup_inputs()
    print(jax.jit(kernel)(*tuple(_d.values())))

</pallas_src>

<mosaic_0001>
#map = affine_map<(d0, d1) -> (0, 0)>
#map1 = affine_map<(d0, d1) -> (0)>
module attributes {stable_mosaic.version = 14 : i64} {
  func.func @_combine(%arg0: i32, %arg1: i32, %arg2: memref<12800x1024xf32, #tpu.memory_space<hbm>>, %arg3: memref<4096xi32, #tpu.memory_space<hbm>>, %arg4: memref<4096xi32, #tpu.memory_space<hbm>>, %arg5: memref<4096x1024xf32, #tpu.memory_space<hbm>>, %arg6: memref<4096x1024xf32, #tpu.memory_space<hbm>>, %arg7: memref<32xi32, #tpu.memory_space<vmem>>, %arg8: memref<32xi32, #tpu.memory_space<vmem>>, %arg9: memref<32x1024xf32, #tpu.memory_space<vmem>>, %arg10: memref<32x1024xf32, #tpu.memory_space<vmem>>, %arg11: memref<!tpu.dma_semaphore, #tpu.memory_space<semaphore_mem>>, %arg12: memref<!tpu.dma_semaphore, #tpu.memory_space<semaphore_mem>>, %arg13: memref<!tpu.dma_semaphore, #tpu.memory_space<semaphore_mem>>, %arg14: memref<!tpu.dma_semaphore, #tpu.memory_space<semaphore_mem>>) attributes {dimension_semantics = [#tpu.dimension_semantics<core_parallel>, #tpu.dimension_semantics<subcore_parallel>], iteration_bounds = array<i64: 2, 16>, scalar_prefetch = 0 : i64, scratch_operands = 8 : i64, tpu.core_type = #tpu.core_type<sc_vector_subcore>, window_params = [{transform_indices = #map}, {transform_indices = #map1}, {transform_indices = #map1}, {transform_indices = #map}, {transform_indices = #map}]} {
    %mul3A = arith.constant 2 : i32
    %mul3A_0 = arith.muli %arg1, %mul3A : i32
    %add3A = arith.addi %mul3A_0, %arg0 : i32
    %mul3A_1 = arith.constant 128 : i32
    %mul3A_2 = arith.muli %add3A, %mul3A_1 : i32
    %add3A_3 = arith.constant 0 : i32
    %add3A_4 = arith.addi %mul3A_2, %add3A_3 : i32
    %add3A_5 = arith.constant 32 : i32
    %add3A_6 = arith.addi %mul3A_2, %add3A_5 : i32
    %add3A_7 = arith.constant 64 : i32
    %add3A_8 = arith.addi %mul3A_2, %add3A_7 : i32
    %add3A_9 = arith.constant 96 : i32
    %add3A_10 = arith.addi %mul3A_2, %add3A_9 : i32
    "tpu.region"() ({
      %run_scoped3A = tpu.sem_alloc : memref<!tpu.dma_semaphore, #tpu.memory_space<semaphore_mem>>
      %dma_start3A_121 = tpu.memref_slice %arg3[%add3A_4] : memref<4096xi32, #tpu.memory_space<hbm>> -> memref<32xi32, #tpu.memory_space<hbm>>
      %dma_start3A_122 = tpu.memref_slice %arg3[%add3A_4] : memref<4096xi32, #tpu.memory_space<hbm>> -> memref<32xi32, #tpu.memory_space<hbm>>
      tpu.enqueue_dma source(%dma_start3A_122 : memref<32xi32, #tpu.memory_space<hbm>>) target(%arg7 : memref<32xi32, #tpu.memory_space<vmem>>) target_semaphore(%run_scoped3A : memref<!tpu.dma_semaphore, #tpu.memory_space<semaphore_mem>>)
      %dma_wait3A_123 = tpu.memref_slice %arg3[%add3A_4] : memref<4096xi32, #tpu.memory_space<hbm>> -> memref<32xi32, #tpu.memory_space<hbm>>
      %dma_wait3A_124 = tpu.memref_slice %arg3[%add3A_4] : memref<4096xi32, #tpu.memory_space<hbm>> -> memref<32xi32, #tpu.memory_space<hbm>>
      tpu.wait_dma2 semaphore(%run_scoped3A : memref<!tpu.dma_semaphore, #tpu.memory_space<semaphore_mem>>) src(%dma_wait3A_124 : memref<32xi32, #tpu.memory_space<hbm>>) dst(%arg7 : memref<32xi32, #tpu.memory_space<vmem>>)
      tpu.yield
    }) : () -> ()
    %dma_start3A = arith.constant 0 : i32
    %dma_start3A_11 = arith.constant 0 : i32
    %dma_start3A_12 = tpu.memref_slice %arg2[%dma_start3A, %dma_start3A_11] : memref<12800x1024xf32, #tpu.memory_space<hbm>> -> memref<12800x1024xf32, #tpu.memory_space<hbm>>
    tpu.enqueue_indirect_dma source(%dma_start3A_12 : memref<12800x1024xf32, #tpu.memory_space<hbm>>) target(%arg9 : memref<32x1024xf32, #tpu.memory_space<vmem>>) offsets(%arg7 : memref<32xi32, #tpu.memory_space<vmem>>) semaphore(%arg11 : memref<!tpu.dma_semaphore, #tpu.memory_space<semaphore_mem>>)
    "tpu.region"() ({
      %run_scoped3A = tpu.sem_alloc : memref<!tpu.dma_semaphore, #tpu.memory_space<semaphore_mem>>
      %dma_start3A_121 = tpu.memref_slice %arg4[%add3A_4] : memref<4096xi32, #tpu.memory_space<hbm>> -> memref<32xi32, #tpu.memory_space<hbm>>
      %dma_start3A_122 = tpu.memref_slice %arg4[%add3A_4] : memref<4096xi32, #tpu.memory_space<hbm>> -> memref<32xi32, #tpu.memory_space<hbm>>
      tpu.enqueue_dma source(%dma_start3A_122 : memref<32xi32, #tpu.memory_space<hbm>>) target(%arg8 : memref<32xi32, #tpu.memory_space<vmem>>) target_semaphore(%run_scoped3A : memref<!tpu.dma_semaphore, #tpu.memory_space<semaphore_mem>>)
      %dma_wait3A_123 = tpu.memref_slice %arg4[%add3A_4] : memref<4096xi32, #tpu.memory_space<hbm>> -> memref<32xi32, #tpu.memory_space<hbm>>
      %dma_wait3A_124 = tpu.memref_slice %arg4[%add3A_4] : memref<4096xi32, #tpu.memory_space<hbm>> -> memref<32xi32, #tpu.memory_space<hbm>>
      tpu.wait_dma2 semaphore(%run_scoped3A : memref<!tpu.dma_semaphore, #tpu.memory_space<semaphore_mem>>) src(%dma_wait3A_124 : memref<32xi32, #tpu.memory_space<hbm>>) dst(%arg8 : memref<32xi32, #tpu.memory_space<vmem>>)
      tpu.yield
    }) : () -> ()
    %dma_start3A_13 = arith.constant 0 : i32
    %dma_start3A_14 = arith.constant 0 : i32
    %dma_start3A_15 = tpu.memref_slice %arg2[%dma_start3A_13, %dma_start3A_14] : memref<12800x1024xf32, #tpu.memory_space<hbm>> -> memref<12800x1024xf32, #tpu.memory_space<hbm>>
    tpu.enqueue_indirect_dma source(%dma_start3A_15 : memref<12800x1024xf32, #tpu.memory_space<hbm>>) target(%arg10 : memref<32x1024xf32, #tpu.memory_space<vmem>>) offsets(%arg8 : memref<32xi32, #tpu.memory_space<vmem>>) semaphore(%arg12 : memref<!tpu.dma_semaphore, #tpu.memory_space<semaphore_mem>>)
    %dma_wait3A = arith.constant 0 : i32
    %dma_wait3A_16 = arith.constant 0 : i32
    %dma_wait3A_17 = tpu.memref_slice %arg2[%dma_wait3A, %dma_wait3A_16] : memref<12800x1024xf32, #tpu.memory_space<hbm>> -> memref<12800x1024xf32, #tpu.memory_space<hbm>>
    tpu.wait_indirect_dma semaphore(%arg11 : memref<!tpu.dma_semaphore, #tpu.memory_space<semaphore_mem>>) src(%dma_wait3A_17 : memref<12800x1024xf32, #tpu.memory_space<hbm>>) dst(%arg9 : memref<32x1024xf32, #tpu.memory_space<vmem>>)
    %dma_start3A_18 = arith.constant 0 : i32
    %dma_start3A_19 = tpu.memref_slice %arg5[%add3A_4, %dma_start3A_18] : memref<4096x1024xf32, #tpu.memory_space<hbm>> -> memref<32x1024xf32, #tpu.memory_space<hbm>>
    %dma_start3A_20 = arith.constant 0 : i32
    %dma_start3A_21 = tpu.memref_slice %arg5[%add3A_4, %dma_start3A_20] : memref<4096x1024xf32, #tpu.memory_space<hbm>> -> memref<32x1024xf32, #tpu.memory_space<hbm>>
    tpu.enqueue_dma source(%arg9 : memref<32x1024xf32, #tpu.memory_space<vmem>>) target(%dma_start3A_21 : memref<32x1024xf32, #tpu.memory_space<hbm>>) target_semaphore(%arg13 : memref<!tpu.dma_semaphore, #tpu.memory_space<semaphore_mem>>)
    %dma_wait3A_22 = arith.constant 0 : i32
    %dma_wait3A_23 = tpu.memref_slice %arg5[%add3A_4, %dma_wait3A_22] : memref<4096x1024xf32, #tpu.memory_space<hbm>> -> memref<32x1024xf32, #tpu.memory_space<hbm>>
    %dma_wait3A_24 = arith.constant 0 : i32
    %dma_wait3A_25 = tpu.memref_slice %arg5[%add3A_4, %dma_wait3A_24] : memref<4096x1024xf32, #tpu.memory_space<hbm>> -> memref<32x1024xf32, #tpu.memory_space<hbm>>
    tpu.wait_dma2 semaphore(%arg13 : memref<!tpu.dma_semaphore, #tpu.memory_space<semaphore_mem>>) src(%arg9 : memref<32x1024xf32, #tpu.memory_space<vmem>>) dst(%dma_wait3A_25 : memref<32x1024xf32, #tpu.memory_space<hbm>>)
    "tpu.region"() ({
      %run_scoped3A = tpu.sem_alloc : memref<!tpu.dma_semaphore, #tpu.memory_space<semaphore_mem>>
      %dma_start3A_121 = tpu.memref_slice %arg3[%add3A_6] : memref<4096xi32, #tpu.memory_space<hbm>> -> memref<32xi32, #tpu.memory_space<hbm>>
      %dma_start3A_122 = tpu.memref_slice %arg3[%add3A_6] : memref<4096xi32, #tpu.memory_space<hbm>> -> memref<32xi32, #tpu.memory_space<hbm>>
      tpu.enqueue_dma source(%dma_start3A_122 : memref<32xi32, #tpu.memory_space<hbm>>) target(%arg7 : memref<32xi32, #tpu.memory_space<vmem>>) target_semaphore(%run_scoped3A : memref<!tpu.dma_semaphore, #tpu.memory_space<semaphore_mem>>)
      %dma_wait3A_123 = tpu.memref_slice %arg3[%add3A_6] : memref<4096xi32, #tpu.memory_space<hbm>> -> memref<32xi32, #tpu.memory_space<hbm>>
      %dma_wait3A_124 = tpu.memref_slice %arg3[%add3A_6] : memref<4096xi32, #tpu.memory_space<hbm>> -> memref<32xi32, #tpu.memory_space<hbm>>
      tpu.wait_dma2 semaphore(%run_scoped3A : memref<!tpu.dma_semaphore, #tpu.memory_space<semaphore_mem>>) src(%dma_wait3A_124 : memref<32xi32, #tpu.memory_space<hbm>>) dst(%arg7 : memref<32xi32, #tpu.memory_space<vmem>>)
      tpu.yield
    }) : () -> ()
    %dma_start3A_26 = arith.constant 0 : i32
    %dma_start3A_27 = arith.constant 0 : i32
    %dma_start3A_28 = tpu.memref_slice %arg2[%dma_start3A_26, %dma_start3A_27] : memref<12800x1024xf32, #tpu.memory_space<hbm>> -> memref<12800x1024xf32, #tpu.memory_space<hbm>>
    tpu.enqueue_indirect_dma source(%dma_start3A_28 : memref<12800x1024xf32, #tpu.memory_space<hbm>>) target(%arg9 : memref<32x1024xf32, #tpu.memory_space<vmem>>) offsets(%arg7 : memref<32xi32, #tpu.memory_space<vmem>>) semaphore(%arg11 : memref<!tpu.dma_semaphore, #tpu.memory_space<semaphore_mem>>)
    %dma_wait3A_29 = arith.constant 0 : i32
    %dma_wait3A_30 = arith.constant 0 : i32
    %dma_wait3A_31 = tpu.memref_slice %arg2[%dma_wait3A_29, %dma_wait3A_30] : memref<12800x1024xf32, #tpu.memory_space<hbm>> -> memref<12800x1024xf32, #tpu.memory_space<hbm>>
    tpu.wait_indirect_dma semaphore(%arg12 : memref<!tpu.dma_semaphore, #tpu.memory_space<semaphore_mem>>) src(%dma_wait3A_31 : memref<12800x1024xf32, #tpu.memory_space<hbm>>) dst(%arg10 : memref<32x1024xf32, #tpu.memory_space<vmem>>)
    %dma_start3A_32 = arith.constant 0 : i32
    %dma_start3A_33 = tpu.memref_slice %arg6[%add3A_4, %dma_start3A_32] : memref<4096x1024xf32, #tpu.memory_space<hbm>> -> memref<32x1024xf32, #tpu.memory_space<hbm>>
    %dma_start3A_34 = arith.constant 0 : i32
    %dma_start3A_35 = tpu.memref_slice %arg6[%add3A_4, %dma_start3A_34] : memref<4096x1024xf32, #tpu.memory_space<hbm>> -> memref<32x1024xf32, #tpu.memory_space<hbm>>
    tpu.enqueue_dma source(%arg10 : memref<32x1024xf32, #tpu.memory_space<vmem>>) target(%dma_start3A_35 : memref<32x1024xf32, #tpu.memory_space<hbm>>) target_semaphore(%arg14 : memref<!tpu.dma_semaphore, #tpu.memory_space<semaphore_mem>>)
    %dma_wait3A_36 = arith.constant 0 : i32
    %dma_wait3A_37 = tpu.memref_slice %arg6[%add3A_4, %dma_wait3A_36] : memref<4096x1024xf32, #tpu.memory_space<hbm>> -> memref<32x1024xf32, #tpu.memory_space<hbm>>
    %dma_wait3A_38 = arith.constant 0 : i32
    %dma_wait3A_39 = tpu.memref_slice %arg6[%add3A_4, %dma_wait3A_38] : memref<4096x1024xf32, #tpu.memory_space<hbm>> -> memref<32x1024xf32, #tpu.memory_space<hbm>>
    tpu.wait_dma2 semaphore(%arg14 : memref<!tpu.dma_semaphore, #tpu.memory_space<semaphore_mem>>) src(%arg10 : memref<32x1024xf32, #tpu.memory_space<vmem>>) dst(%dma_wait3A_39 : memref<32x1024xf32, #tpu.memory_space<hbm>>)
    "tpu.region"() ({
      %run_scoped3A = tpu.sem_alloc : memref<!tpu.dma_semaphore, #tpu.memory_space<semaphore_mem>>
      %dma_start3A_121 = tpu.memref_slice %arg4[%add3A_6] : memref<4096xi32, #tpu.memory_space<hbm>> -> memref<32xi32, #tpu.memory_space<hbm>>
      %dma_start3A_122 = tpu.memref_slice %arg4[%add3A_6] : memref<4096xi32, #tpu.memory_space<hbm>> -> memref<32xi32, #tpu.memory_space<hbm>>
      tpu.enqueue_dma source(%dma_start3A_122 : memref<32xi32, #tpu.memory_space<hbm>>) target(%arg8 : memref<32xi32, #tpu.memory_space<vmem>>) target_semaphore(%run_scoped3A : memref<!tpu.dma_semaphore, #tpu.memory_space<semaphore_mem>>)
      %dma_wait3A_123 = tpu.memref_slice %arg4[%add3A_6] : memref<4096xi32, #tpu.memory_space<hbm>> -> memref<32xi32, #tpu.memory_space<hbm>>
      %dma_wait3A_124 = tpu.memref_slice %arg4[%add3A_6] : memref<4096xi32, #tpu.memory_space<hbm>> -> memref<32xi32, #tpu.memory_space<hbm>>
      tpu.wait_dma2 semaphore(%run_scoped3A : memref<!tpu.dma_semaphore, #tpu.memory_space<semaphore_mem>>) src(%dma_wait3A_124 : memref<32xi32, #tpu.memory_space<hbm>>) dst(%arg8 : memref<32xi32, #tpu.memory_space<vmem>>)
      tpu.yield
    }) : () -> ()
    %dma_start3A_40 = arith.constant 0 : i32
    %dma_start3A_41 = arith.constant 0 : i32
    %dma_start3A_42 = tpu.memref_slice %arg2[%dma_start3A_40, %dma_start3A_41] : memref<12800x1024xf32, #tpu.memory_space<hbm>> -> memref<12800x1024xf32, #tpu.memory_space<hbm>>
    tpu.enqueue_indirect_dma source(%dma_start3A_42 : memref<12800x1024xf32, #tpu.memory_space<hbm>>) target(%arg10 : memref<32x1024xf32, #tpu.memory_space<vmem>>) offsets(%arg8 : memref<32xi32, #tpu.memory_space<vmem>>) semaphore(%arg12 : memref<!tpu.dma_semaphore, #tpu.memory_space<semaphore_mem>>)
    %dma_wait3A_43 = arith.constant 0 : i32
    %dma_wait3A_44 = arith.constant 0 : i32
    %dma_wait3A_45 = tpu.memref_slice %arg2[%dma_wait3A_43, %dma_wait3A_44] : memref<12800x1024xf32, #tpu.memory_space<hbm>> -> memref<12800x1024xf32, #tpu.memory_space<hbm>>
    tpu.wait_indirect_dma semaphore(%arg11 : memref<!tpu.dma_semaphore, #tpu.memory_space<semaphore_mem>>) src(%dma_wait3A_45 : memref<12800x1024xf32, #tpu.memory_space<hbm>>) dst(%arg9 : memref<32x1024xf32, #tpu.memory_space<vmem>>)
    %dma_start3A_46 = arith.constant 0 : i32
    %dma_start3A_47 = tpu.memref_slice %arg5[%add3A_6, %dma_start3A_46] : memref<4096x1024xf32, #tpu.memory_space<hbm>> -> memref<32x1024xf32, #tpu.memory_space<hbm>>
    %dma_start3A_48 = arith.constant 0 : i32
    %dma_start3A_49 = tpu.memref_slice %arg5[%add3A_6, %dma_start3A_48] : memref<4096x1024xf32, #tpu.memory_space<hbm>> -> memref<32x1024xf32, #tpu.memory_space<hbm>>
    tpu.enqueue_dma source(%arg9 : memref<32x1024xf32, #tpu.memory_space<vmem>>) target(%dma_start3A_49 : memref<32x1024xf32, #tpu.memory_space<hbm>>) target_semaphore(%arg13 : memref<!tpu.dma_semaphore, #tpu.memory_space<semaphore_mem>>)
    %dma_wait3A_50 = arith.constant 0 : i32
    %dma_wait3A_51 = tpu.memref_slice %arg5[%add3A_6, %dma_wait3A_50] : memref<4096x1024xf32, #tpu.memory_space<hbm>> -> memref<32x1024xf32, #tpu.memory_space<hbm>>
    %dma_wait3A_52 = arith.constant 0 : i32
    %dma_wait3A_53 = tpu.memref_slice %arg5[%add3A_6, %dma_wait3A_52] : memref<4096x1024xf32, #tpu.memory_space<hbm>> -> memref<32x1024xf32, #tpu.memory_space<hbm>>
    tpu.wait_dma2 semaphore(%arg13 : memref<!tpu.dma_semaphore, #tpu.memory_space<semaphore_mem>>) src(%arg9 : memref<32x1024xf32, #tpu.memory_space<vmem>>) dst(%dma_wait3A_53 : memref<32x1024xf32, #tpu.memory_space<hbm>>)
    "tpu.region"() ({
      %run_scoped3A = tpu.sem_alloc : memref<!tpu.dma_semaphore, #tpu.memory_space<semaphore_mem>>
      %dma_start3A_121 = tpu.memref_slice %arg3[%add3A_8] : memref<4096xi32, #tpu.memory_space<hbm>> -> memref<32xi32, #tpu.memory_space<hbm>>
      %dma_start3A_122 = tpu.memref_slice %arg3[%add3A_8] : memref<4096xi32, #tpu.memory_space<hbm>> -> memref<32xi32, #tpu.memory_space<hbm>>
      tpu.enqueue_dma source(%dma_start3A_122 : memref<32xi32, #tpu.memory_space<hbm>>) target(%arg7 : memref<32xi32, #tpu.memory_space<vmem>>) target_semaphore(%run_scoped3A : memref<!tpu.dma_semaphore, #tpu.memory_space<semaphore_mem>>)
      %dma_wait3A_123 = tpu.memref_slice %arg3[%add3A_8] : memref<4096xi32, #tpu.memory_space<hbm>> -> memref<32xi32, #tpu.memory_space<hbm>>
      %dma_wait3A_124 = tpu.memref_slice %arg3[%add3A_8] : memref<4096xi32, #tpu.memory_space<hbm>> -> memref<32xi32, #tpu.memory_space<hbm>>
      tpu.wait_dma2 semaphore(%run_scoped3A : memref<!tpu.dma_semaphore, #tpu.memory_space<semaphore_mem>>) src(%dma_wait3A_124 : memref<32xi32, #tpu.memory_space<hbm>>) dst(%arg7 : memref<32xi32, #tpu.memory_space<vmem>>)
      tpu.yield
    }) : () -> ()
    %dma_start3A_54 = arith.constant 0 : i32
    %dma_start3A_55 = arith.constant 0 : i32
    %dma_start3A_56 = tpu.memref_slice %arg2[%dma_start3A_54, %dma_start3A_55] : memref<12800x1024xf32, #tpu.memory_space<hbm>> -> memref<12800x1024xf32, #tpu.memory_space<hbm>>
    tpu.enqueue_indirect_dma source(%dma_start3A_56 : memref<12800x1024xf32, #tpu.memory_space<hbm>>) target(%arg9 : memref<32x1024xf32, #tpu.memory_space<vmem>>) offsets(%arg7 : memref<32xi32, #tpu.memory_space<vmem>>) semaphore(%arg11 : memref<!tpu.dma_semaphore, #tpu.memory_space<semaphore_mem>>)
    %dma_wait3A_57 = arith.constant 0 : i32
    %dma_wait3A_58 = arith.constant 0 : i32
    %dma_wait3A_59 = tpu.memref_slice %arg2[%dma_wait3A_57, %dma_wait3A_58] : memref<12800x1024xf32, #tpu.memory_space<hbm>> -> memref<12800x1024xf32, #tpu.memory_space<hbm>>
    tpu.wait_indirect_dma semaphore(%arg12 : memref<!tpu.dma_semaphore, #tpu.memory_space<semaphore_mem>>) src(%dma_wait3A_59 : memref<12800x1024xf32, #tpu.memory_space<hbm>>) dst(%arg10 : memref<32x1024xf32, #tpu.memory_space<vmem>>)
    %dma_start3A_60 = arith.constant 0 : i32
    %dma_start3A_61 = tpu.memref_slice %arg6[%add3A_6, %dma_start3A_60] : memref<4096x1024xf32, #tpu.memory_space<hbm>> -> memref<32x1024xf32, #tpu.memory_space<hbm>>
    %dma_start3A_62 = arith.constant 0 : i32
    %dma_start3A_63 = tpu.memref_slice %arg6[%add3A_6, %dma_start3A_62] : memref<4096x1024xf32, #tpu.memory_space<hbm>> -> memref<32x1024xf32, #tpu.memory_space<hbm>>
    tpu.enqueue_dma source(%arg10 : memref<32x1024xf32, #tpu.memory_space<vmem>>) target(%dma_start3A_63 : memref<32x1024xf32, #tpu.memory_space<hbm>>) target_semaphore(%arg14 : memref<!tpu.dma_semaphore, #tpu.memory_space<semaphore_mem>>)
    %dma_wait3A_64 = arith.constant 0 : i32
    %dma_wait3A_65 = tpu.memref_slice %arg6[%add3A_6, %dma_wait3A_64] : memref<4096x1024xf32, #tpu.memory_space<hbm>> -> memref<32x1024xf32, #tpu.memory_space<hbm>>
    %dma_wait3A_66 = arith.constant 0 : i32
    %dma_wait3A_67 = tpu.memref_slice %arg6[%add3A_6, %dma_wait3A_66] : memref<4096x1024xf32, #tpu.memory_space<hbm>> -> memref<32x1024xf32, #tpu.memory_space<hbm>>
    tpu.wait_dma2 semaphore(%arg14 : memref<!tpu.dma_semaphore, #tpu.memory_space<semaphore_mem>>) src(%arg10 : memref<32x1024xf32, #tpu.memory_space<vmem>>) dst(%dma_wait3A_67 : memref<32x1024xf32, #tpu.memory_space<hbm>>)
    "tpu.region"() ({
      %run_scoped3A = tpu.sem_alloc : memref<!tpu.dma_semaphore, #tpu.memory_space<semaphore_mem>>
      %dma_start3A_121 = tpu.memref_slice %arg4[%add3A_8] : memref<4096xi32, #tpu.memory_space<hbm>> -> memref<32xi32, #tpu.memory_space<hbm>>
      %dma_start3A_122 = tpu.memref_slice %arg4[%add3A_8] : memref<4096xi32, #tpu.memory_space<hbm>> -> memref<32xi32, #tpu.memory_space<hbm>>
      tpu.enqueue_dma source(%dma_start3A_122 : memref<32xi32, #tpu.memory_space<hbm>>) target(%arg8 : memref<32xi32, #tpu.memory_space<vmem>>) target_semaphore(%run_scoped3A : memref<!tpu.dma_semaphore, #tpu.memory_space<semaphore_mem>>)
      %dma_wait3A_123 = tpu.memref_slice %arg4[%add3A_8] : memref<4096xi32, #tpu.memory_space<hbm>> -> memref<32xi32, #tpu.memory_space<hbm>>
      %dma_wait3A_124 = tpu.memref_slice %arg4[%add3A_8] : memref<4096xi32, #tpu.memory_space<hbm>> -> memref<32xi32, #tpu.memory_space<hbm>>
      tpu.wait_dma2 semaphore(%run_scoped3A : memref<!tpu.dma_semaphore, #tpu.memory_space<semaphore_mem>>) src(%dma_wait3A_124 : memref<32xi32, #tpu.memory_space<hbm>>) dst(%arg8 : memref<32xi32, #tpu.memory_space<vmem>>)
      tpu.yield
    }) : () -> ()
    %dma_start3A_68 = arith.constant 0 : i32
    %dma_start3A_69 = arith.constant 0 : i32
    %dma_start3A_70 = tpu.memref_slice %arg2[%dma_start3A_68, %dma_start3A_69] : memref<12800x1024xf32, #tpu.memory_space<hbm>> -> memref<12800x1024xf32, #tpu.memory_space<hbm>>
    tpu.enqueue_indirect_dma source(%dma_start3A_70 : memref<12800x1024xf32, #tpu.memory_space<hbm>>) target(%arg10 : memref<32x1024xf32, #tpu.memory_space<vmem>>) offsets(%arg8 : memref<32xi32, #tpu.memory_space<vmem>>) semaphore(%arg12 : memref<!tpu.dma_semaphore, #tpu.memory_space<semaphore_mem>>)
    %dma_wait3A_71 = arith.constant 0 : i32
    %dma_wait3A_72 = arith.constant 0 : i32
    %dma_wait3A_73 = tpu.memref_slice %arg2[%dma_wait3A_71, %dma_wait3A_72] : memref<12800x1024xf32, #tpu.memory_space<hbm>> -> memref<12800x1024xf32, #tpu.memory_space<hbm>>
    tpu.wait_indirect_dma semaphore(%arg11 : memref<!tpu.dma_semaphore, #tpu.memory_space<semaphore_mem>>) src(%dma_wait3A_73 : memref<12800x1024xf32, #tpu.memory_space<hbm>>) dst(%arg9 : memref<32x1024xf32, #tpu.memory_space<vmem>>)
    %dma_start3A_74 = arith.constant 0 : i32
    %dma_start3A_75 = tpu.memref_slice %arg5[%add3A_8, %dma_start3A_74] : memref<4096x1024xf32, #tpu.memory_space<hbm>> -> memref<32x1024xf32, #tpu.memory_space<hbm>>
    %dma_start3A_76 = arith.constant 0 : i32
    %dma_start3A_77 = tpu.memref_slice %arg5[%add3A_8, %dma_start3A_76] : memref<4096x1024xf32, #tpu.memory_space<hbm>> -> memref<32x1024xf32, #tpu.memory_space<hbm>>
    tpu.enqueue_dma source(%arg9 : memref<32x1024xf32, #tpu.memory_space<vmem>>) target(%dma_start3A_77 : memref<32x1024xf32, #tpu.memory_space<hbm>>) target_semaphore(%arg13 : memref<!tpu.dma_semaphore, #tpu.memory_space<semaphore_mem>>)
    %dma_wait3A_78 = arith.constant 0 : i32
    %dma_wait3A_79 = tpu.memref_slice %arg5[%add3A_8, %dma_wait3A_78] : memref<4096x1024xf32, #tpu.memory_space<hbm>> -> memref<32x1024xf32, #tpu.memory_space<hbm>>
    %dma_wait3A_80 = arith.constant 0 : i32
    %dma_wait3A_81 = tpu.memref_slice %arg5[%add3A_8, %dma_wait3A_80] : memref<4096x1024xf32, #tpu.memory_space<hbm>> -> memref<32x1024xf32, #tpu.memory_space<hbm>>
    tpu.wait_dma2 semaphore(%arg13 : memref<!tpu.dma_semaphore, #tpu.memory_space<semaphore_mem>>) src(%arg9 : memref<32x1024xf32, #tpu.memory_space<vmem>>) dst(%dma_wait3A_81 : memref<32x1024xf32, #tpu.memory_space<hbm>>)
    "tpu.region"() ({
      %run_scoped3A = tpu.sem_alloc : memref<!tpu.dma_semaphore, #tpu.memory_space<semaphore_mem>>
      %dma_start3A_121 = tpu.memref_slice %arg3[%add3A_10] : memref<4096xi32, #tpu.memory_space<hbm>> -> memref<32xi32, #tpu.memory_space<hbm>>
      %dma_start3A_122 = tpu.memref_slice %arg3[%add3A_10] : memref<4096xi32, #tpu.memory_space<hbm>> -> memref<32xi32, #tpu.memory_space<hbm>>
      tpu.enqueue_dma source(%dma_start3A_122 : memref<32xi32, #tpu.memory_space<hbm>>) target(%arg7 : memref<32xi32, #tpu.memory_space<vmem>>) target_semaphore(%run_scoped3A : memref<!tpu.dma_semaphore, #tpu.memory_space<semaphore_mem>>)
      %dma_wait3A_123 = tpu.memref_slice %arg3[%add3A_10] : memref<4096xi32, #tpu.memory_space<hbm>> -> memref<32xi32, #tpu.memory_space<hbm>>
      %dma_wait3A_124 = tpu.memref_slice %arg3[%add3A_10] : memref<4096xi32, #tpu.memory_space<hbm>> -> memref<32xi32, #tpu.memory_space<hbm>>
      tpu.wait_dma2 semaphore(%run_scoped3A : memref<!tpu.dma_semaphore, #tpu.memory_space<semaphore_mem>>) src(%dma_wait3A_124 : memref<32xi32, #tpu.memory_space<hbm>>) dst(%arg7 : memref<32xi32, #tpu.memory_space<vmem>>)
      tpu.yield
    }) : () -> ()
    %dma_start3A_82 = arith.constant 0 : i32
    %dma_start3A_83 = arith.constant 0 : i32
    %dma_start3A_84 = tpu.memref_slice %arg2[%dma_start3A_82, %dma_start3A_83] : memref<12800x1024xf32, #tpu.memory_space<hbm>> -> memref<12800x1024xf32, #tpu.memory_space<hbm>>
    tpu.enqueue_indirect_dma source(%dma_start3A_84 : memref<12800x1024xf32, #tpu.memory_space<hbm>>) target(%arg9 : memref<32x1024xf32, #tpu.memory_space<vmem>>) offsets(%arg7 : memref<32xi32, #tpu.memory_space<vmem>>) semaphore(%arg11 : memref<!tpu.dma_semaphore, #tpu.memory_space<semaphore_mem>>)
    %dma_wait3A_85 = arith.constant 0 : i32
    %dma_wait3A_86 = arith.constant 0 : i32
    %dma_wait3A_87 = tpu.memref_slice %arg2[%dma_wait3A_85, %dma_wait3A_86] : memref<12800x1024xf32, #tpu.memory_space<hbm>> -> memref<12800x1024xf32, #tpu.memory_space<hbm>>
    tpu.wait_indirect_dma semaphore(%arg12 : memref<!tpu.dma_semaphore, #tpu.memory_space<semaphore_mem>>) src(%dma_wait3A_87 : memref<12800x1024xf32, #tpu.memory_space<hbm>>) dst(%arg10 : memref<32x1024xf32, #tpu.memory_space<vmem>>)
    %dma_start3A_88 = arith.constant 0 : i32
    %dma_start3A_89 = tpu.memref_slice %arg6[%add3A_8, %dma_start3A_88] : memref<4096x1024xf32, #tpu.memory_space<hbm>> -> memref<32x1024xf32, #tpu.memory_space<hbm>>
    %dma_start3A_90 = arith.constant 0 : i32
    %dma_start3A_91 = tpu.memref_slice %arg6[%add3A_8, %dma_start3A_90] : memref<4096x1024xf32, #tpu.memory_space<hbm>> -> memref<32x1024xf32, #tpu.memory_space<hbm>>
    tpu.enqueue_dma source(%arg10 : memref<32x1024xf32, #tpu.memory_space<vmem>>) target(%dma_start3A_91 : memref<32x1024xf32, #tpu.memory_space<hbm>>) target_semaphore(%arg14 : memref<!tpu.dma_semaphore, #tpu.memory_space<semaphore_mem>>)
    %dma_wait3A_92 = arith.constant 0 : i32
    %dma_wait3A_93 = tpu.memref_slice %arg6[%add3A_8, %dma_wait3A_92] : memref<4096x1024xf32, #tpu.memory_space<hbm>> -> memref<32x1024xf32, #tpu.memory_space<hbm>>
    %dma_wait3A_94 = arith.constant 0 : i32
    %dma_wait3A_95 = tpu.memref_slice %arg6[%add3A_8, %dma_wait3A_94] : memref<4096x1024xf32, #tpu.memory_space<hbm>> -> memref<32x1024xf32, #tpu.memory_space<hbm>>
    tpu.wait_dma2 semaphore(%arg14 : memref<!tpu.dma_semaphore, #tpu.memory_space<semaphore_mem>>) src(%arg10 : memref<32x1024xf32, #tpu.memory_space<vmem>>) dst(%dma_wait3A_95 : memref<32x1024xf32, #tpu.memory_space<hbm>>)
    "tpu.region"() ({
      %run_scoped3A = tpu.sem_alloc : memref<!tpu.dma_semaphore, #tpu.memory_space<semaphore_mem>>
      %dma_start3A_121 = tpu.memref_slice %arg4[%add3A_10] : memref<4096xi32, #tpu.memory_space<hbm>> -> memref<32xi32, #tpu.memory_space<hbm>>
      %dma_start3A_122 = tpu.memref_slice %arg4[%add3A_10] : memref<4096xi32, #tpu.memory_space<hbm>> -> memref<32xi32, #tpu.memory_space<hbm>>
      tpu.enqueue_dma source(%dma_start3A_122 : memref<32xi32, #tpu.memory_space<hbm>>) target(%arg8 : memref<32xi32, #tpu.memory_space<vmem>>) target_semaphore(%run_scoped3A : memref<!tpu.dma_semaphore, #tpu.memory_space<semaphore_mem>>)
      %dma_wait3A_123 = tpu.memref_slice %arg4[%add3A_10] : memref<4096xi32, #tpu.memory_space<hbm>> -> memref<32xi32, #tpu.memory_space<hbm>>
      %dma_wait3A_124 = tpu.memref_slice %arg4[%add3A_10] : memref<4096xi32, #tpu.memory_space<hbm>> -> memref<32xi32, #tpu.memory_space<hbm>>
      tpu.wait_dma2 semaphore(%run_scoped3A : memref<!tpu.dma_semaphore, #tpu.memory_space<semaphore_mem>>) src(%dma_wait3A_124 : memref<32xi32, #tpu.memory_space<hbm>>) dst(%arg8 : memref<32xi32, #tpu.memory_space<vmem>>)
      tpu.yield
    }) : () -> ()
    %dma_start3A_96 = arith.constant 0 : i32
    %dma_start3A_97 = arith.constant 0 : i32
    %dma_start3A_98 = tpu.memref_slice %arg2[%dma_start3A_96, %dma_start3A_97] : memref<12800x1024xf32, #tpu.memory_space<hbm>> -> memref<12800x1024xf32, #tpu.memory_space<hbm>>
    tpu.enqueue_indirect_dma source(%dma_start3A_98 : memref<12800x1024xf32, #tpu.memory_space<hbm>>) target(%arg10 : memref<32x1024xf32, #tpu.memory_space<vmem>>) offsets(%arg8 : memref<32xi32, #tpu.memory_space<vmem>>) semaphore(%arg12 : memref<!tpu.dma_semaphore, #tpu.memory_space<semaphore_mem>>)
    %dma_wait3A_99 = arith.constant 0 : i32
    %dma_wait3A_100 = arith.constant 0 : i32
    %dma_wait3A_101 = tpu.memref_slice %arg2[%dma_wait3A_99, %dma_wait3A_100] : memref<12800x1024xf32, #tpu.memory_space<hbm>> -> memref<12800x1024xf32, #tpu.memory_space<hbm>>
    tpu.wait_indirect_dma semaphore(%arg11 : memref<!tpu.dma_semaphore, #tpu.memory_space<semaphore_mem>>) src(%dma_wait3A_101 : memref<12800x1024xf32, #tpu.memory_space<hbm>>) dst(%arg9 : memref<32x1024xf32, #tpu.memory_space<vmem>>)
    %dma_start3A_102 = arith.constant 0 : i32
    %dma_start3A_103 = tpu.memref_slice %arg5[%add3A_10, %dma_start3A_102] : memref<4096x1024xf32, #tpu.memory_space<hbm>> -> memref<32x1024xf32, #tpu.memory_space<hbm>>
    %dma_start3A_104 = arith.constant 0 : i32
    %dma_start3A_105 = tpu.memref_slice %arg5[%add3A_10, %dma_start3A_104] : memref<4096x1024xf32, #tpu.memory_space<hbm>> -> memref<32x1024xf32, #tpu.memory_space<hbm>>
    tpu.enqueue_dma source(%arg9 : memref<32x1024xf32, #tpu.memory_space<vmem>>) target(%dma_start3A_105 : memref<32x1024xf32, #tpu.memory_space<hbm>>) target_semaphore(%arg13 : memref<!tpu.dma_semaphore, #tpu.memory_space<semaphore_mem>>)
    %dma_wait3A_106 = arith.constant 0 : i32
    %dma_wait3A_107 = arith.constant 0 : i32
    %dma_wait3A_108 = tpu.memref_slice %arg2[%dma_wait3A_106, %dma_wait3A_107] : memref<12800x1024xf32, #tpu.memory_space<hbm>> -> memref<12800x1024xf32, #tpu.memory_space<hbm>>
    tpu.wait_indirect_dma semaphore(%arg12 : memref<!tpu.dma_semaphore, #tpu.memory_space<semaphore_mem>>) src(%dma_wait3A_108 : memref<12800x1024xf32, #tpu.memory_space<hbm>>) dst(%arg10 : memref<32x1024xf32, #tpu.memory_space<vmem>>)
    %dma_start3A_109 = arith.constant 0 : i32
    %dma_start3A_110 = tpu.memref_slice %arg6[%add3A_10, %dma_start3A_109] : memref<4096x1024xf32, #tpu.memory_space<hbm>> -> memref<32x1024xf32, #tpu.memory_space<hbm>>
    %dma_start3A_111 = arith.constant 0 : i32
    %dma_start3A_112 = tpu.memref_slice %arg6[%add3A_10, %dma_start3A_111] : memref<4096x1024xf32, #tpu.memory_space<hbm>> -> memref<32x1024xf32, #tpu.memory_space<hbm>>
    tpu.enqueue_dma source(%arg10 : memref<32x1024xf32, #tpu.memory_space<vmem>>) target(%dma_start3A_112 : memref<32x1024xf32, #tpu.memory_space<hbm>>) target_semaphore(%arg14 : memref<!tpu.dma_semaphore, #tpu.memory_space<semaphore_mem>>)
    %dma_wait3A_113 = arith.constant 0 : i32
    %dma_wait3A_114 = tpu.memref_slice %arg5[%add3A_10, %dma_wait3A_113] : memref<4096x1024xf32, #tpu.memory_space<hbm>> -> memref<32x1024xf32, #tpu.memory_space<hbm>>
    %dma_wait3A_115 = arith.constant 0 : i32
    %dma_wait3A_116 = tpu.memref_slice %arg5[%add3A_10, %dma_wait3A_115] : memref<4096x1024xf32, #tpu.memory_space<hbm>> -> memref<32x1024xf32, #tpu.memory_space<hbm>>
    tpu.wait_dma2 semaphore(%arg13 : memref<!tpu.dma_semaphore, #tpu.memory_space<semaphore_mem>>) src(%arg9 : memref<32x1024xf32, #tpu.memory_space<vmem>>) dst(%dma_wait3A_116 : memref<32x1024xf32, #tpu.memory_space<hbm>>)
    %dma_wait3A_117 = arith.constant 0 : i32
    %dma_wait3A_118 = tpu.memref_slice %arg6[%add3A_10, %dma_wait3A_117] : memref<4096x1024xf32, #tpu.memory_space<hbm>> -> memref<32x1024xf32, #tpu.memory_space<hbm>>
    %dma_wait3A_119 = arith.constant 0 : i32
    %dma_wait3A_120 = tpu.memref_slice %arg6[%add3A_10, %dma_wait3A_119] : memref<4096x1024xf32, #tpu.memory_space<hbm>> -> memref<32x1024xf32, #tpu.memory_space<hbm>>
    tpu.wait_dma2 semaphore(%arg14 : memref<!tpu.dma_semaphore, #tpu.memory_space<semaphore_mem>>) src(%arg10 : memref<32x1024xf32, #tpu.memory_space<vmem>>) dst(%dma_wait3A_120 : memref<32x1024xf32, #tpu.memory_space<hbm>>)
    return
  }
}

#map = affine_map<(d0, d1) -> (0)>
#map1 = affine_map<(d0, d1) -> (0, 0)>
module attributes {stable_mosaic.version = 14 : i64} {
  func.func @_dispatch(%arg0: i32, %arg1: i32, %arg2: memref<8192xi32, #tpu.memory_space<hbm>>, %arg3: memref<4096x1024xf32, #tpu.memory_space<hbm>>, %arg4: memref<12288x1024xf32, #tpu.memory_space<hbm>>, %arg5: memref<32xi32, #tpu.memory_space<vmem>>, %arg6: memref<32xi32, #tpu.memory_space<vmem>>, %arg7: memref<32x1024xf32, #tpu.memory_space<vmem>>, %arg8: memref<32x1024xf32, #tpu.memory_space<vmem>>, %arg9: memref<!tpu.dma_semaphore, #tpu.memory_space<semaphore_mem>>, %arg10: memref<!tpu.dma_semaphore, #tpu.memory_space<semaphore_mem>>, %arg11: memref<!tpu.dma_semaphore, #tpu.memory_space<semaphore_mem>>, %arg12: memref<!tpu.dma_semaphore, #tpu.memory_space<semaphore_mem>>) attributes {dimension_semantics = [#tpu.dimension_semantics<core_parallel>, #tpu.dimension_semantics<subcore_parallel>], iteration_bounds = array<i64: 2, 16>, scalar_prefetch = 0 : i64, scratch_operands = 8 : i64, tpu.core_type = #tpu.core_type<sc_vector_subcore>, window_params = [{transform_indices = #map}, {transform_indices = #map1}, {transform_indices = #map1}]} {
    %mul3A = arith.constant 2 : i32
    %mul3A_0 = arith.muli %arg1, %mul3A : i32
    %add3A = arith.addi %mul3A_0, %arg0 : i32
    %mul3A_1 = arith.constant 256 : i32
    %mul3A_2 = arith.muli %add3A, %mul3A_1 : i32
    %rem3A = arith.constant 4096 : i32
    %rem3A_3 = arith.remsi %mul3A_2, %rem3A : i32
    %add3A_4 = arith.constant 0 : i32
    %add3A_5 = arith.addi %mul3A_2, %add3A_4 : i32
    "tpu.region"() ({
      %run_scoped3A = tpu.sem_alloc : memref<!tpu.dma_semaphore, #tpu.memory_space<semaphore_mem>>
      %dma_start3A_146 = tpu.memref_slice %arg2[%add3A_5] : memref<8192xi32, #tpu.memory_space<hbm>> -> memref<32xi32, #tpu.memory_space<hbm>>
      %dma_start3A_147 = tpu.memref_slice %arg2[%add3A_5] : memref<8192xi32, #tpu.memory_space<hbm>> -> memref<32xi32, #tpu.memory_space<hbm>>
      tpu.enqueue_dma source(%dma_start3A_147 : memref<32xi32, #tpu.memory_space<hbm>>) target(%arg5 : memref<32xi32, #tpu.memory_space<vmem>>) target_semaphore(%run_scoped3A : memref<!tpu.dma_semaphore, #tpu.memory_space<semaphore_mem>>)
      %dma_wait3A_148 = tpu.memref_slice %arg2[%add3A_5] : memref<8192xi32, #tpu.memory_space<hbm>> -> memref<32xi32, #tpu.memory_space<hbm>>
      %dma_wait3A_149 = tpu.memref_slice %arg2[%add3A_5] : memref<8192xi32, #tpu.memory_space<hbm>> -> memref<32xi32, #tpu.memory_space<hbm>>
      tpu.wait_dma2 semaphore(%run_scoped3A : memref<!tpu.dma_semaphore, #tpu.memory_space<semaphore_mem>>) src(%dma_wait3A_149 : memref<32xi32, #tpu.memory_space<hbm>>) dst(%arg5 : memref<32xi32, #tpu.memory_space<vmem>>)
      tpu.yield
    }) : () -> ()
    %add3A_6 = arith.constant 0 : i32
    %add3A_7 = arith.addi %rem3A_3, %add3A_6 : i32
    %dma_start3A = arith.constant 0 : i32
    %dma_start3A_8 = tpu.memref_slice %arg3[%add3A_7, %dma_start3A] : memref<4096x1024xf32, #tpu.memory_space<hbm>> -> memref<32x1024xf32, #tpu.memory_space<hbm>>
    %dma_start3A_9 = arith.constant 0 : i32
    %dma_start3A_10 = tpu.memref_slice %arg3[%add3A_7, %dma_start3A_9] : memref<4096x1024xf32, #tpu.memory_space<hbm>> -> memref<32x1024xf32, #tpu.memory_space<hbm>>
    tpu.enqueue_dma source(%dma_start3A_10 : memref<32x1024xf32, #tpu.memory_space<hbm>>) target(%arg7 : memref<32x1024xf32, #tpu.memory_space<vmem>>) target_semaphore(%arg9 : memref<!tpu.dma_semaphore, #tpu.memory_space<semaphore_mem>>)
    %add3A_11 = arith.constant 32 : i32
    %add3A_12 = arith.addi %mul3A_2, %add3A_11 : i32
    "tpu.region"() ({
      %run_scoped3A = tpu.sem_alloc : memref<!tpu.dma_semaphore, #tpu.memory_space<semaphore_mem>>
      %dma_start3A_146 = tpu.memref_slice %arg2[%add3A_12] : memref<8192xi32, #tpu.memory_space<hbm>> -> memref<32xi32, #tpu.memory_space<hbm>>
      %dma_start3A_147 = tpu.memref_slice %arg2[%add3A_12] : memref<8192xi32, #tpu.memory_space<hbm>> -> memref<32xi32, #tpu.memory_space<hbm>>
      tpu.enqueue_dma source(%dma_start3A_147 : memref<32xi32, #tpu.memory_space<hbm>>) target(%arg6 : memref<32xi32, #tpu.memory_space<vmem>>) target_semaphore(%run_scoped3A : memref<!tpu.dma_semaphore, #tpu.memory_space<semaphore_mem>>)
      %dma_wait3A_148 = tpu.memref_slice %arg2[%add3A_12] : memref<8192xi32, #tpu.memory_space<hbm>> -> memref<32xi32, #tpu.memory_space<hbm>>
      %dma_wait3A_149 = tpu.memref_slice %arg2[%add3A_12] : memref<8192xi32, #tpu.memory_space<hbm>> -> memref<32xi32, #tpu.memory_space<hbm>>
      tpu.wait_dma2 semaphore(%run_scoped3A : memref<!tpu.dma_semaphore, #tpu.memory_space<semaphore_mem>>) src(%dma_wait3A_149 : memref<32xi32, #tpu.memory_space<hbm>>) dst(%arg6 : memref<32xi32, #tpu.memory_space<vmem>>)
      tpu.yield
    }) : () -> ()
    %add3A_13 = arith.constant 32 : i32
    %add3A_14 = arith.addi %rem3A_3, %add3A_13 : i32
    %dma_start3A_15 = arith.constant 0 : i32
    %dma_start3A_16 = tpu.memref_slice %arg3[%add3A_14, %dma_start3A_15] : memref<4096x1024xf32, #tpu.memory_space<hbm>> -> memref<32x1024xf32, #tpu.memory_space<hbm>>
    %dma_start3A_17 = arith.constant 0 : i32
    %dma_start3A_18 = tpu.memref_slice %arg3[%add3A_14, %dma_start3A_17] : memref<4096x1024xf32, #tpu.memory_space<hbm>> -> memref<32x1024xf32, #tpu.memory_space<hbm>>
    tpu.enqueue_dma source(%dma_start3A_18 : memref<32x1024xf32, #tpu.memory_space<hbm>>) target(%arg8 : memref<32x1024xf32, #tpu.memory_space<vmem>>) target_semaphore(%arg10 : memref<!tpu.dma_semaphore, #tpu.memory_space<semaphore_mem>>)
    %dma_wait3A = arith.constant 0 : i32
    %dma_wait3A_19 = tpu.memref_slice %arg3[%add3A_7, %dma_wait3A] : memref<4096x1024xf32, #tpu.memory_space<hbm>> -> memref<32x1024xf32, #tpu.memory_space<hbm>>
    %dma_wait3A_20 = arith.constant 0 : i32
    %dma_wait3A_21 = tpu.memref_slice %arg3[%add3A_7, %dma_wait3A_20] : memref<4096x1024xf32, #tpu.memory_space<hbm>> -> memref<32x1024xf32, #tpu.memory_space<hbm>>
    tpu.wait_dma2 semaphore(%arg9 : memref<!tpu.dma_semaphore, #tpu.memory_space<semaphore_mem>>) src(%dma_wait3A_21 : memref<32x1024xf32, #tpu.memory_space<hbm>>) dst(%arg7 : memref<32x1024xf32, #tpu.memory_space<vmem>>)
    %dma_start3A_22 = arith.constant 0 : i32
    %dma_start3A_23 = arith.constant 0 : i32
    %dma_start3A_24 = tpu.memref_slice %arg4[%dma_start3A_22, %dma_start3A_23] : memref<12288x1024xf32, #tpu.memory_space<hbm>> -> memref<12288x1024xf32, #tpu.memory_space<hbm>>
    tpu.enqueue_indirect_dma source(%arg7 : memref<32x1024xf32, #tpu.memory_space<vmem>>) target(%dma_start3A_24 : memref<12288x1024xf32, #tpu.memory_space<hbm>>) offsets(%arg5 : memref<32xi32, #tpu.memory_space<vmem>>) semaphore(%arg11 : memref<!tpu.dma_semaphore, #tpu.memory_space<semaphore_mem>>)
    %add3A_25 = arith.constant 64 : i32
    %add3A_26 = arith.addi %mul3A_2, %add3A_25 : i32
    %dma_wait3A_27 = arith.constant 0 : i32
    %dma_wait3A_28 = arith.constant 0 : i32
    %dma_wait3A_29 = tpu.memref_slice %arg4[%dma_wait3A_27, %dma_wait3A_28] : memref<12288x1024xf32, #tpu.memory_space<hbm>> -> memref<12288x1024xf32, #tpu.memory_space<hbm>>
    tpu.wait_indirect_dma semaphore(%arg11 : memref<!tpu.dma_semaphore, #tpu.memory_space<semaphore_mem>>) src(%arg7 : memref<32x1024xf32, #tpu.memory_space<vmem>>) dst(%dma_wait3A_29 : memref<12288x1024xf32, #tpu.memory_space<hbm>>)
    "tpu.region"() ({
      %run_scoped3A = tpu.sem_alloc : memref<!tpu.dma_semaphore, #tpu.memory_space<semaphore_mem>>
      %dma_start3A_146 = tpu.memref_slice %arg2[%add3A_26] : memref<8192xi32, #tpu.memory_space<hbm>> -> memref<32xi32, #tpu.memory_space<hbm>>
      %dma_start3A_147 = tpu.memref_slice %arg2[%add3A_26] : memref<8192xi32, #tpu.memory_space<hbm>> -> memref<32xi32, #tpu.memory_space<hbm>>
      tpu.enqueue_dma source(%dma_start3A_147 : memref<32xi32, #tpu.memory_space<hbm>>) target(%arg5 : memref<32xi32, #tpu.memory_space<vmem>>) target_semaphore(%run_scoped3A : memref<!tpu.dma_semaphore, #tpu.memory_space<semaphore_mem>>)
      %dma_wait3A_148 = tpu.memref_slice %arg2[%add3A_26] : memref<8192xi32, #tpu.memory_space<hbm>> -> memref<32xi32, #tpu.memory_space<hbm>>
      %dma_wait3A_149 = tpu.memref_slice %arg2[%add3A_26] : memref<8192xi32, #tpu.memory_space<hbm>> -> memref<32xi32, #tpu.memory_space<hbm>>
      tpu.wait_dma2 semaphore(%run_scoped3A : memref<!tpu.dma_semaphore, #tpu.memory_space<semaphore_mem>>) src(%dma_wait3A_149 : memref<32xi32, #tpu.memory_space<hbm>>) dst(%arg5 : memref<32xi32, #tpu.memory_space<vmem>>)
      tpu.yield
    }) : () -> ()
    %add3A_30 = arith.constant 64 : i32
    %add3A_31 = arith.addi %rem3A_3, %add3A_30 : i32
    %dma_start3A_32 = arith.constant 0 : i32
    %dma_start3A_33 = tpu.memref_slice %arg3[%add3A_31, %dma_start3A_32] : memref<4096x1024xf32, #tpu.memory_space<hbm>> -> memref<32x1024xf32, #tpu.memory_space<hbm>>
    %dma_start3A_34 = arith.constant 0 : i32
    %dma_start3A_35 = tpu.memref_slice %arg3[%add3A_31, %dma_start3A_34] : memref<4096x1024xf32, #tpu.memory_space<hbm>> -> memref<32x1024xf32, #tpu.memory_space<hbm>>
    tpu.enqueue_dma source(%dma_start3A_35 : memref<32x1024xf32, #tpu.memory_space<hbm>>) target(%arg7 : memref<32x1024xf32, #tpu.memory_space<vmem>>) target_semaphore(%arg9 : memref<!tpu.dma_semaphore, #tpu.memory_space<semaphore_mem>>)
    %dma_wait3A_36 = arith.constant 0 : i32
    %dma_wait3A_37 = tpu.memref_slice %arg3[%add3A_14, %dma_wait3A_36] : memref<4096x1024xf32, #tpu.memory_space<hbm>> -> memref<32x1024xf32, #tpu.memory_space<hbm>>
    %dma_wait3A_38 = arith.constant 0 : i32
    %dma_wait3A_39 = tpu.memref_slice %arg3[%add3A_14, %dma_wait3A_38] : memref<4096x1024xf32, #tpu.memory_space<hbm>> -> memref<32x1024xf32, #tpu.memory_space<hbm>>
    tpu.wait_dma2 semaphore(%arg10 : memref<!tpu.dma_semaphore, #tpu.memory_space<semaphore_mem>>) src(%dma_wait3A_39 : memref<32x1024xf32, #tpu.memory_space<hbm>>) dst(%arg8 : memref<32x1024xf32, #tpu.memory_space<vmem>>)
    %dma_start3A_40 = arith.constant 0 : i32
    %dma_start3A_41 = arith.constant 0 : i32
    %dma_start3A_42 = tpu.memref_slice %arg4[%dma_start3A_40, %dma_start3A_41] : memref<12288x1024xf32, #tpu.memory_space<hbm>> -> memref<12288x1024xf32, #tpu.memory_space<hbm>>
    tpu.enqueue_indirect_dma source(%arg8 : memref<32x1024xf32, #tpu.memory_space<vmem>>) target(%dma_start3A_42 : memref<12288x1024xf32, #tpu.memory_space<hbm>>) offsets(%arg6 : memref<32xi32, #tpu.memory_space<vmem>>) semaphore(%arg12 : memref<!tpu.dma_semaphore, #tpu.memory_space<semaphore_mem>>)
    %add3A_43 = arith.constant 96 : i32
    %add3A_44 = arith.addi %mul3A_2, %add3A_43 : i32
    %dma_wait3A_45 = arith.constant 0 : i32
    %dma_wait3A_46 = arith.constant 0 : i32
    %dma_wait3A_47 = tpu.memref_slice %arg4[%dma_wait3A_45, %dma_wait3A_46] : memref<12288x1024xf32, #tpu.memory_space<hbm>> -> memref<12288x1024xf32, #tpu.memory_space<hbm>>
    tpu.wait_indirect_dma semaphore(%arg12 : memref<!tpu.dma_semaphore, #tpu.memory_space<semaphore_mem>>) src(%arg8 : memref<32x1024xf32, #tpu.memory_space<vmem>>) dst(%dma_wait3A_47 : memref<12288x1024xf32, #tpu.memory_space<hbm>>)
    "tpu.region"() ({
      %run_scoped3A = tpu.sem_alloc : memref<!tpu.dma_semaphore, #tpu.memory_space<semaphore_mem>>
      %dma_start3A_146 = tpu.memref_slice %arg2[%add3A_44] : memref<8192xi32, #tpu.memory_space<hbm>> -> memref<32xi32, #tpu.memory_space<hbm>>
      %dma_start3A_147 = tpu.memref_slice %arg2[%add3A_44] : memref<8192xi32, #tpu.memory_space<hbm>> -> memref<32xi32, #tpu.memory_space<hbm>>
      tpu.enqueue_dma source(%dma_start3A_147 : memref<32xi32, #tpu.memory_space<hbm>>) target(%arg6 : memref<32xi32, #tpu.memory_space<vmem>>) target_semaphore(%run_scoped3A : memref<!tpu.dma_semaphore, #tpu.memory_space<semaphore_mem>>)
      %dma_wait3A_148 = tpu.memref_slice %arg2[%add3A_44] : memref<8192xi32, #tpu.memory_space<hbm>> -> memref<32xi32, #tpu.memory_space<hbm>>
      %dma_wait3A_149 = tpu.memref_slice %arg2[%add3A_44] : memref<8192xi32, #tpu.memory_space<hbm>> -> memref<32xi32, #tpu.memory_space<hbm>>
      tpu.wait_dma2 semaphore(%run_scoped3A : memref<!tpu.dma_semaphore, #tpu.memory_space<semaphore_mem>>) src(%dma_wait3A_149 : memref<32xi32, #tpu.memory_space<hbm>>) dst(%arg6 : memref<32xi32, #tpu.memory_space<vmem>>)
      tpu.yield
    }) : () -> ()
    %add3A_48 = arith.constant 96 : i32
    %add3A_49 = arith.addi %rem3A_3, %add3A_48 : i32
    %dma_start3A_50 = arith.constant 0 : i32
    %dma_start3A_51 = tpu.memref_slice %arg3[%add3A_49, %dma_start3A_50] : memref<4096x1024xf32, #tpu.memory_space<hbm>> -> memref<32x1024xf32, #tpu.memory_space<hbm>>
    %dma_start3A_52 = arith.constant 0 : i32
    %dma_start3A_53 = tpu.memref_slice %arg3[%add3A_49, %dma_start3A_52] : memref<4096x1024xf32, #tpu.memory_space<hbm>> -> memref<32x1024xf32, #tpu.memory_space<hbm>>
    tpu.enqueue_dma source(%dma_start3A_53 : memref<32x1024xf32, #tpu.memory_space<hbm>>) target(%arg8 : memref<32x1024xf32, #tpu.memory_space<vmem>>) target_semaphore(%arg10 : memref<!tpu.dma_semaphore, #tpu.memory_space<semaphore_mem>>)
    %dma_wait3A_54 = arith.constant 0 : i32
    %dma_wait3A_55 = tpu.memref_slice %arg3[%add3A_31, %dma_wait3A_54] : memref<4096x1024xf32, #tpu.memory_space<hbm>> -> memref<32x1024xf32, #tpu.memory_space<hbm>>
    %dma_wait3A_56 = arith.constant 0 : i32
    %dma_wait3A_57 = tpu.memref_slice %arg3[%add3A_31, %dma_wait3A_56] : memref<4096x1024xf32, #tpu.memory_space<hbm>> -> memref<32x1024xf32, #tpu.memory_space<hbm>>
    tpu.wait_dma2 semaphore(%arg9 : memref<!tpu.dma_semaphore, #tpu.memory_space<semaphore_mem>>) src(%dma_wait3A_57 : memref<32x1024xf32, #tpu.memory_space<hbm>>) dst(%arg7 : memref<32x1024xf32, #tpu.memory_space<vmem>>)
    %dma_start3A_58 = arith.constant 0 : i32
    %dma_start3A_59 = arith.constant 0 : i32
    %dma_start3A_60 = tpu.memref_slice %arg4[%dma_start3A_58, %dma_start3A_59] : memref<12288x1024xf32, #tpu.memory_space<hbm>> -> memref<12288x1024xf32, #tpu.memory_space<hbm>>
    tpu.enqueue_indirect_dma source(%arg7 : memref<32x1024xf32, #tpu.memory_space<vmem>>) target(%dma_start3A_60 : memref<12288x1024xf32, #tpu.memory_space<hbm>>) offsets(%arg5 : memref<32xi32, #tpu.memory_space<vmem>>) semaphore(%arg11 : memref<!tpu.dma_semaphore, #tpu.memory_space<semaphore_mem>>)
    %add3A_61 = arith.constant 128 : i32
    %add3A_62 = arith.addi %mul3A_2, %add3A_61 : i32
    %dma_wait3A_63 = arith.constant 0 : i32
    %dma_wait3A_64 = arith.constant 0 : i32
    %dma_wait3A_65 = tpu.memref_slice %arg4[%dma_wait3A_63, %dma_wait3A_64] : memref<12288x1024xf32, #tpu.memory_space<hbm>> -> memref<12288x1024xf32, #tpu.memory_space<hbm>>
    tpu.wait_indirect_dma semaphore(%arg11 : memref<!tpu.dma_semaphore, #tpu.memory_space<semaphore_mem>>) src(%arg7 : memref<32x1024xf32, #tpu.memory_space<vmem>>) dst(%dma_wait3A_65 : memref<12288x1024xf32, #tpu.memory_space<hbm>>)
    "tpu.region"() ({
      %run_scoped3A = tpu.sem_alloc : memref<!tpu.dma_semaphore, #tpu.memory_space<semaphore_mem>>
      %dma_start3A_146 = tpu.memref_slice %arg2[%add3A_62] : memref<8192xi32, #tpu.memory_space<hbm>> -> memref<32xi32, #tpu.memory_space<hbm>>
      %dma_start3A_147 = tpu.memref_slice %arg2[%add3A_62] : memref<8192xi32, #tpu.memory_space<hbm>> -> memref<32xi32, #tpu.memory_space<hbm>>
      tpu.enqueue_dma source(%dma_start3A_147 : memref<32xi32, #tpu.memory_space<hbm>>) target(%arg5 : memref<32xi32, #tpu.memory_space<vmem>>) target_semaphore(%run_scoped3A : memref<!tpu.dma_semaphore, #tpu.memory_space<semaphore_mem>>)
      %dma_wait3A_148 = tpu.memref_slice %arg2[%add3A_62] : memref<8192xi32, #tpu.memory_space<hbm>> -> memref<32xi32, #tpu.memory_space<hbm>>
      %dma_wait3A_149 = tpu.memref_slice %arg2[%add3A_62] : memref<8192xi32, #tpu.memory_space<hbm>> -> memref<32xi32, #tpu.memory_space<hbm>>
      tpu.wait_dma2 semaphore(%run_scoped3A : memref<!tpu.dma_semaphore, #tpu.memory_space<semaphore_mem>>) src(%dma_wait3A_149 : memref<32xi32, #tpu.memory_space<hbm>>) dst(%arg5 : memref<32xi32, #tpu.memory_space<vmem>>)
      tpu.yield
    }) : () -> ()
    %add3A_66 = arith.constant 128 : i32
    %add3A_67 = arith.addi %rem3A_3, %add3A_66 : i32
    %dma_start3A_68 = arith.constant 0 : i32
    %dma_start3A_69 = tpu.memref_slice %arg3[%add3A_67, %dma_start3A_68] : memref<4096x1024xf32, #tpu.memory_space<hbm>> -> memref<32x1024xf32, #tpu.memory_space<hbm>>
    %dma_start3A_70 = arith.constant 0 : i32
    %dma_start3A_71 = tpu.memref_slice %arg3[%add3A_67, %dma_start3A_70] : memref<4096x1024xf32, #tpu.memory_space<hbm>> -> memref<32x1024xf32, #tpu.memory_space<hbm>>
    tpu.enqueue_dma source(%dma_start3A_71 : memref<32x1024xf32, #tpu.memory_space<hbm>>) target(%arg7 : memref<32x1024xf32, #tpu.memory_space<vmem>>) target_semaphore(%arg9 : memref<!tpu.dma_semaphore, #tpu.memory_space<semaphore_mem>>)
    %dma_wait3A_72 = arith.constant 0 : i32
    %dma_wait3A_73 = tpu.memref_slice %arg3[%add3A_49, %dma_wait3A_72] : memref<4096x1024xf32, #tpu.memory_space<hbm>> -> memref<32x1024xf32, #tpu.memory_space<hbm>>
    %dma_wait3A_74 = arith.constant 0 : i32
    %dma_wait3A_75 = tpu.memref_slice %arg3[%add3A_49, %dma_wait3A_74] : memref<4096x1024xf32, #tpu.memory_space<hbm>> -> memref<32x1024xf32, #tpu.memory_space<hbm>>
    tpu.wait_dma2 semaphore(%arg10 : memref<!tpu.dma_semaphore, #tpu.memory_space<semaphore_mem>>) src(%dma_wait3A_75 : memref<32x1024xf32, #tpu.memory_space<hbm>>) dst(%arg8 : memref<32x1024xf32, #tpu.memory_space<vmem>>)
    %dma_start3A_76 = arith.constant 0 : i32
    %dma_start3A_77 = arith.constant 0 : i32
    %dma_start3A_78 = tpu.memref_slice %arg4[%dma_start3A_76, %dma_start3A_77] : memref<12288x1024xf32, #tpu.memory_space<hbm>> -> memref<12288x1024xf32, #tpu.memory_space<hbm>>
    tpu.enqueue_indirect_dma source(%arg8 : memref<32x1024xf32, #tpu.memory_space<vmem>>) target(%dma_start3A_78 : memref<12288x1024xf32, #tpu.memory_space<hbm>>) offsets(%arg6 : memref<32xi32, #tpu.memory_space<vmem>>) semaphore(%arg12 : memref<!tpu.dma_semaphore, #tpu.memory_space<semaphore_mem>>)
    %add3A_79 = arith.constant 160 : i32
    %add3A_80 = arith.addi %mul3A_2, %add3A_79 : i32
    %dma_wait3A_81 = arith.constant 0 : i32
    %dma_wait3A_82 = arith.constant 0 : i32
    %dma_wait3A_83 = tpu.memref_slice %arg4[%dma_wait3A_81, %dma_wait3A_82] : memref<12288x1024xf32, #tpu.memory_space<hbm>> -> memref<12288x1024xf32, #tpu.memory_space<hbm>>
    tpu.wait_indirect_dma semaphore(%arg12 : memref<!tpu.dma_semaphore, #tpu.memory_space<semaphore_mem>>) src(%arg8 : memref<32x1024xf32, #tpu.memory_space<vmem>>) dst(%dma_wait3A_83 : memref<12288x1024xf32, #tpu.memory_space<hbm>>)
    "tpu.region"() ({
      %run_scoped3A = tpu.sem_alloc : memref<!tpu.dma_semaphore, #tpu.memory_space<semaphore_mem>>
      %dma_start3A_146 = tpu.memref_slice %arg2[%add3A_80] : memref<8192xi32, #tpu.memory_space<hbm>> -> memref<32xi32, #tpu.memory_space<hbm>>
      %dma_start3A_147 = tpu.memref_slice %arg2[%add3A_80] : memref<8192xi32, #tpu.memory_space<hbm>> -> memref<32xi32, #tpu.memory_space<hbm>>
      tpu.enqueue_dma source(%dma_start3A_147 : memref<32xi32, #tpu.memory_space<hbm>>) target(%arg6 : memref<32xi32, #tpu.memory_space<vmem>>) target_semaphore(%run_scoped3A : memref<!tpu.dma_semaphore, #tpu.memory_space<semaphore_mem>>)
      %dma_wait3A_148 = tpu.memref_slice %arg2[%add3A_80] : memref<8192xi32, #tpu.memory_space<hbm>> -> memref<32xi32, #tpu.memory_space<hbm>>
      %dma_wait3A_149 = tpu.memref_slice %arg2[%add3A_80] : memref<8192xi32, #tpu.memory_space<hbm>> -> memref<32xi32, #tpu.memory_space<hbm>>
      tpu.wait_dma2 semaphore(%run_scoped3A : memref<!tpu.dma_semaphore, #tpu.memory_space<semaphore_mem>>) src(%dma_wait3A_149 : memref<32xi32, #tpu.memory_space<hbm>>) dst(%arg6 : memref<32xi32, #tpu.memory_space<vmem>>)
      tpu.yield
    }) : () -> ()
    %add3A_84 = arith.constant 160 : i32
    %add3A_85 = arith.addi %rem3A_3, %add3A_84 : i32
    %dma_start3A_86 = arith.constant 0 : i32
    %dma_start3A_87 = tpu.memref_slice %arg3[%add3A_85, %dma_start3A_86] : memref<4096x1024xf32, #tpu.memory_space<hbm>> -> memref<32x1024xf32, #tpu.memory_space<hbm>>
    %dma_start3A_88 = arith.constant 0 : i32
    %dma_start3A_89 = tpu.memref_slice %arg3[%add3A_85, %dma_start3A_88] : memref<4096x1024xf32, #tpu.memory_space<hbm>> -> memref<32x1024xf32, #tpu.memory_space<hbm>>
    tpu.enqueue_dma source(%dma_start3A_89 : memref<32x1024xf32, #tpu.memory_space<hbm>>) target(%arg8 : memref<32x1024xf32, #tpu.memory_space<vmem>>) target_semaphore(%arg10 : memref<!tpu.dma_semaphore, #tpu.memory_space<semaphore_mem>>)
    %dma_wait3A_90 = arith.constant 0 : i32
    %dma_wait3A_91 = tpu.memref_slice %arg3[%add3A_67, %dma_wait3A_90] : memref<4096x1024xf32, #tpu.memory_space<hbm>> -> memref<32x1024xf32, #tpu.memory_space<hbm>>
    %dma_wait3A_92 = arith.constant 0 : i32
    %dma_wait3A_93 = tpu.memref_slice %arg3[%add3A_67, %dma_wait3A_92] : memref<4096x1024xf32, #tpu.memory_space<hbm>> -> memref<32x1024xf32, #tpu.memory_space<hbm>>
    tpu.wait_dma2 semaphore(%arg9 : memref<!tpu.dma_semaphore, #tpu.memory_space<semaphore_mem>>) src(%dma_wait3A_93 : memref<32x1024xf32, #tpu.memory_space<hbm>>) dst(%arg7 : memref<32x1024xf32, #tpu.memory_space<vmem>>)
    %dma_start3A_94 = arith.constant 0 : i32
    %dma_start3A_95 = arith.constant 0 : i32
    %dma_start3A_96 = tpu.memref_slice %arg4[%dma_start3A_94, %dma_start3A_95] : memref<12288x1024xf32, #tpu.memory_space<hbm>> -> memref<12288x1024xf32, #tpu.memory_space<hbm>>
    tpu.enqueue_indirect_dma source(%arg7 : memref<32x1024xf32, #tpu.memory_space<vmem>>) target(%dma_start3A_96 : memref<12288x1024xf32, #tpu.memory_space<hbm>>) offsets(%arg5 : memref<32xi32, #tpu.memory_space<vmem>>) semaphore(%arg11 : memref<!tpu.dma_semaphore, #tpu.memory_space<semaphore_mem>>)
    %add3A_97 = arith.constant 192 : i32
    %add3A_98 = arith.addi %mul3A_2, %add3A_97 : i32
    %dma_wait3A_99 = arith.constant 0 : i32
    %dma_wait3A_100 = arith.constant 0 : i32
    %dma_wait3A_101 = tpu.memref_slice %arg4[%dma_wait3A_99, %dma_wait3A_100] : memref<12288x1024xf32, #tpu.memory_space<hbm>> -> memref<12288x1024xf32, #tpu.memory_space<hbm>>
    tpu.wait_indirect_dma semaphore(%arg11 : memref<!tpu.dma_semaphore, #tpu.memory_space<semaphore_mem>>) src(%arg7 : memref<32x1024xf32, #tpu.memory_space<vmem>>) dst(%dma_wait3A_101 : memref<12288x1024xf32, #tpu.memory_space<hbm>>)
    "tpu.region"() ({
      %run_scoped3A = tpu.sem_alloc : memref<!tpu.dma_semaphore, #tpu.memory_space<semaphore_mem>>
      %dma_start3A_146 = tpu.memref_slice %arg2[%add3A_98] : memref<8192xi32, #tpu.memory_space<hbm>> -> memref<32xi32, #tpu.memory_space<hbm>>
      %dma_start3A_147 = tpu.memref_slice %arg2[%add3A_98] : memref<8192xi32, #tpu.memory_space<hbm>> -> memref<32xi32, #tpu.memory_space<hbm>>
      tpu.enqueue_dma source(%dma_start3A_147 : memref<32xi32, #tpu.memory_space<hbm>>) target(%arg5 : memref<32xi32, #tpu.memory_space<vmem>>) target_semaphore(%run_scoped3A : memref<!tpu.dma_semaphore, #tpu.memory_space<semaphore_mem>>)
      %dma_wait3A_148 = tpu.memref_slice %arg2[%add3A_98] : memref<8192xi32, #tpu.memory_space<hbm>> -> memref<32xi32, #tpu.memory_space<hbm>>
      %dma_wait3A_149 = tpu.memref_slice %arg2[%add3A_98] : memref<8192xi32, #tpu.memory_space<hbm>> -> memref<32xi32, #tpu.memory_space<hbm>>
      tpu.wait_dma2 semaphore(%run_scoped3A : memref<!tpu.dma_semaphore, #tpu.memory_space<semaphore_mem>>) src(%dma_wait3A_149 : memref<32xi32, #tpu.memory_space<hbm>>) dst(%arg5 : memref<32xi32, #tpu.memory_space<vmem>>)
      tpu.yield
    }) : () -> ()
    %add3A_102 = arith.constant 192 : i32
    %add3A_103 = arith.addi %rem3A_3, %add3A_102 : i32
    %dma_start3A_104 = arith.constant 0 : i32
    %dma_start3A_105 = tpu.memref_slice %arg3[%add3A_103, %dma_start3A_104] : memref<4096x1024xf32, #tpu.memory_space<hbm>> -> memref<32x1024xf32, #tpu.memory_space<hbm>>
    %dma_start3A_106 = arith.constant 0 : i32
    %dma_start3A_107 = tpu.memref_slice %arg3[%add3A_103, %dma_start3A_106] : memref<4096x1024xf32, #tpu.memory_space<hbm>> -> memref<32x1024xf32, #tpu.memory_space<hbm>>
    tpu.enqueue_dma source(%dma_start3A_107 : memref<32x1024xf32, #tpu.memory_space<hbm>>) target(%arg7 : memref<32x1024xf32, #tpu.memory_space<vmem>>) target_semaphore(%arg9 : memref<!tpu.dma_semaphore, #tpu.memory_space<semaphore_mem>>)
    %dma_wait3A_108 = arith.constant 0 : i32
    %dma_wait3A_109 = tpu.memref_slice %arg3[%add3A_85, %dma_wait3A_108] : memref<4096x1024xf32, #tpu.memory_space<hbm>> -> memref<32x1024xf32, #tpu.memory_space<hbm>>
    %dma_wait3A_110 = arith.constant 0 : i32
    %dma_wait3A_111 = tpu.memref_slice %arg3[%add3A_85, %dma_wait3A_110] : memref<4096x1024xf32, #tpu.memory_space<hbm>> -> memref<32x1024xf32, #tpu.memory_space<hbm>>
    tpu.wait_dma2 semaphore(%arg10 : memref<!tpu.dma_semaphore, #tpu.memory_space<semaphore_mem>>) src(%dma_wait3A_111 : memref<32x1024xf32, #tpu.memory_space<hbm>>) dst(%arg8 : memref<32x1024xf32, #tpu.memory_space<vmem>>)
    %dma_start3A_112 = arith.constant 0 : i32
    %dma_start3A_113 = arith.constant 0 : i32
    %dma_start3A_114 = tpu.memref_slice %arg4[%dma_start3A_112, %dma_start3A_113] : memref<12288x1024xf32, #tpu.memory_space<hbm>> -> memref<12288x1024xf32, #tpu.memory_space<hbm>>
    tpu.enqueue_indirect_dma source(%arg8 : memref<32x1024xf32, #tpu.memory_space<vmem>>) target(%dma_start3A_114 : memref<12288x1024xf32, #tpu.memory_space<hbm>>) offsets(%arg6 : memref<32xi32, #tpu.memory_space<vmem>>) semaphore(%arg12 : memref<!tpu.dma_semaphore, #tpu.memory_space<semaphore_mem>>)
    %add3A_115 = arith.constant 224 : i32
    %add3A_116 = arith.addi %mul3A_2, %add3A_115 : i32
    %dma_wait3A_117 = arith.constant 0 : i32
    %dma_wait3A_118 = arith.constant 0 : i32
    %dma_wait3A_119 = tpu.memref_slice %arg4[%dma_wait3A_117, %dma_wait3A_118] : memref<12288x1024xf32, #tpu.memory_space<hbm>> -> memref<12288x1024xf32, #tpu.memory_space<hbm>>
    tpu.wait_indirect_dma semaphore(%arg12 : memref<!tpu.dma_semaphore, #tpu.memory_space<semaphore_mem>>) src(%arg8 : memref<32x1024xf32, #tpu.memory_space<vmem>>) dst(%dma_wait3A_119 : memref<12288x1024xf32, #tpu.memory_space<hbm>>)
    "tpu.region"() ({
      %run_scoped3A = tpu.sem_alloc : memref<!tpu.dma_semaphore, #tpu.memory_space<semaphore_mem>>
      %dma_start3A_146 = tpu.memref_slice %arg2[%add3A_116] : memref<8192xi32, #tpu.memory_space<hbm>> -> memref<32xi32, #tpu.memory_space<hbm>>
      %dma_start3A_147 = tpu.memref_slice %arg2[%add3A_116] : memref<8192xi32, #tpu.memory_space<hbm>> -> memref<32xi32, #tpu.memory_space<hbm>>
      tpu.enqueue_dma source(%dma_start3A_147 : memref<32xi32, #tpu.memory_space<hbm>>) target(%arg6 : memref<32xi32, #tpu.memory_space<vmem>>) target_semaphore(%run_scoped3A : memref<!tpu.dma_semaphore, #tpu.memory_space<semaphore_mem>>)
      %dma_wait3A_148 = tpu.memref_slice %arg2[%add3A_116] : memref<8192xi32, #tpu.memory_space<hbm>> -> memref<32xi32, #tpu.memory_space<hbm>>
      %dma_wait3A_149 = tpu.memref_slice %arg2[%add3A_116] : memref<8192xi32, #tpu.memory_space<hbm>> -> memref<32xi32, #tpu.memory_space<hbm>>
      tpu.wait_dma2 semaphore(%run_scoped3A : memref<!tpu.dma_semaphore, #tpu.memory_space<semaphore_mem>>) src(%dma_wait3A_149 : memref<32xi32, #tpu.memory_space<hbm>>) dst(%arg6 : memref<32xi32, #tpu.memory_space<vmem>>)
      tpu.yield
    }) : () -> ()
    %add3A_120 = arith.constant 224 : i32
    %add3A_121 = arith.addi %rem3A_3, %add3A_120 : i32
    %dma_start3A_122 = arith.constant 0 : i32
    %dma_start3A_123 = tpu.memref_slice %arg3[%add3A_121, %dma_start3A_122] : memref<4096x1024xf32, #tpu.memory_space<hbm>> -> memref<32x1024xf32, #tpu.memory_space<hbm>>
    %dma_start3A_124 = arith.constant 0 : i32
    %dma_start3A_125 = tpu.memref_slice %arg3[%add3A_121, %dma_start3A_124] : memref<4096x1024xf32, #tpu.memory_space<hbm>> -> memref<32x1024xf32, #tpu.memory_space<hbm>>
    tpu.enqueue_dma source(%dma_start3A_125 : memref<32x1024xf32, #tpu.memory_space<hbm>>) target(%arg8 : memref<32x1024xf32, #tpu.memory_space<vmem>>) target_semaphore(%arg10 : memref<!tpu.dma_semaphore, #tpu.memory_space<semaphore_mem>>)
    %dma_wait3A_126 = arith.constant 0 : i32
    %dma_wait3A_127 = tpu.memref_slice %arg3[%add3A_103, %dma_wait3A_126] : memref<4096x1024xf32, #tpu.memory_space<hbm>> -> memref<32x1024xf32, #tpu.memory_space<hbm>>
    %dma_wait3A_128 = arith.constant 0 : i32
    %dma_wait3A_129 = tpu.memref_slice %arg3[%add3A_103, %dma_wait3A_128] : memref<4096x1024xf32, #tpu.memory_space<hbm>> -> memref<32x1024xf32, #tpu.memory_space<hbm>>
    tpu.wait_dma2 semaphore(%arg9 : memref<!tpu.dma_semaphore, #tpu.memory_space<semaphore_mem>>) src(%dma_wait3A_129 : memref<32x1024xf32, #tpu.memory_space<hbm>>) dst(%arg7 : memref<32x1024xf32, #tpu.memory_space<vmem>>)
    %dma_start3A_130 = arith.constant 0 : i32
    %dma_start3A_131 = arith.constant 0 : i32
    %dma_start3A_132 = tpu.memref_slice %arg4[%dma_start3A_130, %dma_start3A_131] : memref<12288x1024xf32, #tpu.memory_space<hbm>> -> memref<12288x1024xf32, #tpu.memory_space<hbm>>
    tpu.enqueue_indirect_dma source(%arg7 : memref<32x1024xf32, #tpu.memory_space<vmem>>) target(%dma_start3A_132 : memref<12288x1024xf32, #tpu.memory_space<hbm>>) offsets(%arg5 : memref<32xi32, #tpu.memory_space<vmem>>) semaphore(%arg11 : memref<!tpu.dma_semaphore, #tpu.memory_space<semaphore_mem>>)
    %dma_wait3A_133 = arith.constant 0 : i32
    %dma_wait3A_134 = tpu.memref_slice %arg3[%add3A_121, %dma_wait3A_133] : memref<4096x1024xf32, #tpu.memory_space<hbm>> -> memref<32x1024xf32, #tpu.memory_space<hbm>>
    %dma_wait3A_135 = arith.constant 0 : i32
    %dma_wait3A_136 = tpu.memref_slice %arg3[%add3A_121, %dma_wait3A_135] : memref<4096x1024xf32, #tpu.memory_space<hbm>> -> memref<32x1024xf32, #tpu.memory_space<hbm>>
    tpu.wait_dma2 semaphore(%arg10 : memref<!tpu.dma_semaphore, #tpu.memory_space<semaphore_mem>>) src(%dma_wait3A_136 : memref<32x1024xf32, #tpu.memory_space<hbm>>) dst(%arg8 : memref<32x1024xf32, #tpu.memory_space<vmem>>)
    %dma_start3A_137 = arith.constant 0 : i32
    %dma_start3A_138 = arith.constant 0 : i32
    %dma_start3A_139 = tpu.memref_slice %arg4[%dma_start3A_137, %dma_start3A_138] : memref<12288x1024xf32, #tpu.memory_space<hbm>> -> memref<12288x1024xf32, #tpu.memory_space<hbm>>
    tpu.enqueue_indirect_dma source(%arg8 : memref<32x1024xf32, #tpu.memory_space<vmem>>) target(%dma_start3A_139 : memref<12288x1024xf32, #tpu.memory_space<hbm>>) offsets(%arg6 : memref<32xi32, #tpu.memory_space<vmem>>) semaphore(%arg12 : memref<!tpu.dma_semaphore, #tpu.memory_space<semaphore_mem>>)
    %dma_wait3A_140 = arith.constant 0 : i32
    %dma_wait3A_141 = arith.constant 0 : i32
    %dma_wait3A_142 = tpu.memref_slice %arg4[%dma_wait3A_140, %dma_wait3A_141] : memref<12288x1024xf32, #tpu.memory_space<hbm>> -> memref<12288x1024xf32, #tpu.memory_space<hbm>>
    tpu.wait_indirect_dma semaphore(%arg11 : memref<!tpu.dma_semaphore, #tpu.memory_space<semaphore_mem>>) src(%arg7 : memref<32x1024xf32, #tpu.memory_space<vmem>>) dst(%dma_wait3A_142 : memref<12288x1024xf32, #tpu.memory_space<hbm>>)
    %dma_wait3A_143 = arith.constant 0 : i32
    %dma_wait3A_144 = arith.constant 0 : i32
    %dma_wait3A_145 = tpu.memref_slice %arg4[%dma_wait3A_143, %dma_wait3A_144] : memref<12288x1024xf32, #tpu.memory_space<hbm>> -> memref<12288x1024xf32, #tpu.memory_space<hbm>>
    tpu.wait_indirect_dma semaphore(%arg12 : memref<!tpu.dma_semaphore, #tpu.memory_space<semaphore_mem>>) src(%arg8 : memref<32x1024xf32, #tpu.memory_space<vmem>>) dst(%dma_wait3A_145 : memref<12288x1024xf32, #tpu.memory_space<hbm>>)
    return
  }
}

module attributes {stable_mosaic.version = 14 : i64} {
  func.func @_gate_kernel(%arg0: i32, %arg1: memref<512x1024xf32, #tpu.memory_space<vmem>>, %arg2: memref<8x1024xf32, #tpu.memory_space<vmem>>, %arg3: memref<512x1xi32, #tpu.memory_space<vmem>>, %arg4: memref<512x1xi32, #tpu.memory_space<vmem>>, %arg5: memref<512x1xf32, #tpu.memory_space<vmem>>, %arg6: memref<512x1xf32, #tpu.memory_space<vmem>>, %arg7: memref<1x1xf32, #tpu.memory_space<vmem>>, %arg8: memref<1x1xf32, #tpu.memory_space<vmem>>, %arg9: memref<1x8xi32, #tpu.memory_space<vmem>>, %arg10: memref<2x8xf32, #tpu.memory_space<vmem>>, %arg11: memref<2x8xf32, #tpu.memory_space<vmem>>, %arg12: memref<1x1xf32, #tpu.memory_space<vmem>>, %arg13: memref<1x8xf32, #tpu.memory_space<vmem>>) attributes {dimension_semantics = [#tpu.dimension_semantics<arbitrary>], iteration_bounds = array<i64: 8>, scalar_prefetch = 0 : i64, scratch_operands = 4 : i64, tpu.core_type = #tpu.core_type<tc>, window_params = [{transform_indices = @transform_0, window_bounds = array<i64: 512, 1024>}, {pipeline_mode = #tpu.pipeline_mode<synchronous>, transform_indices = @transform_1, window_bounds = array<i64: 8, 1024>}, {transform_indices = @transform_2, window_bounds = array<i64: 512, 1>}, {transform_indices = @transform_3, window_bounds = array<i64: 512, 1>}, {transform_indices = @transform_4, window_bounds = array<i64: 512, 1>}, {transform_indices = @transform_5, window_bounds = array<i64: 512, 1>}, {pipeline_mode = #tpu.pipeline_mode<synchronous>, transform_indices = @transform_6, window_bounds = array<i64: 1, 1>}, {pipeline_mode = #tpu.pipeline_mode<synchronous>, transform_indices = @transform_7, window_bounds = array<i64: 1, 1>}, {pipeline_mode = #tpu.pipeline_mode<synchronous>, transform_indices = @transform_8, window_bounds = array<i64: 1, 8>}]} {
    %get3A = arith.constant 0 : index
    %get3A_0 = arith.constant 0 : index
    %get3A_1 = vector.load %arg1[%get3A, %get3A_0] : memref<512x1024xf32, #tpu.memory_space<vmem>>, vector<512x1024xf32>
    %get3A_2 = arith.constant 0 : index
    %get3A_3 = arith.constant 0 : index
    %get3A_4 = vector.load %arg2[%get3A_2, %get3A_3] : memref<8x1024xf32, #tpu.memory_space<vmem>>, vector<8x1024xf32>
    %dot_general3A = arith.constant dense<0.000000e+00> : vector<512x8xf32>
    %dot_general3A_5 = tpu.matmul %get3A_1, %get3A_4, %dot_general3A {dimension_numbers = #tpu.dot_dimension_numbers<[1], [1], [0], [0], [0, 0, 1, 0], [], []>, transpose_lhs_hint = false} : vector<512x1024xf32>, vector<8x1024xf32>, vector<512x8xf32> -> vector<512x8xf32>
    %reduce_max3A = arith.constant dense<0xFF800000> : vector<512xf32>
    %reduce_max3A_6 = vector.multi_reduction <maximumf>, %dot_general3A_5, %reduce_max3A [1] : vector<512x8xf32> to vector<512xf32>
    %broadcast_in_dim3A = vector.shape_cast %reduce_max3A_6 : vector<512xf32> to vector<512x1xf32>
    %sub3A = vector.broadcast %broadcast_in_dim3A : vector<512x1xf32> to vector<512x8xf32>
    %sub3A_7 = arith.subf %dot_general3A_5, %sub3A : vector<512x8xf32>
    %exp3A = math.exp %sub3A_7 : vector<512x8xf32>
    %reduce_sum3A = arith.constant dense<0.000000e+00> : vector<512xf32>
    %reduce_sum3A_8 = vector.multi_reduction <add>, %exp3A, %reduce_sum3A [1] : vector<512x8xf32> to vector<512xf32>
    %broadcast_in_dim3A_9 = vector.shape_cast %reduce_sum3A_8 : vector<512xf32> to vector<512x1xf32>
    %squeeze3A = vector.shape_cast %broadcast_in_dim3A : vector<512x1xf32> to vector<512xf32>
    %squeeze3A_10 = vector.shape_cast %broadcast_in_dim3A_9 : vector<512x1xf32> to vector<512xf32>
    %log3A = math.log %squeeze3A_10 : vector<512xf32>
    %add3A = arith.addf %squeeze3A, %log3A : vector<512xf32>
    %div3A = vector.broadcast %broadcast_in_dim3A_9 : vector<512x1xf32> to vector<512x8xf32>
    %div3A_11 = arith.divf %exp3A, %div3A : vector<512x8xf32>
    %iota3A = tpu.iota {dimensions = array<i32: 1>} : vector<512x8xi32>
    %reduce_max3A_12 = arith.constant dense<0xFF800000> : vector<512xf32>
    %reduce_max3A_13 = vector.multi_reduction <maximumf>, %div3A_11, %reduce_max3A_12 [1] : vector<512x8xf32> to vector<512xf32>
    %broadcast_in_dim3A_14 = vector.shape_cast %reduce_max3A_13 : vector<512xf32> to vector<512x1xf32>
    %eq3A = vector.broadcast %broadcast_in_dim3A_14 : vector<512x1xf32> to vector<512x8xf32>
    %eq3A_15 = arith.cmpf oeq, %div3A_11, %eq3A : vector<512x8xf32>
    %jit3A = arith.constant 8 : i32
    %broadcast_in_dim3A_16 = vector.broadcast %jit3A : i32 to vector<512x8xi32>
    %select_n3A = arith.select %eq3A_15, %iota3A, %broadcast_in_dim3A_16 : vector<512x8xi1>, vector<512x8xi32>
    %reduce_min3A = arith.constant dense<2147483647> : vector<512xi32>
    %reduce_min3A_17 = vector.multi_reduction <minsi>, %select_n3A, %reduce_min3A [1] : vector<512x8xi32> to vector<512xi32>
    %broadcast_in_dim3A_18 = vector.shape_cast %reduce_min3A_17 : vector<512xi32> to vector<512x1xi32>
    %eq3A_19 = vector.broadcast %broadcast_in_dim3A_18 : vector<512x1xi32> to vector<512x8xi32>
    %eq3A_20 = arith.cmpi eq, %iota3A, %eq3A_19 : vector<512x8xi32>
    %jit3A_21 = arith.constant 0xFF800000 : f32
    %broadcast_in_dim3A_22 = vector.broadcast %jit3A_21 : f32 to vector<512x8xf32>
    %select_n3A_23 = arith.select %eq3A_20, %broadcast_in_dim3A_22, %div3A_11 : vector<512x8xi1>, vector<512x8xf32>
    %reduce_max3A_24 = arith.constant dense<0xFF800000> : vector<512xf32>
    %reduce_max3A_25 = vector.multi_reduction <maximumf>, %select_n3A_23, %reduce_max3A_24 [1] : vector<512x8xf32> to vector<512xf32>
    %broadcast_in_dim3A_26 = vector.shape_cast %reduce_max3A_25 : vector<512xf32> to vector<512x1xf32>
    %eq3A_27 = vector.broadcast %broadcast_in_dim3A_26 : vector<512x1xf32> to vector<512x8xf32>
    %eq3A_28 = arith.cmpf oeq, %select_n3A_23, %eq3A_27 : vector<512x8xf32>
    %jit3A_29 = arith.constant 8 : i32
    %broadcast_in_dim3A_30 = vector.broadcast %jit3A_29 : i32 to vector<512x8xi32>
    %select_n3A_31 = arith.select %eq3A_28, %iota3A, %broadcast_in_dim3A_30 : vector<512x8xi1>, vector<512x8xi32>
    %reduce_min3A_32 = arith.constant dense<2147483647> : vector<512xi32>
    %reduce_min3A_33 = vector.multi_reduction <minsi>, %select_n3A_31, %reduce_min3A_32 [1] : vector<512x8xi32> to vector<512xi32>
    %broadcast_in_dim3A_34 = vector.shape_cast %reduce_min3A_33 : vector<512xi32> to vector<512x1xi32>
    %eq3A_35 = vector.broadcast %broadcast_in_dim3A_34 : vector<512x1xi32> to vector<512x8xi32>
    %eq3A_36 = arith.cmpi eq, %iota3A, %eq3A_35 : vector<512x8xi32>
    %add3A_37 = arith.addf %broadcast_in_dim3A_14, %broadcast_in_dim3A_26 : vector<512x1xf32>
    %swap3A = arith.constant 0 : index
    %swap3A_38 = arith.constant 0 : index
    %swap3A_39 = vector.load %arg3[%swap3A, %swap3A_38] : memref<512x1xi32, #tpu.memory_space<vmem>>, vector<512x1xi32>
    tpu.vector_store %arg3[%swap3A, %swap3A_38], %broadcast_in_dim3A_18 {strides = array<i32>} : memref<512x1xi32, #tpu.memory_space<vmem>>, vector<512x1xi32>,
    %swap3A_40 = arith.constant 0 : index
    %swap3A_41 = arith.constant 0 : index
    %swap3A_42 = vector.load %arg4[%swap3A_40, %swap3A_41] : memref<512x1xi32, #tpu.memory_space<vmem>>, vector<512x1xi32>
    tpu.vector_store %arg4[%swap3A_40, %swap3A_41], %broadcast_in_dim3A_34 {strides = array<i32>} : memref<512x1xi32, #tpu.memory_space<vmem>>, vector<512x1xi32>,
    %div3A_43 = arith.divf %broadcast_in_dim3A_14, %add3A_37 : vector<512x1xf32>
    %swap3A_44 = arith.constant 0 : index
    %swap3A_45 = arith.constant 0 : index
    %swap3A_46 = vector.load %arg5[%swap3A_44, %swap3A_45] : memref<512x1xf32, #tpu.memory_space<vmem>>, vector<512x1xf32>
    tpu.vector_store %arg5[%swap3A_44, %swap3A_45], %div3A_43 {strides = array<i32>} : memref<512x1xf32, #tpu.memory_space<vmem>>, vector<512x1xf32>,
    %div3A_47 = arith.divf %broadcast_in_dim3A_26, %add3A_37 : vector<512x1xf32>
    %swap3A_48 = arith.constant 0 : index
    %swap3A_49 = arith.constant 0 : index
    %swap3A_50 = vector.load %arg6[%swap3A_48, %swap3A_49] : memref<512x1xf32, #tpu.memory_space<vmem>>, vector<512x1xf32>
    tpu.vector_store %arg6[%swap3A_48, %swap3A_49], %div3A_47 {strides = array<i32>} : memref<512x1xf32, #tpu.memory_space<vmem>>, vector<512x1xf32>,
    %eq3A_51 = arith.constant 0 : i32
    %eq3A_52 = arith.cmpi eq, %arg0, %eq3A_51 : i32
    %convert_element_type3A = arith.extui %eq3A_52 : i1 to i32
    %cond3A = arith.constant 0 : i32
    %cond3A_53 = arith.cmpi ne, %convert_element_type3A, %cond3A : i32
    scf.if %cond3A_53 {
      %broadcast_in_dim3A_139 = arith.constant 0.000000e+00 : f32
      %broadcast_in_dim3A_140 = vector.broadcast %broadcast_in_dim3A_139 : f32 to vector<2x8xf32>
      %swap3A_141 = arith.constant 0 : index
      %swap3A_142 = arith.constant 0 : index
      %swap3A_143 = vector.load %arg10[%swap3A_141, %swap3A_142] : memref<2x8xf32, #tpu.memory_space<vmem>>, vector<2x8xf32>
      tpu.vector_store %arg10[%swap3A_141, %swap3A_142], %broadcast_in_dim3A_140 {strides = array<i32>} : memref<2x8xf32, #tpu.memory_space<vmem>>, vector<2x8xf32>,
      %broadcast_in_dim3A_144 = arith.constant 0.000000e+00 : f32
      %broadcast_in_dim3A_145 = vector.broadcast %broadcast_in_dim3A_144 : f32 to vector<2x8xf32>
      %swap3A_146 = arith.constant 0 : index
      %swap3A_147 = arith.constant 0 : index
      %swap3A_148 = vector.load %arg11[%swap3A_146, %swap3A_147] : memref<2x8xf32, #tpu.memory_space<vmem>>, vector<2x8xf32>
      tpu.vector_store %arg11[%swap3A_146, %swap3A_147], %broadcast_in_dim3A_145 {strides = array<i32>} : memref<2x8xf32, #tpu.memory_space<vmem>>, vector<2x8xf32>,
      %broadcast_in_dim3A_149 = arith.constant 0.000000e+00 : f32
      %broadcast_in_dim3A_150 = vector.broadcast %broadcast_in_dim3A_149 : f32 to vector<1x1xf32>
      %swap3A_151 = arith.constant 0 : index
      %swap3A_152 = arith.constant 0 : index
      %swap3A_153 = vector.load %arg12[%swap3A_151, %swap3A_152] : memref<1x1xf32, #tpu.memory_space<vmem>>, vector<1x1xf32>
      tpu.vector_store %arg12[%swap3A_151, %swap3A_152], %broadcast_in_dim3A_150 {strides = array<i32>} : memref<1x1xf32, #tpu.memory_space<vmem>>, vector<1x1xf32>,
      %broadcast_in_dim3A_154 = arith.constant 0.000000e+00 : f32
      %broadcast_in_dim3A_155 = vector.broadcast %broadcast_in_dim3A_154 : f32 to vector<1x8xf32>
      %swap3A_156 = arith.constant 0 : index
      %swap3A_157 = arith.constant 0 : index
      %swap3A_158 = vector.load %arg13[%swap3A_156, %swap3A_157] : memref<1x8xf32, #tpu.memory_space<vmem>>, vector<1x8xf32>
      tpu.vector_store %arg13[%swap3A_156, %swap3A_157], %broadcast_in_dim3A_155 {strides = array<i32>} : memref<1x8xf32, #tpu.memory_space<vmem>>, vector<1x8xf32>,
    } else {
    }
    %jit3A_54 = arith.constant 4 : i32
    %div3A_55 = arith.divsi %arg0, %jit3A_54 : i32
    %sign3A = arith.constant 0 : i32
    %sign3A_56 = arith.cmpi sgt, %arg0, %sign3A : i32
    %sign3A_57 = arith.extui %sign3A_56 : i1 to i32
    %sign3A_58 = arith.constant 0 : i32
    %sign3A_59 = arith.cmpi slt, %arg0, %sign3A_58 : i32
    %sign3A_60 = arith.extui %sign3A_59 : i1 to i32
    %sign3A_61 = arith.subi %sign3A_57, %sign3A_60 : i32
    %sign3A_62 = arith.constant 0 : i32
    %sign3A_63 = arith.cmpi sgt, %jit3A_54, %sign3A_62 : i32
    %sign3A_64 = arith.extui %sign3A_63 : i1 to i32
    %sign3A_65 = arith.constant 0 : i32
    %sign3A_66 = arith.cmpi slt, %jit3A_54, %sign3A_65 : i32
    %sign3A_67 = arith.extui %sign3A_66 : i1 to i32
    %sign3A_68 = arith.subi %sign3A_64, %sign3A_67 : i32
    %ne3A = arith.cmpi ne, %sign3A_61, %sign3A_68 : i32
    %rem3A = arith.remsi %arg0, %jit3A_54 : i32
    %ne3A_69 = arith.constant 0 : i32
    %ne3A_70 = arith.cmpi ne, %rem3A, %ne3A_69 : i32
    %and3A = arith.andi %ne3A, %ne3A_70 : i1
    %sub3A_71 = arith.constant 1 : i32
    %sub3A_72 = arith.subi %div3A_55, %sub3A_71 : i32
    %select_n3A_73 = arith.select %and3A, %sub3A_72, %div3A_55 : i32
    %iota3A_74 = tpu.iota {dimensions = array<i32: 0>} : vector<2x8xi32>
    %eq3A_75 = vector.broadcast %select_n3A_73 : i32 to vector<2x8xi32>
    %eq3A_76 = arith.cmpi eq, %iota3A_74, %eq3A_75 : vector<2x8xi32>
    %convert_element_type3A_77 = arith.extui %eq3A_76 : vector<2x8xi1> to vector<2x8xi32>
    %convert_element_type3A_78 = arith.sitofp %convert_element_type3A_77 : vector<2x8xi32> to vector<2x8xf32>
    %get3A_79 = arith.constant 0 : index
    %get3A_80 = arith.constant 0 : index
    %get3A_81 = vector.load %arg10[%get3A_79, %get3A_80] : memref<2x8xf32, #tpu.memory_space<vmem>>, vector<2x8xf32>
    %reduce_sum3A_82 = arith.constant dense<0.000000e+00> : vector<8xf32>
    %reduce_sum3A_83 = vector.multi_reduction <add>, %div3A_11, %reduce_sum3A_82 [0] : vector<512x8xf32> to vector<8xf32>
    %broadcast_in_dim3A_84 = vector.shape_cast %reduce_sum3A_83 : vector<8xf32> to vector<1x8xf32>
    %mul3A = vector.broadcast %broadcast_in_dim3A_84 : vector<1x8xf32> to vector<2x8xf32>
    %mul3A_85 = arith.mulf %convert_element_type3A_78, %mul3A : vector<2x8xf32>
    %add3A_86 = arith.addf %get3A_81, %mul3A_85 : vector<2x8xf32>
    %swap3A_87 = arith.constant 0 : index
    %swap3A_88 = arith.constant 0 : index
    %swap3A_89 = vector.load %arg10[%swap3A_87, %swap3A_88] : memref<2x8xf32, #tpu.memory_space<vmem>>, vector<2x8xf32>
    tpu.vector_store %arg10[%swap3A_87, %swap3A_88], %add3A_86 {strides = array<i32>} : memref<2x8xf32, #tpu.memory_space<vmem>>, vector<2x8xf32>,
    %get3A_90 = arith.constant 0 : index
    %get3A_91 = arith.constant 0 : index
    %get3A_92 = vector.load %arg11[%get3A_90, %get3A_91] : memref<2x8xf32, #tpu.memory_space<vmem>>, vector<2x8xf32>
    %convert_element_type3A_93 = arith.extui %eq3A_20 : vector<512x8xi1> to vector<512x8xi32>
    %convert_element_type3A_94 = arith.sitofp %convert_element_type3A_93 : vector<512x8xi32> to vector<512x8xf32>
    %reduce_sum3A_95 = arith.constant dense<0.000000e+00> : vector<8xf32>
    %reduce_sum3A_96 = vector.multi_reduction <add>, %convert_element_type3A_94, %reduce_sum3A_95 [0] : vector<512x8xf32> to vector<8xf32>
    %broadcast_in_dim3A_97 = vector.shape_cast %reduce_sum3A_96 : vector<8xf32> to vector<1x8xf32>
    %mul3A_98 = vector.broadcast %broadcast_in_dim3A_97 : vector<1x8xf32> to vector<2x8xf32>
    %mul3A_99 = arith.mulf %convert_element_type3A_78, %mul3A_98 : vector<2x8xf32>
    %add3A_100 = arith.addf %get3A_92, %mul3A_99 : vector<2x8xf32>
    %swap3A_101 = arith.constant 0 : index
    %swap3A_102 = arith.constant 0 : index
    %swap3A_103 = vector.load %arg11[%swap3A_101, %swap3A_102] : memref<2x8xf32, #tpu.memory_space<vmem>>, vector<2x8xf32>
    tpu.vector_store %arg11[%swap3A_101, %swap3A_102], %add3A_100 {strides = array<i32>} : memref<2x8xf32, #tpu.memory_space<vmem>>, vector<2x8xf32>,
    %get3A_104 = arith.constant 0 : index
    %get3A_105 = arith.constant 0 : index
    %get3A_106 = vector.load %arg12[%get3A_104, %get3A_105] : memref<1x1xf32, #tpu.memory_space<vmem>>, vector<1x1xf32>
    %mul3A_107 = arith.mulf %add3A, %add3A : vector<512xf32>
    %reduce_sum3A_108 = vector.shape_cast %mul3A_107 : vector<512xf32> to vector<1x512xf32>
    %reduce_sum3A_109 = arith.constant dense<0.000000e+00> : vector<1xf32>
    %reduce_sum3A_110 = vector.multi_reduction <add>, %reduce_sum3A_108, %reduce_sum3A_109 [1] : vector<1x512xf32> to vector<1xf32>
    %reduce_sum3A_111 = vector.shape_cast %reduce_sum3A_110 : vector<1xf32> to vector<1x1xf32>
    %reduce_sum3A_112 = vector.extract %reduce_sum3A_111[0, 0] : f32 from vector<1x1xf32>
    %reshape3A = vector.broadcast %reduce_sum3A_112 : f32 to vector<1x1xf32>
    %add3A_113 = arith.addf %get3A_106, %reshape3A : vector<1x1xf32>
    %swap3A_114 = arith.constant 0 : index
    %swap3A_115 = arith.constant 0 : index
    %swap3A_116 = vector.load %arg12[%swap3A_114, %swap3A_115] : memref<1x1xf32, #tpu.memory_space<vmem>>, vector<1x1xf32>
    tpu.vector_store %arg12[%swap3A_114, %swap3A_115], %add3A_113 {strides = array<i32>} : memref<1x1xf32, #tpu.memory_space<vmem>>, vector<1x1xf32>,
    %get3A_117 = arith.constant 0 : index
    %get3A_118 = arith.constant 0 : index
    %get3A_119 = vector.load %arg13[%get3A_117, %get3A_118] : memref<1x8xf32, #tpu.memory_space<vmem>>, vector<1x8xf32>
    %convert_element_type3A_120 = arith.extui %eq3A_20 : vector<512x8xi1> to vector<512x8xi32>
    %convert_element_type3A_121 = arith.sitofp %convert_element_type3A_120 : vector<512x8xi32> to vector<512x8xf32>
    %reduce_sum3A_122 = arith.constant dense<0.000000e+00> : vector<8xf32>
    %reduce_sum3A_123 = vector.multi_reduction <add>, %convert_element_type3A_121, %reduce_sum3A_122 [0] : vector<512x8xf32> to vector<8xf32>
    %convert_element_type3A_124 = arith.extui %eq3A_36 : vector<512x8xi1> to vector<512x8xi32>
    %convert_element_type3A_125 = arith.sitofp %convert_element_type3A_124 : vector<512x8xi32> to vector<512x8xf32>
    %reduce_sum3A_126 = arith.constant dense<0.000000e+00> : vector<8xf32>
    %reduce_sum3A_127 = vector.multi_reduction <add>, %convert_element_type3A_125, %reduce_sum3A_126 [0] : vector<512x8xf32> to vector<8xf32>
    %add3A_128 = arith.addf %reduce_sum3A_123, %reduce_sum3A_127 : vector<8xf32>
    %broadcast_in_dim3A_129 = vector.shape_cast %add3A_128 : vector<8xf32> to vector<1x8xf32>
    %add3A_130 = arith.addf %get3A_119, %broadcast_in_dim3A_129 : vector<1x8xf32>
    %swap3A_131 = arith.constant 0 : index
    %swap3A_132 = arith.constant 0 : index
    %swap3A_133 = vector.load %arg13[%swap3A_131, %swap3A_132] : memref<1x8xf32, #tpu.memory_space<vmem>>, vector<1x8xf32>
    tpu.vector_store %arg13[%swap3A_131, %swap3A_132], %add3A_130 {strides = array<i32>} : memref<1x8xf32, #tpu.memory_space<vmem>>, vector<1x8xf32>,
    %eq3A_134 = arith.constant 7 : i32
    %eq3A_135 = arith.cmpi eq, %arg0, %eq3A_134 : i32
    %convert_element_type3A_136 = arith.extui %eq3A_135 : i1 to i32
    %cond3A_137 = arith.constant 0 : i32
    %cond3A_138 = arith.cmpi ne, %convert_element_type3A_136, %cond3A_137 : i32
    scf.if %cond3A_138 {
      %get3A_139 = arith.constant 0 : index
      %get3A_140 = arith.constant 0 : index
      %get3A_141 = vector.load %arg10[%get3A_139, %get3A_140] : memref<2x8xf32, #tpu.memory_space<vmem>>, vector<2x8xf32>
      %div3A_142 = arith.constant 2.048000e+03 : f32
      %div3A_143 = vector.broadcast %div3A_142 : f32 to vector<2x8xf32>
      %div3A_144 = arith.divf %get3A_141, %div3A_143 : vector<2x8xf32>
      %get3A_145 = arith.constant 0 : index
      %get3A_146 = arith.constant 0 : index
      %get3A_147 = vector.load %arg11[%get3A_145, %get3A_146] : memref<2x8xf32, #tpu.memory_space<vmem>>, vector<2x8xf32>
      %div3A_148 = arith.constant 2.048000e+03 : f32
      %div3A_149 = vector.broadcast %div3A_148 : f32 to vector<2x8xf32>
      %div3A_150 = arith.divf %get3A_147, %div3A_149 : vector<2x8xf32>
      %mul3A_151 = arith.mulf %div3A_144, %div3A_150 : vector<2x8xf32>
      %reduce_sum3A_152 = vector.shape_cast %mul3A_151 : vector<2x8xf32> to vector<1x2x8xf32>
      %reduce_sum3A_153 = arith.constant dense<0.000000e+00> : vector<1xf32>
      %reduce_sum3A_154 = vector.multi_reduction <add>, %reduce_sum3A_152, %reduce_sum3A_153 [1, 2] : vector<1x2x8xf32> to vector<1xf32>
      %reduce_sum3A_155 = vector.shape_cast %reduce_sum3A_154 : vector<1xf32> to vector<1x1x1xf32>
      %reduce_sum3A_156 = vector.extract %reduce_sum3A_155[0, 0, 0] : f32 from vector<1x1x1xf32>
      %div3A_157 = arith.constant 1.600000e+01 : f32
      %div3A_158 = arith.divf %reduce_sum3A_156, %div3A_157 : f32
      %mul3A_159 = arith.constant 6.400000e+01 : f32
      %mul3A_160 = arith.mulf %div3A_158, %mul3A_159 : f32
      %reshape3A_161 = vector.broadcast %mul3A_160 : f32 to vector<1x1xf32>
      %swap3A_162 = arith.constant 0 : index
      %swap3A_163 = arith.constant 0 : index
      %swap3A_164 = vector.load %arg7[%swap3A_162, %swap3A_163] : memref<1x1xf32, #tpu.memory_space<vmem>>, vector<1x1xf32>
      tpu.vector_store %arg7[%swap3A_162, %swap3A_163], %reshape3A_161 {strides = array<i32>} : memref<1x1xf32, #tpu.memory_space<vmem>>, vector<1x1xf32>,
      %get3A_165 = arith.constant 0 : index
      %get3A_166 = arith.constant 0 : index
      %get3A_167 = vector.load %arg12[%get3A_165, %get3A_166] : memref<1x1xf32, #tpu.memory_space<vmem>>, vector<1x1xf32>
      %get3A_168 = vector.extract %get3A_167[0, 0] : f32 from vector<1x1xf32>
      %div3A_169 = arith.constant 4.096000e+03 : f32
      %div3A_170 = arith.divf %get3A_168, %div3A_169 : f32
      %reshape3A_171 = vector.broadcast %div3A_170 : f32 to vector<1x1xf32>
      %swap3A_172 = arith.constant 0 : index
      %swap3A_173 = arith.constant 0 : index
      %swap3A_174 = vector.load %arg8[%swap3A_172, %swap3A_173] : memref<1x1xf32, #tpu.memory_space<vmem>>, vector<1x1xf32>
      tpu.vector_store %arg8[%swap3A_172, %swap3A_173], %reshape3A_171 {strides = array<i32>} : memref<1x1xf32, #tpu.memory_space<vmem>>, vector<1x1xf32>,
      %get3A_175 = arith.constant 0 : index
      %get3A_176 = arith.constant 0 : index
      %get3A_177 = vector.load %arg13[%get3A_175, %get3A_176] : memref<1x8xf32, #tpu.memory_space<vmem>>, vector<1x8xf32>
      %convert_element_type3A_178 = arith.fptosi %get3A_177 : vector<1x8xf32> to vector<1x8xi32>
      %swap3A_179 = arith.constant 0 : index
      %swap3A_180 = arith.constant 0 : index
      %swap3A_181 = vector.load %arg9[%swap3A_179, %swap3A_180] : memref<1x8xi32, #tpu.memory_space<vmem>>, vector<1x8xi32>
      tpu.vector_store %arg9[%swap3A_179, %swap3A_180], %convert_element_type3A_178 {strides = array<i32>} : memref<1x8xi32, #tpu.memory_space<vmem>>, vector<1x8xi32>,
    } else {
    }
    return
  }
  func.func @transform_0(%arg0: i32) -> (i32, i32) {
    %c0_i32 = arith.constant 0 : i32
    %c0_i32_0 = arith.constant 0 : i32
    return %arg0, %c0_i32 : i32, i32
  }
  func.func @transform_1(%arg0: i32) -> (i32, i32) {
    %c0_i32 = arith.constant 0 : i32
    %c0_i32_0 = arith.constant 0 : i32
    %c0_i32_1 = arith.constant 0 : i32
    return %c0_i32, %c0_i32_0 : i32, i32
  }
  func.func @transform_2(%arg0: i32) -> (i32, i32) {
    %c0_i32 = arith.constant 0 : i32
    %c0_i32_0 = arith.constant 0 : i32
    return %arg0, %c0_i32 : i32, i32
  }
  func.func @transform_3(%arg0: i32) -> (i32, i32) {
    %c0_i32 = arith.constant 0 : i32
    %c0_i32_0 = arith.constant 0 : i32
    return %arg0, %c0_i32 : i32, i32
  }
  func.func @transform_4(%arg0: i32) -> (i32, i32) {
    %c0_i32 = arith.constant 0 : i32
    %c0_i32_0 = arith.constant 0 : i32
    return %arg0, %c0_i32 : i32, i32
  }
  func.func @transform_5(%arg0: i32) -> (i32, i32) {
    %c0_i32 = arith.constant 0 : i32
    %c0_i32_0 = arith.constant 0 : i32
    return %arg0, %c0_i32 : i32, i32
  }
  func.func @transform_6(%arg0: i32) -> (i32, i32) {
    %c0_i32 = arith.constant 0 : i32
    %c0_i32_0 = arith.constant 0 : i32
    %c0_i32_1 = arith.constant 0 : i32
    return %c0_i32, %c0_i32_0 : i32, i32
  }
  func.func @transform_7(%arg0: i32) -> (i32, i32) {
    %c0_i32 = arith.constant 0 : i32
    %c0_i32_0 = arith.constant 0 : i32
    %c0_i32_1 = arith.constant 0 : i32
    return %c0_i32, %c0_i32_0 : i32, i32
  }
  func.func @transform_8(%arg0: i32) -> (i32, i32) {
    %c0_i32 = arith.constant 0 : i32
    %c0_i32_0 = arith.constant 0 : i32
    %c0_i32_1 = arith.constant 0 : i32
    return %c0_i32, %c0_i32_0 : i32, i32
  }
}

module attributes {stable_mosaic.version = 14 : i64} {
  func.func @_finish_kernel(%arg0: i32, %arg1: memref<512x1024xf32, #tpu.memory_space<vmem>>, %arg2: memref<512x1024xf32, #tpu.memory_space<vmem>>, %arg3: memref<512x1xf32, #tpu.memory_space<vmem>>, %arg4: memref<512x1xf32, #tpu.memory_space<vmem>>, %arg5: memref<512x1024xf32, #tpu.memory_space<vmem>>) attributes {dimension_semantics = [#tpu.dimension_semantics<arbitrary>], iteration_bounds = array<i64: 8>, scalar_prefetch = 0 : i64, scratch_operands = 0 : i64, tpu.core_type = #tpu.core_type<tc>, window_params = [{transform_indices = @transform_0, window_bounds = array<i64: 512, 1024>}, {transform_indices = @transform_1, window_bounds = array<i64: 512, 1024>}, {transform_indices = @transform_2, window_bounds = array<i64: 512, 1>}, {transform_indices = @transform_3, window_bounds = array<i64: 512, 1>}, {transform_indices = @transform_4, window_bounds = array<i64: 512, 1024>}]} {
    %get3A = arith.constant 0 : index
    %get3A_0 = arith.constant 0 : index
    %get3A_1 = vector.load %arg3[%get3A, %get3A_0] : memref<512x1xf32, #tpu.memory_space<vmem>>, vector<512x1xf32>
    %get3A_2 = arith.constant 0 : index
    %get3A_3 = arith.constant 0 : index
    %get3A_4 = vector.load %arg1[%get3A_2, %get3A_3] : memref<512x1024xf32, #tpu.memory_space<vmem>>, vector<512x1024xf32>
    %mul3A = vector.broadcast %get3A_1 : vector<512x1xf32> to vector<512x1024xf32>
    %mul3A_5 = arith.mulf %mul3A, %get3A_4 : vector<512x1024xf32>
    %get3A_6 = arith.constant 0 : index
    %get3A_7 = arith.constant 0 : index
    %get3A_8 = vector.load %arg4[%get3A_6, %get3A_7] : memref<512x1xf32, #tpu.memory_space<vmem>>, vector<512x1xf32>
    %get3A_9 = arith.constant 0 : index
    %get3A_10 = arith.constant 0 : index
    %get3A_11 = vector.load %arg2[%get3A_9, %get3A_10] : memref<512x1024xf32, #tpu.memory_space<vmem>>, vector<512x1024xf32>
    %mul3A_12 = vector.broadcast %get3A_8 : vector<512x1xf32> to vector<512x1024xf32>
    %mul3A_13 = arith.mulf %mul3A_12, %get3A_11 : vector<512x1024xf32>
    %add3A = arith.addf %mul3A_5, %mul3A_13 : vector<512x1024xf32>
    %swap3A = arith.constant 0 : index
    %swap3A_14 = arith.constant 0 : index
    %swap3A_15 = vector.load %arg5[%swap3A, %swap3A_14] : memref<512x1024xf32, #tpu.memory_space<vmem>>, vector<512x1024xf32>
    tpu.vector_store %arg5[%swap3A, %swap3A_14], %add3A {strides = array<i32>} : memref<512x1024xf32, #tpu.memory_space<vmem>>, vector<512x1024xf32>,
    return
  }
  func.func @transform_0(%arg0: i32) -> (i32, i32) {
    %c0_i32 = arith.constant 0 : i32
    %c0_i32_0 = arith.constant 0 : i32
    return %arg0, %c0_i32 : i32, i32
  }
  func.func @transform_1(%arg0: i32) -> (i32, i32) {
    %c0_i32 = arith.constant 0 : i32
    %c0_i32_0 = arith.constant 0 : i32
    return %arg0, %c0_i32 : i32, i32
  }
  func.func @transform_2(%arg0: i32) -> (i32, i32) {
    %c0_i32 = arith.constant 0 : i32
    %c0_i32_0 = arith.constant 0 : i32
    return %arg0, %c0_i32 : i32, i32
  }
  func.func @transform_3(%arg0: i32) -> (i32, i32) {
    %c0_i32 = arith.constant 0 : i32
    %c0_i32_0 = arith.constant 0 : i32
    return %arg0, %c0_i32 : i32, i32
  }
  func.func @transform_4(%arg0: i32) -> (i32, i32) {
    %c0_i32 = arith.constant 0 : i32
    %c0_i32_0 = arith.constant 0 : i32
    return %arg0, %c0_i32 : i32, i32
  }
}

module attributes {stable_mosaic.version = 14 : i64} {
  func.func @_mlp_kernel(%arg0: i32, %arg1: memref<24xi32, #tpu.memory_space<smem>>, %arg2: memref<24xi32, #tpu.memory_space<smem>>, %arg3: memref<512x1024xf32, #tpu.memory_space<vmem>>, %arg4: memref<1x1024x1024xf32, #tpu.memory_space<vmem>>, %arg5: memref<1x1x1024xf32, #tpu.memory_space<vmem>>, %arg6: memref<1x1024x1024xf32, #tpu.memory_space<vmem>>, %arg7: memref<1x1x1024xf32, #tpu.memory_space<vmem>>, %arg8: memref<512x1024xf32, #tpu.memory_space<vmem>>) attributes {dimension_semantics = [#tpu.dimension_semantics<arbitrary>], iteration_bounds = array<i64: 24>, scalar_prefetch = 2 : i64, scratch_operands = 0 : i64, tpu.core_type = #tpu.core_type<tc>, window_params = [{transform_indices = @transform_0, window_bounds = array<i64: 512, 1024>}, {transform_indices = @transform_1, window_bounds = array<i64: 1, 1024, 1024>}, {transform_indices = @transform_2, window_bounds = array<i64: 1, 1, 1024>}, {transform_indices = @transform_3, window_bounds = array<i64: 1, 1024, 1024>}, {transform_indices = @transform_4, window_bounds = array<i64: 1, 1, 1024>}, {transform_indices = @transform_5, window_bounds = array<i64: 512, 1024>}]} {
    %get3A = arith.index_cast %arg0 : i32 to index
    %get3A_0 = memref.load %arg2[%get3A] : memref<24xi32, #tpu.memory_space<smem>>
    %eq3A = arith.constant 1 : i32
    %eq3A_1 = arith.cmpi eq, %get3A_0, %eq3A : i32
    %convert_element_type3A = arith.extui %eq3A_1 : i1 to i32
    %cond3A = arith.constant 0 : i32
    %cond3A_2 = arith.cmpi ne, %convert_element_type3A, %cond3A : i32
    scf.if %cond3A_2 {
      %get3A_3 = arith.constant 0 : index
      %get3A_4 = arith.constant 0 : index
      %get3A_5 = vector.load %arg3[%get3A_3, %get3A_4] : memref<512x1024xf32, #tpu.memory_space<vmem>>, vector<512x1024xf32>
      %get3A_6 = arith.constant 0 : index
      %get3A_7 = arith.constant 0 : index
      %get3A_8 = arith.constant 0 : index
      %get3A_9 = vector.load %arg4[%get3A_6, %get3A_7, %get3A_8] : memref<1x1024x1024xf32, #tpu.memory_space<vmem>>, vector<1x1024x1024xf32>
      %get3A_10 = vector.shape_cast %get3A_9 : vector<1x1024x1024xf32> to vector<1024x1024xf32>
      %dot_general3A = arith.constant dense<0.000000e+00> : vector<512x1024xf32>
      %dot_general3A_11 = tpu.matmul %get3A_5, %get3A_10, %dot_general3A {dimension_numbers = #tpu.dot_dimension_numbers<[1], [1], [0], [0], [0, 0, 1, 0], [], []>, transpose_lhs_hint = false} : vector<512x1024xf32>, vector<1024x1024xf32>, vector<512x1024xf32> -> vector<512x1024xf32>
      %get3A_12 = arith.constant 0 : index
      %get3A_13 = arith.constant 0 : index
      %get3A_14 = arith.constant 0 : index
      %get3A_15 = vector.load %arg5[%get3A_12, %get3A_13, %get3A_14] : memref<1x1x1024xf32, #tpu.memory_space<vmem>>, vector<1x1x1024xf32>
      %get3A_16 = vector.shape_cast %get3A_15 : vector<1x1x1024xf32> to vector<1x1024xf32>
      %add3A = vector.broadcast %get3A_16 : vector<1x1024xf32> to vector<512x1024xf32>
      %add3A_17 = arith.addf %dot_general3A_11, %add3A : vector<512x1024xf32>
      %mul3A = arith.constant 5.000000e-01 : f32
      %mul3A_18 = vector.broadcast %mul3A : f32 to vector<512x1024xf32>
      %mul3A_19 = arith.mulf %mul3A_18, %add3A_17 : vector<512x1024xf32>
      %mul3A_20 = arith.constant 0.707106769 : f32
      %mul3A_21 = vector.broadcast %mul3A_20 : f32 to vector<512x1024xf32>
      %mul3A_22 = arith.mulf %add3A_17, %mul3A_21 : vector<512x1024xf32>
      %sign3A = tpu.bitcast %mul3A_22 : vector<512x1024xf32> -> vector<512x1024xi32>
      %sign3A_23 = arith.constant -2147483648 : i32
      %sign3A_24 = vector.broadcast %sign3A_23 : i32 to vector<512x1024xi32>
      %sign3A_25 = arith.andi %sign3A, %sign3A_24 : vector<512x1024xi32>
      %sign3A_26 = arith.constant 1065353216 : i32
      %sign3A_27 = vector.broadcast %sign3A_26 : i32 to vector<512x1024xi32>
      %sign3A_28 = arith.ori %sign3A_27, %sign3A_25 : vector<512x1024xi32>
      %sign3A_29 = tpu.bitcast %sign3A_28 : vector<512x1024xi32> -> vector<512x1024xf32>
      %sign3A_30 = math.absf %mul3A_22 : vector<512x1024xf32>
      %sign3A_31 = arith.constant 0.000000e+00 : f32
      %sign3A_32 = vector.broadcast %sign3A_31 : f32 to vector<512x1024xf32>
      %sign3A_33 = arith.cmpf ogt, %sign3A_30, %sign3A_32 : vector<512x1024xf32>
      %sign3A_34 = arith.select %sign3A_33, %sign3A_29, %mul3A_22 : vector<512x1024xi1>, vector<512x1024xf32>
      %abs3A = math.absf %mul3A_22 : vector<512x1024xf32>
      %mul3A_35 = arith.constant 0.327591091 : f32
      %mul3A_36 = vector.broadcast %mul3A_35 : f32 to vector<512x1024xf32>
      %mul3A_37 = arith.mulf %mul3A_36, %abs3A : vector<512x1024xf32>
      %add3A_38 = arith.constant 1.000000e+00 : f32
      %add3A_39 = vector.broadcast %add3A_38 : f32 to vector<512x1024xf32>
      %add3A_40 = arith.addf %add3A_39, %mul3A_37 : vector<512x1024xf32>
      %div3A = arith.constant 1.000000e+00 : f32
      %div3A_41 = vector.broadcast %div3A : f32 to vector<512x1024xf32>
      %div3A_42 = arith.divf %div3A_41, %add3A_40 : vector<512x1024xf32>
      %mul3A_43 = arith.constant 1.06140542 : f32
      %mul3A_44 = vector.broadcast %mul3A_43 : f32 to vector<512x1024xf32>
      %mul3A_45 = arith.mulf %div3A_42, %mul3A_44 : vector<512x1024xf32>
      %add3A_46 = arith.constant -1.45315206 : f32
      %add3A_47 = vector.broadcast %add3A_46 : f32 to vector<512x1024xf32>
      %add3A_48 = arith.addf %add3A_47, %mul3A_45 : vector<512x1024xf32>
      %mul3A_49 = arith.mulf %div3A_42, %add3A_48 : vector<512x1024xf32>
      %add3A_50 = arith.constant 1.42141378 : f32
      %add3A_51 = vector.broadcast %add3A_50 : f32 to vector<512x1024xf32>
      %add3A_52 = arith.addf %add3A_51, %mul3A_49 : vector<512x1024xf32>
      %mul3A_53 = arith.mulf %div3A_42, %add3A_52 : vector<512x1024xf32>
      %add3A_54 = arith.constant -0.284496725 : f32
      %add3A_55 = vector.broadcast %add3A_54 : f32 to vector<512x1024xf32>
      %add3A_56 = arith.addf %add3A_55, %mul3A_53 : vector<512x1024xf32>
      %mul3A_57 = arith.mulf %div3A_42, %add3A_56 : vector<512x1024xf32>
      %add3A_58 = arith.constant 0.254829586 : f32
      %add3A_59 = vector.broadcast %add3A_58 : f32 to vector<512x1024xf32>
      %add3A_60 = arith.addf %add3A_59, %mul3A_57 : vector<512x1024xf32>
      %mul3A_61 = arith.mulf %div3A_42, %add3A_60 : vector<512x1024xf32>
      %neg3A = arith.constant 0.000000e+00 : f32
      %neg3A_62 = vector.broadcast %neg3A : f32 to vector<512x1024xf32>
      %neg3A_63 = arith.subf %neg3A_62, %abs3A : vector<512x1024xf32>
      %mul3A_64 = arith.mulf %neg3A_63, %abs3A : vector<512x1024xf32>
      %exp3A = math.exp %mul3A_64 : vector<512x1024xf32>
      %mul3A_65 = arith.mulf %mul3A_61, %exp3A : vector<512x1024xf32>
      %sub3A = arith.constant 1.000000e+00 : f32
      %sub3A_66 = vector.broadcast %sub3A : f32 to vector<512x1024xf32>
      %sub3A_67 = arith.subf %sub3A_66, %mul3A_65 : vector<512x1024xf32>
      %mul3A_68 = arith.mulf %sign3A_34, %sub3A_67 : vector<512x1024xf32>
      %add3A_69 = arith.constant 1.000000e+00 : f32
      %add3A_70 = vector.broadcast %add3A_69 : f32 to vector<512x1024xf32>
      %add3A_71 = arith.addf %add3A_70, %mul3A_68 : vector<512x1024xf32>
      %mul3A_72 = arith.mulf %mul3A_19, %add3A_71 : vector<512x1024xf32>
      %get3A_73 = arith.constant 0 : index
      %get3A_74 = arith.constant 0 : index
      %get3A_75 = arith.constant 0 : index
      %get3A_76 = vector.load %arg6[%get3A_73, %get3A_74, %get3A_75] : memref<1x1024x1024xf32, #tpu.memory_space<vmem>>, vector<1x1024x1024xf32>
      %get3A_77 = vector.shape_cast %get3A_76 : vector<1x1024x1024xf32> to vector<1024x1024xf32>
      %dot_general3A_78 = arith.constant dense<0.000000e+00> : vector<512x1024xf32>
      %dot_general3A_79 = tpu.matmul %mul3A_72, %get3A_77, %dot_general3A_78 {dimension_numbers = #tpu.dot_dimension_numbers<[1], [1], [0], [0], [0, 0, 1, 0], [], []>, transpose_lhs_hint = false} : vector<512x1024xf32>, vector<1024x1024xf32>, vector<512x1024xf32> -> vector<512x1024xf32>
      %get3A_80 = arith.constant 0 : index
      %get3A_81 = arith.constant 0 : index
      %get3A_82 = arith.constant 0 : index
      %get3A_83 = vector.load %arg7[%get3A_80, %get3A_81, %get3A_82] : memref<1x1x1024xf32, #tpu.memory_space<vmem>>, vector<1x1x1024xf32>
      %get3A_84 = vector.shape_cast %get3A_83 : vector<1x1x1024xf32> to vector<1x1024xf32>
      %add3A_85 = vector.broadcast %get3A_84 : vector<1x1024xf32> to vector<512x1024xf32>
      %add3A_86 = arith.addf %dot_general3A_79, %add3A_85 : vector<512x1024xf32>
      %swap3A = arith.constant 0 : index
      %swap3A_87 = arith.constant 0 : index
      %swap3A_88 = vector.load %arg8[%swap3A, %swap3A_87] : memref<512x1024xf32, #tpu.memory_space<vmem>>, vector<512x1024xf32>
      tpu.vector_store %arg8[%swap3A, %swap3A_87], %add3A_86 {strides = array<i32>} : memref<512x1024xf32, #tpu.memory_space<vmem>>, vector<512x1024xf32>,
    } else {
    }
    return
  }
  func.func @transform_0(%arg0: i32, %arg1: memref<24xi32, #tpu.memory_space<smem>>, %arg2: memref<24xi32, #tpu.memory_space<smem>>) -> (i32, i32) {
    %get3A = arith.index_cast %arg0 : i32 to index
    %get3A_0 = memref.load %arg2[%get3A] : memref<24xi32, #tpu.memory_space<smem>>
    %mul3A = arith.muli %get3A_0, %arg0 : i32
    %c0_i32 = arith.constant 0 : i32
    %c0_i32_1 = arith.constant 0 : i32
    return %mul3A, %c0_i32 : i32, i32
  }
  func.func @transform_1(%arg0: i32, %arg1: memref<24xi32, #tpu.memory_space<smem>>, %arg2: memref<24xi32, #tpu.memory_space<smem>>) -> (i32, i32, i32) {
    %get3A = arith.index_cast %arg0 : i32 to index
    %get3A_0 = memref.load %arg1[%get3A] : memref<24xi32, #tpu.memory_space<smem>>
    %c0_i32 = arith.constant 0 : i32
    %c0_i32_1 = arith.constant 0 : i32
    %c0_i32_2 = arith.constant 0 : i32
    return %get3A_0, %c0_i32, %c0_i32_1 : i32, i32, i32
  }
  func.func @transform_2(%arg0: i32, %arg1: memref<24xi32, #tpu.memory_space<smem>>, %arg2: memref<24xi32, #tpu.memory_space<smem>>) -> (i32, i32, i32) {
    %get3A = arith.index_cast %arg0 : i32 to index
    %get3A_0 = memref.load %arg1[%get3A] : memref<24xi32, #tpu.memory_space<smem>>
    %c0_i32 = arith.constant 0 : i32
    %c0_i32_1 = arith.constant 0 : i32
    %c0_i32_2 = arith.constant 0 : i32
    return %get3A_0, %c0_i32, %c0_i32_1 : i32, i32, i32
  }
  func.func @transform_3(%arg0: i32, %arg1: memref<24xi32, #tpu.memory_space<smem>>, %arg2: memref<24xi32, #tpu.memory_space<smem>>) -> (i32, i32, i32) {
    %get3A = arith.index_cast %arg0 : i32 to index
    %get3A_0 = memref.load %arg1[%get3A] : memref<24xi32, #tpu.memory_space<smem>>
    %c0_i32 = arith.constant 0 : i32
    %c0_i32_1 = arith.constant 0 : i32
    %c0_i32_2 = arith.constant 0 : i32
    return %get3A_0, %c0_i32, %c0_i32_1 : i32, i32, i32
  }
  func.func @transform_4(%arg0: i32, %arg1: memref<24xi32, #tpu.memory_space<smem>>, %arg2: memref<24xi32, #tpu.memory_space<smem>>) -> (i32, i32, i32) {
    %get3A = arith.index_cast %arg0 : i32 to index
    %get3A_0 = memref.load %arg1[%get3A] : memref<24xi32, #tpu.memory_space<smem>>
    %c0_i32 = arith.constant 0 : i32
    %c0_i32_1 = arith.constant 0 : i32
    %c0_i32_2 = arith.constant 0 : i32
    return %get3A_0, %c0_i32, %c0_i32_1 : i32, i32, i32
  }
  func.func @transform_5(%arg0: i32, %arg1: memref<24xi32, #tpu.memory_space<smem>>, %arg2: memref<24xi32, #tpu.memory_space<smem>>) -> (i32, i32) {
    %get3A = arith.index_cast %arg0 : i32 to index
    %get3A_0 = memref.load %arg2[%get3A] : memref<24xi32, #tpu.memory_space<smem>>
    %eq3A = arith.constant 1 : i32
    %eq3A_1 = arith.cmpi eq, %get3A_0, %eq3A : i32
    %jit3A = arith.constant 24 : i32
    %select_n3A = arith.select %eq3A_1, %arg0, %jit3A : i32
    %c0_i32 = arith.constant 0 : i32
    %c0_i32_2 = arith.constant 0 : i32
    return %select_n3A, %c0_i32 : i32, i32
  }
}

module attributes {stable_mosaic.version = 14 : i64} {
  func.func @_meta_kernel(%arg0: i32, %arg1: memref<8xi32, #tpu.memory_space<smem>>, %arg2: memref<16x512xi32, #tpu.memory_space<vmem>>, %arg3: memref<16x512xi32, #tpu.memory_space<vmem>>, %arg4: memref<1x24xi32, #tpu.memory_space<vmem>>, %arg5: memref<1x24xi32, #tpu.memory_space<vmem>>) attributes {dimension_semantics = [#tpu.dimension_semantics<arbitrary>], iteration_bounds = array<i64: 1>, scalar_prefetch = 1 : i64, scratch_operands = 0 : i64, tpu.core_type = #tpu.core_type<tc>, window_params = [{pipeline_mode = #tpu.pipeline_mode<synchronous>, transform_indices = @transform_0, window_bounds = array<i64: 16, 512>}, {pipeline_mode = #tpu.pipeline_mode<synchronous>, transform_indices = @transform_1, window_bounds = array<i64: 16, 512>}, {pipeline_mode = #tpu.pipeline_mode<synchronous>, transform_indices = @transform_2, window_bounds = array<i64: 1, 24>}, {pipeline_mode = #tpu.pipeline_mode<synchronous>, transform_indices = @transform_3, window_bounds = array<i64: 1, 24>}]} {
    %get3A = arith.constant 0 : index
    %get3A_0 = memref.load %arg1[%get3A] : memref<8xi32, #tpu.memory_space<smem>>
    %add3A = arith.constant 511 : i32
    %add3A_1 = arith.addi %get3A_0, %add3A : i32
    %jit3A = arith.constant 512 : i32
    %div3A = arith.divsi %add3A_1, %jit3A : i32
    %sign3A = arith.constant 0 : i32
    %sign3A_2 = arith.cmpi sgt, %add3A_1, %sign3A : i32
    %sign3A_3 = arith.extui %sign3A_2 : i1 to i32
    %sign3A_4 = arith.constant 0 : i32
    %sign3A_5 = arith.cmpi slt, %add3A_1, %sign3A_4 : i32
    %sign3A_6 = arith.extui %sign3A_5 : i1 to i32
    %sign3A_7 = arith.subi %sign3A_3, %sign3A_6 : i32
    %sign3A_8 = arith.constant 0 : i32
    %sign3A_9 = arith.cmpi sgt, %jit3A, %sign3A_8 : i32
    %sign3A_10 = arith.extui %sign3A_9 : i1 to i32
    %sign3A_11 = arith.constant 0 : i32
    %sign3A_12 = arith.cmpi slt, %jit3A, %sign3A_11 : i32
    %sign3A_13 = arith.extui %sign3A_12 : i1 to i32
    %sign3A_14 = arith.subi %sign3A_10, %sign3A_13 : i32
    %ne3A = arith.cmpi ne, %sign3A_7, %sign3A_14 : i32
    %rem3A = arith.remsi %add3A_1, %jit3A : i32
    %ne3A_15 = arith.constant 0 : i32
    %ne3A_16 = arith.cmpi ne, %rem3A, %ne3A_15 : i32
    %and3A = arith.andi %ne3A, %ne3A_16 : i1
    %sub3A = arith.constant 1 : i32
    %sub3A_17 = arith.subi %div3A, %sub3A : i32
    %select_n3A = arith.select %and3A, %sub3A_17, %div3A : i32
    %mul3A = arith.constant 512 : i32
    %mul3A_18 = arith.muli %select_n3A, %mul3A : i32
    %add3A_19 = arith.constant 0 : i32
    %add3A_20 = arith.addi %add3A_19, %mul3A_18 : i32
    %get3A_21 = arith.constant 1 : index
    %get3A_22 = memref.load %arg1[%get3A_21] : memref<8xi32, #tpu.memory_space<smem>>
    %add3A_23 = arith.constant 511 : i32
    %add3A_24 = arith.addi %get3A_22, %add3A_23 : i32
    %jit3A_25 = arith.constant 512 : i32
    %div3A_26 = arith.divsi %add3A_24, %jit3A_25 : i32
    %sign3A_27 = arith.constant 0 : i32
    %sign3A_28 = arith.cmpi sgt, %add3A_24, %sign3A_27 : i32
    %sign3A_29 = arith.extui %sign3A_28 : i1 to i32
    %sign3A_30 = arith.constant 0 : i32
    %sign3A_31 = arith.cmpi slt, %add3A_24, %sign3A_30 : i32
    %sign3A_32 = arith.extui %sign3A_31 : i1 to i32
    %sign3A_33 = arith.subi %sign3A_29, %sign3A_32 : i32
    %sign3A_34 = arith.constant 0 : i32
    %sign3A_35 = arith.cmpi sgt, %jit3A_25, %sign3A_34 : i32
    %sign3A_36 = arith.extui %sign3A_35 : i1 to i32
    %sign3A_37 = arith.constant 0 : i32
    %sign3A_38 = arith.cmpi slt, %jit3A_25, %sign3A_37 : i32
    %sign3A_39 = arith.extui %sign3A_38 : i1 to i32
    %sign3A_40 = arith.subi %sign3A_36, %sign3A_39 : i32
    %ne3A_41 = arith.cmpi ne, %sign3A_33, %sign3A_40 : i32
    %rem3A_42 = arith.remsi %add3A_24, %jit3A_25 : i32
    %ne3A_43 = arith.constant 0 : i32
    %ne3A_44 = arith.cmpi ne, %rem3A_42, %ne3A_43 : i32
    %and3A_45 = arith.andi %ne3A_41, %ne3A_44 : i1
    %sub3A_46 = arith.constant 1 : i32
    %sub3A_47 = arith.subi %div3A_26, %sub3A_46 : i32
    %select_n3A_48 = arith.select %and3A_45, %sub3A_47, %div3A_26 : i32
    %mul3A_49 = arith.constant 512 : i32
    %mul3A_50 = arith.muli %select_n3A_48, %mul3A_49 : i32
    %add3A_51 = arith.addi %add3A_20, %mul3A_50 : i32
    %get3A_52 = arith.constant 2 : index
    %get3A_53 = memref.load %arg1[%get3A_52] : memref<8xi32, #tpu.memory_space<smem>>
    %add3A_54 = arith.constant 511 : i32
    %add3A_55 = arith.addi %get3A_53, %add3A_54 : i32
    %jit3A_56 = arith.constant 512 : i32
    %div3A_57 = arith.divsi %add3A_55, %jit3A_56 : i32
    %sign3A_58 = arith.constant 0 : i32
    %sign3A_59 = arith.cmpi sgt, %add3A_55, %sign3A_58 : i32
    %sign3A_60 = arith.extui %sign3A_59 : i1 to i32
    %sign3A_61 = arith.constant 0 : i32
    %sign3A_62 = arith.cmpi slt, %add3A_55, %sign3A_61 : i32
    %sign3A_63 = arith.extui %sign3A_62 : i1 to i32
    %sign3A_64 = arith.subi %sign3A_60, %sign3A_63 : i32
    %sign3A_65 = arith.constant 0 : i32
    %sign3A_66 = arith.cmpi sgt, %jit3A_56, %sign3A_65 : i32
    %sign3A_67 = arith.extui %sign3A_66 : i1 to i32
    %sign3A_68 = arith.constant 0 : i32
    %sign3A_69 = arith.cmpi slt, %jit3A_56, %sign3A_68 : i32
    %sign3A_70 = arith.extui %sign3A_69 : i1 to i32
    %sign3A_71 = arith.subi %sign3A_67, %sign3A_70 : i32
    %ne3A_72 = arith.cmpi ne, %sign3A_64, %sign3A_71 : i32
    %rem3A_73 = arith.remsi %add3A_55, %jit3A_56 : i32
    %ne3A_74 = arith.constant 0 : i32
    %ne3A_75 = arith.cmpi ne, %rem3A_73, %ne3A_74 : i32
    %and3A_76 = arith.andi %ne3A_72, %ne3A_75 : i1
    %sub3A_77 = arith.constant 1 : i32
    %sub3A_78 = arith.subi %div3A_57, %sub3A_77 : i32
    %select_n3A_79 = arith.select %and3A_76, %sub3A_78, %div3A_57 : i32
    %mul3A_80 = arith.constant 512 : i32
    %mul3A_81 = arith.muli %select_n3A_79, %mul3A_80 : i32
    %add3A_82 = arith.addi %add3A_51, %mul3A_81 : i32
    %get3A_83 = arith.constant 3 : index
    %get3A_84 = memref.load %arg1[%get3A_83] : memref<8xi32, #tpu.memory_space<smem>>
    %add3A_85 = arith.constant 511 : i32
    %add3A_86 = arith.addi %get3A_84, %add3A_85 : i32
    %jit3A_87 = arith.constant 512 : i32
    %div3A_88 = arith.divsi %add3A_86, %jit3A_87 : i32
    %sign3A_89 = arith.constant 0 : i32
    %sign3A_90 = arith.cmpi sgt, %add3A_86, %sign3A_89 : i32
    %sign3A_91 = arith.extui %sign3A_90 : i1 to i32
    %sign3A_92 = arith.constant 0 : i32
    %sign3A_93 = arith.cmpi slt, %add3A_86, %sign3A_92 : i32
    %sign3A_94 = arith.extui %sign3A_93 : i1 to i32
    %sign3A_95 = arith.subi %sign3A_91, %sign3A_94 : i32
    %sign3A_96 = arith.constant 0 : i32
    %sign3A_97 = arith.cmpi sgt, %jit3A_87, %sign3A_96 : i32
    %sign3A_98 = arith.extui %sign3A_97 : i1 to i32
    %sign3A_99 = arith.constant 0 : i32
    %sign3A_100 = arith.cmpi slt, %jit3A_87, %sign3A_99 : i32
    %sign3A_101 = arith.extui %sign3A_100 : i1 to i32
    %sign3A_102 = arith.subi %sign3A_98, %sign3A_101 : i32
    %ne3A_103 = arith.cmpi ne, %sign3A_95, %sign3A_102 : i32
    %rem3A_104 = arith.remsi %add3A_86, %jit3A_87 : i32
    %ne3A_105 = arith.constant 0 : i32
    %ne3A_106 = arith.cmpi ne, %rem3A_104, %ne3A_105 : i32
    %and3A_107 = arith.andi %ne3A_103, %ne3A_106 : i1
    %sub3A_108 = arith.constant 1 : i32
    %sub3A_109 = arith.subi %div3A_88, %sub3A_108 : i32
    %select_n3A_110 = arith.select %and3A_107, %sub3A_109, %div3A_88 : i32
    %mul3A_111 = arith.constant 512 : i32
    %mul3A_112 = arith.muli %select_n3A_110, %mul3A_111 : i32
    %add3A_113 = arith.addi %add3A_82, %mul3A_112 : i32
    %get3A_114 = arith.constant 4 : index
    %get3A_115 = memref.load %arg1[%get3A_114] : memref<8xi32, #tpu.memory_space<smem>>
    %add3A_116 = arith.constant 511 : i32
    %add3A_117 = arith.addi %get3A_115, %add3A_116 : i32
    %jit3A_118 = arith.constant 512 : i32
    %div3A_119 = arith.divsi %add3A_117, %jit3A_118 : i32
    %sign3A_120 = arith.constant 0 : i32
    %sign3A_121 = arith.cmpi sgt, %add3A_117, %sign3A_120 : i32
    %sign3A_122 = arith.extui %sign3A_121 : i1 to i32
    %sign3A_123 = arith.constant 0 : i32
    %sign3A_124 = arith.cmpi slt, %add3A_117, %sign3A_123 : i32
    %sign3A_125 = arith.extui %sign3A_124 : i1 to i32
    %sign3A_126 = arith.subi %sign3A_122, %sign3A_125 : i32
    %sign3A_127 = arith.constant 0 : i32
    %sign3A_128 = arith.cmpi sgt, %jit3A_118, %sign3A_127 : i32
    %sign3A_129 = arith.extui %sign3A_128 : i1 to i32
    %sign3A_130 = arith.constant 0 : i32
    %sign3A_131 = arith.cmpi slt, %jit3A_118, %sign3A_130 : i32
    %sign3A_132 = arith.extui %sign3A_131 : i1 to i32
    %sign3A_133 = arith.subi %sign3A_129, %sign3A_132 : i32
    %ne3A_134 = arith.cmpi ne, %sign3A_126, %sign3A_133 : i32
    %rem3A_135 = arith.remsi %add3A_117, %jit3A_118 : i32
    %ne3A_136 = arith.constant 0 : i32
    %ne3A_137 = arith.cmpi ne, %rem3A_135, %ne3A_136 : i32
    %and3A_138 = arith.andi %ne3A_134, %ne3A_137 : i1
    %sub3A_139 = arith.constant 1 : i32
    %sub3A_140 = arith.subi %div3A_119, %sub3A_139 : i32
    %select_n3A_141 = arith.select %and3A_138, %sub3A_140, %div3A_119 : i32
    %mul3A_142 = arith.constant 512 : i32
    %mul3A_143 = arith.muli %select_n3A_141, %mul3A_142 : i32
    %add3A_144 = arith.addi %add3A_113, %mul3A_143 : i32
    %get3A_145 = arith.constant 5 : index
    %get3A_146 = memref.load %arg1[%get3A_145] : memref<8xi32, #tpu.memory_space<smem>>
    %add3A_147 = arith.constant 511 : i32
    %add3A_148 = arith.addi %get3A_146, %add3A_147 : i32
    %jit3A_149 = arith.constant 512 : i32
    %div3A_150 = arith.divsi %add3A_148, %jit3A_149 : i32
    %sign3A_151 = arith.constant 0 : i32
    %sign3A_152 = arith.cmpi sgt, %add3A_148, %sign3A_151 : i32
    %sign3A_153 = arith.extui %sign3A_152 : i1 to i32
    %sign3A_154 = arith.constant 0 : i32
    %sign3A_155 = arith.cmpi slt, %add3A_148, %sign3A_154 : i32
    %sign3A_156 = arith.extui %sign3A_155 : i1 to i32
    %sign3A_157 = arith.subi %sign3A_153, %sign3A_156 : i32
    %sign3A_158 = arith.constant 0 : i32
    %sign3A_159 = arith.cmpi sgt, %jit3A_149, %sign3A_158 : i32
    %sign3A_160 = arith.extui %sign3A_159 : i1 to i32
    %sign3A_161 = arith.constant 0 : i32
    %sign3A_162 = arith.cmpi slt, %jit3A_149, %sign3A_161 : i32
    %sign3A_163 = arith.extui %sign3A_162 : i1 to i32
    %sign3A_164 = arith.subi %sign3A_160, %sign3A_163 : i32
    %ne3A_165 = arith.cmpi ne, %sign3A_157, %sign3A_164 : i32
    %rem3A_166 = arith.remsi %add3A_148, %jit3A_149 : i32
    %ne3A_167 = arith.constant 0 : i32
    %ne3A_168 = arith.cmpi ne, %rem3A_166, %ne3A_167 : i32
    %and3A_169 = arith.andi %ne3A_165, %ne3A_168 : i1
    %sub3A_170 = arith.constant 1 : i32
    %sub3A_171 = arith.subi %div3A_150, %sub3A_170 : i32
    %select_n3A_172 = arith.select %and3A_169, %sub3A_171, %div3A_150 : i32
    %mul3A_173 = arith.constant 512 : i32
    %mul3A_174 = arith.muli %select_n3A_172, %mul3A_173 : i32
    %add3A_175 = arith.addi %add3A_144, %mul3A_174 : i32
    %get3A_176 = arith.constant 6 : index
    %get3A_177 = memref.load %arg1[%get3A_176] : memref<8xi32, #tpu.memory_space<smem>>
    %add3A_178 = arith.constant 511 : i32
    %add3A_179 = arith.addi %get3A_177, %add3A_178 : i32
    %jit3A_180 = arith.constant 512 : i32
    %div3A_181 = arith.divsi %add3A_179, %jit3A_180 : i32
    %sign3A_182 = arith.constant 0 : i32
    %sign3A_183 = arith.cmpi sgt, %add3A_179, %sign3A_182 : i32
    %sign3A_184 = arith.extui %sign3A_183 : i1 to i32
    %sign3A_185 = arith.constant 0 : i32
    %sign3A_186 = arith.cmpi slt, %add3A_179, %sign3A_185 : i32
    %sign3A_187 = arith.extui %sign3A_186 : i1 to i32
    %sign3A_188 = arith.subi %sign3A_184, %sign3A_187 : i32
    %sign3A_189 = arith.constant 0 : i32
    %sign3A_190 = arith.cmpi sgt, %jit3A_180, %sign3A_189 : i32
    %sign3A_191 = arith.extui %sign3A_190 : i1 to i32
    %sign3A_192 = arith.constant 0 : i32
    %sign3A_193 = arith.cmpi slt, %jit3A_180, %sign3A_192 : i32
    %sign3A_194 = arith.extui %sign3A_193 : i1 to i32
    %sign3A_195 = arith.subi %sign3A_191, %sign3A_194 : i32
    %ne3A_196 = arith.cmpi ne, %sign3A_188, %sign3A_195 : i32
    %rem3A_197 = arith.remsi %add3A_179, %jit3A_180 : i32
    %ne3A_198 = arith.constant 0 : i32
    %ne3A_199 = arith.cmpi ne, %rem3A_197, %ne3A_198 : i32
    %and3A_200 = arith.andi %ne3A_196, %ne3A_199 : i1
    %sub3A_201 = arith.constant 1 : i32
    %sub3A_202 = arith.subi %div3A_181, %sub3A_201 : i32
    %select_n3A_203 = arith.select %and3A_200, %sub3A_202, %div3A_181 : i32
    %mul3A_204 = arith.constant 512 : i32
    %mul3A_205 = arith.muli %select_n3A_203, %mul3A_204 : i32
    %add3A_206 = arith.addi %add3A_175, %mul3A_205 : i32
    %get3A_207 = arith.constant 7 : index
    %get3A_208 = memref.load %arg1[%get3A_207] : memref<8xi32, #tpu.memory_space<smem>>
    %add3A_209 = arith.constant 511 : i32
    %add3A_210 = arith.addi %get3A_208, %add3A_209 : i32
    %jit3A_211 = arith.constant 512 : i32
    %div3A_212 = arith.divsi %add3A_210, %jit3A_211 : i32
    %sign3A_213 = arith.constant 0 : i32
    %sign3A_214 = arith.cmpi sgt, %add3A_210, %sign3A_213 : i32
    %sign3A_215 = arith.extui %sign3A_214 : i1 to i32
    %sign3A_216 = arith.constant 0 : i32
    %sign3A_217 = arith.cmpi slt, %add3A_210, %sign3A_216 : i32
    %sign3A_218 = arith.extui %sign3A_217 : i1 to i32
    %sign3A_219 = arith.subi %sign3A_215, %sign3A_218 : i32
    %sign3A_220 = arith.constant 0 : i32
    %sign3A_221 = arith.cmpi sgt, %jit3A_211, %sign3A_220 : i32
    %sign3A_222 = arith.extui %sign3A_221 : i1 to i32
    %sign3A_223 = arith.constant 0 : i32
    %sign3A_224 = arith.cmpi slt, %jit3A_211, %sign3A_223 : i32
    %sign3A_225 = arith.extui %sign3A_224 : i1 to i32
    %sign3A_226 = arith.subi %sign3A_222, %sign3A_225 : i32
    %ne3A_227 = arith.cmpi ne, %sign3A_219, %sign3A_226 : i32
    %rem3A_228 = arith.remsi %add3A_210, %jit3A_211 : i32
    %ne3A_229 = arith.constant 0 : i32
    %ne3A_230 = arith.cmpi ne, %rem3A_228, %ne3A_229 : i32
    %and3A_231 = arith.andi %ne3A_227, %ne3A_230 : i1
    %sub3A_232 = arith.constant 1 : i32
    %sub3A_233 = arith.subi %div3A_212, %sub3A_232 : i32
    %select_n3A_234 = arith.select %and3A_231, %sub3A_233, %div3A_212 : i32
    %mul3A_235 = arith.constant 512 : i32
    %mul3A_236 = arith.muli %select_n3A_234, %mul3A_235 : i32
    %add3A_237 = arith.addi %add3A_206, %mul3A_236 : i32
    %iota3A = tpu.iota {dimensions = array<i32: 1>} : vector<1x24xi32>
    %mul3A_238 = arith.constant 512 : i32
    %mul3A_239 = vector.broadcast %mul3A_238 : i32 to vector<1x24xi32>
    %mul3A_240 = arith.muli %iota3A, %mul3A_239 : vector<1x24xi32>
    %broadcast_in_dim3A = arith.constant 0 : i32
    %broadcast_in_dim3A_241 = vector.broadcast %broadcast_in_dim3A : i32 to vector<1x24xi32>
    %get3A_242 = arith.constant 0 : index
    %get3A_243 = memref.load %arg1[%get3A_242] : memref<8xi32, #tpu.memory_space<smem>>
    %add3A_244 = arith.constant 511 : i32
    %add3A_245 = arith.addi %get3A_243, %add3A_244 : i32
    %jit3A_246 = arith.constant 512 : i32
    %div3A_247 = arith.divsi %add3A_245, %jit3A_246 : i32
    %sign3A_248 = arith.constant 0 : i32
    %sign3A_249 = arith.cmpi sgt, %add3A_245, %sign3A_248 : i32
    %sign3A_250 = arith.extui %sign3A_249 : i1 to i32
    %sign3A_251 = arith.constant 0 : i32
    %sign3A_252 = arith.cmpi slt, %add3A_245, %sign3A_251 : i32
    %sign3A_253 = arith.extui %sign3A_252 : i1 to i32
    %sign3A_254 = arith.subi %sign3A_250, %sign3A_253 : i32
    %sign3A_255 = arith.constant 0 : i32
    %sign3A_256 = arith.cmpi sgt, %jit3A_246, %sign3A_255 : i32
    %sign3A_257 = arith.extui %sign3A_256 : i1 to i32
    %sign3A_258 = arith.constant 0 : i32
    %sign3A_259 = arith.cmpi slt, %jit3A_246, %sign3A_258 : i32
    %sign3A_260 = arith.extui %sign3A_259 : i1 to i32
    %sign3A_261 = arith.subi %sign3A_257, %sign3A_260 : i32
    %ne3A_262 = arith.cmpi ne, %sign3A_254, %sign3A_261 : i32
    %rem3A_263 = arith.remsi %add3A_245, %jit3A_246 : i32
    %ne3A_264 = arith.constant 0 : i32
    %ne3A_265 = arith.cmpi ne, %rem3A_263, %ne3A_264 : i32
    %and3A_266 = arith.andi %ne3A_262, %ne3A_265 : i1
    %sub3A_267 = arith.constant 1 : i32
    %sub3A_268 = arith.subi %div3A_247, %sub3A_267 : i32
    %select_n3A_269 = arith.select %and3A_266, %sub3A_268, %div3A_247 : i32
    %mul3A_270 = arith.constant 512 : i32
    %mul3A_271 = arith.muli %select_n3A_269, %mul3A_270 : i32
    %add3A_272 = arith.constant 0 : i32
    %add3A_273 = arith.addi %add3A_272, %mul3A_271 : i32
    %ge3A = vector.broadcast %add3A_273 : i32 to vector<1x24xi32>
    %ge3A_274 = arith.cmpi sge, %mul3A_240, %ge3A : vector<1x24xi32>
    %convert_element_type3A = arith.extui %ge3A_274 : vector<1x24xi1> to vector<1x24xi32>
    %add3A_275 = arith.addi %broadcast_in_dim3A_241, %convert_element_type3A : vector<1x24xi32>
    %gt3A = arith.constant 0 : i32
    %gt3A_276 = arith.cmpi sgt, %mul3A_271, %gt3A : i32
    %jit3A_277 = arith.constant 0 : i32
    %jit3A_278 = arith.constant 0 : i32
    %select_n3A_279 = arith.select %gt3A_276, %jit3A_277, %jit3A_278 : i32
    %get3A_280 = arith.constant 1 : index
    %get3A_281 = memref.load %arg1[%get3A_280] : memref<8xi32, #tpu.memory_space<smem>>
    %add3A_282 = arith.constant 511 : i32
    %add3A_283 = arith.addi %get3A_281, %add3A_282 : i32
    %jit3A_284 = arith.constant 512 : i32
    %div3A_285 = arith.divsi %add3A_283, %jit3A_284 : i32
    %sign3A_286 = arith.constant 0 : i32
    %sign3A_287 = arith.cmpi sgt, %add3A_283, %sign3A_286 : i32
    %sign3A_288 = arith.extui %sign3A_287 : i1 to i32
    %sign3A_289 = arith.constant 0 : i32
    %sign3A_290 = arith.cmpi slt, %add3A_283, %sign3A_289 : i32
    %sign3A_291 = arith.extui %sign3A_290 : i1 to i32
    %sign3A_292 = arith.subi %sign3A_288, %sign3A_291 : i32
    %sign3A_293 = arith.constant 0 : i32
    %sign3A_294 = arith.cmpi sgt, %jit3A_284, %sign3A_293 : i32
    %sign3A_295 = arith.extui %sign3A_294 : i1 to i32
    %sign3A_296 = arith.constant 0 : i32
    %sign3A_297 = arith.cmpi slt, %jit3A_284, %sign3A_296 : i32
    %sign3A_298 = arith.extui %sign3A_297 : i1 to i32
    %sign3A_299 = arith.subi %sign3A_295, %sign3A_298 : i32
    %ne3A_300 = arith.cmpi ne, %sign3A_292, %sign3A_299 : i32
    %rem3A_301 = arith.remsi %add3A_283, %jit3A_284 : i32
    %ne3A_302 = arith.constant 0 : i32
    %ne3A_303 = arith.cmpi ne, %rem3A_301, %ne3A_302 : i32
    %and3A_304 = arith.andi %ne3A_300, %ne3A_303 : i1
    %sub3A_305 = arith.constant 1 : i32
    %sub3A_306 = arith.subi %div3A_285, %sub3A_305 : i32
    %select_n3A_307 = arith.select %and3A_304, %sub3A_306, %div3A_285 : i32
    %mul3A_308 = arith.constant 512 : i32
    %mul3A_309 = arith.muli %select_n3A_307, %mul3A_308 : i32
    %add3A_310 = arith.addi %add3A_20, %mul3A_309 : i32
    %ge3A_311 = vector.broadcast %add3A_310 : i32 to vector<1x24xi32>
    %ge3A_312 = arith.cmpi sge, %mul3A_240, %ge3A_311 : vector<1x24xi32>
    %convert_element_type3A_313 = arith.extui %ge3A_312 : vector<1x24xi1> to vector<1x24xi32>
    %add3A_314 = arith.addi %add3A_275, %convert_element_type3A_313 : vector<1x24xi32>
    %gt3A_315 = arith.constant 0 : i32
    %gt3A_316 = arith.cmpi sgt, %mul3A_309, %gt3A_315 : i32
    %jit3A_317 = arith.constant 1 : i32
    %select_n3A_318 = arith.select %gt3A_316, %jit3A_317, %select_n3A_279 : i32
    %get3A_319 = arith.constant 2 : index
    %get3A_320 = memref.load %arg1[%get3A_319] : memref<8xi32, #tpu.memory_space<smem>>
    %add3A_321 = arith.constant 511 : i32
    %add3A_322 = arith.addi %get3A_320, %add3A_321 : i32
    %jit3A_323 = arith.constant 512 : i32
    %div3A_324 = arith.divsi %add3A_322, %jit3A_323 : i32
    %sign3A_325 = arith.constant 0 : i32
    %sign3A_326 = arith.cmpi sgt, %add3A_322, %sign3A_325 : i32
    %sign3A_327 = arith.extui %sign3A_326 : i1 to i32
    %sign3A_328 = arith.constant 0 : i32
    %sign3A_329 = arith.cmpi slt, %add3A_322, %sign3A_328 : i32
    %sign3A_330 = arith.extui %sign3A_329 : i1 to i32
    %sign3A_331 = arith.subi %sign3A_327, %sign3A_330 : i32
    %sign3A_332 = arith.constant 0 : i32
    %sign3A_333 = arith.cmpi sgt, %jit3A_323, %sign3A_332 : i32
    %sign3A_334 = arith.extui %sign3A_333 : i1 to i32
    %sign3A_335 = arith.constant 0 : i32
    %sign3A_336 = arith.cmpi slt, %jit3A_323, %sign3A_335 : i32
    %sign3A_337 = arith.extui %sign3A_336 : i1 to i32
    %sign3A_338 = arith.subi %sign3A_334, %sign3A_337 : i32
    %ne3A_339 = arith.cmpi ne, %sign3A_331, %sign3A_338 : i32
    %rem3A_340 = arith.remsi %add3A_322, %jit3A_323 : i32
    %ne3A_341 = arith.constant 0 : i32
    %ne3A_342 = arith.cmpi ne, %rem3A_340, %ne3A_341 : i32
    %and3A_343 = arith.andi %ne3A_339, %ne3A_342 : i1
    %sub3A_344 = arith.constant 1 : i32
    %sub3A_345 = arith.subi %div3A_324, %sub3A_344 : i32
    %select_n3A_346 = arith.select %and3A_343, %sub3A_345, %div3A_324 : i32
    %mul3A_347 = arith.constant 512 : i32
    %mul3A_348 = arith.muli %select_n3A_346, %mul3A_347 : i32
    %add3A_349 = arith.addi %add3A_51, %mul3A_348 : i32
    %ge3A_350 = vector.broadcast %add3A_349 : i32 to vector<1x24xi32>
    %ge3A_351 = arith.cmpi sge, %mul3A_240, %ge3A_350 : vector<1x24xi32>
    %convert_element_type3A_352 = arith.extui %ge3A_351 : vector<1x24xi1> to vector<1x24xi32>
    %add3A_353 = arith.addi %add3A_314, %convert_element_type3A_352 : vector<1x24xi32>
    %gt3A_354 = arith.constant 0 : i32
    %gt3A_355 = arith.cmpi sgt, %mul3A_348, %gt3A_354 : i32
    %jit3A_356 = arith.constant 2 : i32
    %select_n3A_357 = arith.select %gt3A_355, %jit3A_356, %select_n3A_318 : i32
    %get3A_358 = arith.constant 3 : index
    %get3A_359 = memref.load %arg1[%get3A_358] : memref<8xi32, #tpu.memory_space<smem>>
    %add3A_360 = arith.constant 511 : i32
    %add3A_361 = arith.addi %get3A_359, %add3A_360 : i32
    %jit3A_362 = arith.constant 512 : i32
    %div3A_363 = arith.divsi %add3A_361, %jit3A_362 : i32
    %sign3A_364 = arith.constant 0 : i32
    %sign3A_365 = arith.cmpi sgt, %add3A_361, %sign3A_364 : i32
    %sign3A_366 = arith.extui %sign3A_365 : i1 to i32
    %sign3A_367 = arith.constant 0 : i32
    %sign3A_368 = arith.cmpi slt, %add3A_361, %sign3A_367 : i32
    %sign3A_369 = arith.extui %sign3A_368 : i1 to i32
    %sign3A_370 = arith.subi %sign3A_366, %sign3A_369 : i32
    %sign3A_371 = arith.constant 0 : i32
    %sign3A_372 = arith.cmpi sgt, %jit3A_362, %sign3A_371 : i32
    %sign3A_373 = arith.extui %sign3A_372 : i1 to i32
    %sign3A_374 = arith.constant 0 : i32
    %sign3A_375 = arith.cmpi slt, %jit3A_362, %sign3A_374 : i32
    %sign3A_376 = arith.extui %sign3A_375 : i1 to i32
    %sign3A_377 = arith.subi %sign3A_373, %sign3A_376 : i32
    %ne3A_378 = arith.cmpi ne, %sign3A_370, %sign3A_377 : i32
    %rem3A_379 = arith.remsi %add3A_361, %jit3A_362 : i32
    %ne3A_380 = arith.constant 0 : i32
    %ne3A_381 = arith.cmpi ne, %rem3A_379, %ne3A_380 : i32
    %and3A_382 = arith.andi %ne3A_378, %ne3A_381 : i1
    %sub3A_383 = arith.constant 1 : i32
    %sub3A_384 = arith.subi %div3A_363, %sub3A_383 : i32
    %select_n3A_385 = arith.select %and3A_382, %sub3A_384, %div3A_363 : i32
    %mul3A_386 = arith.constant 512 : i32
    %mul3A_387 = arith.muli %select_n3A_385, %mul3A_386 : i32
    %add3A_388 = arith.addi %add3A_82, %mul3A_387 : i32
    %ge3A_389 = vector.broadcast %add3A_388 : i32 to vector<1x24xi32>
    %ge3A_390 = arith.cmpi sge, %mul3A_240, %ge3A_389 : vector<1x24xi32>
    %convert_element_type3A_391 = arith.extui %ge3A_390 : vector<1x24xi1> to vector<1x24xi32>
    %add3A_392 = arith.addi %add3A_353, %convert_element_type3A_391 : vector<1x24xi32>
    %gt3A_393 = arith.constant 0 : i32
    %gt3A_394 = arith.cmpi sgt, %mul3A_387, %gt3A_393 : i32
    %jit3A_395 = arith.constant 3 : i32
    %select_n3A_396 = arith.select %gt3A_394, %jit3A_395, %select_n3A_357 : i32
    %get3A_397 = arith.constant 4 : index
    %get3A_398 = memref.load %arg1[%get3A_397] : memref<8xi32, #tpu.memory_space<smem>>
    %add3A_399 = arith.constant 511 : i32
    %add3A_400 = arith.addi %get3A_398, %add3A_399 : i32
    %jit3A_401 = arith.constant 512 : i32
    %div3A_402 = arith.divsi %add3A_400, %jit3A_401 : i32
    %sign3A_403 = arith.constant 0 : i32
    %sign3A_404 = arith.cmpi sgt, %add3A_400, %sign3A_403 : i32
    %sign3A_405 = arith.extui %sign3A_404 : i1 to i32
    %sign3A_406 = arith.constant 0 : i32
    %sign3A_407 = arith.cmpi slt, %add3A_400, %sign3A_406 : i32
    %sign3A_408 = arith.extui %sign3A_407 : i1 to i32
    %sign3A_409 = arith.subi %sign3A_405, %sign3A_408 : i32
    %sign3A_410 = arith.constant 0 : i32
    %sign3A_411 = arith.cmpi sgt, %jit3A_401, %sign3A_410 : i32
    %sign3A_412 = arith.extui %sign3A_411 : i1 to i32
    %sign3A_413 = arith.constant 0 : i32
    %sign3A_414 = arith.cmpi slt, %jit3A_401, %sign3A_413 : i32
    %sign3A_415 = arith.extui %sign3A_414 : i1 to i32
    %sign3A_416 = arith.subi %sign3A_412, %sign3A_415 : i32
    %ne3A_417 = arith.cmpi ne, %sign3A_409, %sign3A_416 : i32
    %rem3A_418 = arith.remsi %add3A_400, %jit3A_401 : i32
    %ne3A_419 = arith.constant 0 : i32
    %ne3A_420 = arith.cmpi ne, %rem3A_418, %ne3A_419 : i32
    %and3A_421 = arith.andi %ne3A_417, %ne3A_420 : i1
    %sub3A_422 = arith.constant 1 : i32
    %sub3A_423 = arith.subi %div3A_402, %sub3A_422 : i32
    %select_n3A_424 = arith.select %and3A_421, %sub3A_423, %div3A_402 : i32
    %mul3A_425 = arith.constant 512 : i32
    %mul3A_426 = arith.muli %select_n3A_424, %mul3A_425 : i32
    %add3A_427 = arith.addi %add3A_113, %mul3A_426 : i32
    %ge3A_428 = vector.broadcast %add3A_427 : i32 to vector<1x24xi32>
    %ge3A_429 = arith.cmpi sge, %mul3A_240, %ge3A_428 : vector<1x24xi32>
    %convert_element_type3A_430 = arith.extui %ge3A_429 : vector<1x24xi1> to vector<1x24xi32>
    %add3A_431 = arith.addi %add3A_392, %convert_element_type3A_430 : vector<1x24xi32>
    %gt3A_432 = arith.constant 0 : i32
    %gt3A_433 = arith.cmpi sgt, %mul3A_426, %gt3A_432 : i32
    %jit3A_434 = arith.constant 4 : i32
    %select_n3A_435 = arith.select %gt3A_433, %jit3A_434, %select_n3A_396 : i32
    %get3A_436 = arith.constant 5 : index
    %get3A_437 = memref.load %arg1[%get3A_436] : memref<8xi32, #tpu.memory_space<smem>>
    %add3A_438 = arith.constant 511 : i32
    %add3A_439 = arith.addi %get3A_437, %add3A_438 : i32
    %jit3A_440 = arith.constant 512 : i32
    %div3A_441 = arith.divsi %add3A_439, %jit3A_440 : i32
    %sign3A_442 = arith.constant 0 : i32
    %sign3A_443 = arith.cmpi sgt, %add3A_439, %sign3A_442 : i32
    %sign3A_444 = arith.extui %sign3A_443 : i1 to i32
    %sign3A_445 = arith.constant 0 : i32
    %sign3A_446 = arith.cmpi slt, %add3A_439, %sign3A_445 : i32
    %sign3A_447 = arith.extui %sign3A_446 : i1 to i32
    %sign3A_448 = arith.subi %sign3A_444, %sign3A_447 : i32
    %sign3A_449 = arith.constant 0 : i32
    %sign3A_450 = arith.cmpi sgt, %jit3A_440, %sign3A_449 : i32
    %sign3A_451 = arith.extui %sign3A_450 : i1 to i32
    %sign3A_452 = arith.constant 0 : i32
    %sign3A_453 = arith.cmpi slt, %jit3A_440, %sign3A_452 : i32
    %sign3A_454 = arith.extui %sign3A_453 : i1 to i32
    %sign3A_455 = arith.subi %sign3A_451, %sign3A_454 : i32
    %ne3A_456 = arith.cmpi ne, %sign3A_448, %sign3A_455 : i32
    %rem3A_457 = arith.remsi %add3A_439, %jit3A_440 : i32
    %ne3A_458 = arith.constant 0 : i32
    %ne3A_459 = arith.cmpi ne, %rem3A_457, %ne3A_458 : i32
    %and3A_460 = arith.andi %ne3A_456, %ne3A_459 : i1
    %sub3A_461 = arith.constant 1 : i32
    %sub3A_462 = arith.subi %div3A_441, %sub3A_461 : i32
    %select_n3A_463 = arith.select %and3A_460, %sub3A_462, %div3A_441 : i32
    %mul3A_464 = arith.constant 512 : i32
    %mul3A_465 = arith.muli %select_n3A_463, %mul3A_464 : i32
    %add3A_466 = arith.addi %add3A_144, %mul3A_465 : i32
    %ge3A_467 = vector.broadcast %add3A_466 : i32 to vector<1x24xi32>
    %ge3A_468 = arith.cmpi sge, %mul3A_240, %ge3A_467 : vector<1x24xi32>
    %convert_element_type3A_469 = arith.extui %ge3A_468 : vector<1x24xi1> to vector<1x24xi32>
    %add3A_470 = arith.addi %add3A_431, %convert_element_type3A_469 : vector<1x24xi32>
    %gt3A_471 = arith.constant 0 : i32
    %gt3A_472 = arith.cmpi sgt, %mul3A_465, %gt3A_471 : i32
    %jit3A_473 = arith.constant 5 : i32
    %select_n3A_474 = arith.select %gt3A_472, %jit3A_473, %select_n3A_435 : i32
    %get3A_475 = arith.constant 6 : index
    %get3A_476 = memref.load %arg1[%get3A_475] : memref<8xi32, #tpu.memory_space<smem>>
    %add3A_477 = arith.constant 511 : i32
    %add3A_478 = arith.addi %get3A_476, %add3A_477 : i32
    %jit3A_479 = arith.constant 512 : i32
    %div3A_480 = arith.divsi %add3A_478, %jit3A_479 : i32
    %sign3A_481 = arith.constant 0 : i32
    %sign3A_482 = arith.cmpi sgt, %add3A_478, %sign3A_481 : i32
    %sign3A_483 = arith.extui %sign3A_482 : i1 to i32
    %sign3A_484 = arith.constant 0 : i32
    %sign3A_485 = arith.cmpi slt, %add3A_478, %sign3A_484 : i32
    %sign3A_486 = arith.extui %sign3A_485 : i1 to i32
    %sign3A_487 = arith.subi %sign3A_483, %sign3A_486 : i32
    %sign3A_488 = arith.constant 0 : i32
    %sign3A_489 = arith.cmpi sgt, %jit3A_479, %sign3A_488 : i32
    %sign3A_490 = arith.extui %sign3A_489 : i1 to i32
    %sign3A_491 = arith.constant 0 : i32
    %sign3A_492 = arith.cmpi slt, %jit3A_479, %sign3A_491 : i32
    %sign3A_493 = arith.extui %sign3A_492 : i1 to i32
    %sign3A_494 = arith.subi %sign3A_490, %sign3A_493 : i32
    %ne3A_495 = arith.cmpi ne, %sign3A_487, %sign3A_494 : i32
    %rem3A_496 = arith.remsi %add3A_478, %jit3A_479 : i32
    %ne3A_497 = arith.constant 0 : i32
    %ne3A_498 = arith.cmpi ne, %rem3A_496, %ne3A_497 : i32
    %and3A_499 = arith.andi %ne3A_495, %ne3A_498 : i1
    %sub3A_500 = arith.constant 1 : i32
    %sub3A_501 = arith.subi %div3A_480, %sub3A_500 : i32
    %select_n3A_502 = arith.select %and3A_499, %sub3A_501, %div3A_480 : i32
    %mul3A_503 = arith.constant 512 : i32
    %mul3A_504 = arith.muli %select_n3A_502, %mul3A_503 : i32
    %add3A_505 = arith.addi %add3A_175, %mul3A_504 : i32
    %ge3A_506 = vector.broadcast %add3A_505 : i32 to vector<1x24xi32>
    %ge3A_507 = arith.cmpi sge, %mul3A_240, %ge3A_506 : vector<1x24xi32>
    %convert_element_type3A_508 = arith.extui %ge3A_507 : vector<1x24xi1> to vector<1x24xi32>
    %add3A_509 = arith.addi %add3A_470, %convert_element_type3A_508 : vector<1x24xi32>
    %gt3A_510 = arith.constant 0 : i32
    %gt3A_511 = arith.cmpi sgt, %mul3A_504, %gt3A_510 : i32
    %jit3A_512 = arith.constant 6 : i32
    %select_n3A_513 = arith.select %gt3A_511, %jit3A_512, %select_n3A_474 : i32
    %get3A_514 = arith.constant 7 : index
    %get3A_515 = memref.load %arg1[%get3A_514] : memref<8xi32, #tpu.memory_space<smem>>
    %add3A_516 = arith.constant 511 : i32
    %add3A_517 = arith.addi %get3A_515, %add3A_516 : i32
    %jit3A_518 = arith.constant 512 : i32
    %div3A_519 = arith.divsi %add3A_517, %jit3A_518 : i32
    %sign3A_520 = arith.constant 0 : i32
    %sign3A_521 = arith.cmpi sgt, %add3A_517, %sign3A_520 : i32
    %sign3A_522 = arith.extui %sign3A_521 : i1 to i32
    %sign3A_523 = arith.constant 0 : i32
    %sign3A_524 = arith.cmpi slt, %add3A_517, %sign3A_523 : i32
    %sign3A_525 = arith.extui %sign3A_524 : i1 to i32
    %sign3A_526 = arith.subi %sign3A_522, %sign3A_525 : i32
    %sign3A_527 = arith.constant 0 : i32
    %sign3A_528 = arith.cmpi sgt, %jit3A_518, %sign3A_527 : i32
    %sign3A_529 = arith.extui %sign3A_528 : i1 to i32
    %sign3A_530 = arith.constant 0 : i32
    %sign3A_531 = arith.cmpi slt, %jit3A_518, %sign3A_530 : i32
    %sign3A_532 = arith.extui %sign3A_531 : i1 to i32
    %sign3A_533 = arith.subi %sign3A_529, %sign3A_532 : i32
    %ne3A_534 = arith.cmpi ne, %sign3A_526, %sign3A_533 : i32
    %rem3A_535 = arith.remsi %add3A_517, %jit3A_518 : i32
    %ne3A_536 = arith.constant 0 : i32
    %ne3A_537 = arith.cmpi ne, %rem3A_535, %ne3A_536 : i32
    %and3A_538 = arith.andi %ne3A_534, %ne3A_537 : i1
    %sub3A_539 = arith.constant 1 : i32
    %sub3A_540 = arith.subi %div3A_519, %sub3A_539 : i32
    %select_n3A_541 = arith.select %and3A_538, %sub3A_540, %div3A_519 : i32
    %mul3A_542 = arith.constant 512 : i32
    %mul3A_543 = arith.muli %select_n3A_541, %mul3A_542 : i32
    %add3A_544 = arith.addi %add3A_206, %mul3A_543 : i32
    %ge3A_545 = vector.broadcast %add3A_544 : i32 to vector<1x24xi32>
    %ge3A_546 = arith.cmpi sge, %mul3A_240, %ge3A_545 : vector<1x24xi32>
    %convert_element_type3A_547 = arith.extui %ge3A_546 : vector<1x24xi1> to vector<1x24xi32>
    %add3A_548 = arith.addi %add3A_509, %convert_element_type3A_547 : vector<1x24xi32>
    %gt3A_549 = arith.constant 0 : i32
    %gt3A_550 = arith.cmpi sgt, %mul3A_543, %gt3A_549 : i32
    %jit3A_551 = arith.constant 7 : i32
    %select_n3A_552 = arith.select %gt3A_550, %jit3A_551, %select_n3A_513 : i32
    %min3A = vector.broadcast %select_n3A_552 : i32 to vector<1x24xi32>
    %min3A_553 = arith.minsi %add3A_548, %min3A : vector<1x24xi32>
    %swap3A = arith.constant 0 : index
    %swap3A_554 = arith.constant 0 : index
    %swap3A_555 = vector.load %arg4[%swap3A, %swap3A_554] : memref<1x24xi32, #tpu.memory_space<vmem>>, vector<1x24xi32>
    tpu.vector_store %arg4[%swap3A, %swap3A_554], %min3A_553 {strides = array<i32>} : memref<1x24xi32, #tpu.memory_space<vmem>>, vector<1x24xi32>,
    %lt3A = vector.broadcast %add3A_237 : i32 to vector<1x24xi32>
    %lt3A_556 = arith.cmpi slt, %mul3A_240, %lt3A : vector<1x24xi32>
    %convert_element_type3A_557 = arith.extui %lt3A_556 : vector<1x24xi1> to vector<1x24xi32>
    %swap3A_558 = arith.constant 0 : index
    %swap3A_559 = arith.constant 0 : index
    %swap3A_560 = vector.load %arg5[%swap3A_558, %swap3A_559] : memref<1x24xi32, #tpu.memory_space<vmem>>, vector<1x24xi32>
    tpu.vector_store %arg5[%swap3A_558, %swap3A_559], %convert_element_type3A_557 {strides = array<i32>} : memref<1x24xi32, #tpu.memory_space<vmem>>, vector<1x24xi32>,
    %iota3A_561 = tpu.iota {dimensions = array<i32: 0>} : vector<512x512xi32>
    %iota3A_562 = tpu.iota {dimensions = array<i32: 1>} : vector<512x512xi32>
    %lt3A_563 = arith.cmpi slt, %iota3A_561, %iota3A_562 : vector<512x512xi32>
    %convert_element_type3A_564 = arith.extui %lt3A_563 : vector<512x512xi1> to vector<512x512xi32>
    %convert_element_type3A_565 = arith.sitofp %convert_element_type3A_564 : vector<512x512xi32> to vector<512x512xf32>
    %iota3A_566 = tpu.iota {dimensions = array<i32: 0>} : vector<8x512xi32>
    %get3A_567 = arith.constant 0 : index
    %get3A_568 = arith.constant 0 : index
    %get3A_569 = vector.load %arg2[%get3A_567, %get3A_568] : memref<16x512xi32, #tpu.memory_space<vmem>>, vector<1x512xi32>
    %get3A_570 = vector.shape_cast %get3A_569 : vector<1x512xi32> to vector<512xi32>
    %broadcast_in_dim3A_571 = vector.shape_cast %get3A_570 : vector<512xi32> to vector<1x512xi32>
    %broadcast_in_dim3A_572 = vector.shape_cast %broadcast_in_dim3A_571 : vector<1x512xi32> to vector<1x512xi32>
    %broadcast_in_dim3A_573 = vector.broadcast %broadcast_in_dim3A_572 : vector<1x512xi32> to vector<8x512xi32>
    %eq3A = arith.cmpi eq, %broadcast_in_dim3A_573, %iota3A_566 : vector<8x512xi32>
    %convert_element_type3A_574 = arith.extui %eq3A : vector<8x512xi1> to vector<8x512xi32>
    %convert_element_type3A_575 = arith.sitofp %convert_element_type3A_574 : vector<8x512xi32> to vector<8x512xf32>
    %dot_general3A = arith.constant dense<0.000000e+00> : vector<8x512xf32>
    %dot_general3A_576 = tpu.matmul %convert_element_type3A_575, %convert_element_type3A_565, %dot_general3A {dimension_numbers = #tpu.dot_dimension_numbers<[1], [0], [0], [1], [0, 0, 1, 1], [], []>, transpose_lhs_hint = false} : vector<8x512xf32>, vector<512x512xf32>, vector<8x512xf32> -> vector<8x512xf32>
    %mul3A_577 = arith.mulf %dot_general3A_576, %convert_element_type3A_575 : vector<8x512xf32>
    %reduce_sum3A = arith.constant dense<0.000000e+00> : vector<512xf32>
    %reduce_sum3A_578 = vector.multi_reduction <add>, %mul3A_577, %reduce_sum3A [0] : vector<8x512xf32> to vector<512xf32>
    %broadcast_in_dim3A_579 = vector.shape_cast %reduce_sum3A_578 : vector<512xf32> to vector<1x512xf32>
    %broadcast_in_dim3A_580 = arith.constant 0.000000e+00 : f32
    %broadcast_in_dim3A_581 = vector.broadcast %broadcast_in_dim3A_580 : f32 to vector<1x512xf32>
    %eq3A_582 = arith.constant 0 : i32
    %eq3A_583 = vector.broadcast %eq3A_582 : i32 to vector<1x512xi32>
    %eq3A_584 = arith.cmpi eq, %broadcast_in_dim3A_571, %eq3A_583 : vector<1x512xi32>
    %add3A_585 = arith.constant 0.000000e+00 : f32
    %add3A_586 = arith.constant 0.000000e+00 : f32
    %add3A_587 = arith.addf %add3A_585, %add3A_586 : f32
    %jit3A_588 = arith.constant 0.000000e+00 : f32
    %broadcast_in_dim3A_589 = vector.broadcast %add3A_587 : f32 to vector<1x512xf32>
    %broadcast_in_dim3A_590 = vector.broadcast %jit3A_588 : f32 to vector<1x512xf32>
    %select_n3A_591 = arith.select %eq3A_584, %broadcast_in_dim3A_589, %broadcast_in_dim3A_590 : vector<1x512xi1>, vector<1x512xf32>
    %add3A_592 = arith.addf %broadcast_in_dim3A_581, %select_n3A_591 : vector<1x512xf32>
    %slice3A = vector.extract_strided_slice %convert_element_type3A_575 {offsets = [0, 0], sizes = [1, 512], strides = [1, 1]} : vector<8x512xf32> to vector<1x512xf32>
    %squeeze3A = vector.shape_cast %slice3A : vector<1x512xf32> to vector<512xf32>
    %reduce_sum3A_593 = vector.shape_cast %squeeze3A : vector<512xf32> to vector<1x512xf32>
    %reduce_sum3A_594 = arith.constant dense<0.000000e+00> : vector<1xf32>
    %reduce_sum3A_595 = vector.multi_reduction <add>, %reduce_sum3A_593, %reduce_sum3A_594 [1] : vector<1x512xf32> to vector<1xf32>
    %reduce_sum3A_596 = vector.shape_cast %reduce_sum3A_595 : vector<1xf32> to vector<1x1xf32>
    %reduce_sum3A_597 = vector.extract %reduce_sum3A_596[0, 0] : f32 from vector<1x1xf32>
    %add3A_598 = arith.constant 0.000000e+00 : f32
    %add3A_599 = arith.addf %add3A_598, %reduce_sum3A_597 : f32
    %eq3A_600 = arith.constant 1 : i32
    %eq3A_601 = vector.broadcast %eq3A_600 : i32 to vector<1x512xi32>
    %eq3A_602 = arith.cmpi eq, %broadcast_in_dim3A_571, %eq3A_601 : vector<1x512xi32>
    %convert_element_type3A_603 = arith.sitofp %add3A_20 : i32 to f32
    %add3A_604 = arith.constant 0.000000e+00 : f32
    %add3A_605 = arith.addf %convert_element_type3A_603, %add3A_604 : f32
    %jit3A_606 = arith.constant 0.000000e+00 : f32
    %broadcast_in_dim3A_607 = vector.broadcast %add3A_605 : f32 to vector<1x512xf32>
    %broadcast_in_dim3A_608 = vector.broadcast %jit3A_606 : f32 to vector<1x512xf32>
    %select_n3A_609 = arith.select %eq3A_602, %broadcast_in_dim3A_607, %broadcast_in_dim3A_608 : vector<1x512xi1>, vector<1x512xf32>
    %add3A_610 = arith.addf %add3A_592, %select_n3A_609 : vector<1x512xf32>
    %slice3A_611 = vector.extract_strided_slice %convert_element_type3A_575 {offsets = [1, 0], sizes = [1, 512], strides = [1, 1]} : vector<8x512xf32> to vector<1x512xf32>
    %squeeze3A_612 = vector.shape_cast %slice3A_611 : vector<1x512xf32> to vector<512xf32>
    %reduce_sum3A_613 = vector.shape_cast %squeeze3A_612 : vector<512xf32> to vector<1x512xf32>
    %reduce_sum3A_614 = arith.constant dense<0.000000e+00> : vector<1xf32>
    %reduce_sum3A_615 = vector.multi_reduction <add>, %reduce_sum3A_613, %reduce_sum3A_614 [1] : vector<1x512xf32> to vector<1xf32>
    %reduce_sum3A_616 = vector.shape_cast %reduce_sum3A_615 : vector<1xf32> to vector<1x1xf32>
    %reduce_sum3A_617 = vector.extract %reduce_sum3A_616[0, 0] : f32 from vector<1x1xf32>
    %add3A_618 = arith.constant 0.000000e+00 : f32
    %add3A_619 = arith.addf %add3A_618, %reduce_sum3A_617 : f32
    %eq3A_620 = arith.constant 2 : i32
    %eq3A_621 = vector.broadcast %eq3A_620 : i32 to vector<1x512xi32>
    %eq3A_622 = arith.cmpi eq, %broadcast_in_dim3A_571, %eq3A_621 : vector<1x512xi32>
    %convert_element_type3A_623 = arith.sitofp %add3A_51 : i32 to f32
    %add3A_624 = arith.constant 0.000000e+00 : f32
    %add3A_625 = arith.addf %convert_element_type3A_623, %add3A_624 : f32
    %jit3A_626 = arith.constant 0.000000e+00 : f32
    %broadcast_in_dim3A_627 = vector.broadcast %add3A_625 : f32 to vector<1x512xf32>
    %broadcast_in_dim3A_628 = vector.broadcast %jit3A_626 : f32 to vector<1x512xf32>
    %select_n3A_629 = arith.select %eq3A_622, %broadcast_in_dim3A_627, %broadcast_in_dim3A_628 : vector<1x512xi1>, vector<1x512xf32>
    %add3A_630 = arith.addf %add3A_610, %select_n3A_629 : vector<1x512xf32>
    %slice3A_631 = vector.extract_strided_slice %convert_element_type3A_575 {offsets = [2, 0], sizes = [1, 512], strides = [1, 1]} : vector<8x512xf32> to vector<1x512xf32>
    %squeeze3A_632 = vector.shape_cast %slice3A_631 : vector<1x512xf32> to vector<512xf32>
    %reduce_sum3A_633 = vector.shape_cast %squeeze3A_632 : vector<512xf32> to vector<1x512xf32>
    %reduce_sum3A_634 = arith.constant dense<0.000000e+00> : vector<1xf32>
    %reduce_sum3A_635 = vector.multi_reduction <add>, %reduce_sum3A_633, %reduce_sum3A_634 [1] : vector<1x512xf32> to vector<1xf32>
    %reduce_sum3A_636 = vector.shape_cast %reduce_sum3A_635 : vector<1xf32> to vector<1x1xf32>
    %reduce_sum3A_637 = vector.extract %reduce_sum3A_636[0, 0] : f32 from vector<1x1xf32>
    %add3A_638 = arith.constant 0.000000e+00 : f32
    %add3A_639 = arith.addf %add3A_638, %reduce_sum3A_637 : f32
    %eq3A_640 = arith.constant 3 : i32
    %eq3A_641 = vector.broadcast %eq3A_640 : i32 to vector<1x512xi32>
    %eq3A_642 = arith.cmpi eq, %broadcast_in_dim3A_571, %eq3A_641 : vector<1x512xi32>
    %convert_element_type3A_643 = arith.sitofp %add3A_82 : i32 to f32
    %add3A_644 = arith.constant 0.000000e+00 : f32
    %add3A_645 = arith.addf %convert_element_type3A_643, %add3A_644 : f32
    %jit3A_646 = arith.constant 0.000000e+00 : f32
    %broadcast_in_dim3A_647 = vector.broadcast %add3A_645 : f32 to vector<1x512xf32>
    %broadcast_in_dim3A_648 = vector.broadcast %jit3A_646 : f32 to vector<1x512xf32>
    %select_n3A_649 = arith.select %eq3A_642, %broadcast_in_dim3A_647, %broadcast_in_dim3A_648 : vector<1x512xi1>, vector<1x512xf32>
    %add3A_650 = arith.addf %add3A_630, %select_n3A_649 : vector<1x512xf32>
    %slice3A_651 = vector.extract_strided_slice %convert_element_type3A_575 {offsets = [3, 0], sizes = [1, 512], strides = [1, 1]} : vector<8x512xf32> to vector<1x512xf32>
    %squeeze3A_652 = vector.shape_cast %slice3A_651 : vector<1x512xf32> to vector<512xf32>
    %reduce_sum3A_653 = vector.shape_cast %squeeze3A_652 : vector<512xf32> to vector<1x512xf32>
    %reduce_sum3A_654 = arith.constant dense<0.000000e+00> : vector<1xf32>
    %reduce_sum3A_655 = vector.multi_reduction <add>, %reduce_sum3A_653, %reduce_sum3A_654 [1] : vector<1x512xf32> to vector<1xf32>
    %reduce_sum3A_656 = vector.shape_cast %reduce_sum3A_655 : vector<1xf32> to vector<1x1xf32>
    %reduce_sum3A_657 = vector.extract %reduce_sum3A_656[0, 0] : f32 from vector<1x1xf32>
    %add3A_658 = arith.constant 0.000000e+00 : f32
    %add3A_659 = arith.addf %add3A_658, %reduce_sum3A_657 : f32
    %eq3A_660 = arith.constant 4 : i32
    %eq3A_661 = vector.broadcast %eq3A_660 : i32 to vector<1x512xi32>
    %eq3A_662 = arith.cmpi eq, %broadcast_in_dim3A_571, %eq3A_661 : vector<1x512xi32>
    %convert_element_type3A_663 = arith.sitofp %add3A_113 : i32 to f32
    %add3A_664 = arith.constant 0.000000e+00 : f32
    %add3A_665 = arith.addf %convert_element_type3A_663, %add3A_664 : f32
    %jit3A_666 = arith.constant 0.000000e+00 : f32
    %broadcast_in_dim3A_667 = vector.broadcast %add3A_665 : f32 to vector<1x512xf32>
    %broadcast_in_dim3A_668 = vector.broadcast %jit3A_666 : f32 to vector<1x512xf32>
    %select_n3A_669 = arith.select %eq3A_662, %broadcast_in_dim3A_667, %broadcast_in_dim3A_668 : vector<1x512xi1>, vector<1x512xf32>
    %add3A_670 = arith.addf %add3A_650, %select_n3A_669 : vector<1x512xf32>
    %slice3A_671 = vector.extract_strided_slice %convert_element_type3A_575 {offsets = [4, 0], sizes = [1, 512], strides = [1, 1]} : vector<8x512xf32> to vector<1x512xf32>
    %squeeze3A_672 = vector.shape_cast %slice3A_671 : vector<1x512xf32> to vector<512xf32>
    %reduce_sum3A_673 = vector.shape_cast %squeeze3A_672 : vector<512xf32> to vector<1x512xf32>
    %reduce_sum3A_674 = arith.constant dense<0.000000e+00> : vector<1xf32>
    %reduce_sum3A_675 = vector.multi_reduction <add>, %reduce_sum3A_673, %reduce_sum3A_674 [1] : vector<1x512xf32> to vector<1xf32>
    %reduce_sum3A_676 = vector.shape_cast %reduce_sum3A_675 : vector<1xf32> to vector<1x1xf32>
    %reduce_sum3A_677 = vector.extract %reduce_sum3A_676[0, 0] : f32 from vector<1x1xf32>
    %add3A_678 = arith.constant 0.000000e+00 : f32
    %add3A_679 = arith.addf %add3A_678, %reduce_sum3A_677 : f32
    %eq3A_680 = arith.constant 5 : i32
    %eq3A_681 = vector.broadcast %eq3A_680 : i32 to vector<1x512xi32>
    %eq3A_682 = arith.cmpi eq, %broadcast_in_dim3A_571, %eq3A_681 : vector<1x512xi32>
    %convert_element_type3A_683 = arith.sitofp %add3A_144 : i32 to f32
    %add3A_684 = arith.constant 0.000000e+00 : f32
    %add3A_685 = arith.addf %convert_element_type3A_683, %add3A_684 : f32
    %jit3A_686 = arith.constant 0.000000e+00 : f32
    %broadcast_in_dim3A_687 = vector.broadcast %add3A_685 : f32 to vector<1x512xf32>
    %broadcast_in_dim3A_688 = vector.broadcast %jit3A_686 : f32 to vector<1x512xf32>
    %select_n3A_689 = arith.select %eq3A_682, %broadcast_in_dim3A_687, %broadcast_in_dim3A_688 : vector<1x512xi1>, vector<1x512xf32>
    %add3A_690 = arith.addf %add3A_670, %select_n3A_689 : vector<1x512xf32>
    %slice3A_691 = vector.extract_strided_slice %convert_element_type3A_575 {offsets = [5, 0], sizes = [1, 512], strides = [1, 1]} : vector<8x512xf32> to vector<1x512xf32>
    %squeeze3A_692 = vector.shape_cast %slice3A_691 : vector<1x512xf32> to vector<512xf32>
    %reduce_sum3A_693 = vector.shape_cast %squeeze3A_692 : vector<512xf32> to vector<1x512xf32>
    %reduce_sum3A_694 = arith.constant dense<0.000000e+00> : vector<1xf32>
    %reduce_sum3A_695 = vector.multi_reduction <add>, %reduce_sum3A_693, %reduce_sum3A_694 [1] : vector<1x512xf32> to vector<1xf32>
    %reduce_sum3A_696 = vector.shape_cast %reduce_sum3A_695 : vector<1xf32> to vector<1x1xf32>
    %reduce_sum3A_697 = vector.extract %reduce_sum3A_696[0, 0] : f32 from vector<1x1xf32>
    %add3A_698 = arith.constant 0.000000e+00 : f32
    %add3A_699 = arith.addf %add3A_698, %reduce_sum3A_697 : f32
    %eq3A_700 = arith.constant 6 : i32
    %eq3A_701 = vector.broadcast %eq3A_700 : i32 to vector<1x512xi32>
    %eq3A_702 = arith.cmpi eq, %broadcast_in_dim3A_571, %eq3A_701 : vector<1x512xi32>
    %convert_element_type3A_703 = arith.sitofp %add3A_175 : i32 to f32
    %add3A_704 = arith.constant 0.000000e+00 : f32
    %add3A_705 = arith.addf %convert_element_type3A_703, %add3A_704 : f32
    %jit3A_706 = arith.constant 0.000000e+00 : f32
    %broadcast_in_dim3A_707 = vector.broadcast %add3A_705 : f32 to vector<1x512xf32>
    %broadcast_in_dim3A_708 = vector.broadcast %jit3A_706 : f32 to vector<1x512xf32>
    %select_n3A_709 = arith.select %eq3A_702, %broadcast_in_dim3A_707, %broadcast_in_dim3A_708 : vector<1x512xi1>, vector<1x512xf32>
    %add3A_710 = arith.addf %add3A_690, %select_n3A_709 : vector<1x512xf32>
    %slice3A_711 = vector.extract_strided_slice %convert_element_type3A_575 {offsets = [6, 0], sizes = [1, 512], strides = [1, 1]} : vector<8x512xf32> to vector<1x512xf32>
    %squeeze3A_712 = vector.shape_cast %slice3A_711 : vector<1x512xf32> to vector<512xf32>
    %reduce_sum3A_713 = vector.shape_cast %squeeze3A_712 : vector<512xf32> to vector<1x512xf32>
    %reduce_sum3A_714 = arith.constant dense<0.000000e+00> : vector<1xf32>
    %reduce_sum3A_715 = vector.multi_reduction <add>, %reduce_sum3A_713, %reduce_sum3A_714 [1] : vector<1x512xf32> to vector<1xf32>
    %reduce_sum3A_716 = vector.shape_cast %reduce_sum3A_715 : vector<1xf32> to vector<1x1xf32>
    %reduce_sum3A_717 = vector.extract %reduce_sum3A_716[0, 0] : f32 from vector<1x1xf32>
    %add3A_718 = arith.constant 0.000000e+00 : f32
    %add3A_719 = arith.addf %add3A_718, %reduce_sum3A_717 : f32
    %eq3A_720 = arith.constant 7 : i32
    %eq3A_721 = vector.broadcast %eq3A_720 : i32 to vector<1x512xi32>
    %eq3A_722 = arith.cmpi eq, %broadcast_in_dim3A_571, %eq3A_721 : vector<1x512xi32>
    %convert_element_type3A_723 = arith.sitofp %add3A_206 : i32 to f32
    %add3A_724 = arith.constant 0.000000e+00 : f32
    %add3A_725 = arith.addf %convert_element_type3A_723, %add3A_724 : f32
    %jit3A_726 = arith.constant 0.000000e+00 : f32
    %broadcast_in_dim3A_727 = vector.broadcast %add3A_725 : f32 to vector<1x512xf32>
    %broadcast_in_dim3A_728 = vector.broadcast %jit3A_726 : f32 to vector<1x512xf32>
    %select_n3A_729 = arith.select %eq3A_722, %broadcast_in_dim3A_727, %broadcast_in_dim3A_728 : vector<1x512xi1>, vector<1x512xf32>
    %add3A_730 = arith.addf %add3A_710, %select_n3A_729 : vector<1x512xf32>
    %slice3A_731 = vector.extract_strided_slice %convert_element_type3A_575 {offsets = [7, 0], sizes = [1, 512], strides = [1, 1]} : vector<8x512xf32> to vector<1x512xf32>
    %squeeze3A_732 = vector.shape_cast %slice3A_731 : vector<1x512xf32> to vector<512xf32>
    %reduce_sum3A_733 = vector.shape_cast %squeeze3A_732 : vector<512xf32> to vector<1x512xf32>
    %reduce_sum3A_734 = arith.constant dense<0.000000e+00> : vector<1xf32>
    %reduce_sum3A_735 = vector.multi_reduction <add>, %reduce_sum3A_733, %reduce_sum3A_734 [1] : vector<1x512xf32> to vector<1xf32>
    %reduce_sum3A_736 = vector.shape_cast %reduce_sum3A_735 : vector<1xf32> to vector<1x1xf32>
    %reduce_sum3A_737 = vector.extract %reduce_sum3A_736[0, 0] : f32 from vector<1x1xf32>
    %add3A_738 = arith.constant 0.000000e+00 : f32
    %add3A_739 = arith.addf %add3A_738, %reduce_sum3A_737 : f32
    %add3A_740 = arith.addf %add3A_730, %broadcast_in_dim3A_579 : vector<1x512xf32>
    %convert_element_type3A_741 = arith.fptosi %add3A_740 : vector<1x512xf32> to vector<1x512xi32>
    %squeeze3A_742 = vector.shape_cast %convert_element_type3A_741 : vector<1x512xi32> to vector<512xi32>
    %swap3A_743 = arith.constant 0 : index
    %swap3A_744 = arith.constant 0 : index
    %swap3A_745 = vector.load %arg3[%swap3A_743, %swap3A_744] : memref<16x512xi32, #tpu.memory_space<vmem>>, vector<1x512xi32>
    %swap3A_746 = vector.shape_cast %swap3A_745 : vector<1x512xi32> to vector<512xi32>
    %swap3A_747 = vector.shape_cast %squeeze3A_742 : vector<512xi32> to vector<1x512xi32>
    tpu.vector_store %arg3[%swap3A_743, %swap3A_744], %swap3A_747 {strides = array<i32>} : memref<16x512xi32, #tpu.memory_space<vmem>>, vector<1x512xi32>,
    %get3A_748 = arith.constant 1 : index
    %get3A_749 = arith.constant 0 : index
    %get3A_750 = vector.load %arg2[%get3A_748, %get3A_749] : memref<16x512xi32, #tpu.memory_space<vmem>>, vector<1x512xi32>
    %get3A_751 = vector.shape_cast %get3A_750 : vector<1x512xi32> to vector<512xi32>
    %broadcast_in_dim3A_752 = vector.shape_cast %get3A_751 : vector<512xi32> to vector<1x512xi32>
    %broadcast_in_dim3A_753 = vector.shape_cast %broadcast_in_dim3A_752 : vector<1x512xi32> to vector<1x512xi32>
    %broadcast_in_dim3A_754 = vector.broadcast %broadcast_in_dim3A_753 : vector<1x512xi32> to vector<8x512xi32>
    %eq3A_755 = arith.cmpi eq, %broadcast_in_dim3A_754, %iota3A_566 : vector<8x512xi32>
    %convert_element_type3A_756 = arith.extui %eq3A_755 : vector<8x512xi1> to vector<8x512xi32>
    %convert_element_type3A_757 = arith.sitofp %convert_element_type3A_756 : vector<8x512xi32> to vector<8x512xf32>
    %dot_general3A_758 = arith.constant dense<0.000000e+00> : vector<8x512xf32>
    %dot_general3A_759 = tpu.matmul %convert_element_type3A_757, %convert_element_type3A_565, %dot_general3A_758 {dimension_numbers = #tpu.dot_dimension_numbers<[1], [0], [0], [1], [0, 0, 1, 1], [], []>, transpose_lhs_hint = false} : vector<8x512xf32>, vector<512x512xf32>, vector<8x512xf32> -> vector<8x512xf32>
    %mul3A_760 = arith.mulf %dot_general3A_759, %convert_element_type3A_757 : vector<8x512xf32>
    %reduce_sum3A_761 = arith.constant dense<0.000000e+00> : vector<512xf32>
    %reduce_sum3A_762 = vector.multi_reduction <add>, %mul3A_760, %reduce_sum3A_761 [0] : vector<8x512xf32> to vector<512xf32>
    %broadcast_in_dim3A_763 = vector.shape_cast %reduce_sum3A_762 : vector<512xf32> to vector<1x512xf32>
    %broadcast_in_dim3A_764 = arith.constant 0.000000e+00 : f32
    %broadcast_in_dim3A_765 = vector.broadcast %broadcast_in_dim3A_764 : f32 to vector<1x512xf32>
    %eq3A_766 = arith.constant 0 : i32
    %eq3A_767 = vector.broadcast %eq3A_766 : i32 to vector<1x512xi32>
    %eq3A_768 = arith.cmpi eq, %broadcast_in_dim3A_752, %eq3A_767 : vector<1x512xi32>
    %add3A_769 = arith.constant 0.000000e+00 : f32
    %add3A_770 = arith.addf %add3A_769, %add3A_599 : f32
    %jit3A_771 = arith.constant 0.000000e+00 : f32
    %broadcast_in_dim3A_772 = vector.broadcast %add3A_770 : f32 to vector<1x512xf32>
    %broadcast_in_dim3A_773 = vector.broadcast %jit3A_771 : f32 to vector<1x512xf32>
    %select_n3A_774 = arith.select %eq3A_768, %broadcast_in_dim3A_772, %broadcast_in_dim3A_773 : vector<1x512xi1>, vector<1x512xf32>
    %add3A_775 = arith.addf %broadcast_in_dim3A_765, %select_n3A_774 : vector<1x512xf32>
    %slice3A_776 = vector.extract_strided_slice %convert_element_type3A_757 {offsets = [0, 0], sizes = [1, 512], strides = [1, 1]} : vector<8x512xf32> to vector<1x512xf32>
    %squeeze3A_777 = vector.shape_cast %slice3A_776 : vector<1x512xf32> to vector<512xf32>
    %reduce_sum3A_778 = vector.shape_cast %squeeze3A_777 : vector<512xf32> to vector<1x512xf32>
    %reduce_sum3A_779 = arith.constant dense<0.000000e+00> : vector<1xf32>
    %reduce_sum3A_780 = vector.multi_reduction <add>, %reduce_sum3A_778, %reduce_sum3A_779 [1] : vector<1x512xf32> to vector<1xf32>
    %reduce_sum3A_781 = vector.shape_cast %reduce_sum3A_780 : vector<1xf32> to vector<1x1xf32>
    %reduce_sum3A_782 = vector.extract %reduce_sum3A_781[0, 0] : f32 from vector<1x1xf32>
    %add3A_783 = arith.addf %add3A_599, %reduce_sum3A_782 : f32
    %eq3A_784 = arith.constant 1 : i32
    %eq3A_785 = vector.broadcast %eq3A_784 : i32 to vector<1x512xi32>
    %eq3A_786 = arith.cmpi eq, %broadcast_in_dim3A_752, %eq3A_785 : vector<1x512xi32>
    %convert_element_type3A_787 = arith.sitofp %add3A_20 : i32 to f32
    %add3A_788 = arith.addf %convert_element_type3A_787, %add3A_619 : f32
    %jit3A_789 = arith.constant 0.000000e+00 : f32
    %broadcast_in_dim3A_790 = vector.broadcast %add3A_788 : f32 to vector<1x512xf32>
    %broadcast_in_dim3A_791 = vector.broadcast %jit3A_789 : f32 to vector<1x512xf32>
    %select_n3A_792 = arith.select %eq3A_786, %broadcast_in_dim3A_790, %broadcast_in_dim3A_791 : vector<1x512xi1>, vector<1x512xf32>
    %add3A_793 = arith.addf %add3A_775, %select_n3A_792 : vector<1x512xf32>
    %slice3A_794 = vector.extract_strided_slice %convert_element_type3A_757 {offsets = [1, 0], sizes = [1, 512], strides = [1, 1]} : vector<8x512xf32> to vector<1x512xf32>
    %squeeze3A_795 = vector.shape_cast %slice3A_794 : vector<1x512xf32> to vector<512xf32>
    %reduce_sum3A_796 = vector.shape_cast %squeeze3A_795 : vector<512xf32> to vector<1x512xf32>
    %reduce_sum3A_797 = arith.constant dense<0.000000e+00> : vector<1xf32>
    %reduce_sum3A_798 = vector.multi_reduction <add>, %reduce_sum3A_796, %reduce_sum3A_797 [1] : vector<1x512xf32> to vector<1xf32>
    %reduce_sum3A_799 = vector.shape_cast %reduce_sum3A_798 : vector<1xf32> to vector<1x1xf32>
    %reduce_sum3A_800 = vector.extract %reduce_sum3A_799[0, 0] : f32 from vector<1x1xf32>
    %add3A_801 = arith.addf %add3A_619, %reduce_sum3A_800 : f32
    %eq3A_802 = arith.constant 2 : i32
    %eq3A_803 = vector.broadcast %eq3A_802 : i32 to vector<1x512xi32>
    %eq3A_804 = arith.cmpi eq, %broadcast_in_dim3A_752, %eq3A_803 : vector<1x512xi32>
    %convert_element_type3A_805 = arith.sitofp %add3A_51 : i32 to f32
    %add3A_806 = arith.addf %convert_element_type3A_805, %add3A_639 : f32
    %jit3A_807 = arith.constant 0.000000e+00 : f32
    %broadcast_in_dim3A_808 = vector.broadcast %add3A_806 : f32 to vector<1x512xf32>
    %broadcast_in_dim3A_809 = vector.broadcast %jit3A_807 : f32 to vector<1x512xf32>
    %select_n3A_810 = arith.select %eq3A_804, %broadcast_in_dim3A_808, %broadcast_in_dim3A_809 : vector<1x512xi1>, vector<1x512xf32>
    %add3A_811 = arith.addf %add3A_793, %select_n3A_810 : vector<1x512xf32>
    %slice3A_812 = vector.extract_strided_slice %convert_element_type3A_757 {offsets = [2, 0], sizes = [1, 512], strides = [1, 1]} : vector<8x512xf32> to vector<1x512xf32>
    %squeeze3A_813 = vector.shape_cast %slice3A_812 : vector<1x512xf32> to vector<512xf32>
    %reduce_sum3A_814 = vector.shape_cast %squeeze3A_813 : vector<512xf32> to vector<1x512xf32>
    %reduce_sum3A_815 = arith.constant dense<0.000000e+00> : vector<1xf32>
    %reduce_sum3A_816 = vector.multi_reduction <add>, %reduce_sum3A_814, %reduce_sum3A_815 [1] : vector<1x512xf32> to vector<1xf32>
    %reduce_sum3A_817 = vector.shape_cast %reduce_sum3A_816 : vector<1xf32> to vector<1x1xf32>
    %reduce_sum3A_818 = vector.extract %reduce_sum3A_817[0, 0] : f32 from vector<1x1xf32>
    %add3A_819 = arith.addf %add3A_639, %reduce_sum3A_818 : f32
    %eq3A_820 = arith.constant 3 : i32
    %eq3A_821 = vector.broadcast %eq3A_820 : i32 to vector<1x512xi32>
    %eq3A_822 = arith.cmpi eq, %broadcast_in_dim3A_752, %eq3A_821 : vector<1x512xi32>
    %convert_element_type3A_823 = arith.sitofp %add3A_82 : i32 to f32
    %add3A_824 = arith.addf %convert_element_type3A_823, %add3A_659 : f32
    %jit3A_825 = arith.constant 0.000000e+00 : f32
    %broadcast_in_dim3A_826 = vector.broadcast %add3A_824 : f32 to vector<1x512xf32>
    %broadcast_in_dim3A_827 = vector.broadcast %jit3A_825 : f32 to vector<1x512xf32>
    %select_n3A_828 = arith.select %eq3A_822, %broadcast_in_dim3A_826, %broadcast_in_dim3A_827 : vector<1x512xi1>, vector<1x512xf32>
    %add3A_829 = arith.addf %add3A_811, %select_n3A_828 : vector<1x512xf32>
    %slice3A_830 = vector.extract_strided_slice %convert_element_type3A_757 {offsets = [3, 0], sizes = [1, 512], strides = [1, 1]} : vector<8x512xf32> to vector<1x512xf32>
    %squeeze3A_831 = vector.shape_cast %slice3A_830 : vector<1x512xf32> to vector<512xf32>
    %reduce_sum3A_832 = vector.shape_cast %squeeze3A_831 : vector<512xf32> to vector<1x512xf32>
    %reduce_sum3A_833 = arith.constant dense<0.000000e+00> : vector<1xf32>
    %reduce_sum3A_834 = vector.multi_reduction <add>, %reduce_sum3A_832, %reduce_sum3A_833 [1] : vector<1x512xf32> to vector<1xf32>
    %reduce_sum3A_835 = vector.shape_cast %reduce_sum3A_834 : vector<1xf32> to vector<1x1xf32>
    %reduce_sum3A_836 = vector.extract %reduce_sum3A_835[0, 0] : f32 from vector<1x1xf32>
    %add3A_837 = arith.addf %add3A_659, %reduce_sum3A_836 : f32
    %eq3A_838 = arith.constant 4 : i32
    %eq3A_839 = vector.broadcast %eq3A_838 : i32 to vector<1x512xi32>
    %eq3A_840 = arith.cmpi eq, %broadcast_in_dim3A_752, %eq3A_839 : vector<1x512xi32>
    %convert_element_type3A_841 = arith.sitofp %add3A_113 : i32 to f32
    %add3A_842 = arith.addf %convert_element_type3A_841, %add3A_679 : f32
    %jit3A_843 = arith.constant 0.000000e+00 : f32
    %broadcast_in_dim3A_844 = vector.broadcast %add3A_842 : f32 to vector<1x512xf32>
    %broadcast_in_dim3A_845 = vector.broadcast %jit3A_843 : f32 to vector<1x512xf32>
    %select_n3A_846 = arith.select %eq3A_840, %broadcast_in_dim3A_844, %broadcast_in_dim3A_845 : vector<1x512xi1>, vector<1x512xf32>
    %add3A_847 = arith.addf %add3A_829, %select_n3A_846 : vector<1x512xf32>
    %slice3A_848 = vector.extract_strided_slice %convert_element_type3A_757 {offsets = [4, 0], sizes = [1, 512], strides = [1, 1]} : vector<8x512xf32> to vector<1x512xf32>
    %squeeze3A_849 = vector.shape_cast %slice3A_848 : vector<1x512xf32> to vector<512xf32>
    %reduce_sum3A_850 = vector.shape_cast %squeeze3A_849 : vector<512xf32> to vector<1x512xf32>
    %reduce_sum3A_851 = arith.constant dense<0.000000e+00> : vector<1xf32>
    %reduce_sum3A_852 = vector.multi_reduction <add>, %reduce_sum3A_850, %reduce_sum3A_851 [1] : vector<1x512xf32> to vector<1xf32>
    %reduce_sum3A_853 = vector.shape_cast %reduce_sum3A_852 : vector<1xf32> to vector<1x1xf32>
    %reduce_sum3A_854 = vector.extract %reduce_sum3A_853[0, 0] : f32 from vector<1x1xf32>
    %add3A_855 = arith.addf %add3A_679, %reduce_sum3A_854 : f32
    %eq3A_856 = arith.constant 5 : i32
    %eq3A_857 = vector.broadcast %eq3A_856 : i32 to vector<1x512xi32>
    %eq3A_858 = arith.cmpi eq, %broadcast_in_dim3A_752, %eq3A_857 : vector<1x512xi32>
    %convert_element_type3A_859 = arith.sitofp %add3A_144 : i32 to f32
    %add3A_860 = arith.addf %convert_element_type3A_859, %add3A_699 : f32
    %jit3A_861 = arith.constant 0.000000e+00 : f32
    %broadcast_in_dim3A_862 = vector.broadcast %add3A_860 : f32 to vector<1x512xf32>
    %broadcast_in_dim3A_863 = vector.broadcast %jit3A_861 : f32 to vector<1x512xf32>
    %select_n3A_864 = arith.select %eq3A_858, %broadcast_in_dim3A_862, %broadcast_in_dim3A_863 : vector<1x512xi1>, vector<1x512xf32>
    %add3A_865 = arith.addf %add3A_847, %select_n3A_864 : vector<1x512xf32>
    %slice3A_866 = vector.extract_strided_slice %convert_element_type3A_757 {offsets = [5, 0], sizes = [1, 512], strides = [1, 1]} : vector<8x512xf32> to vector<1x512xf32>
    %squeeze3A_867 = vector.shape_cast %slice3A_866 : vector<1x512xf32> to vector<512xf32>
    %reduce_sum3A_868 = vector.shape_cast %squeeze3A_867 : vector<512xf32> to vector<1x512xf32>
    %reduce_sum3A_869 = arith.constant dense<0.000000e+00> : vector<1xf32>
    %reduce_sum3A_870 = vector.multi_reduction <add>, %reduce_sum3A_868, %reduce_sum3A_869 [1] : vector<1x512xf32> to vector<1xf32>
    %reduce_sum3A_871 = vector.shape_cast %reduce_sum3A_870 : vector<1xf32> to vector<1x1xf32>
    %reduce_sum3A_872 = vector.extract %reduce_sum3A_871[0, 0] : f32 from vector<1x1xf32>
    %add3A_873 = arith.addf %add3A_699, %reduce_sum3A_872 : f32
    %eq3A_874 = arith.constant 6 : i32
    %eq3A_875 = vector.broadcast %eq3A_874 : i32 to vector<1x512xi32>
    %eq3A_876 = arith.cmpi eq, %broadcast_in_dim3A_752, %eq3A_875 : vector<1x512xi32>
    %convert_element_type3A_877 = arith.sitofp %add3A_175 : i32 to f32
    %add3A_878 = arith.addf %convert_element_type3A_877, %add3A_719 : f32
    %jit3A_879 = arith.constant 0.000000e+00 : f32
    %broadcast_in_dim3A_880 = vector.broadcast %add3A_878 : f32 to vector<1x512xf32>
    %broadcast_in_dim3A_881 = vector.broadcast %jit3A_879 : f32 to vector<1x512xf32>
    %select_n3A_882 = arith.select %eq3A_876, %broadcast_in_dim3A_880, %broadcast_in_dim3A_881 : vector<1x512xi1>, vector<1x512xf32>
    %add3A_883 = arith.addf %add3A_865, %select_n3A_882 : vector<1x512xf32>
    %slice3A_884 = vector.extract_strided_slice %convert_element_type3A_757 {offsets = [6, 0], sizes = [1, 512], strides = [1, 1]} : vector<8x512xf32> to vector<1x512xf32>
    %squeeze3A_885 = vector.shape_cast %slice3A_884 : vector<1x512xf32> to vector<512xf32>
    %reduce_sum3A_886 = vector.shape_cast %squeeze3A_885 : vector<512xf32> to vector<1x512xf32>
    %reduce_sum3A_887 = arith.constant dense<0.000000e+00> : vector<1xf32>
    %reduce_sum3A_888 = vector.multi_reduction <add>, %reduce_sum3A_886, %reduce_sum3A_887 [1] : vector<1x512xf32> to vector<1xf32>
    %reduce_sum3A_889 = vector.shape_cast %reduce_sum3A_888 : vector<1xf32> to vector<1x1xf32>
    %reduce_sum3A_890 = vector.extract %reduce_sum3A_889[0, 0] : f32 from vector<1x1xf32>
    %add3A_891 = arith.addf %add3A_719, %reduce_sum3A_890 : f32
    %eq3A_892 = arith.constant 7 : i32
    %eq3A_893 = vector.broadcast %eq3A_892 : i32 to vector<1x512xi32>
    %eq3A_894 = arith.cmpi eq, %broadcast_in_dim3A_752, %eq3A_893 : vector<1x512xi32>
    %convert_element_type3A_895 = arith.sitofp %add3A_206 : i32 to f32
    %add3A_896 = arith.addf %convert_element_type3A_895, %add3A_739 : f32
    %jit3A_897 = arith.constant 0.000000e+00 : f32
    %broadcast_in_dim3A_898 = vector.broadcast %add3A_896 : f32 to vector<1x512xf32>
    %broadcast_in_dim3A_899 = vector.broadcast %jit3A_897 : f32 to vector<1x512xf32>
    %select_n3A_900 = arith.select %eq3A_894, %broadcast_in_dim3A_898, %broadcast_in_dim3A_899 : vector<1x512xi1>, vector<1x512xf32>
    %add3A_901 = arith.addf %add3A_883, %select_n3A_900 : vector<1x512xf32>
    %slice3A_902 = vector.extract_strided_slice %convert_element_type3A_757 {offsets = [7, 0], sizes = [1, 512], strides = [1, 1]} : vector<8x512xf32> to vector<1x512xf32>
    %squeeze3A_903 = vector.shape_cast %slice3A_902 : vector<1x512xf32> to vector<512xf32>
    %reduce_sum3A_904 = vector.shape_cast %squeeze3A_903 : vector<512xf32> to vector<1x512xf32>
    %reduce_sum3A_905 = arith.constant dense<0.000000e+00> : vector<1xf32>
    %reduce_sum3A_906 = vector.multi_reduction <add>, %reduce_sum3A_904, %reduce_sum3A_905 [1] : vector<1x512xf32> to vector<1xf32>
    %reduce_sum3A_907 = vector.shape_cast %reduce_sum3A_906 : vector<1xf32> to vector<1x1xf32>
    %reduce_sum3A_908 = vector.extract %reduce_sum3A_907[0, 0] : f32 from vector<1x1xf32>
    %add3A_909 = arith.addf %add3A_739, %reduce_sum3A_908 : f32
    %add3A_910 = arith.addf %add3A_901, %broadcast_in_dim3A_763 : vector<1x512xf32>
    %convert_element_type3A_911 = arith.fptosi %add3A_910 : vector<1x512xf32> to vector<1x512xi32>
    %squeeze3A_912 = vector.shape_cast %convert_element_type3A_911 : vector<1x512xi32> to vector<512xi32>
    %swap3A_913 = arith.constant 1 : index
    %swap3A_914 = arith.constant 0 : index
    %swap3A_915 = vector.load %arg3[%swap3A_913, %swap3A_914] : memref<16x512xi32, #tpu.memory_space<vmem>>, vector<1x512xi32>
    %swap3A_916 = vector.shape_cast %swap3A_915 : vector<1x512xi32> to vector<512xi32>
    %swap3A_917 = vector.shape_cast %squeeze3A_912 : vector<512xi32> to vector<1x512xi32>
    tpu.vector_store %arg3[%swap3A_913, %swap3A_914], %swap3A_917 {strides = array<i32>} : memref<16x512xi32, #tpu.memory_space<vmem>>, vector<1x512xi32>,
    %get3A_918 = arith.constant 2 : index
    %get3A_919 = arith.constant 0 : index
    %get3A_920 = vector.load %arg2[%get3A_918, %get3A_919] : memref<16x512xi32, #tpu.memory_space<vmem>>, vector<1x512xi32>
    %get3A_921 = vector.shape_cast %get3A_920 : vector<1x512xi32> to vector<512xi32>
    %broadcast_in_dim3A_922 = vector.shape_cast %get3A_921 : vector<512xi32> to vector<1x512xi32>
    %broadcast_in_dim3A_923 = vector.shape_cast %broadcast_in_dim3A_922 : vector<1x512xi32> to vector<1x512xi32>
    %broadcast_in_dim3A_924 = vector.broadcast %broadcast_in_dim3A_923 : vector<1x512xi32> to vector<8x512xi32>
    %eq3A_925 = arith.cmpi eq, %broadcast_in_dim3A_924, %iota3A_566 : vector<8x512xi32>
    %convert_element_type3A_926 = arith.extui %eq3A_925 : vector<8x512xi1> to vector<8x512xi32>
    %convert_element_type3A_927 = arith.sitofp %convert_element_type3A_926 : vector<8x512xi32> to vector<8x512xf32>
    %dot_general3A_928 = arith.constant dense<0.000000e+00> : vector<8x512xf32>
    %dot_general3A_929 = tpu.matmul %convert_element_type3A_927, %convert_element_type3A_565, %dot_general3A_928 {dimension_numbers = #tpu.dot_dimension_numbers<[1], [0], [0], [1], [0, 0, 1, 1], [], []>, transpose_lhs_hint = false} : vector<8x512xf32>, vector<512x512xf32>, vector<8x512xf32> -> vector<8x512xf32>
    %mul3A_930 = arith.mulf %dot_general3A_929, %convert_element_type3A_927 : vector<8x512xf32>
    %reduce_sum3A_931 = arith.constant dense<0.000000e+00> : vector<512xf32>
    %reduce_sum3A_932 = vector.multi_reduction <add>, %mul3A_930, %reduce_sum3A_931 [0] : vector<8x512xf32> to vector<512xf32>
    %broadcast_in_dim3A_933 = vector.shape_cast %reduce_sum3A_932 : vector<512xf32> to vector<1x512xf32>
    %broadcast_in_dim3A_934 = arith.constant 0.000000e+00 : f32
    %broadcast_in_dim3A_935 = vector.broadcast %broadcast_in_dim3A_934 : f32 to vector<1x512xf32>
    %eq3A_936 = arith.constant 0 : i32
    %eq3A_937 = vector.broadcast %eq3A_936 : i32 to vector<1x512xi32>
    %eq3A_938 = arith.cmpi eq, %broadcast_in_dim3A_922, %eq3A_937 : vector<1x512xi32>
    %add3A_939 = arith.constant 0.000000e+00 : f32
    %add3A_940 = arith.addf %add3A_939, %add3A_783 : f32
    %jit3A_941 = arith.constant 0.000000e+00 : f32
    %broadcast_in_dim3A_942 = vector.broadcast %add3A_940 : f32 to vector<1x512xf32>
    %broadcast_in_dim3A_943 = vector.broadcast %jit3A_941 : f32 to vector<1x512xf32>
    %select_n3A_944 = arith.select %eq3A_938, %broadcast_in_dim3A_942, %broadcast_in_dim3A_943 : vector<1x512xi1>, vector<1x512xf32>
    %add3A_945 = arith.addf %broadcast_in_dim3A_935, %select_n3A_944 : vector<1x512xf32>
    %slice3A_946 = vector.extract_strided_slice %convert_element_type3A_927 {offsets = [0, 0], sizes = [1, 512], strides = [1, 1]} : vector<8x512xf32> to vector<1x512xf32>
    %squeeze3A_947 = vector.shape_cast %slice3A_946 : vector<1x512xf32> to vector<512xf32>
    %reduce_sum3A_948 = vector.shape_cast %squeeze3A_947 : vector<512xf32> to vector<1x512xf32>
    %reduce_sum3A_949 = arith.constant dense<0.000000e+00> : vector<1xf32>
    %reduce_sum3A_950 = vector.multi_reduction <add>, %reduce_sum3A_948, %reduce_sum3A_949 [1] : vector<1x512xf32> to vector<1xf32>
    %reduce_sum3A_951 = vector.shape_cast %reduce_sum3A_950 : vector<1xf32> to vector<1x1xf32>
    %reduce_sum3A_952 = vector.extract %reduce_sum3A_951[0, 0] : f32 from vector<1x1xf32>
    %add3A_953 = arith.addf %add3A_783, %reduce_sum3A_952 : f32
    %eq3A_954 = arith.constant 1 : i32
    %eq3A_955 = vector.broadcast %eq3A_954 : i32 to vector<1x512xi32>
    %eq3A_956 = arith.cmpi eq, %broadcast_in_dim3A_922, %eq3A_955 : vector<1x512xi32>
    %convert_element_type3A_957 = arith.sitofp %add3A_20 : i32 to f32
    %add3A_958 = arith.addf %convert_element_type3A_957, %add3A_801 : f32
    %jit3A_959 = arith.constant 0.000000e+00 : f32
    %broadcast_in_dim3A_960 = vector.broadcast %add3A_958 : f32 to vector<1x512xf32>
    %broadcast_in_dim3A_961 = vector.broadcast %jit3A_959 : f32 to vector<1x512xf32>
    %select_n3A_962 = arith.select %eq3A_956, %broadcast_in_dim3A_960, %broadcast_in_dim3A_961 : vector<1x512xi1>, vector<1x512xf32>
    %add3A_963 = arith.addf %add3A_945, %select_n3A_962 : vector<1x512xf32>
    %slice3A_964 = vector.extract_strided_slice %convert_element_type3A_927 {offsets = [1, 0], sizes = [1, 512], strides = [1, 1]} : vector<8x512xf32> to vector<1x512xf32>
    %squeeze3A_965 = vector.shape_cast %slice3A_964 : vector<1x512xf32> to vector<512xf32>
    %reduce_sum3A_966 = vector.shape_cast %squeeze3A_965 : vector<512xf32> to vector<1x512xf32>
    %reduce_sum3A_967 = arith.constant dense<0.000000e+00> : vector<1xf32>
    %reduce_sum3A_968 = vector.multi_reduction <add>, %reduce_sum3A_966, %reduce_sum3A_967 [1] : vector<1x512xf32> to vector<1xf32>
    %reduce_sum3A_969 = vector.shape_cast %reduce_sum3A_968 : vector<1xf32> to vector<1x1xf32>
    %reduce_sum3A_970 = vector.extract %reduce_sum3A_969[0, 0] : f32 from vector<1x1xf32>
    %add3A_971 = arith.addf %add3A_801, %reduce_sum3A_970 : f32
    %eq3A_972 = arith.constant 2 : i32
    %eq3A_973 = vector.broadcast %eq3A_972 : i32 to vector<1x512xi32>
    %eq3A_974 = arith.cmpi eq, %broadcast_in_dim3A_922, %eq3A_973 : vector<1x512xi32>
    %convert_element_type3A_975 = arith.sitofp %add3A_51 : i32 to f32
    %add3A_976 = arith.addf %convert_element_type3A_975, %add3A_819 : f32
    %jit3A_977 = arith.constant 0.000000e+00 : f32
    %broadcast_in_dim3A_978 = vector.broadcast %add3A_976 : f32 to vector<1x512xf32>
    %broadcast_in_dim3A_979 = vector.broadcast %jit3A_977 : f32 to vector<1x512xf32>
    %select_n3A_980 = arith.select %eq3A_974, %broadcast_in_dim3A_978, %broadcast_in_dim3A_979 : vector<1x512xi1>, vector<1x512xf32>
    %add3A_981 = arith.addf %add3A_963, %select_n3A_980 : vector<1x512xf32>
    %slice3A_982 = vector.extract_strided_slice %convert_element_type3A_927 {offsets = [2, 0], sizes = [1, 512], strides = [1, 1]} : vector<8x512xf32> to vector<1x512xf32>
    %squeeze3A_983 = vector.shape_cast %slice3A_982 : vector<1x512xf32> to vector<512xf32>
    %reduce_sum3A_984 = vector.shape_cast %squeeze3A_983 : vector<512xf32> to vector<1x512xf32>
    %reduce_sum3A_985 = arith.constant dense<0.000000e+00> : vector<1xf32>
    %reduce_sum3A_986 = vector.multi_reduction <add>, %reduce_sum3A_984, %reduce_sum3A_985 [1] : vector<1x512xf32> to vector<1xf32>
    %reduce_sum3A_987 = vector.shape_cast %reduce_sum3A_986 : vector<1xf32> to vector<1x1xf32>
    %reduce_sum3A_988 = vector.extract %reduce_sum3A_987[0, 0] : f32 from vector<1x1xf32>
    %add3A_989 = arith.addf %add3A_819, %reduce_sum3A_988 : f32
    %eq3A_990 = arith.constant 3 : i32
    %eq3A_991 = vector.broadcast %eq3A_990 : i32 to vector<1x512xi32>
    %eq3A_992 = arith.cmpi eq, %broadcast_in_dim3A_922, %eq3A_991 : vector<1x512xi32>
    %convert_element_type3A_993 = arith.sitofp %add3A_82 : i32 to f32
    %add3A_994 = arith.addf %convert_element_type3A_993, %add3A_837 : f32
    %jit3A_995 = arith.constant 0.000000e+00 : f32
    %broadcast_in_dim3A_996 = vector.broadcast %add3A_994 : f32 to vector<1x512xf32>
    %broadcast_in_dim3A_997 = vector.broadcast %jit3A_995 : f32 to vector<1x512xf32>
    %select_n3A_998 = arith.select %eq3A_992, %broadcast_in_dim3A_996, %broadcast_in_dim3A_997 : vector<1x512xi1>, vector<1x512xf32>
    %add3A_999 = arith.addf %add3A_981, %select_n3A_998 : vector<1x512xf32>
    %slice3A_1000 = vector.extract_strided_slice %convert_element_type3A_927 {offsets = [3, 0], sizes = [1, 512], strides = [1, 1]} : vector<8x512xf32> to vector<1x512xf32>
    %squeeze3A_1001 = vector.shape_cast %slice3A_1000 : vector<1x512xf32> to vector<512xf32>
    %reduce_sum3A_1002 = vector.shape_cast %squeeze3A_1001 : vector<512xf32> to vector<1x512xf32>
    %reduce_sum3A_1003 = arith.constant dense<0.000000e+00> : vector<1xf32>
    %reduce_sum3A_1004 = vector.multi_reduction <add>, %reduce_sum3A_1002, %reduce_sum3A_1003 [1] : vector<1x512xf32> to vector<1xf32>
    %reduce_sum3A_1005 = vector.shape_cast %reduce_sum3A_1004 : vector<1xf32> to vector<1x1xf32>
    %reduce_sum3A_1006 = vector.extract %reduce_sum3A_1005[0, 0] : f32 from vector<1x1xf32>
    %add3A_1007 = arith.addf %add3A_837, %reduce_sum3A_1006 : f32
    %eq3A_1008 = arith.constant 4 : i32
    %eq3A_1009 = vector.broadcast %eq3A_1008 : i32 to vector<1x512xi32>
    %eq3A_1010 = arith.cmpi eq, %broadcast_in_dim3A_922, %eq3A_1009 : vector<1x512xi32>
    %convert_element_type3A_1011 = arith.sitofp %add3A_113 : i32 to f32
    %add3A_1012 = arith.addf %convert_element_type3A_1011, %add3A_855 : f32
    %jit3A_1013 = arith.constant 0.000000e+00 : f32
    %broadcast_in_dim3A_1014 = vector.broadcast %add3A_1012 : f32 to vector<1x512xf32>
    %broadcast_in_dim3A_1015 = vector.broadcast %jit3A_1013 : f32 to vector<1x512xf32>
    %select_n3A_1016 = arith.select %eq3A_1010, %broadcast_in_dim3A_1014, %broadcast_in_dim3A_1015 : vector<1x512xi1>, vector<1x512xf32>
    %add3A_1017 = arith.addf %add3A_999, %select_n3A_1016 : vector<1x512xf32>
    %slice3A_1018 = vector.extract_strided_slice %convert_element_type3A_927 {offsets = [4, 0], sizes = [1, 512], strides = [1, 1]} : vector<8x512xf32> to vector<1x512xf32>
    %squeeze3A_1019 = vector.shape_cast %slice3A_1018 : vector<1x512xf32> to vector<512xf32>
    %reduce_sum3A_1020 = vector.shape_cast %squeeze3A_1019 : vector<512xf32> to vector<1x512xf32>
    %reduce_sum3A_1021 = arith.constant dense<0.000000e+00> : vector<1xf32>
    %reduce_sum3A_1022 = vector.multi_reduction <add>, %reduce_sum3A_1020, %reduce_sum3A_1021 [1] : vector<1x512xf32> to vector<1xf32>
    %reduce_sum3A_1023 = vector.shape_cast %reduce_sum3A_1022 : vector<1xf32> to vector<1x1xf32>
    %reduce_sum3A_1024 = vector.extract %reduce_sum3A_1023[0, 0] : f32 from vector<1x1xf32>
    %add3A_1025 = arith.addf %add3A_855, %reduce_sum3A_1024 : f32
    %eq3A_1026 = arith.constant 5 : i32
    %eq3A_1027 = vector.broadcast %eq3A_1026 : i32 to vector<1x512xi32>
    %eq3A_1028 = arith.cmpi eq, %broadcast_in_dim3A_922, %eq3A_1027 : vector<1x512xi32>
    %convert_element_type3A_1029 = arith.sitofp %add3A_144 : i32 to f32
    %add3A_1030 = arith.addf %convert_element_type3A_1029, %add3A_873 : f32
    %jit3A_1031 = arith.constant 0.000000e+00 : f32
    %broadcast_in_dim3A_1032 = vector.broadcast %add3A_1030 : f32 to vector<1x512xf32>
    %broadcast_in_dim3A_1033 = vector.broadcast %jit3A_1031 : f32 to vector<1x512xf32>
    %select_n3A_1034 = arith.select %eq3A_1028, %broadcast_in_dim3A_1032, %broadcast_in_dim3A_1033 : vector<1x512xi1>, vector<1x512xf32>
    %add3A_1035 = arith.addf %add3A_1017, %select_n3A_1034 : vector<1x512xf32>
    %slice3A_1036 = vector.extract_strided_slice %convert_element_type3A_927 {offsets = [5, 0], sizes = [1, 512], strides = [1, 1]} : vector<8x512xf32> to vector<1x512xf32>
    %squeeze3A_1037 = vector.shape_cast %slice3A_1036 : vector<1x512xf32> to vector<512xf32>
    %reduce_sum3A_1038 = vector.shape_cast %squeeze3A_1037 : vector<512xf32> to vector<1x512xf32>
    %reduce_sum3A_1039 = arith.constant dense<0.000000e+00> : vector<1xf32>
    %reduce_sum3A_1040 = vector.multi_reduction <add>, %reduce_sum3A_1038, %reduce_sum3A_1039 [1] : vector<1x512xf32> to vector<1xf32>
    %reduce_sum3A_1041 = vector.shape_cast %reduce_sum3A_1040 : vector<1xf32> to vector<1x1xf32>
    %reduce_sum3A_1042 = vector.extract %reduce_sum3A_1041[0, 0] : f32 from vector<1x1xf32>
    %add3A_1043 = arith.addf %add3A_873, %reduce_sum3A_1042 : f32
    %eq3A_1044 = arith.constant 6 : i32
    %eq3A_1045 = vector.broadcast %eq3A_1044 : i32 to vector<1x512xi32>
    %eq3A_1046 = arith.cmpi eq, %broadcast_in_dim3A_922, %eq3A_1045 : vector<1x512xi32>
    %convert_element_type3A_1047 = arith.sitofp %add3A_175 : i32 to f32
    %add3A_1048 = arith.addf %convert_element_type3A_1047, %add3A_891 : f32
    %jit3A_1049 = arith.constant 0.000000e+00 : f32
    %broadcast_in_dim3A_1050 = vector.broadcast %add3A_1048 : f32 to vector<1x512xf32>
    %broadcast_in_dim3A_1051 = vector.broadcast %jit3A_1049 : f32 to vector<1x512xf32>
    %select_n3A_1052 = arith.select %eq3A_1046, %broadcast_in_dim3A_1050, %broadcast_in_dim3A_1051 : vector<1x512xi1>, vector<1x512xf32>
    %add3A_1053 = arith.addf %add3A_1035, %select_n3A_1052 : vector<1x512xf32>
    %slice3A_1054 = vector.extract_strided_slice %convert_element_type3A_927 {offsets = [6, 0], sizes = [1, 512], strides = [1, 1]} : vector<8x512xf32> to vector<1x512xf32>
    %squeeze3A_1055 = vector.shape_cast %slice3A_1054 : vector<1x512xf32> to vector<512xf32>
    %reduce_sum3A_1056 = vector.shape_cast %squeeze3A_1055 : vector<512xf32> to vector<1x512xf32>
    %reduce_sum3A_1057 = arith.constant dense<0.000000e+00> : vector<1xf32>
    %reduce_sum3A_1058 = vector.multi_reduction <add>, %reduce_sum3A_1056, %reduce_sum3A_1057 [1] : vector<1x512xf32> to vector<1xf32>
    %reduce_sum3A_1059 = vector.shape_cast %reduce_sum3A_1058 : vector<1xf32> to vector<1x1xf32>
    %reduce_sum3A_1060 = vector.extract %reduce_sum3A_1059[0, 0] : f32 from vector<1x1xf32>
    %add3A_1061 = arith.addf %add3A_891, %reduce_sum3A_1060 : f32
    %eq3A_1062 = arith.constant 7 : i32
    %eq3A_1063 = vector.broadcast %eq3A_1062 : i32 to vector<1x512xi32>
    %eq3A_1064 = arith.cmpi eq, %broadcast_in_dim3A_922, %eq3A_1063 : vector<1x512xi32>
    %convert_element_type3A_1065 = arith.sitofp %add3A_206 : i32 to f32
    %add3A_1066 = arith.addf %convert_element_type3A_1065, %add3A_909 : f32
    %jit3A_1067 = arith.constant 0.000000e+00 : f32
    %broadcast_in_dim3A_1068 = vector.broadcast %add3A_1066 : f32 to vector<1x512xf32>
    %broadcast_in_dim3A_1069 = vector.broadcast %jit3A_1067 : f32 to vector<1x512xf32>
    %select_n3A_1070 = arith.select %eq3A_1064, %broadcast_in_dim3A_1068, %broadcast_in_dim3A_1069 : vector<1x512xi1>, vector<1x512xf32>
    %add3A_1071 = arith.addf %add3A_1053, %select_n3A_1070 : vector<1x512xf32>
    %slice3A_1072 = vector.extract_strided_slice %convert_element_type3A_927 {offsets = [7, 0], sizes = [1, 512], strides = [1, 1]} : vector<8x512xf32> to vector<1x512xf32>
    %squeeze3A_1073 = vector.shape_cast %slice3A_1072 : vector<1x512xf32> to vector<512xf32>
    %reduce_sum3A_1074 = vector.shape_cast %squeeze3A_1073 : vector<512xf32> to vector<1x512xf32>
    %reduce_sum3A_1075 = arith.constant dense<0.000000e+00> : vector<1xf32>
    %reduce_sum3A_1076 = vector.multi_reduction <add>, %reduce_sum3A_1074, %reduce_sum3A_1075 [1] : vector<1x512xf32> to vector<1xf32>
    %reduce_sum3A_1077 = vector.shape_cast %reduce_sum3A_1076 : vector<1xf32> to vector<1x1xf32>
    %reduce_sum3A_1078 = vector.extract %reduce_sum3A_1077[0, 0] : f32 from vector<1x1xf32>
    %add3A_1079 = arith.addf %add3A_909, %reduce_sum3A_1078 : f32
    %add3A_1080 = arith.addf %add3A_1071, %broadcast_in_dim3A_933 : vector<1x512xf32>
    %convert_element_type3A_1081 = arith.fptosi %add3A_1080 : vector<1x512xf32> to vector<1x512xi32>
    %squeeze3A_1082 = vector.shape_cast %convert_element_type3A_1081 : vector<1x512xi32> to vector<512xi32>
    %swap3A_1083 = arith.constant 2 : index
    %swap3A_1084 = arith.constant 0 : index
    %swap3A_1085 = vector.load %arg3[%swap3A_1083, %swap3A_1084] : memref<16x512xi32, #tpu.memory_space<vmem>>, vector<1x512xi32>
    %swap3A_1086 = vector.shape_cast %swap3A_1085 : vector<1x512xi32> to vector<512xi32>
    %swap3A_1087 = vector.shape_cast %squeeze3A_1082 : vector<512xi32> to vector<1x512xi32>
    tpu.vector_store %arg3[%swap3A_1083, %swap3A_1084], %swap3A_1087 {strides = array<i32>} : memref<16x512xi32, #tpu.memory_space<vmem>>, vector<1x512xi32>,
    %get3A_1088 = arith.constant 3 : index
    %get3A_1089 = arith.constant 0 : index
    %get3A_1090 = vector.load %arg2[%get3A_1088, %get3A_1089] : memref<16x512xi32, #tpu.memory_space<vmem>>, vector<1x512xi32>
    %get3A_1091 = vector.shape_cast %get3A_1090 : vector<1x512xi32> to vector<512xi32>
    %broadcast_in_dim3A_1092 = vector.shape_cast %get3A_1091 : vector<512xi32> to vector<1x512xi32>
    %broadcast_in_dim3A_1093 = vector.shape_cast %broadcast_in_dim3A_1092 : vector<1x512xi32> to vector<1x512xi32>
    %broadcast_in_dim3A_1094 = vector.broadcast %broadcast_in_dim3A_1093 : vector<1x512xi32> to vector<8x512xi32>
    %eq3A_1095 = arith.cmpi eq, %broadcast_in_dim3A_1094, %iota3A_566 : vector<8x512xi32>
    %convert_element_type3A_1096 = arith.extui %eq3A_1095 : vector<8x512xi1> to vector<8x512xi32>
    %convert_element_type3A_1097 = arith.sitofp %convert_element_type3A_1096 : vector<8x512xi32> to vector<8x512xf32>
    %dot_general3A_1098 = arith.constant dense<0.000000e+00> : vector<8x512xf32>
    %dot_general3A_1099 = tpu.matmul %convert_element_type3A_1097, %convert_element_type3A_565, %dot_general3A_1098 {dimension_numbers = #tpu.dot_dimension_numbers<[1], [0], [0], [1], [0, 0, 1, 1], [], []>, transpose_lhs_hint = false} : vector<8x512xf32>, vector<512x512xf32>, vector<8x512xf32> -> vector<8x512xf32>
    %mul3A_1100 = arith.mulf %dot_general3A_1099, %convert_element_type3A_1097 : vector<8x512xf32>
    %reduce_sum3A_1101 = arith.constant dense<0.000000e+00> : vector<512xf32>
    %reduce_sum3A_1102 = vector.multi_reduction <add>, %mul3A_1100, %reduce_sum3A_1101 [0] : vector<8x512xf32> to vector<512xf32>
    %broadcast_in_dim3A_1103 = vector.shape_cast %reduce_sum3A_1102 : vector<512xf32> to vector<1x512xf32>
    %broadcast_in_dim3A_1104 = arith.constant 0.000000e+00 : f32
    %broadcast_in_dim3A_1105 = vector.broadcast %broadcast_in_dim3A_1104 : f32 to vector<1x512xf32>
    %eq3A_1106 = arith.constant 0 : i32
    %eq3A_1107 = vector.broadcast %eq3A_1106 : i32 to vector<1x512xi32>
    %eq3A_1108 = arith.cmpi eq, %broadcast_in_dim3A_1092, %eq3A_1107 : vector<1x512xi32>
    %add3A_1109 = arith.constant 0.000000e+00 : f32
    %add3A_1110 = arith.addf %add3A_1109, %add3A_953 : f32
    %jit3A_1111 = arith.constant 0.000000e+00 : f32
    %broadcast_in_dim3A_1112 = vector.broadcast %add3A_1110 : f32 to vector<1x512xf32>
    %broadcast_in_dim3A_1113 = vector.broadcast %jit3A_1111 : f32 to vector<1x512xf32>
    %select_n3A_1114 = arith.select %eq3A_1108, %broadcast_in_dim3A_1112, %broadcast_in_dim3A_1113 : vector<1x512xi1>, vector<1x512xf32>
    %add3A_1115 = arith.addf %broadcast_in_dim3A_1105, %select_n3A_1114 : vector<1x512xf32>
    %slice3A_1116 = vector.extract_strided_slice %convert_element_type3A_1097 {offsets = [0, 0], sizes = [1, 512], strides = [1, 1]} : vector<8x512xf32> to vector<1x512xf32>
    %squeeze3A_1117 = vector.shape_cast %slice3A_1116 : vector<1x512xf32> to vector<512xf32>
    %reduce_sum3A_1118 = vector.shape_cast %squeeze3A_1117 : vector<512xf32> to vector<1x512xf32>
    %reduce_sum3A_1119 = arith.constant dense<0.000000e+00> : vector<1xf32>
    %reduce_sum3A_1120 = vector.multi_reduction <add>, %reduce_sum3A_1118, %reduce_sum3A_1119 [1] : vector<1x512xf32> to vector<1xf32>
    %reduce_sum3A_1121 = vector.shape_cast %reduce_sum3A_1120 : vector<1xf32> to vector<1x1xf32>
    %reduce_sum3A_1122 = vector.extract %reduce_sum3A_1121[0, 0] : f32 from vector<1x1xf32>
    %add3A_1123 = arith.addf %add3A_953, %reduce_sum3A_1122 : f32
    %eq3A_1124 = arith.constant 1 : i32
    %eq3A_1125 = vector.broadcast %eq3A_1124 : i32 to vector<1x512xi32>
    %eq3A_1126 = arith.cmpi eq, %broadcast_in_dim3A_1092, %eq3A_1125 : vector<1x512xi32>
    %convert_element_type3A_1127 = arith.sitofp %add3A_20 : i32 to f32
    %add3A_1128 = arith.addf %convert_element_type3A_1127, %add3A_971 : f32
    %jit3A_1129 = arith.constant 0.000000e+00 : f32
    %broadcast_in_dim3A_1130 = vector.broadcast %add3A_1128 : f32 to vector<1x512xf32>
    %broadcast_in_dim3A_1131 = vector.broadcast %jit3A_1129 : f32 to vector<1x512xf32>
    %select_n3A_1132 = arith.select %eq3A_1126, %broadcast_in_dim3A_1130, %broadcast_in_dim3A_1131 : vector<1x512xi1>, vector<1x512xf32>
    %add3A_1133 = arith.addf %add3A_1115, %select_n3A_1132 : vector<1x512xf32>
    %slice3A_1134 = vector.extract_strided_slice %convert_element_type3A_1097 {offsets = [1, 0], sizes = [1, 512], strides = [1, 1]} : vector<8x512xf32> to vector<1x512xf32>
    %squeeze3A_1135 = vector.shape_cast %slice3A_1134 : vector<1x512xf32> to vector<512xf32>
    %reduce_sum3A_1136 = vector.shape_cast %squeeze3A_1135 : vector<512xf32> to vector<1x512xf32>
    %reduce_sum3A_1137 = arith.constant dense<0.000000e+00> : vector<1xf32>
    %reduce_sum3A_1138 = vector.multi_reduction <add>, %reduce_sum3A_1136, %reduce_sum3A_1137 [1] : vector<1x512xf32> to vector<1xf32>
    %reduce_sum3A_1139 = vector.shape_cast %reduce_sum3A_1138 : vector<1xf32> to vector<1x1xf32>
    %reduce_sum3A_1140 = vector.extract %reduce_sum3A_1139[0, 0] : f32 from vector<1x1xf32>
    %add3A_1141 = arith.addf %add3A_971, %reduce_sum3A_1140 : f32
    %eq3A_1142 = arith.constant 2 : i32
    %eq3A_1143 = vector.broadcast %eq3A_1142 : i32 to vector<1x512xi32>
    %eq3A_1144 = arith.cmpi eq, %broadcast_in_dim3A_1092, %eq3A_1143 : vector<1x512xi32>
    %convert_element_type3A_1145 = arith.sitofp %add3A_51 : i32 to f32
    %add3A_1146 = arith.addf %convert_element_type3A_1145, %add3A_989 : f32
    %jit3A_1147 = arith.constant 0.000000e+00 : f32
    %broadcast_in_dim3A_1148 = vector.broadcast %add3A_1146 : f32 to vector<1x512xf32>
    %broadcast_in_dim3A_1149 = vector.broadcast %jit3A_1147 : f32 to vector<1x512xf32>
    %select_n3A_1150 = arith.select %eq3A_1144, %broadcast_in_dim3A_1148, %broadcast_in_dim3A_1149 : vector<1x512xi1>, vector<1x512xf32>
    %add3A_1151 = arith.addf %add3A_1133, %select_n3A_1150 : vector<1x512xf32>
    %slice3A_1152 = vector.extract_strided_slice %convert_element_type3A_1097 {offsets = [2, 0], sizes = [1, 512], strides = [1, 1]} : vector<8x512xf32> to vector<1x512xf32>
    %squeeze3A_1153 = vector.shape_cast %slice3A_1152 : vector<1x512xf32> to vector<512xf32>
    %reduce_sum3A_1154 = vector.shape_cast %squeeze3A_1153 : vector<512xf32> to vector<1x512xf32>
    %reduce_sum3A_1155 = arith.constant dense<0.000000e+00> : vector<1xf32>
    %reduce_sum3A_1156 = vector.multi_reduction <add>, %reduce_sum3A_1154, %reduce_sum3A_1155 [1] : vector<1x512xf32> to vector<1xf32>
    %reduce_sum3A_1157 = vector.shape_cast %reduce_sum3A_1156 : vector<1xf32> to vector<1x1xf32>
    %reduce_sum3A_1158 = vector.extract %reduce_sum3A_1157[0, 0] : f32 from vector<1x1xf32>
    %add3A_1159 = arith.addf %add3A_989, %reduce_sum3A_1158 : f32
    %eq3A_1160 = arith.constant 3 : i32
    %eq3A_1161 = vector.broadcast %eq3A_1160 : i32 to vector<1x512xi32>
    %eq3A_1162 = arith.cmpi eq, %broadcast_in_dim3A_1092, %eq3A_1161 : vector<1x512xi32>
    %convert_element_type3A_1163 = arith.sitofp %add3A_82 : i32 to f32
    %add3A_1164 = arith.addf %convert_element_type3A_1163, %add3A_1007 : f32
    %jit3A_1165 = arith.constant 0.000000e+00 : f32
    %broadcast_in_dim3A_1166 = vector.broadcast %add3A_1164 : f32 to vector<1x512xf32>
    %broadcast_in_dim3A_1167 = vector.broadcast %jit3A_1165 : f32 to vector<1x512xf32>
    %select_n3A_1168 = arith.select %eq3A_1162, %broadcast_in_dim3A_1166, %broadcast_in_dim3A_1167 : vector<1x512xi1>, vector<1x512xf32>
    %add3A_1169 = arith.addf %add3A_1151, %select_n3A_1168 : vector<1x512xf32>
    %slice3A_1170 = vector.extract_strided_slice %convert_element_type3A_1097 {offsets = [3, 0], sizes = [1, 512], strides = [1, 1]} : vector<8x512xf32> to vector<1x512xf32>
    %squeeze3A_1171 = vector.shape_cast %slice3A_1170 : vector<1x512xf32> to vector<512xf32>
    %reduce_sum3A_1172 = vector.shape_cast %squeeze3A_1171 : vector<512xf32> to vector<1x512xf32>
    %reduce_sum3A_1173 = arith.constant dense<0.000000e+00> : vector<1xf32>
    %reduce_sum3A_1174 = vector.multi_reduction <add>, %reduce_sum3A_1172, %reduce_sum3A_1173 [1] : vector<1x512xf32> to vector<1xf32>
    %reduce_sum3A_1175 = vector.shape_cast %reduce_sum3A_1174 : vector<1xf32> to vector<1x1xf32>
    %reduce_sum3A_1176 = vector.extract %reduce_sum3A_1175[0, 0] : f32 from vector<1x1xf32>
    %add3A_1177 = arith.addf %add3A_1007, %reduce_sum3A_1176 : f32
    %eq3A_1178 = arith.constant 4 : i32
    %eq3A_1179 = vector.broadcast %eq3A_1178 : i32 to vector<1x512xi32>
    %eq3A_1180 = arith.cmpi eq, %broadcast_in_dim3A_1092, %eq3A_1179 : vector<1x512xi32>
    %convert_element_type3A_1181 = arith.sitofp %add3A_113 : i32 to f32
    %add3A_1182 = arith.addf %convert_element_type3A_1181, %add3A_1025 : f32
    %jit3A_1183 = arith.constant 0.000000e+00 : f32
    %broadcast_in_dim3A_1184 = vector.broadcast %add3A_1182 : f32 to vector<1x512xf32>
    %broadcast_in_dim3A_1185 = vector.broadcast %jit3A_1183 : f32 to vector<1x512xf32>
    %select_n3A_1186 = arith.select %eq3A_1180, %broadcast_in_dim3A_1184, %broadcast_in_dim3A_1185 : vector<1x512xi1>, vector<1x512xf32>
    %add3A_1187 = arith.addf %add3A_1169, %select_n3A_1186 : vector<1x512xf32>
    %slice3A_1188 = vector.extract_strided_slice %convert_element_type3A_1097 {offsets = [4, 0], sizes = [1, 512], strides = [1, 1]} : vector<8x512xf32> to vector<1x512xf32>
    %squeeze3A_1189 = vector.shape_cast %slice3A_1188 : vector<1x512xf32> to vector<512xf32>
    %reduce_sum3A_1190 = vector.shape_cast %squeeze3A_1189 : vector<512xf32> to vector<1x512xf32>
    %reduce_sum3A_1191 = arith.constant dense<0.000000e+00> : vector<1xf32>
    %reduce_sum3A_1192 = vector.multi_reduction <add>, %reduce_sum3A_1190, %reduce_sum3A_1191 [1] : vector<1x512xf32> to vector<1xf32>
    %reduce_sum3A_1193 = vector.shape_cast %reduce_sum3A_1192 : vector<1xf32> to vector<1x1xf32>
    %reduce_sum3A_1194 = vector.extract %reduce_sum3A_1193[0, 0] : f32 from vector<1x1xf32>
    %add3A_1195 = arith.addf %add3A_1025, %reduce_sum3A_1194 : f32
    %eq3A_1196 = arith.constant 5 : i32
    %eq3A_1197 = vector.broadcast %eq3A_1196 : i32 to vector<1x512xi32>
    %eq3A_1198 = arith.cmpi eq, %broadcast_in_dim3A_1092, %eq3A_1197 : vector<1x512xi32>
    %convert_element_type3A_1199 = arith.sitofp %add3A_144 : i32 to f32
    %add3A_1200 = arith.addf %convert_element_type3A_1199, %add3A_1043 : f32
    %jit3A_1201 = arith.constant 0.000000e+00 : f32
    %broadcast_in_dim3A_1202 = vector.broadcast %add3A_1200 : f32 to vector<1x512xf32>
    %broadcast_in_dim3A_1203 = vector.broadcast %jit3A_1201 : f32 to vector<1x512xf32>
    %select_n3A_1204 = arith.select %eq3A_1198, %broadcast_in_dim3A_1202, %broadcast_in_dim3A_1203 : vector<1x512xi1>, vector<1x512xf32>
    %add3A_1205 = arith.addf %add3A_1187, %select_n3A_1204 : vector<1x512xf32>
    %slice3A_1206 = vector.extract_strided_slice %convert_element_type3A_1097 {offsets = [5, 0], sizes = [1, 512], strides = [1, 1]} : vector<8x512xf32> to vector<1x512xf32>
    %squeeze3A_1207 = vector.shape_cast %slice3A_1206 : vector<1x512xf32> to vector<512xf32>
    %reduce_sum3A_1208 = vector.shape_cast %squeeze3A_1207 : vector<512xf32> to vector<1x512xf32>
    %reduce_sum3A_1209 = arith.constant dense<0.000000e+00> : vector<1xf32>
    %reduce_sum3A_1210 = vector.multi_reduction <add>, %reduce_sum3A_1208, %reduce_sum3A_1209 [1] : vector<1x512xf32> to vector<1xf32>
    %reduce_sum3A_1211 = vector.shape_cast %reduce_sum3A_1210 : vector<1xf32> to vector<1x1xf32>
    %reduce_sum3A_1212 = vector.extract %reduce_sum3A_1211[0, 0] : f32 from vector<1x1xf32>
    %add3A_1213 = arith.addf %add3A_1043, %reduce_sum3A_1212 : f32
    %eq3A_1214 = arith.constant 6 : i32
    %eq3A_1215 = vector.broadcast %eq3A_1214 : i32 to vector<1x512xi32>
    %eq3A_1216 = arith.cmpi eq, %broadcast_in_dim3A_1092, %eq3A_1215 : vector<1x512xi32>
    %convert_element_type3A_1217 = arith.sitofp %add3A_175 : i32 to f32
    %add3A_1218 = arith.addf %convert_element_type3A_1217, %add3A_1061 : f32
    %jit3A_1219 = arith.constant 0.000000e+00 : f32
    %broadcast_in_dim3A_1220 = vector.broadcast %add3A_1218 : f32 to vector<1x512xf32>
    %broadcast_in_dim3A_1221 = vector.broadcast %jit3A_1219 : f32 to vector<1x512xf32>
    %select_n3A_1222 = arith.select %eq3A_1216, %broadcast_in_dim3A_1220, %broadcast_in_dim3A_1221 : vector<1x512xi1>, vector<1x512xf32>
    %add3A_1223 = arith.addf %add3A_1205, %select_n3A_1222 : vector<1x512xf32>
    %slice3A_1224 = vector.extract_strided_slice %convert_element_type3A_1097 {offsets = [6, 0], sizes = [1, 512], strides = [1, 1]} : vector<8x512xf32> to vector<1x512xf32>
    %squeeze3A_1225 = vector.shape_cast %slice3A_1224 : vector<1x512xf32> to vector<512xf32>
    %reduce_sum3A_1226 = vector.shape_cast %squeeze3A_1225 : vector<512xf32> to vector<1x512xf32>
    %reduce_sum3A_1227 = arith.constant dense<0.000000e+00> : vector<1xf32>
    %reduce_sum3A_1228 = vector.multi_reduction <add>, %reduce_sum3A_1226, %reduce_sum3A_1227 [1] : vector<1x512xf32> to vector<1xf32>
    %reduce_sum3A_1229 = vector.shape_cast %reduce_sum3A_1228 : vector<1xf32> to vector<1x1xf32>
    %reduce_sum3A_1230 = vector.extract %reduce_sum3A_1229[0, 0] : f32 from vector<1x1xf32>
    %add3A_1231 = arith.addf %add3A_1061, %reduce_sum3A_1230 : f32
    %eq3A_1232 = arith.constant 7 : i32
    %eq3A_1233 = vector.broadcast %eq3A_1232 : i32 to vector<1x512xi32>
    %eq3A_1234 = arith.cmpi eq, %broadcast_in_dim3A_1092, %eq3A_1233 : vector<1x512xi32>
    %convert_element_type3A_1235 = arith.sitofp %add3A_206 : i32 to f32
    %add3A_1236 = arith.addf %convert_element_type3A_1235, %add3A_1079 : f32
    %jit3A_1237 = arith.constant 0.000000e+00 : f32
    %broadcast_in_dim3A_1238 = vector.broadcast %add3A_1236 : f32 to vector<1x512xf32>
    %broadcast_in_dim3A_1239 = vector.broadcast %jit3A_1237 : f32 to vector<1x512xf32>
    %select_n3A_1240 = arith.select %eq3A_1234, %broadcast_in_dim3A_1238, %broadcast_in_dim3A_1239 : vector<1x512xi1>, vector<1x512xf32>
    %add3A_1241 = arith.addf %add3A_1223, %select_n3A_1240 : vector<1x512xf32>
    %slice3A_1242 = vector.extract_strided_slice %convert_element_type3A_1097 {offsets = [7, 0], sizes = [1, 512], strides = [1, 1]} : vector<8x512xf32> to vector<1x512xf32>
    %squeeze3A_1243 = vector.shape_cast %slice3A_1242 : vector<1x512xf32> to vector<512xf32>
    %reduce_sum3A_1244 = vector.shape_cast %squeeze3A_1243 : vector<512xf32> to vector<1x512xf32>
    %reduce_sum3A_1245 = arith.constant dense<0.000000e+00> : vector<1xf32>
    %reduce_sum3A_1246 = vector.multi_reduction <add>, %reduce_sum3A_1244, %reduce_sum3A_1245 [1] : vector<1x512xf32> to vector<1xf32>
    %reduce_sum3A_1247 = vector.shape_cast %reduce_sum3A_1246 : vector<1xf32> to vector<1x1xf32>
    %reduce_sum3A_1248 = vector.extract %reduce_sum3A_1247[0, 0] : f32 from vector<1x1xf32>
    %add3A_1249 = arith.addf %add3A_1079, %reduce_sum3A_1248 : f32
    %add3A_1250 = arith.addf %add3A_1241, %broadcast_in_dim3A_1103 : vector<1x512xf32>
    %convert_element_type3A_1251 = arith.fptosi %add3A_1250 : vector<1x512xf32> to vector<1x512xi32>
    %squeeze3A_1252 = vector.shape_cast %convert_element_type3A_1251 : vector<1x512xi32> to vector<512xi32>
    %swap3A_1253 = arith.constant 3 : index
    %swap3A_1254 = arith.constant 0 : index
    %swap3A_1255 = vector.load %arg3[%swap3A_1253, %swap3A_1254] : memref<16x512xi32, #tpu.memory_space<vmem>>, vector<1x512xi32>
    %swap3A_1256 = vector.shape_cast %swap3A_1255 : vector<1x512xi32> to vector<512xi32>
    %swap3A_1257 = vector.shape_cast %squeeze3A_1252 : vector<512xi32> to vector<1x512xi32>
    tpu.vector_store %arg3[%swap3A_1253, %swap3A_1254], %swap3A_1257 {strides = array<i32>} : memref<16x512xi32, #tpu.memory_space<vmem>>, vector<1x512xi32>,
    %get3A_1258 = arith.constant 4 : index
    %get3A_1259 = arith.constant 0 : index
    %get3A_1260 = vector.load %arg2[%get3A_1258, %get3A_1259] : memref<16x512xi32, #tpu.memory_space<vmem>>, vector<1x512xi32>
    %get3A_1261 = vector.shape_cast %get3A_1260 : vector<1x512xi32> to vector<512xi32>
    %broadcast_in_dim3A_1262 = vector.shape_cast %get3A_1261 : vector<512xi32> to vector<1x512xi32>
    %broadcast_in_dim3A_1263 = vector.shape_cast %broadcast_in_dim3A_1262 : vector<1x512xi32> to vector<1x512xi32>
    %broadcast_in_dim3A_1264 = vector.broadcast %broadcast_in_dim3A_1263 : vector<1x512xi32> to vector<8x512xi32>
    %eq3A_1265 = arith.cmpi eq, %broadcast_in_dim3A_1264, %iota3A_566 : vector<8x512xi32>
    %convert_element_type3A_1266 = arith.extui %eq3A_1265 : vector<8x512xi1> to vector<8x512xi32>
    %convert_element_type3A_1267 = arith.sitofp %convert_element_type3A_1266 : vector<8x512xi32> to vector<8x512xf32>
    %dot_general3A_1268 = arith.constant dense<0.000000e+00> : vector<8x512xf32>
    %dot_general3A_1269 = tpu.matmul %convert_element_type3A_1267, %convert_element_type3A_565, %dot_general3A_1268 {dimension_numbers = #tpu.dot_dimension_numbers<[1], [0], [0], [1], [0, 0, 1, 1], [], []>, transpose_lhs_hint = false} : vector<8x512xf32>, vector<512x512xf32>, vector<8x512xf32> -> vector<8x512xf32>
    %mul3A_1270 = arith.mulf %dot_general3A_1269, %convert_element_type3A_1267 : vector<8x512xf32>
    %reduce_sum3A_1271 = arith.constant dense<0.000000e+00> : vector<512xf32>
    %reduce_sum3A_1272 = vector.multi_reduction <add>, %mul3A_1270, %reduce_sum3A_1271 [0] : vector<8x512xf32> to vector<512xf32>
    %broadcast_in_dim3A_1273 = vector.shape_cast %reduce_sum3A_1272 : vector<512xf32> to vector<1x512xf32>
    %broadcast_in_dim3A_1274 = arith.constant 0.000000e+00 : f32
    %broadcast_in_dim3A_1275 = vector.broadcast %broadcast_in_dim3A_1274 : f32 to vector<1x512xf32>
    %eq3A_1276 = arith.constant 0 : i32
    %eq3A_1277 = vector.broadcast %eq3A_1276 : i32 to vector<1x512xi32>
    %eq3A_1278 = arith.cmpi eq, %broadcast_in_dim3A_1262, %eq3A_1277 : vector<1x512xi32>
    %add3A_1279 = arith.constant 0.000000e+00 : f32
    %add3A_1280 = arith.addf %add3A_1279, %add3A_1123 : f32
    %jit3A_1281 = arith.constant 0.000000e+00 : f32
    %broadcast_in_dim3A_1282 = vector.broadcast %add3A_1280 : f32 to vector<1x512xf32>
    %broadcast_in_dim3A_1283 = vector.broadcast %jit3A_1281 : f32 to vector<1x512xf32>
    %select_n3A_1284 = arith.select %eq3A_1278, %broadcast_in_dim3A_1282, %broadcast_in_dim3A_1283 : vector<1x512xi1>, vector<1x512xf32>
    %add3A_1285 = arith.addf %broadcast_in_dim3A_1275, %select_n3A_1284 : vector<1x512xf32>
    %slice3A_1286 = vector.extract_strided_slice %convert_element_type3A_1267 {offsets = [0, 0], sizes = [1, 512], strides = [1, 1]} : vector<8x512xf32> to vector<1x512xf32>
    %squeeze3A_1287 = vector.shape_cast %slice3A_1286 : vector<1x512xf32> to vector<512xf32>
    %reduce_sum3A_1288 = vector.shape_cast %squeeze3A_1287 : vector<512xf32> to vector<1x512xf32>
    %reduce_sum3A_1289 = arith.constant dense<0.000000e+00> : vector<1xf32>
    %reduce_sum3A_1290 = vector.multi_reduction <add>, %reduce_sum3A_1288, %reduce_sum3A_1289 [1] : vector<1x512xf32> to vector<1xf32>
    %reduce_sum3A_1291 = vector.shape_cast %reduce_sum3A_1290 : vector<1xf32> to vector<1x1xf32>
    %reduce_sum3A_1292 = vector.extract %reduce_sum3A_1291[0, 0] : f32 from vector<1x1xf32>
    %add3A_1293 = arith.addf %add3A_1123, %reduce_sum3A_1292 : f32
    %eq3A_1294 = arith.constant 1 : i32
    %eq3A_1295 = vector.broadcast %eq3A_1294 : i32 to vector<1x512xi32>
    %eq3A_1296 = arith.cmpi eq, %broadcast_in_dim3A_1262, %eq3A_1295 : vector<1x512xi32>
    %convert_element_type3A_1297 = arith.sitofp %add3A_20 : i32 to f32
    %add3A_1298 = arith.addf %convert_element_type3A_1297, %add3A_1141 : f32
    %jit3A_1299 = arith.constant 0.000000e+00 : f32
    %broadcast_in_dim3A_1300 = vector.broadcast %add3A_1298 : f32 to vector<1x512xf32>
    %broadcast_in_dim3A_1301 = vector.broadcast %jit3A_1299 : f32 to vector<1x512xf32>
    %select_n3A_1302 = arith.select %eq3A_1296, %broadcast_in_dim3A_1300, %broadcast_in_dim3A_1301 : vector<1x512xi1>, vector<1x512xf32>
    %add3A_1303 = arith.addf %add3A_1285, %select_n3A_1302 : vector<1x512xf32>
    %slice3A_1304 = vector.extract_strided_slice %convert_element_type3A_1267 {offsets = [1, 0], sizes = [1, 512], strides = [1, 1]} : vector<8x512xf32> to vector<1x512xf32>
    %squeeze3A_1305 = vector.shape_cast %slice3A_1304 : vector<1x512xf32> to vector<512xf32>
    %reduce_sum3A_1306 = vector.shape_cast %squeeze3A_1305 : vector<512xf32> to vector<1x512xf32>
    %reduce_sum3A_1307 = arith.constant dense<0.000000e+00> : vector<1xf32>
    %reduce_sum3A_1308 = vector.multi_reduction <add>, %reduce_sum3A_1306, %reduce_sum3A_1307 [1] : vector<1x512xf32> to vector<1xf32>
    %reduce_sum3A_1309 = vector.shape_cast %reduce_sum3A_1308 : vector<1xf32> to vector<1x1xf32>
    %reduce_sum3A_1310 = vector.extract %reduce_sum3A_1309[0, 0] : f32 from vector<1x1xf32>
    %add3A_1311 = arith.addf %add3A_1141, %reduce_sum3A_1310 : f32
    %eq3A_1312 = arith.constant 2 : i32
    %eq3A_1313 = vector.broadcast %eq3A_1312 : i32 to vector<1x512xi32>
    %eq3A_1314 = arith.cmpi eq, %broadcast_in_dim3A_1262, %eq3A_1313 : vector<1x512xi32>
    %convert_element_type3A_1315 = arith.sitofp %add3A_51 : i32 to f32
    %add3A_1316 = arith.addf %convert_element_type3A_1315, %add3A_1159 : f32
    %jit3A_1317 = arith.constant 0.000000e+00 : f32
    %broadcast_in_dim3A_1318 = vector.broadcast %add3A_1316 : f32 to vector<1x512xf32>
    %broadcast_in_dim3A_1319 = vector.broadcast %jit3A_1317 : f32 to vector<1x512xf32>
    %select_n3A_1320 = arith.select %eq3A_1314, %broadcast_in_dim3A_1318, %broadcast_in_dim3A_1319 : vector<1x512xi1>, vector<1x512xf32>
    %add3A_1321 = arith.addf %add3A_1303, %select_n3A_1320 : vector<1x512xf32>
    %slice3A_1322 = vector.extract_strided_slice %convert_element_type3A_1267 {offsets = [2, 0], sizes = [1, 512], strides = [1, 1]} : vector<8x512xf32> to vector<1x512xf32>
    %squeeze3A_1323 = vector.shape_cast %slice3A_1322 : vector<1x512xf32> to vector<512xf32>
    %reduce_sum3A_1324 = vector.shape_cast %squeeze3A_1323 : vector<512xf32> to vector<1x512xf32>
    %reduce_sum3A_1325 = arith.constant dense<0.000000e+00> : vector<1xf32>
    %reduce_sum3A_1326 = vector.multi_reduction <add>, %reduce_sum3A_1324, %reduce_sum3A_1325 [1] : vector<1x512xf32> to vector<1xf32>
    %reduce_sum3A_1327 = vector.shape_cast %reduce_sum3A_1326 : vector<1xf32> to vector<1x1xf32>
    %reduce_sum3A_1328 = vector.extract %reduce_sum3A_1327[0, 0] : f32 from vector<1x1xf32>
    %add3A_1329 = arith.addf %add3A_1159, %reduce_sum3A_1328 : f32
    %eq3A_1330 = arith.constant 3 : i32
    %eq3A_1331 = vector.broadcast %eq3A_1330 : i32 to vector<1x512xi32>
    %eq3A_1332 = arith.cmpi eq, %broadcast_in_dim3A_1262, %eq3A_1331 : vector<1x512xi32>
    %convert_element_type3A_1333 = arith.sitofp %add3A_82 : i32 to f32
    %add3A_1334 = arith.addf %convert_element_type3A_1333, %add3A_1177 : f32
    %jit3A_1335 = arith.constant 0.000000e+00 : f32
    %broadcast_in_dim3A_1336 = vector.broadcast %add3A_1334 : f32 to vector<1x512xf32>
    %broadcast_in_dim3A_1337 = vector.broadcast %jit3A_1335 : f32 to vector<1x512xf32>
    %select_n3A_1338 = arith.select %eq3A_1332, %broadcast_in_dim3A_1336, %broadcast_in_dim3A_1337 : vector<1x512xi1>, vector<1x512xf32>
    %add3A_1339 = arith.addf %add3A_1321, %select_n3A_1338 : vector<1x512xf32>
    %slice3A_1340 = vector.extract_strided_slice %convert_element_type3A_1267 {offsets = [3, 0], sizes = [1, 512], strides = [1, 1]} : vector<8x512xf32> to vector<1x512xf32>
    %squeeze3A_1341 = vector.shape_cast %slice3A_1340 : vector<1x512xf32> to vector<512xf32>
    %reduce_sum3A_1342 = vector.shape_cast %squeeze3A_1341 : vector<512xf32> to vector<1x512xf32>
    %reduce_sum3A_1343 = arith.constant dense<0.000000e+00> : vector<1xf32>
    %reduce_sum3A_1344 = vector.multi_reduction <add>, %reduce_sum3A_1342, %reduce_sum3A_1343 [1] : vector<1x512xf32> to vector<1xf32>
    %reduce_sum3A_1345 = vector.shape_cast %reduce_sum3A_1344 : vector<1xf32> to vector<1x1xf32>
    %reduce_sum3A_1346 = vector.extract %reduce_sum3A_1345[0, 0] : f32 from vector<1x1xf32>
    %add3A_1347 = arith.addf %add3A_1177, %reduce_sum3A_1346 : f32
    %eq3A_1348 = arith.constant 4 : i32
    %eq3A_1349 = vector.broadcast %eq3A_1348 : i32 to vector<1x512xi32>
    %eq3A_1350 = arith.cmpi eq, %broadcast_in_dim3A_1262, %eq3A_1349 : vector<1x512xi32>
    %convert_element_type3A_1351 = arith.sitofp %add3A_113 : i32 to f32
    %add3A_1352 = arith.addf %convert_element_type3A_1351, %add3A_1195 : f32
    %jit3A_1353 = arith.constant 0.000000e+00 : f32
    %broadcast_in_dim3A_1354 = vector.broadcast %add3A_1352 : f32 to vector<1x512xf32>
    %broadcast_in_dim3A_1355 = vector.broadcast %jit3A_1353 : f32 to vector<1x512xf32>
    %select_n3A_1356 = arith.select %eq3A_1350, %broadcast_in_dim3A_1354, %broadcast_in_dim3A_1355 : vector<1x512xi1>, vector<1x512xf32>
    %add3A_1357 = arith.addf %add3A_1339, %select_n3A_1356 : vector<1x512xf32>
    %slice3A_1358 = vector.extract_strided_slice %convert_element_type3A_1267 {offsets = [4, 0], sizes = [1, 512], strides = [1, 1]} : vector<8x512xf32> to vector<1x512xf32>
    %squeeze3A_1359 = vector.shape_cast %slice3A_1358 : vector<1x512xf32> to vector<512xf32>
    %reduce_sum3A_1360 = vector.shape_cast %squeeze3A_1359 : vector<512xf32> to vector<1x512xf32>
    %reduce_sum3A_1361 = arith.constant dense<0.000000e+00> : vector<1xf32>
    %reduce_sum3A_1362 = vector.multi_reduction <add>, %reduce_sum3A_1360, %reduce_sum3A_1361 [1] : vector<1x512xf32> to vector<1xf32>
    %reduce_sum3A_1363 = vector.shape_cast %reduce_sum3A_1362 : vector<1xf32> to vector<1x1xf32>
    %reduce_sum3A_1364 = vector.extract %reduce_sum3A_1363[0, 0] : f32 from vector<1x1xf32>
    %add3A_1365 = arith.addf %add3A_1195, %reduce_sum3A_1364 : f32
    %eq3A_1366 = arith.constant 5 : i32
    %eq3A_1367 = vector.broadcast %eq3A_1366 : i32 to vector<1x512xi32>
    %eq3A_1368 = arith.cmpi eq, %broadcast_in_dim3A_1262, %eq3A_1367 : vector<1x512xi32>
    %convert_element_type3A_1369 = arith.sitofp %add3A_144 : i32 to f32
    %add3A_1370 = arith.addf %convert_element_type3A_1369, %add3A_1213 : f32
    %jit3A_1371 = arith.constant 0.000000e+00 : f32
    %broadcast_in_dim3A_1372 = vector.broadcast %add3A_1370 : f32 to vector<1x512xf32>
    %broadcast_in_dim3A_1373 = vector.broadcast %jit3A_1371 : f32 to vector<1x512xf32>
    %select_n3A_1374 = arith.select %eq3A_1368, %broadcast_in_dim3A_1372, %broadcast_in_dim3A_1373 : vector<1x512xi1>, vector<1x512xf32>
    %add3A_1375 = arith.addf %add3A_1357, %select_n3A_1374 : vector<1x512xf32>
    %slice3A_1376 = vector.extract_strided_slice %convert_element_type3A_1267 {offsets = [5, 0], sizes = [1, 512], strides = [1, 1]} : vector<8x512xf32> to vector<1x512xf32>
    %squeeze3A_1377 = vector.shape_cast %slice3A_1376 : vector<1x512xf32> to vector<512xf32>
    %reduce_sum3A_1378 = vector.shape_cast %squeeze3A_1377 : vector<512xf32> to vector<1x512xf32>
    %reduce_sum3A_1379 = arith.constant dense<0.000000e+00> : vector<1xf32>
    %reduce_sum3A_1380 = vector.multi_reduction <add>, %reduce_sum3A_1378, %reduce_sum3A_1379 [1] : vector<1x512xf32> to vector<1xf32>
    %reduce_sum3A_1381 = vector.shape_cast %reduce_sum3A_1380 : vector<1xf32> to vector<1x1xf32>
    %reduce_sum3A_1382 = vector.extract %reduce_sum3A_1381[0, 0] : f32 from vector<1x1xf32>
    %add3A_1383 = arith.addf %add3A_1213, %reduce_sum3A_1382 : f32
    %eq3A_1384 = arith.constant 6 : i32
    %eq3A_1385 = vector.broadcast %eq3A_1384 : i32 to vector<1x512xi32>
    %eq3A_1386 = arith.cmpi eq, %broadcast_in_dim3A_1262, %eq3A_1385 : vector<1x512xi32>
    %convert_element_type3A_1387 = arith.sitofp %add3A_175 : i32 to f32
    %add3A_1388 = arith.addf %convert_element_type3A_1387, %add3A_1231 : f32
    %jit3A_1389 = arith.constant 0.000000e+00 : f32
    %broadcast_in_dim3A_1390 = vector.broadcast %add3A_1388 : f32 to vector<1x512xf32>
    %broadcast_in_dim3A_1391 = vector.broadcast %jit3A_1389 : f32 to vector<1x512xf32>
    %select_n3A_1392 = arith.select %eq3A_1386, %broadcast_in_dim3A_1390, %broadcast_in_dim3A_1391 : vector<1x512xi1>, vector<1x512xf32>
    %add3A_1393 = arith.addf %add3A_1375, %select_n3A_1392 : vector<1x512xf32>
    %slice3A_1394 = vector.extract_strided_slice %convert_element_type3A_1267 {offsets = [6, 0], sizes = [1, 512], strides = [1, 1]} : vector<8x512xf32> to vector<1x512xf32>
    %squeeze3A_1395 = vector.shape_cast %slice3A_1394 : vector<1x512xf32> to vector<512xf32>
    %reduce_sum3A_1396 = vector.shape_cast %squeeze3A_1395 : vector<512xf32> to vector<1x512xf32>
    %reduce_sum3A_1397 = arith.constant dense<0.000000e+00> : vector<1xf32>
    %reduce_sum3A_1398 = vector.multi_reduction <add>, %reduce_sum3A_1396, %reduce_sum3A_1397 [1] : vector<1x512xf32> to vector<1xf32>
    %reduce_sum3A_1399 = vector.shape_cast %reduce_sum3A_1398 : vector<1xf32> to vector<1x1xf32>
    %reduce_sum3A_1400 = vector.extract %reduce_sum3A_1399[0, 0] : f32 from vector<1x1xf32>
    %add3A_1401 = arith.addf %add3A_1231, %reduce_sum3A_1400 : f32
    %eq3A_1402 = arith.constant 7 : i32
    %eq3A_1403 = vector.broadcast %eq3A_1402 : i32 to vector<1x512xi32>
    %eq3A_1404 = arith.cmpi eq, %broadcast_in_dim3A_1262, %eq3A_1403 : vector<1x512xi32>
    %convert_element_type3A_1405 = arith.sitofp %add3A_206 : i32 to f32
    %add3A_1406 = arith.addf %convert_element_type3A_1405, %add3A_1249 : f32
    %jit3A_1407 = arith.constant 0.000000e+00 : f32
    %broadcast_in_dim3A_1408 = vector.broadcast %add3A_1406 : f32 to vector<1x512xf32>
    %broadcast_in_dim3A_1409 = vector.broadcast %jit3A_1407 : f32 to vector<1x512xf32>
    %select_n3A_1410 = arith.select %eq3A_1404, %broadcast_in_dim3A_1408, %broadcast_in_dim3A_1409 : vector<1x512xi1>, vector<1x512xf32>
    %add3A_1411 = arith.addf %add3A_1393, %select_n3A_1410 : vector<1x512xf32>
    %slice3A_1412 = vector.extract_strided_slice %convert_element_type3A_1267 {offsets = [7, 0], sizes = [1, 512], strides = [1, 1]} : vector<8x512xf32> to vector<1x512xf32>
    %squeeze3A_1413 = vector.shape_cast %slice3A_1412 : vector<1x512xf32> to vector<512xf32>
    %reduce_sum3A_1414 = vector.shape_cast %squeeze3A_1413 : vector<512xf32> to vector<1x512xf32>
    %reduce_sum3A_1415 = arith.constant dense<0.000000e+00> : vector<1xf32>
    %reduce_sum3A_1416 = vector.multi_reduction <add>, %reduce_sum3A_1414, %reduce_sum3A_1415 [1] : vector<1x512xf32> to vector<1xf32>
    %reduce_sum3A_1417 = vector.shape_cast %reduce_sum3A_1416 : vector<1xf32> to vector<1x1xf32>
    %reduce_sum3A_1418 = vector.extract %reduce_sum3A_1417[0, 0] : f32 from vector<1x1xf32>
    %add3A_1419 = arith.addf %add3A_1249, %reduce_sum3A_1418 : f32
    %add3A_1420 = arith.addf %add3A_1411, %broadcast_in_dim3A_1273 : vector<1x512xf32>
    %convert_element_type3A_1421 = arith.fptosi %add3A_1420 : vector<1x512xf32> to vector<1x512xi32>
    %squeeze3A_1422 = vector.shape_cast %convert_element_type3A_1421 : vector<1x512xi32> to vector<512xi32>
    %swap3A_1423 = arith.constant 4 : index
    %swap3A_1424 = arith.constant 0 : index
    %swap3A_1425 = vector.load %arg3[%swap3A_1423, %swap3A_1424] : memref<16x512xi32, #tpu.memory_space<vmem>>, vector<1x512xi32>
    %swap3A_1426 = vector.shape_cast %swap3A_1425 : vector<1x512xi32> to vector<512xi32>
    %swap3A_1427 = vector.shape_cast %squeeze3A_1422 : vector<512xi32> to vector<1x512xi32>
    tpu.vector_store %arg3[%swap3A_1423, %swap3A_1424], %swap3A_1427 {strides = array<i32>} : memref<16x512xi32, #tpu.memory_space<vmem>>, vector<1x512xi32>,
    %get3A_1428 = arith.constant 5 : index
    %get3A_1429 = arith.constant 0 : index
    %get3A_1430 = vector.load %arg2[%get3A_1428, %get3A_1429] : memref<16x512xi32, #tpu.memory_space<vmem>>, vector<1x512xi32>
    %get3A_1431 = vector.shape_cast %get3A_1430 : vector<1x512xi32> to vector<512xi32>
    %broadcast_in_dim3A_1432 = vector.shape_cast %get3A_1431 : vector<512xi32> to vector<1x512xi32>
    %broadcast_in_dim3A_1433 = vector.shape_cast %broadcast_in_dim3A_1432 : vector<1x512xi32> to vector<1x512xi32>
    %broadcast_in_dim3A_1434 = vector.broadcast %broadcast_in_dim3A_1433 : vector<1x512xi32> to vector<8x512xi32>
    %eq3A_1435 = arith.cmpi eq, %broadcast_in_dim3A_1434, %iota3A_566 : vector<8x512xi32>
    %convert_element_type3A_1436 = arith.extui %eq3A_1435 : vector<8x512xi1> to vector<8x512xi32>
    %convert_element_type3A_1437 = arith.sitofp %convert_element_type3A_1436 : vector<8x512xi32> to vector<8x512xf32>
    %dot_general3A_1438 = arith.constant dense<0.000000e+00> : vector<8x512xf32>
    %dot_general3A_1439 = tpu.matmul %convert_element_type3A_1437, %convert_element_type3A_565, %dot_general3A_1438 {dimension_numbers = #tpu.dot_dimension_numbers<[1], [0], [0], [1], [0, 0, 1, 1], [], []>, transpose_lhs_hint = false} : vector<8x512xf32>, vector<512x512xf32>, vector<8x512xf32> -> vector<8x512xf32>
    %mul3A_1440 = arith.mulf %dot_general3A_1439, %convert_element_type3A_1437 : vector<8x512xf32>
    %reduce_sum3A_1441 = arith.constant dense<0.000000e+00> : vector<512xf32>
    %reduce_sum3A_1442 = vector.multi_reduction <add>, %mul3A_1440, %reduce_sum3A_1441 [0] : vector<8x512xf32> to vector<512xf32>
    %broadcast_in_dim3A_1443 = vector.shape_cast %reduce_sum3A_1442 : vector<512xf32> to vector<1x512xf32>
    %broadcast_in_dim3A_1444 = arith.constant 0.000000e+00 : f32
    %broadcast_in_dim3A_1445 = vector.broadcast %broadcast_in_dim3A_1444 : f32 to vector<1x512xf32>
    %eq3A_1446 = arith.constant 0 : i32
    %eq3A_1447 = vector.broadcast %eq3A_1446 : i32 to vector<1x512xi32>
    %eq3A_1448 = arith.cmpi eq, %broadcast_in_dim3A_1432, %eq3A_1447 : vector<1x512xi32>
    %add3A_1449 = arith.constant 0.000000e+00 : f32
    %add3A_1450 = arith.addf %add3A_1449, %add3A_1293 : f32
    %jit3A_1451 = arith.constant 0.000000e+00 : f32
    %broadcast_in_dim3A_1452 = vector.broadcast %add3A_1450 : f32 to vector<1x512xf32>
    %broadcast_in_dim3A_1453 = vector.broadcast %jit3A_1451 : f32 to vector<1x512xf32>
    %select_n3A_1454 = arith.select %eq3A_1448, %broadcast_in_dim3A_1452, %broadcast_in_dim3A_1453 : vector<1x512xi1>, vector<1x512xf32>
    %add3A_1455 = arith.addf %broadcast_in_dim3A_1445, %select_n3A_1454 : vector<1x512xf32>
    %slice3A_1456 = vector.extract_strided_slice %convert_element_type3A_1437 {offsets = [0, 0], sizes = [1, 512], strides = [1, 1]} : vector<8x512xf32> to vector<1x512xf32>
    %squeeze3A_1457 = vector.shape_cast %slice3A_1456 : vector<1x512xf32> to vector<512xf32>
    %reduce_sum3A_1458 = vector.shape_cast %squeeze3A_1457 : vector<512xf32> to vector<1x512xf32>
    %reduce_sum3A_1459 = arith.constant dense<0.000000e+00> : vector<1xf32>
    %reduce_sum3A_1460 = vector.multi_reduction <add>, %reduce_sum3A_1458, %reduce_sum3A_1459 [1] : vector<1x512xf32> to vector<1xf32>
    %reduce_sum3A_1461 = vector.shape_cast %reduce_sum3A_1460 : vector<1xf32> to vector<1x1xf32>
    %reduce_sum3A_1462 = vector.extract %reduce_sum3A_1461[0, 0] : f32 from vector<1x1xf32>
    %add3A_1463 = arith.addf %add3A_1293, %reduce_sum3A_1462 : f32
    %eq3A_1464 = arith.constant 1 : i32
    %eq3A_1465 = vector.broadcast %eq3A_1464 : i32 to vector<1x512xi32>
    %eq3A_1466 = arith.cmpi eq, %broadcast_in_dim3A_1432, %eq3A_1465 : vector<1x512xi32>
    %convert_element_type3A_1467 = arith.sitofp %add3A_20 : i32 to f32
    %add3A_1468 = arith.addf %convert_element_type3A_1467, %add3A_1311 : f32
    %jit3A_1469 = arith.constant 0.000000e+00 : f32
    %broadcast_in_dim3A_1470 = vector.broadcast %add3A_1468 : f32 to vector<1x512xf32>
    %broadcast_in_dim3A_1471 = vector.broadcast %jit3A_1469 : f32 to vector<1x512xf32>
    %select_n3A_1472 = arith.select %eq3A_1466, %broadcast_in_dim3A_1470, %broadcast_in_dim3A_1471 : vector<1x512xi1>, vector<1x512xf32>
    %add3A_1473 = arith.addf %add3A_1455, %select_n3A_1472 : vector<1x512xf32>
    %slice3A_1474 = vector.extract_strided_slice %convert_element_type3A_1437 {offsets = [1, 0], sizes = [1, 512], strides = [1, 1]} : vector<8x512xf32> to vector<1x512xf32>
    %squeeze3A_1475 = vector.shape_cast %slice3A_1474 : vector<1x512xf32> to vector<512xf32>
    %reduce_sum3A_1476 = vector.shape_cast %squeeze3A_1475 : vector<512xf32> to vector<1x512xf32>
    %reduce_sum3A_1477 = arith.constant dense<0.000000e+00> : vector<1xf32>
    %reduce_sum3A_1478 = vector.multi_reduction <add>, %reduce_sum3A_1476, %reduce_sum3A_1477 [1] : vector<1x512xf32> to vector<1xf32>
    %reduce_sum3A_1479 = vector.shape_cast %reduce_sum3A_1478 : vector<1xf32> to vector<1x1xf32>
    %reduce_sum3A_1480 = vector.extract %reduce_sum3A_1479[0, 0] : f32 from vector<1x1xf32>
    %add3A_1481 = arith.addf %add3A_1311, %reduce_sum3A_1480 : f32
    %eq3A_1482 = arith.constant 2 : i32
    %eq3A_1483 = vector.broadcast %eq3A_1482 : i32 to vector<1x512xi32>
    %eq3A_1484 = arith.cmpi eq, %broadcast_in_dim3A_1432, %eq3A_1483 : vector<1x512xi32>
    %convert_element_type3A_1485 = arith.sitofp %add3A_51 : i32 to f32
    %add3A_1486 = arith.addf %convert_element_type3A_1485, %add3A_1329 : f32
    %jit3A_1487 = arith.constant 0.000000e+00 : f32
    %broadcast_in_dim3A_1488 = vector.broadcast %add3A_1486 : f32 to vector<1x512xf32>
    %broadcast_in_dim3A_1489 = vector.broadcast %jit3A_1487 : f32 to vector<1x512xf32>
    %select_n3A_1490 = arith.select %eq3A_1484, %broadcast_in_dim3A_1488, %broadcast_in_dim3A_1489 : vector<1x512xi1>, vector<1x512xf32>
    %add3A_1491 = arith.addf %add3A_1473, %select_n3A_1490 : vector<1x512xf32>
    %slice3A_1492 = vector.extract_strided_slice %convert_element_type3A_1437 {offsets = [2, 0], sizes = [1, 512], strides = [1, 1]} : vector<8x512xf32> to vector<1x512xf32>
    %squeeze3A_1493 = vector.shape_cast %slice3A_1492 : vector<1x512xf32> to vector<512xf32>
    %reduce_sum3A_1494 = vector.shape_cast %squeeze3A_1493 : vector<512xf32> to vector<1x512xf32>
    %reduce_sum3A_1495 = arith.constant dense<0.000000e+00> : vector<1xf32>
    %reduce_sum3A_1496 = vector.multi_reduction <add>, %reduce_sum3A_1494, %reduce_sum3A_1495 [1] : vector<1x512xf32> to vector<1xf32>
    %reduce_sum3A_1497 = vector.shape_cast %reduce_sum3A_1496 : vector<1xf32> to vector<1x1xf32>
    %reduce_sum3A_1498 = vector.extract %reduce_sum3A_1497[0, 0] : f32 from vector<1x1xf32>
    %add3A_1499 = arith.addf %add3A_1329, %reduce_sum3A_1498 : f32
    %eq3A_1500 = arith.constant 3 : i32
    %eq3A_1501 = vector.broadcast %eq3A_1500 : i32 to vector<1x512xi32>
    %eq3A_1502 = arith.cmpi eq, %broadcast_in_dim3A_1432, %eq3A_1501 : vector<1x512xi32>
    %convert_element_type3A_1503 = arith.sitofp %add3A_82 : i32 to f32
    %add3A_1504 = arith.addf %convert_element_type3A_1503, %add3A_1347 : f32
    %jit3A_1505 = arith.constant 0.000000e+00 : f32
    %broadcast_in_dim3A_1506 = vector.broadcast %add3A_1504 : f32 to vector<1x512xf32>
    %broadcast_in_dim3A_1507 = vector.broadcast %jit3A_1505 : f32 to vector<1x512xf32>
    %select_n3A_1508 = arith.select %eq3A_1502, %broadcast_in_dim3A_1506, %broadcast_in_dim3A_1507 : vector<1x512xi1>, vector<1x512xf32>
    %add3A_1509 = arith.addf %add3A_1491, %select_n3A_1508 : vector<1x512xf32>
    %slice3A_1510 = vector.extract_strided_slice %convert_element_type3A_1437 {offsets = [3, 0], sizes = [1, 512], strides = [1, 1]} : vector<8x512xf32> to vector<1x512xf32>
    %squeeze3A_1511 = vector.shape_cast %slice3A_1510 : vector<1x512xf32> to vector<512xf32>
    %reduce_sum3A_1512 = vector.shape_cast %squeeze3A_1511 : vector<512xf32> to vector<1x512xf32>
    %reduce_sum3A_1513 = arith.constant dense<0.000000e+00> : vector<1xf32>
    %reduce_sum3A_1514 = vector.multi_reduction <add>, %reduce_sum3A_1512, %reduce_sum3A_1513 [1] : vector<1x512xf32> to vector<1xf32>
    %reduce_sum3A_1515 = vector.shape_cast %reduce_sum3A_1514 : vector<1xf32> to vector<1x1xf32>
    %reduce_sum3A_1516 = vector.extract %reduce_sum3A_1515[0, 0] : f32 from vector<1x1xf32>
    %add3A_1517 = arith.addf %add3A_1347, %reduce_sum3A_1516 : f32
    %eq3A_1518 = arith.constant 4 : i32
    %eq3A_1519 = vector.broadcast %eq3A_1518 : i32 to vector<1x512xi32>
    %eq3A_1520 = arith.cmpi eq, %broadcast_in_dim3A_1432, %eq3A_1519 : vector<1x512xi32>
    %convert_element_type3A_1521 = arith.sitofp %add3A_113 : i32 to f32
    %add3A_1522 = arith.addf %convert_element_type3A_1521, %add3A_1365 : f32
    %jit3A_1523 = arith.constant 0.000000e+00 : f32
    %broadcast_in_dim3A_1524 = vector.broadcast %add3A_1522 : f32 to vector<1x512xf32>
    %broadcast_in_dim3A_1525 = vector.broadcast %jit3A_1523 : f32 to vector<1x512xf32>
    %select_n3A_1526 = arith.select %eq3A_1520, %broadcast_in_dim3A_1524, %broadcast_in_dim3A_1525 : vector<1x512xi1>, vector<1x512xf32>
    %add3A_1527 = arith.addf %add3A_1509, %select_n3A_1526 : vector<1x512xf32>
    %slice3A_1528 = vector.extract_strided_slice %convert_element_type3A_1437 {offsets = [4, 0], sizes = [1, 512], strides = [1, 1]} : vector<8x512xf32> to vector<1x512xf32>
    %squeeze3A_1529 = vector.shape_cast %slice3A_1528 : vector<1x512xf32> to vector<512xf32>
    %reduce_sum3A_1530 = vector.shape_cast %squeeze3A_1529 : vector<512xf32> to vector<1x512xf32>
    %reduce_sum3A_1531 = arith.constant dense<0.000000e+00> : vector<1xf32>
    %reduce_sum3A_1532 = vector.multi_reduction <add>, %reduce_sum3A_1530, %reduce_sum3A_1531 [1] : vector<1x512xf32> to vector<1xf32>
    %reduce_sum3A_1533 = vector.shape_cast %reduce_sum3A_1532 : vector<1xf32> to vector<1x1xf32>
    %reduce_sum3A_1534 = vector.extract %reduce_sum3A_1533[0, 0] : f32 from vector<1x1xf32>
    %add3A_1535 = arith.addf %add3A_1365, %reduce_sum3A_1534 : f32
    %eq3A_1536 = arith.constant 5 : i32
    %eq3A_1537 = vector.broadcast %eq3A_1536 : i32 to vector<1x512xi32>
    %eq3A_1538 = arith.cmpi eq, %broadcast_in_dim3A_1432, %eq3A_1537 : vector<1x512xi32>
    %convert_element_type3A_1539 = arith.sitofp %add3A_144 : i32 to f32
    %add3A_1540 = arith.addf %convert_element_type3A_1539, %add3A_1383 : f32
    %jit3A_1541 = arith.constant 0.000000e+00 : f32
    %broadcast_in_dim3A_1542 = vector.broadcast %add3A_1540 : f32 to vector<1x512xf32>
    %broadcast_in_dim3A_1543 = vector.broadcast %jit3A_1541 : f32 to vector<1x512xf32>
    %select_n3A_1544 = arith.select %eq3A_1538, %broadcast_in_dim3A_1542, %broadcast_in_dim3A_1543 : vector<1x512xi1>, vector<1x512xf32>
    %add3A_1545 = arith.addf %add3A_1527, %select_n3A_1544 : vector<1x512xf32>
    %slice3A_1546 = vector.extract_strided_slice %convert_element_type3A_1437 {offsets = [5, 0], sizes = [1, 512], strides = [1, 1]} : vector<8x512xf32> to vector<1x512xf32>
    %squeeze3A_1547 = vector.shape_cast %slice3A_1546 : vector<1x512xf32> to vector<512xf32>
    %reduce_sum3A_1548 = vector.shape_cast %squeeze3A_1547 : vector<512xf32> to vector<1x512xf32>
    %reduce_sum3A_1549 = arith.constant dense<0.000000e+00> : vector<1xf32>
    %reduce_sum3A_1550 = vector.multi_reduction <add>, %reduce_sum3A_1548, %reduce_sum3A_1549 [1] : vector<1x512xf32> to vector<1xf32>
    %reduce_sum3A_1551 = vector.shape_cast %reduce_sum3A_1550 : vector<1xf32> to vector<1x1xf32>
    %reduce_sum3A_1552 = vector.extract %reduce_sum3A_1551[0, 0] : f32 from vector<1x1xf32>
    %add3A_1553 = arith.addf %add3A_1383, %reduce_sum3A_1552 : f32
    %eq3A_1554 = arith.constant 6 : i32
    %eq3A_1555 = vector.broadcast %eq3A_1554 : i32 to vector<1x512xi32>
    %eq3A_1556 = arith.cmpi eq, %broadcast_in_dim3A_1432, %eq3A_1555 : vector<1x512xi32>
    %convert_element_type3A_1557 = arith.sitofp %add3A_175 : i32 to f32
    %add3A_1558 = arith.addf %convert_element_type3A_1557, %add3A_1401 : f32
    %jit3A_1559 = arith.constant 0.000000e+00 : f32
    %broadcast_in_dim3A_1560 = vector.broadcast %add3A_1558 : f32 to vector<1x512xf32>
    %broadcast_in_dim3A_1561 = vector.broadcast %jit3A_1559 : f32 to vector<1x512xf32>
    %select_n3A_1562 = arith.select %eq3A_1556, %broadcast_in_dim3A_1560, %broadcast_in_dim3A_1561 : vector<1x512xi1>, vector<1x512xf32>
    %add3A_1563 = arith.addf %add3A_1545, %select_n3A_1562 : vector<1x512xf32>
    %slice3A_1564 = vector.extract_strided_slice %convert_element_type3A_1437 {offsets = [6, 0], sizes = [1, 512], strides = [1, 1]} : vector<8x512xf32> to vector<1x512xf32>
    %squeeze3A_1565 = vector.shape_cast %slice3A_1564 : vector<1x512xf32> to vector<512xf32>
    %reduce_sum3A_1566 = vector.shape_cast %squeeze3A_1565 : vector<512xf32> to vector<1x512xf32>
    %reduce_sum3A_1567 = arith.constant dense<0.000000e+00> : vector<1xf32>
    %reduce_sum3A_1568 = vector.multi_reduction <add>, %reduce_sum3A_1566, %reduce_sum3A_1567 [1] : vector<1x512xf32> to vector<1xf32>
    %reduce_sum3A_1569 = vector.shape_cast %reduce_sum3A_1568 : vector<1xf32> to vector<1x1xf32>
    %reduce_sum3A_1570 = vector.extract %reduce_sum3A_1569[0, 0] : f32 from vector<1x1xf32>
    %add3A_1571 = arith.addf %add3A_1401, %reduce_sum3A_1570 : f32
    %eq3A_1572 = arith.constant 7 : i32
    %eq3A_1573 = vector.broadcast %eq3A_1572 : i32 to vector<1x512xi32>
    %eq3A_1574 = arith.cmpi eq, %broadcast_in_dim3A_1432, %eq3A_1573 : vector<1x512xi32>
    %convert_element_type3A_1575 = arith.sitofp %add3A_206 : i32 to f32
    %add3A_1576 = arith.addf %convert_element_type3A_1575, %add3A_1419 : f32
    %jit3A_1577 = arith.constant 0.000000e+00 : f32
    %broadcast_in_dim3A_1578 = vector.broadcast %add3A_1576 : f32 to vector<1x512xf32>
    %broadcast_in_dim3A_1579 = vector.broadcast %jit3A_1577 : f32 to vector<1x512xf32>
    %select_n3A_1580 = arith.select %eq3A_1574, %broadcast_in_dim3A_1578, %broadcast_in_dim3A_1579 : vector<1x512xi1>, vector<1x512xf32>
    %add3A_1581 = arith.addf %add3A_1563, %select_n3A_1580 : vector<1x512xf32>
    %slice3A_1582 = vector.extract_strided_slice %convert_element_type3A_1437 {offsets = [7, 0], sizes = [1, 512], strides = [1, 1]} : vector<8x512xf32> to vector<1x512xf32>
    %squeeze3A_1583 = vector.shape_cast %slice3A_1582 : vector<1x512xf32> to vector<512xf32>
    %reduce_sum3A_1584 = vector.shape_cast %squeeze3A_1583 : vector<512xf32> to vector<1x512xf32>
    %reduce_sum3A_1585 = arith.constant dense<0.000000e+00> : vector<1xf32>
    %reduce_sum3A_1586 = vector.multi_reduction <add>, %reduce_sum3A_1584, %reduce_sum3A_1585 [1] : vector<1x512xf32> to vector<1xf32>
    %reduce_sum3A_1587 = vector.shape_cast %reduce_sum3A_1586 : vector<1xf32> to vector<1x1xf32>
    %reduce_sum3A_1588 = vector.extract %reduce_sum3A_1587[0, 0] : f32 from vector<1x1xf32>
    %add3A_1589 = arith.addf %add3A_1419, %reduce_sum3A_1588 : f32
    %add3A_1590 = arith.addf %add3A_1581, %broadcast_in_dim3A_1443 : vector<1x512xf32>
    %convert_element_type3A_1591 = arith.fptosi %add3A_1590 : vector<1x512xf32> to vector<1x512xi32>
    %squeeze3A_1592 = vector.shape_cast %convert_element_type3A_1591 : vector<1x512xi32> to vector<512xi32>
    %swap3A_1593 = arith.constant 5 : index
    %swap3A_1594 = arith.constant 0 : index
    %swap3A_1595 = vector.load %arg3[%swap3A_1593, %swap3A_1594] : memref<16x512xi32, #tpu.memory_space<vmem>>, vector<1x512xi32>
    %swap3A_1596 = vector.shape_cast %swap3A_1595 : vector<1x512xi32> to vector<512xi32>
    %swap3A_1597 = vector.shape_cast %squeeze3A_1592 : vector<512xi32> to vector<1x512xi32>
    tpu.vector_store %arg3[%swap3A_1593, %swap3A_1594], %swap3A_1597 {strides = array<i32>} : memref<16x512xi32, #tpu.memory_space<vmem>>, vector<1x512xi32>,
    %get3A_1598 = arith.constant 6 : index
    %get3A_1599 = arith.constant 0 : index
    %get3A_1600 = vector.load %arg2[%get3A_1598, %get3A_1599] : memref<16x512xi32, #tpu.memory_space<vmem>>, vector<1x512xi32>
    %get3A_1601 = vector.shape_cast %get3A_1600 : vector<1x512xi32> to vector<512xi32>
    %broadcast_in_dim3A_1602 = vector.shape_cast %get3A_1601 : vector<512xi32> to vector<1x512xi32>
    %broadcast_in_dim3A_1603 = vector.shape_cast %broadcast_in_dim3A_1602 : vector<1x512xi32> to vector<1x512xi32>
    %broadcast_in_dim3A_1604 = vector.broadcast %broadcast_in_dim3A_1603 : vector<1x512xi32> to vector<8x512xi32>
    %eq3A_1605 = arith.cmpi eq, %broadcast_in_dim3A_1604, %iota3A_566 : vector<8x512xi32>
    %convert_element_type3A_1606 = arith.extui %eq3A_1605 : vector<8x512xi1> to vector<8x512xi32>
    %convert_element_type3A_1607 = arith.sitofp %convert_element_type3A_1606 : vector<8x512xi32> to vector<8x512xf32>
    %dot_general3A_1608 = arith.constant dense<0.000000e+00> : vector<8x512xf32>
    %dot_general3A_1609 = tpu.matmul %convert_element_type3A_1607, %convert_element_type3A_565, %dot_general3A_1608 {dimension_numbers = #tpu.dot_dimension_numbers<[1], [0], [0], [1], [0, 0, 1, 1], [], []>, transpose_lhs_hint = false} : vector<8x512xf32>, vector<512x512xf32>, vector<8x512xf32> -> vector<8x512xf32>
    %mul3A_1610 = arith.mulf %dot_general3A_1609, %convert_element_type3A_1607 : vector<8x512xf32>
    %reduce_sum3A_1611 = arith.constant dense<0.000000e+00> : vector<512xf32>
    %reduce_sum3A_1612 = vector.multi_reduction <add>, %mul3A_1610, %reduce_sum3A_1611 [0] : vector<8x512xf32> to vector<512xf32>
    %broadcast_in_dim3A_1613 = vector.shape_cast %reduce_sum3A_1612 : vector<512xf32> to vector<1x512xf32>
    %broadcast_in_dim3A_1614 = arith.constant 0.000000e+00 : f32
    %broadcast_in_dim3A_1615 = vector.broadcast %broadcast_in_dim3A_1614 : f32 to vector<1x512xf32>
    %eq3A_1616 = arith.constant 0 : i32
    %eq3A_1617 = vector.broadcast %eq3A_1616 : i32 to vector<1x512xi32>
    %eq3A_1618 = arith.cmpi eq, %broadcast_in_dim3A_1602, %eq3A_1617 : vector<1x512xi32>
    %add3A_1619 = arith.constant 0.000000e+00 : f32
    %add3A_1620 = arith.addf %add3A_1619, %add3A_1463 : f32
    %jit3A_1621 = arith.constant 0.000000e+00 : f32
    %broadcast_in_dim3A_1622 = vector.broadcast %add3A_1620 : f32 to vector<1x512xf32>
    %broadcast_in_dim3A_1623 = vector.broadcast %jit3A_1621 : f32 to vector<1x512xf32>
    %select_n3A_1624 = arith.select %eq3A_1618, %broadcast_in_dim3A_1622, %broadcast_in_dim3A_1623 : vector<1x512xi1>, vector<1x512xf32>
    %add3A_1625 = arith.addf %broadcast_in_dim3A_1615, %select_n3A_1624 : vector<1x512xf32>
    %slice3A_1626 = vector.extract_strided_slice %convert_element_type3A_1607 {offsets = [0, 0], sizes = [1, 512], strides = [1, 1]} : vector<8x512xf32> to vector<1x512xf32>
    %squeeze3A_1627 = vector.shape_cast %slice3A_1626 : vector<1x512xf32> to vector<512xf32>
    %reduce_sum3A_1628 = vector.shape_cast %squeeze3A_1627 : vector<512xf32> to vector<1x512xf32>
    %reduce_sum3A_1629 = arith.constant dense<0.000000e+00> : vector<1xf32>
    %reduce_sum3A_1630 = vector.multi_reduction <add>, %reduce_sum3A_1628, %reduce_sum3A_1629 [1] : vector<1x512xf32> to vector<1xf32>
    %reduce_sum3A_1631 = vector.shape_cast %reduce_sum3A_1630 : vector<1xf32> to vector<1x1xf32>
    %reduce_sum3A_1632 = vector.extract %reduce_sum3A_1631[0, 0] : f32 from vector<1x1xf32>
    %add3A_1633 = arith.addf %add3A_1463, %reduce_sum3A_1632 : f32
    %eq3A_1634 = arith.constant 1 : i32
    %eq3A_1635 = vector.broadcast %eq3A_1634 : i32 to vector<1x512xi32>
    %eq3A_1636 = arith.cmpi eq, %broadcast_in_dim3A_1602, %eq3A_1635 : vector<1x512xi32>
    %convert_element_type3A_1637 = arith.sitofp %add3A_20 : i32 to f32
    %add3A_1638 = arith.addf %convert_element_type3A_1637, %add3A_1481 : f32
    %jit3A_1639 = arith.constant 0.000000e+00 : f32
    %broadcast_in_dim3A_1640 = vector.broadcast %add3A_1638 : f32 to vector<1x512xf32>
    %broadcast_in_dim3A_1641 = vector.broadcast %jit3A_1639 : f32 to vector<1x512xf32>
    %select_n3A_1642 = arith.select %eq3A_1636, %broadcast_in_dim3A_1640, %broadcast_in_dim3A_1641 : vector<1x512xi1>, vector<1x512xf32>
    %add3A_1643 = arith.addf %add3A_1625, %select_n3A_1642 : vector<1x512xf32>
    %slice3A_1644 = vector.extract_strided_slice %convert_element_type3A_1607 {offsets = [1, 0], sizes = [1, 512], strides = [1, 1]} : vector<8x512xf32> to vector<1x512xf32>
    %squeeze3A_1645 = vector.shape_cast %slice3A_1644 : vector<1x512xf32> to vector<512xf32>
    %reduce_sum3A_1646 = vector.shape_cast %squeeze3A_1645 : vector<512xf32> to vector<1x512xf32>
    %reduce_sum3A_1647 = arith.constant dense<0.000000e+00> : vector<1xf32>
    %reduce_sum3A_1648 = vector.multi_reduction <add>, %reduce_sum3A_1646, %reduce_sum3A_1647 [1] : vector<1x512xf32> to vector<1xf32>
    %reduce_sum3A_1649 = vector.shape_cast %reduce_sum3A_1648 : vector<1xf32> to vector<1x1xf32>
    %reduce_sum3A_1650 = vector.extract %reduce_sum3A_1649[0, 0] : f32 from vector<1x1xf32>
    %add3A_1651 = arith.addf %add3A_1481, %reduce_sum3A_1650 : f32
    %eq3A_1652 = arith.constant 2 : i32
    %eq3A_1653 = vector.broadcast %eq3A_1652 : i32 to vector<1x512xi32>
    %eq3A_1654 = arith.cmpi eq, %broadcast_in_dim3A_1602, %eq3A_1653 : vector<1x512xi32>
    %convert_element_type3A_1655 = arith.sitofp %add3A_51 : i32 to f32
    %add3A_1656 = arith.addf %convert_element_type3A_1655, %add3A_1499 : f32
    %jit3A_1657 = arith.constant 0.000000e+00 : f32
    %broadcast_in_dim3A_1658 = vector.broadcast %add3A_1656 : f32 to vector<1x512xf32>
    %broadcast_in_dim3A_1659 = vector.broadcast %jit3A_1657 : f32 to vector<1x512xf32>
    %select_n3A_1660 = arith.select %eq3A_1654, %broadcast_in_dim3A_1658, %broadcast_in_dim3A_1659 : vector<1x512xi1>, vector<1x512xf32>
    %add3A_1661 = arith.addf %add3A_1643, %select_n3A_1660 : vector<1x512xf32>
    %slice3A_1662 = vector.extract_strided_slice %convert_element_type3A_1607 {offsets = [2, 0], sizes = [1, 512], strides = [1, 1]} : vector<8x512xf32> to vector<1x512xf32>
    %squeeze3A_1663 = vector.shape_cast %slice3A_1662 : vector<1x512xf32> to vector<512xf32>
    %reduce_sum3A_1664 = vector.shape_cast %squeeze3A_1663 : vector<512xf32> to vector<1x512xf32>
    %reduce_sum3A_1665 = arith.constant dense<0.000000e+00> : vector<1xf32>
    %reduce_sum3A_1666 = vector.multi_reduction <add>, %reduce_sum3A_1664, %reduce_sum3A_1665 [1] : vector<1x512xf32> to vector<1xf32>
    %reduce_sum3A_1667 = vector.shape_cast %reduce_sum3A_1666 : vector<1xf32> to vector<1x1xf32>
    %reduce_sum3A_1668 = vector.extract %reduce_sum3A_1667[0, 0] : f32 from vector<1x1xf32>
    %add3A_1669 = arith.addf %add3A_1499, %reduce_sum3A_1668 : f32
    %eq3A_1670 = arith.constant 3 : i32
    %eq3A_1671 = vector.broadcast %eq3A_1670 : i32 to vector<1x512xi32>
    %eq3A_1672 = arith.cmpi eq, %broadcast_in_dim3A_1602, %eq3A_1671 : vector<1x512xi32>
    %convert_element_type3A_1673 = arith.sitofp %add3A_82 : i32 to f32
    %add3A_1674 = arith.addf %convert_element_type3A_1673, %add3A_1517 : f32
    %jit3A_1675 = arith.constant 0.000000e+00 : f32
    %broadcast_in_dim3A_1676 = vector.broadcast %add3A_1674 : f32 to vector<1x512xf32>
    %broadcast_in_dim3A_1677 = vector.broadcast %jit3A_1675 : f32 to vector<1x512xf32>
    %select_n3A_1678 = arith.select %eq3A_1672, %broadcast_in_dim3A_1676, %broadcast_in_dim3A_1677 : vector<1x512xi1>, vector<1x512xf32>
    %add3A_1679 = arith.addf %add3A_1661, %select_n3A_1678 : vector<1x512xf32>
    %slice3A_1680 = vector.extract_strided_slice %convert_element_type3A_1607 {offsets = [3, 0], sizes = [1, 512], strides = [1, 1]} : vector<8x512xf32> to vector<1x512xf32>
    %squeeze3A_1681 = vector.shape_cast %slice3A_1680 : vector<1x512xf32> to vector<512xf32>
    %reduce_sum3A_1682 = vector.shape_cast %squeeze3A_1681 : vector<512xf32> to vector<1x512xf32>
    %reduce_sum3A_1683 = arith.constant dense<0.000000e+00> : vector<1xf32>
    %reduce_sum3A_1684 = vector.multi_reduction <add>, %reduce_sum3A_1682, %reduce_sum3A_1683 [1] : vector<1x512xf32> to vector<1xf32>
    %reduce_sum3A_1685 = vector.shape_cast %reduce_sum3A_1684 : vector<1xf32> to vector<1x1xf32>
    %reduce_sum3A_1686 = vector.extract %reduce_sum3A_1685[0, 0] : f32 from vector<1x1xf32>
    %add3A_1687 = arith.addf %add3A_1517, %reduce_sum3A_1686 : f32
    %eq3A_1688 = arith.constant 4 : i32
    %eq3A_1689 = vector.broadcast %eq3A_1688 : i32 to vector<1x512xi32>
    %eq3A_1690 = arith.cmpi eq, %broadcast_in_dim3A_1602, %eq3A_1689 : vector<1x512xi32>
    %convert_element_type3A_1691 = arith.sitofp %add3A_113 : i32 to f32
    %add3A_1692 = arith.addf %convert_element_type3A_1691, %add3A_1535 : f32
    %jit3A_1693 = arith.constant 0.000000e+00 : f32
    %broadcast_in_dim3A_1694 = vector.broadcast %add3A_1692 : f32 to vector<1x512xf32>
    %broadcast_in_dim3A_1695 = vector.broadcast %jit3A_1693 : f32 to vector<1x512xf32>
    %select_n3A_1696 = arith.select %eq3A_1690, %broadcast_in_dim3A_1694, %broadcast_in_dim3A_1695 : vector<1x512xi1>, vector<1x512xf32>
    %add3A_1697 = arith.addf %add3A_1679, %select_n3A_1696 : vector<1x512xf32>
    %slice3A_1698 = vector.extract_strided_slice %convert_element_type3A_1607 {offsets = [4, 0], sizes = [1, 512], strides = [1, 1]} : vector<8x512xf32> to vector<1x512xf32>
    %squeeze3A_1699 = vector.shape_cast %slice3A_1698 : vector<1x512xf32> to vector<512xf32>
    %reduce_sum3A_1700 = vector.shape_cast %squeeze3A_1699 : vector<512xf32> to vector<1x512xf32>
    %reduce_sum3A_1701 = arith.constant dense<0.000000e+00> : vector<1xf32>
    %reduce_sum3A_1702 = vector.multi_reduction <add>, %reduce_sum3A_1700, %reduce_sum3A_1701 [1] : vector<1x512xf32> to vector<1xf32>
    %reduce_sum3A_1703 = vector.shape_cast %reduce_sum3A_1702 : vector<1xf32> to vector<1x1xf32>
    %reduce_sum3A_1704 = vector.extract %reduce_sum3A_1703[0, 0] : f32 from vector<1x1xf32>
    %add3A_1705 = arith.addf %add3A_1535, %reduce_sum3A_1704 : f32
    %eq3A_1706 = arith.constant 5 : i32
    %eq3A_1707 = vector.broadcast %eq3A_1706 : i32 to vector<1x512xi32>
    %eq3A_1708 = arith.cmpi eq, %broadcast_in_dim3A_1602, %eq3A_1707 : vector<1x512xi32>
    %convert_element_type3A_1709 = arith.sitofp %add3A_144 : i32 to f32
    %add3A_1710 = arith.addf %convert_element_type3A_1709, %add3A_1553 : f32
    %jit3A_1711 = arith.constant 0.000000e+00 : f32
    %broadcast_in_dim3A_1712 = vector.broadcast %add3A_1710 : f32 to vector<1x512xf32>
    %broadcast_in_dim3A_1713 = vector.broadcast %jit3A_1711 : f32 to vector<1x512xf32>
    %select_n3A_1714 = arith.select %eq3A_1708, %broadcast_in_dim3A_1712, %broadcast_in_dim3A_1713 : vector<1x512xi1>, vector<1x512xf32>
    %add3A_1715 = arith.addf %add3A_1697, %select_n3A_1714 : vector<1x512xf32>
    %slice3A_1716 = vector.extract_strided_slice %convert_element_type3A_1607 {offsets = [5, 0], sizes = [1, 512], strides = [1, 1]} : vector<8x512xf32> to vector<1x512xf32>
    %squeeze3A_1717 = vector.shape_cast %slice3A_1716 : vector<1x512xf32> to vector<512xf32>
    %reduce_sum3A_1718 = vector.shape_cast %squeeze3A_1717 : vector<512xf32> to vector<1x512xf32>
    %reduce_sum3A_1719 = arith.constant dense<0.000000e+00> : vector<1xf32>
    %reduce_sum3A_1720 = vector.multi_reduction <add>, %reduce_sum3A_1718, %reduce_sum3A_1719 [1] : vector<1x512xf32> to vector<1xf32>
    %reduce_sum3A_1721 = vector.shape_cast %reduce_sum3A_1720 : vector<1xf32> to vector<1x1xf32>
    %reduce_sum3A_1722 = vector.extract %reduce_sum3A_1721[0, 0] : f32 from vector<1x1xf32>
    %add3A_1723 = arith.addf %add3A_1553, %reduce_sum3A_1722 : f32
    %eq3A_1724 = arith.constant 6 : i32
    %eq3A_1725 = vector.broadcast %eq3A_1724 : i32 to vector<1x512xi32>
    %eq3A_1726 = arith.cmpi eq, %broadcast_in_dim3A_1602, %eq3A_1725 : vector<1x512xi32>
    %convert_element_type3A_1727 = arith.sitofp %add3A_175 : i32 to f32
    %add3A_1728 = arith.addf %convert_element_type3A_1727, %add3A_1571 : f32
    %jit3A_1729 = arith.constant 0.000000e+00 : f32
    %broadcast_in_dim3A_1730 = vector.broadcast %add3A_1728 : f32 to vector<1x512xf32>
    %broadcast_in_dim3A_1731 = vector.broadcast %jit3A_1729 : f32 to vector<1x512xf32>
    %select_n3A_1732 = arith.select %eq3A_1726, %broadcast_in_dim3A_1730, %broadcast_in_dim3A_1731 : vector<1x512xi1>, vector<1x512xf32>
    %add3A_1733 = arith.addf %add3A_1715, %select_n3A_1732 : vector<1x512xf32>
    %slice3A_1734 = vector.extract_strided_slice %convert_element_type3A_1607 {offsets = [6, 0], sizes = [1, 512], strides = [1, 1]} : vector<8x512xf32> to vector<1x512xf32>
    %squeeze3A_1735 = vector.shape_cast %slice3A_1734 : vector<1x512xf32> to vector<512xf32>
    %reduce_sum3A_1736 = vector.shape_cast %squeeze3A_1735 : vector<512xf32> to vector<1x512xf32>
    %reduce_sum3A_1737 = arith.constant dense<0.000000e+00> : vector<1xf32>
    %reduce_sum3A_1738 = vector.multi_reduction <add>, %reduce_sum3A_1736, %reduce_sum3A_1737 [1] : vector<1x512xf32> to vector<1xf32>
    %reduce_sum3A_1739 = vector.shape_cast %reduce_sum3A_1738 : vector<1xf32> to vector<1x1xf32>
    %reduce_sum3A_1740 = vector.extract %reduce_sum3A_1739[0, 0] : f32 from vector<1x1xf32>
    %add3A_1741 = arith.addf %add3A_1571, %reduce_sum3A_1740 : f32
    %eq3A_1742 = arith.constant 7 : i32
    %eq3A_1743 = vector.broadcast %eq3A_1742 : i32 to vector<1x512xi32>
    %eq3A_1744 = arith.cmpi eq, %broadcast_in_dim3A_1602, %eq3A_1743 : vector<1x512xi32>
    %convert_element_type3A_1745 = arith.sitofp %add3A_206 : i32 to f32
    %add3A_1746 = arith.addf %convert_element_type3A_1745, %add3A_1589 : f32
    %jit3A_1747 = arith.constant 0.000000e+00 : f32
    %broadcast_in_dim3A_1748 = vector.broadcast %add3A_1746 : f32 to vector<1x512xf32>
    %broadcast_in_dim3A_1749 = vector.broadcast %jit3A_1747 : f32 to vector<1x512xf32>
    %select_n3A_1750 = arith.select %eq3A_1744, %broadcast_in_dim3A_1748, %broadcast_in_dim3A_1749 : vector<1x512xi1>, vector<1x512xf32>
    %add3A_1751 = arith.addf %add3A_1733, %select_n3A_1750 : vector<1x512xf32>
    %slice3A_1752 = vector.extract_strided_slice %convert_element_type3A_1607 {offsets = [7, 0], sizes = [1, 512], strides = [1, 1]} : vector<8x512xf32> to vector<1x512xf32>
    %squeeze3A_1753 = vector.shape_cast %slice3A_1752 : vector<1x512xf32> to vector<512xf32>
    %reduce_sum3A_1754 = vector.shape_cast %squeeze3A_1753 : vector<512xf32> to vector<1x512xf32>
    %reduce_sum3A_1755 = arith.constant dense<0.000000e+00> : vector<1xf32>
    %reduce_sum3A_1756 = vector.multi_reduction <add>, %reduce_sum3A_1754, %reduce_sum3A_1755 [1] : vector<1x512xf32> to vector<1xf32>
    %reduce_sum3A_1757 = vector.shape_cast %reduce_sum3A_1756 : vector<1xf32> to vector<1x1xf32>
    %reduce_sum3A_1758 = vector.extract %reduce_sum3A_1757[0, 0] : f32 from vector<1x1xf32>
    %add3A_1759 = arith.addf %add3A_1589, %reduce_sum3A_1758 : f32
    %add3A_1760 = arith.addf %add3A_1751, %broadcast_in_dim3A_1613 : vector<1x512xf32>
    %convert_element_type3A_1761 = arith.fptosi %add3A_1760 : vector<1x512xf32> to vector<1x512xi32>
    %squeeze3A_1762 = vector.shape_cast %convert_element_type3A_1761 : vector<1x512xi32> to vector<512xi32>
    %swap3A_1763 = arith.constant 6 : index
    %swap3A_1764 = arith.constant 0 : index
    %swap3A_1765 = vector.load %arg3[%swap3A_1763, %swap3A_1764] : memref<16x512xi32, #tpu.memory_space<vmem>>, vector<1x512xi32>
    %swap3A_1766 = vector.shape_cast %swap3A_1765 : vector<1x512xi32> to vector<512xi32>
    %swap3A_1767 = vector.shape_cast %squeeze3A_1762 : vector<512xi32> to vector<1x512xi32>
    tpu.vector_store %arg3[%swap3A_1763, %swap3A_1764], %swap3A_1767 {strides = array<i32>} : memref<16x512xi32, #tpu.memory_space<vmem>>, vector<1x512xi32>,
    %get3A_1768 = arith.constant 7 : index
    %get3A_1769 = arith.constant 0 : index
    %get3A_1770 = vector.load %arg2[%get3A_1768, %get3A_1769] : memref<16x512xi32, #tpu.memory_space<vmem>>, vector<1x512xi32>
    %get3A_1771 = vector.shape_cast %get3A_1770 : vector<1x512xi32> to vector<512xi32>
    %broadcast_in_dim3A_1772 = vector.shape_cast %get3A_1771 : vector<512xi32> to vector<1x512xi32>
    %broadcast_in_dim3A_1773 = vector.shape_cast %broadcast_in_dim3A_1772 : vector<1x512xi32> to vector<1x512xi32>
    %broadcast_in_dim3A_1774 = vector.broadcast %broadcast_in_dim3A_1773 : vector<1x512xi32> to vector<8x512xi32>
    %eq3A_1775 = arith.cmpi eq, %broadcast_in_dim3A_1774, %iota3A_566 : vector<8x512xi32>
    %convert_element_type3A_1776 = arith.extui %eq3A_1775 : vector<8x512xi1> to vector<8x512xi32>
    %convert_element_type3A_1777 = arith.sitofp %convert_element_type3A_1776 : vector<8x512xi32> to vector<8x512xf32>
    %dot_general3A_1778 = arith.constant dense<0.000000e+00> : vector<8x512xf32>
    %dot_general3A_1779 = tpu.matmul %convert_element_type3A_1777, %convert_element_type3A_565, %dot_general3A_1778 {dimension_numbers = #tpu.dot_dimension_numbers<[1], [0], [0], [1], [0, 0, 1, 1], [], []>, transpose_lhs_hint = false} : vector<8x512xf32>, vector<512x512xf32>, vector<8x512xf32> -> vector<8x512xf32>
    %mul3A_1780 = arith.mulf %dot_general3A_1779, %convert_element_type3A_1777 : vector<8x512xf32>
    %reduce_sum3A_1781 = arith.constant dense<0.000000e+00> : vector<512xf32>
    %reduce_sum3A_1782 = vector.multi_reduction <add>, %mul3A_1780, %reduce_sum3A_1781 [0] : vector<8x512xf32> to vector<512xf32>
    %broadcast_in_dim3A_1783 = vector.shape_cast %reduce_sum3A_1782 : vector<512xf32> to vector<1x512xf32>
    %broadcast_in_dim3A_1784 = arith.constant 0.000000e+00 : f32
    %broadcast_in_dim3A_1785 = vector.broadcast %broadcast_in_dim3A_1784 : f32 to vector<1x512xf32>
    %eq3A_1786 = arith.constant 0 : i32
    %eq3A_1787 = vector.broadcast %eq3A_1786 : i32 to vector<1x512xi32>
    %eq3A_1788 = arith.cmpi eq, %broadcast_in_dim3A_1772, %eq3A_1787 : vector<1x512xi32>
    %add3A_1789 = arith.constant 0.000000e+00 : f32
    %add3A_1790 = arith.addf %add3A_1789, %add3A_1633 : f32
    %jit3A_1791 = arith.constant 0.000000e+00 : f32
    %broadcast_in_dim3A_1792 = vector.broadcast %add3A_1790 : f32 to vector<1x512xf32>
    %broadcast_in_dim3A_1793 = vector.broadcast %jit3A_1791 : f32 to vector<1x512xf32>
    %select_n3A_1794 = arith.select %eq3A_1788, %broadcast_in_dim3A_1792, %broadcast_in_dim3A_1793 : vector<1x512xi1>, vector<1x512xf32>
    %add3A_1795 = arith.addf %broadcast_in_dim3A_1785, %select_n3A_1794 : vector<1x512xf32>
    %slice3A_1796 = vector.extract_strided_slice %convert_element_type3A_1777 {offsets = [0, 0], sizes = [1, 512], strides = [1, 1]} : vector<8x512xf32> to vector<1x512xf32>
    %squeeze3A_1797 = vector.shape_cast %slice3A_1796 : vector<1x512xf32> to vector<512xf32>
    %reduce_sum3A_1798 = vector.shape_cast %squeeze3A_1797 : vector<512xf32> to vector<1x512xf32>
    %reduce_sum3A_1799 = arith.constant dense<0.000000e+00> : vector<1xf32>
    %reduce_sum3A_1800 = vector.multi_reduction <add>, %reduce_sum3A_1798, %reduce_sum3A_1799 [1] : vector<1x512xf32> to vector<1xf32>
    %reduce_sum3A_1801 = vector.shape_cast %reduce_sum3A_1800 : vector<1xf32> to vector<1x1xf32>
    %reduce_sum3A_1802 = vector.extract %reduce_sum3A_1801[0, 0] : f32 from vector<1x1xf32>
    %add3A_1803 = arith.addf %add3A_1633, %reduce_sum3A_1802 : f32
    %eq3A_1804 = arith.constant 1 : i32
    %eq3A_1805 = vector.broadcast %eq3A_1804 : i32 to vector<1x512xi32>
    %eq3A_1806 = arith.cmpi eq, %broadcast_in_dim3A_1772, %eq3A_1805 : vector<1x512xi32>
    %convert_element_type3A_1807 = arith.sitofp %add3A_20 : i32 to f32
    %add3A_1808 = arith.addf %convert_element_type3A_1807, %add3A_1651 : f32
    %jit3A_1809 = arith.constant 0.000000e+00 : f32
    %broadcast_in_dim3A_1810 = vector.broadcast %add3A_1808 : f32 to vector<1x512xf32>
    %broadcast_in_dim3A_1811 = vector.broadcast %jit3A_1809 : f32 to vector<1x512xf32>
    %select_n3A_1812 = arith.select %eq3A_1806, %broadcast_in_dim3A_1810, %broadcast_in_dim3A_1811 : vector<1x512xi1>, vector<1x512xf32>
    %add3A_1813 = arith.addf %add3A_1795, %select_n3A_1812 : vector<1x512xf32>
    %slice3A_1814 = vector.extract_strided_slice %convert_element_type3A_1777 {offsets = [1, 0], sizes = [1, 512], strides = [1, 1]} : vector<8x512xf32> to vector<1x512xf32>
    %squeeze3A_1815 = vector.shape_cast %slice3A_1814 : vector<1x512xf32> to vector<512xf32>
    %reduce_sum3A_1816 = vector.shape_cast %squeeze3A_1815 : vector<512xf32> to vector<1x512xf32>
    %reduce_sum3A_1817 = arith.constant dense<0.000000e+00> : vector<1xf32>
    %reduce_sum3A_1818 = vector.multi_reduction <add>, %reduce_sum3A_1816, %reduce_sum3A_1817 [1] : vector<1x512xf32> to vector<1xf32>
    %reduce_sum3A_1819 = vector.shape_cast %reduce_sum3A_1818 : vector<1xf32> to vector<1x1xf32>
    %reduce_sum3A_1820 = vector.extract %reduce_sum3A_1819[0, 0] : f32 from vector<1x1xf32>
    %add3A_1821 = arith.addf %add3A_1651, %reduce_sum3A_1820 : f32
    %eq3A_1822 = arith.constant 2 : i32
    %eq3A_1823 = vector.broadcast %eq3A_1822 : i32 to vector<1x512xi32>
    %eq3A_1824 = arith.cmpi eq, %broadcast_in_dim3A_1772, %eq3A_1823 : vector<1x512xi32>
    %convert_element_type3A_1825 = arith.sitofp %add3A_51 : i32 to f32
    %add3A_1826 = arith.addf %convert_element_type3A_1825, %add3A_1669 : f32
    %jit3A_1827 = arith.constant 0.000000e+00 : f32
    %broadcast_in_dim3A_1828 = vector.broadcast %add3A_1826 : f32 to vector<1x512xf32>
    %broadcast_in_dim3A_1829 = vector.broadcast %jit3A_1827 : f32 to vector<1x512xf32>
    %select_n3A_1830 = arith.select %eq3A_1824, %broadcast_in_dim3A_1828, %broadcast_in_dim3A_1829 : vector<1x512xi1>, vector<1x512xf32>
    %add3A_1831 = arith.addf %add3A_1813, %select_n3A_1830 : vector<1x512xf32>
    %slice3A_1832 = vector.extract_strided_slice %convert_element_type3A_1777 {offsets = [2, 0], sizes = [1, 512], strides = [1, 1]} : vector<8x512xf32> to vector<1x512xf32>
    %squeeze3A_1833 = vector.shape_cast %slice3A_1832 : vector<1x512xf32> to vector<512xf32>
    %reduce_sum3A_1834 = vector.shape_cast %squeeze3A_1833 : vector<512xf32> to vector<1x512xf32>
    %reduce_sum3A_1835 = arith.constant dense<0.000000e+00> : vector<1xf32>
    %reduce_sum3A_1836 = vector.multi_reduction <add>, %reduce_sum3A_1834, %reduce_sum3A_1835 [1] : vector<1x512xf32> to vector<1xf32>
    %reduce_sum3A_1837 = vector.shape_cast %reduce_sum3A_1836 : vector<1xf32> to vector<1x1xf32>
    %reduce_sum3A_1838 = vector.extract %reduce_sum3A_1837[0, 0] : f32 from vector<1x1xf32>
    %add3A_1839 = arith.addf %add3A_1669, %reduce_sum3A_1838 : f32
    %eq3A_1840 = arith.constant 3 : i32
    %eq3A_1841 = vector.broadcast %eq3A_1840 : i32 to vector<1x512xi32>
    %eq3A_1842 = arith.cmpi eq, %broadcast_in_dim3A_1772, %eq3A_1841 : vector<1x512xi32>
    %convert_element_type3A_1843 = arith.sitofp %add3A_82 : i32 to f32
    %add3A_1844 = arith.addf %convert_element_type3A_1843, %add3A_1687 : f32
    %jit3A_1845 = arith.constant 0.000000e+00 : f32
    %broadcast_in_dim3A_1846 = vector.broadcast %add3A_1844 : f32 to vector<1x512xf32>
    %broadcast_in_dim3A_1847 = vector.broadcast %jit3A_1845 : f32 to vector<1x512xf32>
    %select_n3A_1848 = arith.select %eq3A_1842, %broadcast_in_dim3A_1846, %broadcast_in_dim3A_1847 : vector<1x512xi1>, vector<1x512xf32>
    %add3A_1849 = arith.addf %add3A_1831, %select_n3A_1848 : vector<1x512xf32>
    %slice3A_1850 = vector.extract_strided_slice %convert_element_type3A_1777 {offsets = [3, 0], sizes = [1, 512], strides = [1, 1]} : vector<8x512xf32> to vector<1x512xf32>
    %squeeze3A_1851 = vector.shape_cast %slice3A_1850 : vector<1x512xf32> to vector<512xf32>
    %reduce_sum3A_1852 = vector.shape_cast %squeeze3A_1851 : vector<512xf32> to vector<1x512xf32>
    %reduce_sum3A_1853 = arith.constant dense<0.000000e+00> : vector<1xf32>
    %reduce_sum3A_1854 = vector.multi_reduction <add>, %reduce_sum3A_1852, %reduce_sum3A_1853 [1] : vector<1x512xf32> to vector<1xf32>
    %reduce_sum3A_1855 = vector.shape_cast %reduce_sum3A_1854 : vector<1xf32> to vector<1x1xf32>
    %reduce_sum3A_1856 = vector.extract %reduce_sum3A_1855[0, 0] : f32 from vector<1x1xf32>
    %add3A_1857 = arith.addf %add3A_1687, %reduce_sum3A_1856 : f32
    %eq3A_1858 = arith.constant 4 : i32
    %eq3A_1859 = vector.broadcast %eq3A_1858 : i32 to vector<1x512xi32>
    %eq3A_1860 = arith.cmpi eq, %broadcast_in_dim3A_1772, %eq3A_1859 : vector<1x512xi32>
    %convert_element_type3A_1861 = arith.sitofp %add3A_113 : i32 to f32
    %add3A_1862 = arith.addf %convert_element_type3A_1861, %add3A_1705 : f32
    %jit3A_1863 = arith.constant 0.000000e+00 : f32
    %broadcast_in_dim3A_1864 = vector.broadcast %add3A_1862 : f32 to vector<1x512xf32>
    %broadcast_in_dim3A_1865 = vector.broadcast %jit3A_1863 : f32 to vector<1x512xf32>
    %select_n3A_1866 = arith.select %eq3A_1860, %broadcast_in_dim3A_1864, %broadcast_in_dim3A_1865 : vector<1x512xi1>, vector<1x512xf32>
    %add3A_1867 = arith.addf %add3A_1849, %select_n3A_1866 : vector<1x512xf32>
    %slice3A_1868 = vector.extract_strided_slice %convert_element_type3A_1777 {offsets = [4, 0], sizes = [1, 512], strides = [1, 1]} : vector<8x512xf32> to vector<1x512xf32>
    %squeeze3A_1869 = vector.shape_cast %slice3A_1868 : vector<1x512xf32> to vector<512xf32>
    %reduce_sum3A_1870 = vector.shape_cast %squeeze3A_1869 : vector<512xf32> to vector<1x512xf32>
    %reduce_sum3A_1871 = arith.constant dense<0.000000e+00> : vector<1xf32>
    %reduce_sum3A_1872 = vector.multi_reduction <add>, %reduce_sum3A_1870, %reduce_sum3A_1871 [1] : vector<1x512xf32> to vector<1xf32>
    %reduce_sum3A_1873 = vector.shape_cast %reduce_sum3A_1872 : vector<1xf32> to vector<1x1xf32>
    %reduce_sum3A_1874 = vector.extract %reduce_sum3A_1873[0, 0] : f32 from vector<1x1xf32>
    %add3A_1875 = arith.addf %add3A_1705, %reduce_sum3A_1874 : f32
    %eq3A_1876 = arith.constant 5 : i32
    %eq3A_1877 = vector.broadcast %eq3A_1876 : i32 to vector<1x512xi32>
    %eq3A_1878 = arith.cmpi eq, %broadcast_in_dim3A_1772, %eq3A_1877 : vector<1x512xi32>
    %convert_element_type3A_1879 = arith.sitofp %add3A_144 : i32 to f32
    %add3A_1880 = arith.addf %convert_element_type3A_1879, %add3A_1723 : f32
    %jit3A_1881 = arith.constant 0.000000e+00 : f32
    %broadcast_in_dim3A_1882 = vector.broadcast %add3A_1880 : f32 to vector<1x512xf32>
    %broadcast_in_dim3A_1883 = vector.broadcast %jit3A_1881 : f32 to vector<1x512xf32>
    %select_n3A_1884 = arith.select %eq3A_1878, %broadcast_in_dim3A_1882, %broadcast_in_dim3A_1883 : vector<1x512xi1>, vector<1x512xf32>
    %add3A_1885 = arith.addf %add3A_1867, %select_n3A_1884 : vector<1x512xf32>
    %slice3A_1886 = vector.extract_strided_slice %convert_element_type3A_1777 {offsets = [5, 0], sizes = [1, 512], strides = [1, 1]} : vector<8x512xf32> to vector<1x512xf32>
    %squeeze3A_1887 = vector.shape_cast %slice3A_1886 : vector<1x512xf32> to vector<512xf32>
    %reduce_sum3A_1888 = vector.shape_cast %squeeze3A_1887 : vector<512xf32> to vector<1x512xf32>
    %reduce_sum3A_1889 = arith.constant dense<0.000000e+00> : vector<1xf32>
    %reduce_sum3A_1890 = vector.multi_reduction <add>, %reduce_sum3A_1888, %reduce_sum3A_1889 [1] : vector<1x512xf32> to vector<1xf32>
    %reduce_sum3A_1891 = vector.shape_cast %reduce_sum3A_1890 : vector<1xf32> to vector<1x1xf32>
    %reduce_sum3A_1892 = vector.extract %reduce_sum3A_1891[0, 0] : f32 from vector<1x1xf32>
    %add3A_1893 = arith.addf %add3A_1723, %reduce_sum3A_1892 : f32
    %eq3A_1894 = arith.constant 6 : i32
    %eq3A_1895 = vector.broadcast %eq3A_1894 : i32 to vector<1x512xi32>
    %eq3A_1896 = arith.cmpi eq, %broadcast_in_dim3A_1772, %eq3A_1895 : vector<1x512xi32>
    %convert_element_type3A_1897 = arith.sitofp %add3A_175 : i32 to f32
    %add3A_1898 = arith.addf %convert_element_type3A_1897, %add3A_1741 : f32
    %jit3A_1899 = arith.constant 0.000000e+00 : f32
    %broadcast_in_dim3A_1900 = vector.broadcast %add3A_1898 : f32 to vector<1x512xf32>
    %broadcast_in_dim3A_1901 = vector.broadcast %jit3A_1899 : f32 to vector<1x512xf32>
    %select_n3A_1902 = arith.select %eq3A_1896, %broadcast_in_dim3A_1900, %broadcast_in_dim3A_1901 : vector<1x512xi1>, vector<1x512xf32>
    %add3A_1903 = arith.addf %add3A_1885, %select_n3A_1902 : vector<1x512xf32>
    %slice3A_1904 = vector.extract_strided_slice %convert_element_type3A_1777 {offsets = [6, 0], sizes = [1, 512], strides = [1, 1]} : vector<8x512xf32> to vector<1x512xf32>
    %squeeze3A_1905 = vector.shape_cast %slice3A_1904 : vector<1x512xf32> to vector<512xf32>
    %reduce_sum3A_1906 = vector.shape_cast %squeeze3A_1905 : vector<512xf32> to vector<1x512xf32>
    %reduce_sum3A_1907 = arith.constant dense<0.000000e+00> : vector<1xf32>
    %reduce_sum3A_1908 = vector.multi_reduction <add>, %reduce_sum3A_1906, %reduce_sum3A_1907 [1] : vector<1x512xf32> to vector<1xf32>
    %reduce_sum3A_1909 = vector.shape_cast %reduce_sum3A_1908 : vector<1xf32> to vector<1x1xf32>
    %reduce_sum3A_1910 = vector.extract %reduce_sum3A_1909[0, 0] : f32 from vector<1x1xf32>
    %add3A_1911 = arith.addf %add3A_1741, %reduce_sum3A_1910 : f32
    %eq3A_1912 = arith.constant 7 : i32
    %eq3A_1913 = vector.broadcast %eq3A_1912 : i32 to vector<1x512xi32>
    %eq3A_1914 = arith.cmpi eq, %broadcast_in_dim3A_1772, %eq3A_1913 : vector<1x512xi32>
    %convert_element_type3A_1915 = arith.sitofp %add3A_206 : i32 to f32
    %add3A_1916 = arith.addf %convert_element_type3A_1915, %add3A_1759 : f32
    %jit3A_1917 = arith.constant 0.000000e+00 : f32
    %broadcast_in_dim3A_1918 = vector.broadcast %add3A_1916 : f32 to vector<1x512xf32>
    %broadcast_in_dim3A_1919 = vector.broadcast %jit3A_1917 : f32 to vector<1x512xf32>
    %select_n3A_1920 = arith.select %eq3A_1914, %broadcast_in_dim3A_1918, %broadcast_in_dim3A_1919 : vector<1x512xi1>, vector<1x512xf32>
    %add3A_1921 = arith.addf %add3A_1903, %select_n3A_1920 : vector<1x512xf32>
    %slice3A_1922 = vector.extract_strided_slice %convert_element_type3A_1777 {offsets = [7, 0], sizes = [1, 512], strides = [1, 1]} : vector<8x512xf32> to vector<1x512xf32>
    %squeeze3A_1923 = vector.shape_cast %slice3A_1922 : vector<1x512xf32> to vector<512xf32>
    %reduce_sum3A_1924 = vector.shape_cast %squeeze3A_1923 : vector<512xf32> to vector<1x512xf32>
    %reduce_sum3A_1925 = arith.constant dense<0.000000e+00> : vector<1xf32>
    %reduce_sum3A_1926 = vector.multi_reduction <add>, %reduce_sum3A_1924, %reduce_sum3A_1925 [1] : vector<1x512xf32> to vector<1xf32>
    %reduce_sum3A_1927 = vector.shape_cast %reduce_sum3A_1926 : vector<1xf32> to vector<1x1xf32>
    %reduce_sum3A_1928 = vector.extract %reduce_sum3A_1927[0, 0] : f32 from vector<1x1xf32>
    %add3A_1929 = arith.addf %add3A_1759, %reduce_sum3A_1928 : f32
    %add3A_1930 = arith.addf %add3A_1921, %broadcast_in_dim3A_1783 : vector<1x512xf32>
    %convert_element_type3A_1931 = arith.fptosi %add3A_1930 : vector<1x512xf32> to vector<1x512xi32>
    %squeeze3A_1932 = vector.shape_cast %convert_element_type3A_1931 : vector<1x512xi32> to vector<512xi32>
    %swap3A_1933 = arith.constant 7 : index
    %swap3A_1934 = arith.constant 0 : index
    %swap3A_1935 = vector.load %arg3[%swap3A_1933, %swap3A_1934] : memref<16x512xi32, #tpu.memory_space<vmem>>, vector<1x512xi32>
    %swap3A_1936 = vector.shape_cast %swap3A_1935 : vector<1x512xi32> to vector<512xi32>
    %swap3A_1937 = vector.shape_cast %squeeze3A_1932 : vector<512xi32> to vector<1x512xi32>
    tpu.vector_store %arg3[%swap3A_1933, %swap3A_1934], %swap3A_1937 {strides = array<i32>} : memref<16x512xi32, #tpu.memory_space<vmem>>, vector<1x512xi32>,
    %get3A_1938 = arith.constant 8 : index
    %get3A_1939 = arith.constant 0 : index
    %get3A_1940 = vector.load %arg2[%get3A_1938, %get3A_1939] : memref<16x512xi32, #tpu.memory_space<vmem>>, vector<1x512xi32>
    %get3A_1941 = vector.shape_cast %get3A_1940 : vector<1x512xi32> to vector<512xi32>
    %broadcast_in_dim3A_1942 = vector.shape_cast %get3A_1941 : vector<512xi32> to vector<1x512xi32>
    %broadcast_in_dim3A_1943 = vector.shape_cast %broadcast_in_dim3A_1942 : vector<1x512xi32> to vector<1x512xi32>
    %broadcast_in_dim3A_1944 = vector.broadcast %broadcast_in_dim3A_1943 : vector<1x512xi32> to vector<8x512xi32>
    %eq3A_1945 = arith.cmpi eq, %broadcast_in_dim3A_1944, %iota3A_566 : vector<8x512xi32>
    %convert_element_type3A_1946 = arith.extui %eq3A_1945 : vector<8x512xi1> to vector<8x512xi32>
    %convert_element_type3A_1947 = arith.sitofp %convert_element_type3A_1946 : vector<8x512xi32> to vector<8x512xf32>
    %dot_general3A_1948 = arith.constant dense<0.000000e+00> : vector<8x512xf32>
    %dot_general3A_1949 = tpu.matmul %convert_element_type3A_1947, %convert_element_type3A_565, %dot_general3A_1948 {dimension_numbers = #tpu.dot_dimension_numbers<[1], [0], [0], [1], [0, 0, 1, 1], [], []>, transpose_lhs_hint = false} : vector<8x512xf32>, vector<512x512xf32>, vector<8x512xf32> -> vector<8x512xf32>
    %mul3A_1950 = arith.mulf %dot_general3A_1949, %convert_element_type3A_1947 : vector<8x512xf32>
    %reduce_sum3A_1951 = arith.constant dense<0.000000e+00> : vector<512xf32>
    %reduce_sum3A_1952 = vector.multi_reduction <add>, %mul3A_1950, %reduce_sum3A_1951 [0] : vector<8x512xf32> to vector<512xf32>
    %broadcast_in_dim3A_1953 = vector.shape_cast %reduce_sum3A_1952 : vector<512xf32> to vector<1x512xf32>
    %broadcast_in_dim3A_1954 = arith.constant 0.000000e+00 : f32
    %broadcast_in_dim3A_1955 = vector.broadcast %broadcast_in_dim3A_1954 : f32 to vector<1x512xf32>
    %eq3A_1956 = arith.constant 0 : i32
    %eq3A_1957 = vector.broadcast %eq3A_1956 : i32 to vector<1x512xi32>
    %eq3A_1958 = arith.cmpi eq, %broadcast_in_dim3A_1942, %eq3A_1957 : vector<1x512xi32>
    %add3A_1959 = arith.constant 0.000000e+00 : f32
    %add3A_1960 = arith.addf %add3A_1959, %add3A_1803 : f32
    %jit3A_1961 = arith.constant 0.000000e+00 : f32
    %broadcast_in_dim3A_1962 = vector.broadcast %add3A_1960 : f32 to vector<1x512xf32>
    %broadcast_in_dim3A_1963 = vector.broadcast %jit3A_1961 : f32 to vector<1x512xf32>
    %select_n3A_1964 = arith.select %eq3A_1958, %broadcast_in_dim3A_1962, %broadcast_in_dim3A_1963 : vector<1x512xi1>, vector<1x512xf32>
    %add3A_1965 = arith.addf %broadcast_in_dim3A_1955, %select_n3A_1964 : vector<1x512xf32>
    %slice3A_1966 = vector.extract_strided_slice %convert_element_type3A_1947 {offsets = [0, 0], sizes = [1, 512], strides = [1, 1]} : vector<8x512xf32> to vector<1x512xf32>
    %squeeze3A_1967 = vector.shape_cast %slice3A_1966 : vector<1x512xf32> to vector<512xf32>
    %reduce_sum3A_1968 = vector.shape_cast %squeeze3A_1967 : vector<512xf32> to vector<1x512xf32>
    %reduce_sum3A_1969 = arith.constant dense<0.000000e+00> : vector<1xf32>
    %reduce_sum3A_1970 = vector.multi_reduction <add>, %reduce_sum3A_1968, %reduce_sum3A_1969 [1] : vector<1x512xf32> to vector<1xf32>
    %reduce_sum3A_1971 = vector.shape_cast %reduce_sum3A_1970 : vector<1xf32> to vector<1x1xf32>
    %reduce_sum3A_1972 = vector.extract %reduce_sum3A_1971[0, 0] : f32 from vector<1x1xf32>
    %add3A_1973 = arith.addf %add3A_1803, %reduce_sum3A_1972 : f32
    %eq3A_1974 = arith.constant 1 : i32
    %eq3A_1975 = vector.broadcast %eq3A_1974 : i32 to vector<1x512xi32>
    %eq3A_1976 = arith.cmpi eq, %broadcast_in_dim3A_1942, %eq3A_1975 : vector<1x512xi32>
    %convert_element_type3A_1977 = arith.sitofp %add3A_20 : i32 to f32
    %add3A_1978 = arith.addf %convert_element_type3A_1977, %add3A_1821 : f32
    %jit3A_1979 = arith.constant 0.000000e+00 : f32
    %broadcast_in_dim3A_1980 = vector.broadcast %add3A_1978 : f32 to vector<1x512xf32>
    %broadcast_in_dim3A_1981 = vector.broadcast %jit3A_1979 : f32 to vector<1x512xf32>
    %select_n3A_1982 = arith.select %eq3A_1976, %broadcast_in_dim3A_1980, %broadcast_in_dim3A_1981 : vector<1x512xi1>, vector<1x512xf32>
    %add3A_1983 = arith.addf %add3A_1965, %select_n3A_1982 : vector<1x512xf32>
    %slice3A_1984 = vector.extract_strided_slice %convert_element_type3A_1947 {offsets = [1, 0], sizes = [1, 512], strides = [1, 1]} : vector<8x512xf32> to vector<1x512xf32>
    %squeeze3A_1985 = vector.shape_cast %slice3A_1984 : vector<1x512xf32> to vector<512xf32>
    %reduce_sum3A_1986 = vector.shape_cast %squeeze3A_1985 : vector<512xf32> to vector<1x512xf32>
    %reduce_sum3A_1987 = arith.constant dense<0.000000e+00> : vector<1xf32>
    %reduce_sum3A_1988 = vector.multi_reduction <add>, %reduce_sum3A_1986, %reduce_sum3A_1987 [1] : vector<1x512xf32> to vector<1xf32>
    %reduce_sum3A_1989 = vector.shape_cast %reduce_sum3A_1988 : vector<1xf32> to vector<1x1xf32>
    %reduce_sum3A_1990 = vector.extract %reduce_sum3A_1989[0, 0] : f32 from vector<1x1xf32>
    %add3A_1991 = arith.addf %add3A_1821, %reduce_sum3A_1990 : f32
    %eq3A_1992 = arith.constant 2 : i32
    %eq3A_1993 = vector.broadcast %eq3A_1992 : i32 to vector<1x512xi32>
    %eq3A_1994 = arith.cmpi eq, %broadcast_in_dim3A_1942, %eq3A_1993 : vector<1x512xi32>
    %convert_element_type3A_1995 = arith.sitofp %add3A_51 : i32 to f32
    %add3A_1996 = arith.addf %convert_element_type3A_1995, %add3A_1839 : f32
    %jit3A_1997 = arith.constant 0.000000e+00 : f32
    %broadcast_in_dim3A_1998 = vector.broadcast %add3A_1996 : f32 to vector<1x512xf32>
    %broadcast_in_dim3A_1999 = vector.broadcast %jit3A_1997 : f32 to vector<1x512xf32>
    %select_n3A_2000 = arith.select %eq3A_1994, %broadcast_in_dim3A_1998, %broadcast_in_dim3A_1999 : vector<1x512xi1>, vector<1x512xf32>
    %add3A_2001 = arith.addf %add3A_1983, %select_n3A_2000 : vector<1x512xf32>
    %slice3A_2002 = vector.extract_strided_slice %convert_element_type3A_1947 {offsets = [2, 0], sizes = [1, 512], strides = [1, 1]} : vector<8x512xf32> to vector<1x512xf32>
    %squeeze3A_2003 = vector.shape_cast %slice3A_2002 : vector<1x512xf32> to vector<512xf32>
    %reduce_sum3A_2004 = vector.shape_cast %squeeze3A_2003 : vector<512xf32> to vector<1x512xf32>
    %reduce_sum3A_2005 = arith.constant dense<0.000000e+00> : vector<1xf32>
    %reduce_sum3A_2006 = vector.multi_reduction <add>, %reduce_sum3A_2004, %reduce_sum3A_2005 [1] : vector<1x512xf32> to vector<1xf32>
    %reduce_sum3A_2007 = vector.shape_cast %reduce_sum3A_2006 : vector<1xf32> to vector<1x1xf32>
    %reduce_sum3A_2008 = vector.extract %reduce_sum3A_2007[0, 0] : f32 from vector<1x1xf32>
    %add3A_2009 = arith.addf %add3A_1839, %reduce_sum3A_2008 : f32
    %eq3A_2010 = arith.constant 3 : i32
    %eq3A_2011 = vector.broadcast %eq3A_2010 : i32 to vector<1x512xi32>
    %eq3A_2012 = arith.cmpi eq, %broadcast_in_dim3A_1942, %eq3A_2011 : vector<1x512xi32>
    %convert_element_type3A_2013 = arith.sitofp %add3A_82 : i32 to f32
    %add3A_2014 = arith.addf %convert_element_type3A_2013, %add3A_1857 : f32
    %jit3A_2015 = arith.constant 0.000000e+00 : f32
    %broadcast_in_dim3A_2016 = vector.broadcast %add3A_2014 : f32 to vector<1x512xf32>
    %broadcast_in_dim3A_2017 = vector.broadcast %jit3A_2015 : f32 to vector<1x512xf32>
    %select_n3A_2018 = arith.select %eq3A_2012, %broadcast_in_dim3A_2016, %broadcast_in_dim3A_2017 : vector<1x512xi1>, vector<1x512xf32>
    %add3A_2019 = arith.addf %add3A_2001, %select_n3A_2018 : vector<1x512xf32>
    %slice3A_2020 = vector.extract_strided_slice %convert_element_type3A_1947 {offsets = [3, 0], sizes = [1, 512], strides = [1, 1]} : vector<8x512xf32> to vector<1x512xf32>
    %squeeze3A_2021 = vector.shape_cast %slice3A_2020 : vector<1x512xf32> to vector<512xf32>
    %reduce_sum3A_2022 = vector.shape_cast %squeeze3A_2021 : vector<512xf32> to vector<1x512xf32>
    %reduce_sum3A_2023 = arith.constant dense<0.000000e+00> : vector<1xf32>
    %reduce_sum3A_2024 = vector.multi_reduction <add>, %reduce_sum3A_2022, %reduce_sum3A_2023 [1] : vector<1x512xf32> to vector<1xf32>
    %reduce_sum3A_2025 = vector.shape_cast %reduce_sum3A_2024 : vector<1xf32> to vector<1x1xf32>
    %reduce_sum3A_2026 = vector.extract %reduce_sum3A_2025[0, 0] : f32 from vector<1x1xf32>
    %add3A_2027 = arith.addf %add3A_1857, %reduce_sum3A_2026 : f32
    %eq3A_2028 = arith.constant 4 : i32
    %eq3A_2029 = vector.broadcast %eq3A_2028 : i32 to vector<1x512xi32>
    %eq3A_2030 = arith.cmpi eq, %broadcast_in_dim3A_1942, %eq3A_2029 : vector<1x512xi32>
    %convert_element_type3A_2031 = arith.sitofp %add3A_113 : i32 to f32
    %add3A_2032 = arith.addf %convert_element_type3A_2031, %add3A_1875 : f32
    %jit3A_2033 = arith.constant 0.000000e+00 : f32
    %broadcast_in_dim3A_2034 = vector.broadcast %add3A_2032 : f32 to vector<1x512xf32>
    %broadcast_in_dim3A_2035 = vector.broadcast %jit3A_2033 : f32 to vector<1x512xf32>
    %select_n3A_2036 = arith.select %eq3A_2030, %broadcast_in_dim3A_2034, %broadcast_in_dim3A_2035 : vector<1x512xi1>, vector<1x512xf32>
    %add3A_2037 = arith.addf %add3A_2019, %select_n3A_2036 : vector<1x512xf32>
    %slice3A_2038 = vector.extract_strided_slice %convert_element_type3A_1947 {offsets = [4, 0], sizes = [1, 512], strides = [1, 1]} : vector<8x512xf32> to vector<1x512xf32>
    %squeeze3A_2039 = vector.shape_cast %slice3A_2038 : vector<1x512xf32> to vector<512xf32>
    %reduce_sum3A_2040 = vector.shape_cast %squeeze3A_2039 : vector<512xf32> to vector<1x512xf32>
    %reduce_sum3A_2041 = arith.constant dense<0.000000e+00> : vector<1xf32>
    %reduce_sum3A_2042 = vector.multi_reduction <add>, %reduce_sum3A_2040, %reduce_sum3A_2041 [1] : vector<1x512xf32> to vector<1xf32>
    %reduce_sum3A_2043 = vector.shape_cast %reduce_sum3A_2042 : vector<1xf32> to vector<1x1xf32>
    %reduce_sum3A_2044 = vector.extract %reduce_sum3A_2043[0, 0] : f32 from vector<1x1xf32>
    %add3A_2045 = arith.addf %add3A_1875, %reduce_sum3A_2044 : f32
    %eq3A_2046 = arith.constant 5 : i32
    %eq3A_2047 = vector.broadcast %eq3A_2046 : i32 to vector<1x512xi32>
    %eq3A_2048 = arith.cmpi eq, %broadcast_in_dim3A_1942, %eq3A_2047 : vector<1x512xi32>
    %convert_element_type3A_2049 = arith.sitofp %add3A_144 : i32 to f32
    %add3A_2050 = arith.addf %convert_element_type3A_2049, %add3A_1893 : f32
    %jit3A_2051 = arith.constant 0.000000e+00 : f32
    %broadcast_in_dim3A_2052 = vector.broadcast %add3A_2050 : f32 to vector<1x512xf32>
    %broadcast_in_dim3A_2053 = vector.broadcast %jit3A_2051 : f32 to vector<1x512xf32>
    %select_n3A_2054 = arith.select %eq3A_2048, %broadcast_in_dim3A_2052, %broadcast_in_dim3A_2053 : vector<1x512xi1>, vector<1x512xf32>
    %add3A_2055 = arith.addf %add3A_2037, %select_n3A_2054 : vector<1x512xf32>
    %slice3A_2056 = vector.extract_strided_slice %convert_element_type3A_1947 {offsets = [5, 0], sizes = [1, 512], strides = [1, 1]} : vector<8x512xf32> to vector<1x512xf32>
    %squeeze3A_2057 = vector.shape_cast %slice3A_2056 : vector<1x512xf32> to vector<512xf32>
    %reduce_sum3A_2058 = vector.shape_cast %squeeze3A_2057 : vector<512xf32> to vector<1x512xf32>
    %reduce_sum3A_2059 = arith.constant dense<0.000000e+00> : vector<1xf32>
    %reduce_sum3A_2060 = vector.multi_reduction <add>, %reduce_sum3A_2058, %reduce_sum3A_2059 [1] : vector<1x512xf32> to vector<1xf32>
    %reduce_sum3A_2061 = vector.shape_cast %reduce_sum3A_2060 : vector<1xf32> to vector<1x1xf32>
    %reduce_sum3A_2062 = vector.extract %reduce_sum3A_2061[0, 0] : f32 from vector<1x1xf32>
    %add3A_2063 = arith.addf %add3A_1893, %reduce_sum3A_2062 : f32
    %eq3A_2064 = arith.constant 6 : i32
    %eq3A_2065 = vector.broadcast %eq3A_2064 : i32 to vector<1x512xi32>
    %eq3A_2066 = arith.cmpi eq, %broadcast_in_dim3A_1942, %eq3A_2065 : vector<1x512xi32>
    %convert_element_type3A_2067 = arith.sitofp %add3A_175 : i32 to f32
    %add3A_2068 = arith.addf %convert_element_type3A_2067, %add3A_1911 : f32
    %jit3A_2069 = arith.constant 0.000000e+00 : f32
    %broadcast_in_dim3A_2070 = vector.broadcast %add3A_2068 : f32 to vector<1x512xf32>
    %broadcast_in_dim3A_2071 = vector.broadcast %jit3A_2069 : f32 to vector<1x512xf32>
    %select_n3A_2072 = arith.select %eq3A_2066, %broadcast_in_dim3A_2070, %broadcast_in_dim3A_2071 : vector<1x512xi1>, vector<1x512xf32>
    %add3A_2073 = arith.addf %add3A_2055, %select_n3A_2072 : vector<1x512xf32>
    %slice3A_2074 = vector.extract_strided_slice %convert_element_type3A_1947 {offsets = [6, 0], sizes = [1, 512], strides = [1, 1]} : vector<8x512xf32> to vector<1x512xf32>
    %squeeze3A_2075 = vector.shape_cast %slice3A_2074 : vector<1x512xf32> to vector<512xf32>
    %reduce_sum3A_2076 = vector.shape_cast %squeeze3A_2075 : vector<512xf32> to vector<1x512xf32>
    %reduce_sum3A_2077 = arith.constant dense<0.000000e+00> : vector<1xf32>
    %reduce_sum3A_2078 = vector.multi_reduction <add>, %reduce_sum3A_2076, %reduce_sum3A_2077 [1] : vector<1x512xf32> to vector<1xf32>
    %reduce_sum3A_2079 = vector.shape_cast %reduce_sum3A_2078 : vector<1xf32> to vector<1x1xf32>
    %reduce_sum3A_2080 = vector.extract %reduce_sum3A_2079[0, 0] : f32 from vector<1x1xf32>
    %add3A_2081 = arith.addf %add3A_1911, %reduce_sum3A_2080 : f32
    %eq3A_2082 = arith.constant 7 : i32
    %eq3A_2083 = vector.broadcast %eq3A_2082 : i32 to vector<1x512xi32>
    %eq3A_2084 = arith.cmpi eq, %broadcast_in_dim3A_1942, %eq3A_2083 : vector<1x512xi32>
    %convert_element_type3A_2085 = arith.sitofp %add3A_206 : i32 to f32
    %add3A_2086 = arith.addf %convert_element_type3A_2085, %add3A_1929 : f32
    %jit3A_2087 = arith.constant 0.000000e+00 : f32
    %broadcast_in_dim3A_2088 = vector.broadcast %add3A_2086 : f32 to vector<1x512xf32>
    %broadcast_in_dim3A_2089 = vector.broadcast %jit3A_2087 : f32 to vector<1x512xf32>
    %select_n3A_2090 = arith.select %eq3A_2084, %broadcast_in_dim3A_2088, %broadcast_in_dim3A_2089 : vector<1x512xi1>, vector<1x512xf32>
    %add3A_2091 = arith.addf %add3A_2073, %select_n3A_2090 : vector<1x512xf32>
    %slice3A_2092 = vector.extract_strided_slice %convert_element_type3A_1947 {offsets = [7, 0], sizes = [1, 512], strides = [1, 1]} : vector<8x512xf32> to vector<1x512xf32>
    %squeeze3A_2093 = vector.shape_cast %slice3A_2092 : vector<1x512xf32> to vector<512xf32>
    %reduce_sum3A_2094 = vector.shape_cast %squeeze3A_2093 : vector<512xf32> to vector<1x512xf32>
    %reduce_sum3A_2095 = arith.constant dense<0.000000e+00> : vector<1xf32>
    %reduce_sum3A_2096 = vector.multi_reduction <add>, %reduce_sum3A_2094, %reduce_sum3A_2095 [1] : vector<1x512xf32> to vector<1xf32>
    %reduce_sum3A_2097 = vector.shape_cast %reduce_sum3A_2096 : vector<1xf32> to vector<1x1xf32>
    %reduce_sum3A_2098 = vector.extract %reduce_sum3A_2097[0, 0] : f32 from vector<1x1xf32>
    %add3A_2099 = arith.addf %add3A_1929, %reduce_sum3A_2098 : f32
    %add3A_2100 = arith.addf %add3A_2091, %broadcast_in_dim3A_1953 : vector<1x512xf32>
    %convert_element_type3A_2101 = arith.fptosi %add3A_2100 : vector<1x512xf32> to vector<1x512xi32>
    %squeeze3A_2102 = vector.shape_cast %convert_element_type3A_2101 : vector<1x512xi32> to vector<512xi32>
    %swap3A_2103 = arith.constant 8 : index
    %swap3A_2104 = arith.constant 0 : index
    %swap3A_2105 = vector.load %arg3[%swap3A_2103, %swap3A_2104] : memref<16x512xi32, #tpu.memory_space<vmem>>, vector<1x512xi32>
    %swap3A_2106 = vector.shape_cast %swap3A_2105 : vector<1x512xi32> to vector<512xi32>
    %swap3A_2107 = vector.shape_cast %squeeze3A_2102 : vector<512xi32> to vector<1x512xi32>
    tpu.vector_store %arg3[%swap3A_2103, %swap3A_2104], %swap3A_2107 {strides = array<i32>} : memref<16x512xi32, #tpu.memory_space<vmem>>, vector<1x512xi32>,
    %get3A_2108 = arith.constant 9 : index
    %get3A_2109 = arith.constant 0 : index
    %get3A_2110 = vector.load %arg2[%get3A_2108, %get3A_2109] : memref<16x512xi32, #tpu.memory_space<vmem>>, vector<1x512xi32>
    %get3A_2111 = vector.shape_cast %get3A_2110 : vector<1x512xi32> to vector<512xi32>
    %broadcast_in_dim3A_2112 = vector.shape_cast %get3A_2111 : vector<512xi32> to vector<1x512xi32>
    %broadcast_in_dim3A_2113 = vector.shape_cast %broadcast_in_dim3A_2112 : vector<1x512xi32> to vector<1x512xi32>
    %broadcast_in_dim3A_2114 = vector.broadcast %broadcast_in_dim3A_2113 : vector<1x512xi32> to vector<8x512xi32>
    %eq3A_2115 = arith.cmpi eq, %broadcast_in_dim3A_2114, %iota3A_566 : vector<8x512xi32>
    %convert_element_type3A_2116 = arith.extui %eq3A_2115 : vector<8x512xi1> to vector<8x512xi32>
    %convert_element_type3A_2117 = arith.sitofp %convert_element_type3A_2116 : vector<8x512xi32> to vector<8x512xf32>
    %dot_general3A_2118 = arith.constant dense<0.000000e+00> : vector<8x512xf32>
    %dot_general3A_2119 = tpu.matmul %convert_element_type3A_2117, %convert_element_type3A_565, %dot_general3A_2118 {dimension_numbers = #tpu.dot_dimension_numbers<[1], [0], [0], [1], [0, 0, 1, 1], [], []>, transpose_lhs_hint = false} : vector<8x512xf32>, vector<512x512xf32>, vector<8x512xf32> -> vector<8x512xf32>
    %mul3A_2120 = arith.mulf %dot_general3A_2119, %convert_element_type3A_2117 : vector<8x512xf32>
    %reduce_sum3A_2121 = arith.constant dense<0.000000e+00> : vector<512xf32>
    %reduce_sum3A_2122 = vector.multi_reduction <add>, %mul3A_2120, %reduce_sum3A_2121 [0] : vector<8x512xf32> to vector<512xf32>
    %broadcast_in_dim3A_2123 = vector.shape_cast %reduce_sum3A_2122 : vector<512xf32> to vector<1x512xf32>
    %broadcast_in_dim3A_2124 = arith.constant 0.000000e+00 : f32
    %broadcast_in_dim3A_2125 = vector.broadcast %broadcast_in_dim3A_2124 : f32 to vector<1x512xf32>
    %eq3A_2126 = arith.constant 0 : i32
    %eq3A_2127 = vector.broadcast %eq3A_2126 : i32 to vector<1x512xi32>
    %eq3A_2128 = arith.cmpi eq, %broadcast_in_dim3A_2112, %eq3A_2127 : vector<1x512xi32>
    %add3A_2129 = arith.constant 0.000000e+00 : f32
    %add3A_2130 = arith.addf %add3A_2129, %add3A_1973 : f32
    %jit3A_2131 = arith.constant 0.000000e+00 : f32
    %broadcast_in_dim3A_2132 = vector.broadcast %add3A_2130 : f32 to vector<1x512xf32>
    %broadcast_in_dim3A_2133 = vector.broadcast %jit3A_2131 : f32 to vector<1x512xf32>
    %select_n3A_2134 = arith.select %eq3A_2128, %broadcast_in_dim3A_2132, %broadcast_in_dim3A_2133 : vector<1x512xi1>, vector<1x512xf32>
    %add3A_2135 = arith.addf %broadcast_in_dim3A_2125, %select_n3A_2134 : vector<1x512xf32>
    %slice3A_2136 = vector.extract_strided_slice %convert_element_type3A_2117 {offsets = [0, 0], sizes = [1, 512], strides = [1, 1]} : vector<8x512xf32> to vector<1x512xf32>
    %squeeze3A_2137 = vector.shape_cast %slice3A_2136 : vector<1x512xf32> to vector<512xf32>
    %reduce_sum3A_2138 = vector.shape_cast %squeeze3A_2137 : vector<512xf32> to vector<1x512xf32>
    %reduce_sum3A_2139 = arith.constant dense<0.000000e+00> : vector<1xf32>
    %reduce_sum3A_2140 = vector.multi_reduction <add>, %reduce_sum3A_2138, %reduce_sum3A_2139 [1] : vector<1x512xf32> to vector<1xf32>
    %reduce_sum3A_2141 = vector.shape_cast %reduce_sum3A_2140 : vector<1xf32> to vector<1x1xf32>
    %reduce_sum3A_2142 = vector.extract %reduce_sum3A_2141[0, 0] : f32 from vector<1x1xf32>
    %add3A_2143 = arith.addf %add3A_1973, %reduce_sum3A_2142 : f32
    %eq3A_2144 = arith.constant 1 : i32
    %eq3A_2145 = vector.broadcast %eq3A_2144 : i32 to vector<1x512xi32>
    %eq3A_2146 = arith.cmpi eq, %broadcast_in_dim3A_2112, %eq3A_2145 : vector<1x512xi32>
    %convert_element_type3A_2147 = arith.sitofp %add3A_20 : i32 to f32
    %add3A_2148 = arith.addf %convert_element_type3A_2147, %add3A_1991 : f32
    %jit3A_2149 = arith.constant 0.000000e+00 : f32
    %broadcast_in_dim3A_2150 = vector.broadcast %add3A_2148 : f32 to vector<1x512xf32>
    %broadcast_in_dim3A_2151 = vector.broadcast %jit3A_2149 : f32 to vector<1x512xf32>
    %select_n3A_2152 = arith.select %eq3A_2146, %broadcast_in_dim3A_2150, %broadcast_in_dim3A_2151 : vector<1x512xi1>, vector<1x512xf32>
    %add3A_2153 = arith.addf %add3A_2135, %select_n3A_2152 : vector<1x512xf32>
    %slice3A_2154 = vector.extract_strided_slice %convert_element_type3A_2117 {offsets = [1, 0], sizes = [1, 512], strides = [1, 1]} : vector<8x512xf32> to vector<1x512xf32>
    %squeeze3A_2155 = vector.shape_cast %slice3A_2154 : vector<1x512xf32> to vector<512xf32>
    %reduce_sum3A_2156 = vector.shape_cast %squeeze3A_2155 : vector<512xf32> to vector<1x512xf32>
    %reduce_sum3A_2157 = arith.constant dense<0.000000e+00> : vector<1xf32>
    %reduce_sum3A_2158 = vector.multi_reduction <add>, %reduce_sum3A_2156, %reduce_sum3A_2157 [1] : vector<1x512xf32> to vector<1xf32>
    %reduce_sum3A_2159 = vector.shape_cast %reduce_sum3A_2158 : vector<1xf32> to vector<1x1xf32>
    %reduce_sum3A_2160 = vector.extract %reduce_sum3A_2159[0, 0] : f32 from vector<1x1xf32>
    %add3A_2161 = arith.addf %add3A_1991, %reduce_sum3A_2160 : f32
    %eq3A_2162 = arith.constant 2 : i32
    %eq3A_2163 = vector.broadcast %eq3A_2162 : i32 to vector<1x512xi32>
    %eq3A_2164 = arith.cmpi eq, %broadcast_in_dim3A_2112, %eq3A_2163 : vector<1x512xi32>
    %convert_element_type3A_2165 = arith.sitofp %add3A_51 : i32 to f32
    %add3A_2166 = arith.addf %convert_element_type3A_2165, %add3A_2009 : f32
    %jit3A_2167 = arith.constant 0.000000e+00 : f32
    %broadcast_in_dim3A_2168 = vector.broadcast %add3A_2166 : f32 to vector<1x512xf32>
    %broadcast_in_dim3A_2169 = vector.broadcast %jit3A_2167 : f32 to vector<1x512xf32>
    %select_n3A_2170 = arith.select %eq3A_2164, %broadcast_in_dim3A_2168, %broadcast_in_dim3A_2169 : vector<1x512xi1>, vector<1x512xf32>
    %add3A_2171 = arith.addf %add3A_2153, %select_n3A_2170 : vector<1x512xf32>
    %slice3A_2172 = vector.extract_strided_slice %convert_element_type3A_2117 {offsets = [2, 0], sizes = [1, 512], strides = [1, 1]} : vector<8x512xf32> to vector<1x512xf32>
    %squeeze3A_2173 = vector.shape_cast %slice3A_2172 : vector<1x512xf32> to vector<512xf32>
    %reduce_sum3A_2174 = vector.shape_cast %squeeze3A_2173 : vector<512xf32> to vector<1x512xf32>
    %reduce_sum3A_2175 = arith.constant dense<0.000000e+00> : vector<1xf32>
    %reduce_sum3A_2176 = vector.multi_reduction <add>, %reduce_sum3A_2174, %reduce_sum3A_2175 [1] : vector<1x512xf32> to vector<1xf32>
    %reduce_sum3A_2177 = vector.shape_cast %reduce_sum3A_2176 : vector<1xf32> to vector<1x1xf32>
    %reduce_sum3A_2178 = vector.extract %reduce_sum3A_2177[0, 0] : f32 from vector<1x1xf32>
    %add3A_2179 = arith.addf %add3A_2009, %reduce_sum3A_2178 : f32
    %eq3A_2180 = arith.constant 3 : i32
    %eq3A_2181 = vector.broadcast %eq3A_2180 : i32 to vector<1x512xi32>
    %eq3A_2182 = arith.cmpi eq, %broadcast_in_dim3A_2112, %eq3A_2181 : vector<1x512xi32>
    %convert_element_type3A_2183 = arith.sitofp %add3A_82 : i32 to f32
    %add3A_2184 = arith.addf %convert_element_type3A_2183, %add3A_2027 : f32
    %jit3A_2185 = arith.constant 0.000000e+00 : f32
    %broadcast_in_dim3A_2186 = vector.broadcast %add3A_2184 : f32 to vector<1x512xf32>
    %broadcast_in_dim3A_2187 = vector.broadcast %jit3A_2185 : f32 to vector<1x512xf32>
    %select_n3A_2188 = arith.select %eq3A_2182, %broadcast_in_dim3A_2186, %broadcast_in_dim3A_2187 : vector<1x512xi1>, vector<1x512xf32>
    %add3A_2189 = arith.addf %add3A_2171, %select_n3A_2188 : vector<1x512xf32>
    %slice3A_2190 = vector.extract_strided_slice %convert_element_type3A_2117 {offsets = [3, 0], sizes = [1, 512], strides = [1, 1]} : vector<8x512xf32> to vector<1x512xf32>
    %squeeze3A_2191 = vector.shape_cast %slice3A_2190 : vector<1x512xf32> to vector<512xf32>
    %reduce_sum3A_2192 = vector.shape_cast %squeeze3A_2191 : vector<512xf32> to vector<1x512xf32>
    %reduce_sum3A_2193 = arith.constant dense<0.000000e+00> : vector<1xf32>
    %reduce_sum3A_2194 = vector.multi_reduction <add>, %reduce_sum3A_2192, %reduce_sum3A_2193 [1] : vector<1x512xf32> to vector<1xf32>
    %reduce_sum3A_2195 = vector.shape_cast %reduce_sum3A_2194 : vector<1xf32> to vector<1x1xf32>
    %reduce_sum3A_2196 = vector.extract %reduce_sum3A_2195[0, 0] : f32 from vector<1x1xf32>
    %add3A_2197 = arith.addf %add3A_2027, %reduce_sum3A_2196 : f32
    %eq3A_2198 = arith.constant 4 : i32
    %eq3A_2199 = vector.broadcast %eq3A_2198 : i32 to vector<1x512xi32>
    %eq3A_2200 = arith.cmpi eq, %broadcast_in_dim3A_2112, %eq3A_2199 : vector<1x512xi32>
    %convert_element_type3A_2201 = arith.sitofp %add3A_113 : i32 to f32
    %add3A_2202 = arith.addf %convert_element_type3A_2201, %add3A_2045 : f32
    %jit3A_2203 = arith.constant 0.000000e+00 : f32
    %broadcast_in_dim3A_2204 = vector.broadcast %add3A_2202 : f32 to vector<1x512xf32>
    %broadcast_in_dim3A_2205 = vector.broadcast %jit3A_2203 : f32 to vector<1x512xf32>
    %select_n3A_2206 = arith.select %eq3A_2200, %broadcast_in_dim3A_2204, %broadcast_in_dim3A_2205 : vector<1x512xi1>, vector<1x512xf32>
    %add3A_2207 = arith.addf %add3A_2189, %select_n3A_2206 : vector<1x512xf32>
    %slice3A_2208 = vector.extract_strided_slice %convert_element_type3A_2117 {offsets = [4, 0], sizes = [1, 512], strides = [1, 1]} : vector<8x512xf32> to vector<1x512xf32>
    %squeeze3A_2209 = vector.shape_cast %slice3A_2208 : vector<1x512xf32> to vector<512xf32>
    %reduce_sum3A_2210 = vector.shape_cast %squeeze3A_2209 : vector<512xf32> to vector<1x512xf32>
    %reduce_sum3A_2211 = arith.constant dense<0.000000e+00> : vector<1xf32>
    %reduce_sum3A_2212 = vector.multi_reduction <add>, %reduce_sum3A_2210, %reduce_sum3A_2211 [1] : vector<1x512xf32> to vector<1xf32>
    %reduce_sum3A_2213 = vector.shape_cast %reduce_sum3A_2212 : vector<1xf32> to vector<1x1xf32>
    %reduce_sum3A_2214 = vector.extract %reduce_sum3A_2213[0, 0] : f32 from vector<1x1xf32>
    %add3A_2215 = arith.addf %add3A_2045, %reduce_sum3A_2214 : f32
    %eq3A_2216 = arith.constant 5 : i32
    %eq3A_2217 = vector.broadcast %eq3A_2216 : i32 to vector<1x512xi32>
    %eq3A_2218 = arith.cmpi eq, %broadcast_in_dim3A_2112, %eq3A_2217 : vector<1x512xi32>
    %convert_element_type3A_2219 = arith.sitofp %add3A_144 : i32 to f32
    %add3A_2220 = arith.addf %convert_element_type3A_2219, %add3A_2063 : f32
    %jit3A_2221 = arith.constant 0.000000e+00 : f32
    %broadcast_in_dim3A_2222 = vector.broadcast %add3A_2220 : f32 to vector<1x512xf32>
    %broadcast_in_dim3A_2223 = vector.broadcast %jit3A_2221 : f32 to vector<1x512xf32>
    %select_n3A_2224 = arith.select %eq3A_2218, %broadcast_in_dim3A_2222, %broadcast_in_dim3A_2223 : vector<1x512xi1>, vector<1x512xf32>
    %add3A_2225 = arith.addf %add3A_2207, %select_n3A_2224 : vector<1x512xf32>
    %slice3A_2226 = vector.extract_strided_slice %convert_element_type3A_2117 {offsets = [5, 0], sizes = [1, 512], strides = [1, 1]} : vector<8x512xf32> to vector<1x512xf32>
    %squeeze3A_2227 = vector.shape_cast %slice3A_2226 : vector<1x512xf32> to vector<512xf32>
    %reduce_sum3A_2228 = vector.shape_cast %squeeze3A_2227 : vector<512xf32> to vector<1x512xf32>
    %reduce_sum3A_2229 = arith.constant dense<0.000000e+00> : vector<1xf32>
    %reduce_sum3A_2230 = vector.multi_reduction <add>, %reduce_sum3A_2228, %reduce_sum3A_2229 [1] : vector<1x512xf32> to vector<1xf32>
    %reduce_sum3A_2231 = vector.shape_cast %reduce_sum3A_2230 : vector<1xf32> to vector<1x1xf32>
    %reduce_sum3A_2232 = vector.extract %reduce_sum3A_2231[0, 0] : f32 from vector<1x1xf32>
    %add3A_2233 = arith.addf %add3A_2063, %reduce_sum3A_2232 : f32
    %eq3A_2234 = arith.constant 6 : i32
    %eq3A_2235 = vector.broadcast %eq3A_2234 : i32 to vector<1x512xi32>
    %eq3A_2236 = arith.cmpi eq, %broadcast_in_dim3A_2112, %eq3A_2235 : vector<1x512xi32>
    %convert_element_type3A_2237 = arith.sitofp %add3A_175 : i32 to f32
    %add3A_2238 = arith.addf %convert_element_type3A_2237, %add3A_2081 : f32
    %jit3A_2239 = arith.constant 0.000000e+00 : f32
    %broadcast_in_dim3A_2240 = vector.broadcast %add3A_2238 : f32 to vector<1x512xf32>
    %broadcast_in_dim3A_2241 = vector.broadcast %jit3A_2239 : f32 to vector<1x512xf32>
    %select_n3A_2242 = arith.select %eq3A_2236, %broadcast_in_dim3A_2240, %broadcast_in_dim3A_2241 : vector<1x512xi1>, vector<1x512xf32>
    %add3A_2243 = arith.addf %add3A_2225, %select_n3A_2242 : vector<1x512xf32>
    %slice3A_2244 = vector.extract_strided_slice %convert_element_type3A_2117 {offsets = [6, 0], sizes = [1, 512], strides = [1, 1]} : vector<8x512xf32> to vector<1x512xf32>
    %squeeze3A_2245 = vector.shape_cast %slice3A_2244 : vector<1x512xf32> to vector<512xf32>
    %reduce_sum3A_2246 = vector.shape_cast %squeeze3A_2245 : vector<512xf32> to vector<1x512xf32>
    %reduce_sum3A_2247 = arith.constant dense<0.000000e+00> : vector<1xf32>
    %reduce_sum3A_2248 = vector.multi_reduction <add>, %reduce_sum3A_2246, %reduce_sum3A_2247 [1] : vector<1x512xf32> to vector<1xf32>
    %reduce_sum3A_2249 = vector.shape_cast %reduce_sum3A_2248 : vector<1xf32> to vector<1x1xf32>
    %reduce_sum3A_2250 = vector.extract %reduce_sum3A_2249[0, 0] : f32 from vector<1x1xf32>
    %add3A_2251 = arith.addf %add3A_2081, %reduce_sum3A_2250 : f32
    %eq3A_2252 = arith.constant 7 : i32
    %eq3A_2253 = vector.broadcast %eq3A_2252 : i32 to vector<1x512xi32>
    %eq3A_2254 = arith.cmpi eq, %broadcast_in_dim3A_2112, %eq3A_2253 : vector<1x512xi32>
    %convert_element_type3A_2255 = arith.sitofp %add3A_206 : i32 to f32
    %add3A_2256 = arith.addf %convert_element_type3A_2255, %add3A_2099 : f32
    %jit3A_2257 = arith.constant 0.000000e+00 : f32
    %broadcast_in_dim3A_2258 = vector.broadcast %add3A_2256 : f32 to vector<1x512xf32>
    %broadcast_in_dim3A_2259 = vector.broadcast %jit3A_2257 : f32 to vector<1x512xf32>
    %select_n3A_2260 = arith.select %eq3A_2254, %broadcast_in_dim3A_2258, %broadcast_in_dim3A_2259 : vector<1x512xi1>, vector<1x512xf32>
    %add3A_2261 = arith.addf %add3A_2243, %select_n3A_2260 : vector<1x512xf32>
    %slice3A_2262 = vector.extract_strided_slice %convert_element_type3A_2117 {offsets = [7, 0], sizes = [1, 512], strides = [1, 1]} : vector<8x512xf32> to vector<1x512xf32>
    %squeeze3A_2263 = vector.shape_cast %slice3A_2262 : vector<1x512xf32> to vector<512xf32>
    %reduce_sum3A_2264 = vector.shape_cast %squeeze3A_2263 : vector<512xf32> to vector<1x512xf32>
    %reduce_sum3A_2265 = arith.constant dense<0.000000e+00> : vector<1xf32>
    %reduce_sum3A_2266 = vector.multi_reduction <add>, %reduce_sum3A_2264, %reduce_sum3A_2265 [1] : vector<1x512xf32> to vector<1xf32>
    %reduce_sum3A_2267 = vector.shape_cast %reduce_sum3A_2266 : vector<1xf32> to vector<1x1xf32>
    %reduce_sum3A_2268 = vector.extract %reduce_sum3A_2267[0, 0] : f32 from vector<1x1xf32>
    %add3A_2269 = arith.addf %add3A_2099, %reduce_sum3A_2268 : f32
    %add3A_2270 = arith.addf %add3A_2261, %broadcast_in_dim3A_2123 : vector<1x512xf32>
    %convert_element_type3A_2271 = arith.fptosi %add3A_2270 : vector<1x512xf32> to vector<1x512xi32>
    %squeeze3A_2272 = vector.shape_cast %convert_element_type3A_2271 : vector<1x512xi32> to vector<512xi32>
    %swap3A_2273 = arith.constant 9 : index
    %swap3A_2274 = arith.constant 0 : index
    %swap3A_2275 = vector.load %arg3[%swap3A_2273, %swap3A_2274] : memref<16x512xi32, #tpu.memory_space<vmem>>, vector<1x512xi32>
    %swap3A_2276 = vector.shape_cast %swap3A_2275 : vector<1x512xi32> to vector<512xi32>
    %swap3A_2277 = vector.shape_cast %squeeze3A_2272 : vector<512xi32> to vector<1x512xi32>
    tpu.vector_store %arg3[%swap3A_2273, %swap3A_2274], %swap3A_2277 {strides = array<i32>} : memref<16x512xi32, #tpu.memory_space<vmem>>, vector<1x512xi32>,
    %get3A_2278 = arith.constant 10 : index
    %get3A_2279 = arith.constant 0 : index
    %get3A_2280 = vector.load %arg2[%get3A_2278, %get3A_2279] : memref<16x512xi32, #tpu.memory_space<vmem>>, vector<1x512xi32>
    %get3A_2281 = vector.shape_cast %get3A_2280 : vector<1x512xi32> to vector<512xi32>
    %broadcast_in_dim3A_2282 = vector.shape_cast %get3A_2281 : vector<512xi32> to vector<1x512xi32>
    %broadcast_in_dim3A_2283 = vector.shape_cast %broadcast_in_dim3A_2282 : vector<1x512xi32> to vector<1x512xi32>
    %broadcast_in_dim3A_2284 = vector.broadcast %broadcast_in_dim3A_2283 : vector<1x512xi32> to vector<8x512xi32>
    %eq3A_2285 = arith.cmpi eq, %broadcast_in_dim3A_2284, %iota3A_566 : vector<8x512xi32>
    %convert_element_type3A_2286 = arith.extui %eq3A_2285 : vector<8x512xi1> to vector<8x512xi32>
    %convert_element_type3A_2287 = arith.sitofp %convert_element_type3A_2286 : vector<8x512xi32> to vector<8x512xf32>
    %dot_general3A_2288 = arith.constant dense<0.000000e+00> : vector<8x512xf32>
    %dot_general3A_2289 = tpu.matmul %convert_element_type3A_2287, %convert_element_type3A_565, %dot_general3A_2288 {dimension_numbers = #tpu.dot_dimension_numbers<[1], [0], [0], [1], [0, 0, 1, 1], [], []>, transpose_lhs_hint = false} : vector<8x512xf32>, vector<512x512xf32>, vector<8x512xf32> -> vector<8x512xf32>
    %mul3A_2290 = arith.mulf %dot_general3A_2289, %convert_element_type3A_2287 : vector<8x512xf32>
    %reduce_sum3A_2291 = arith.constant dense<0.000000e+00> : vector<512xf32>
    %reduce_sum3A_2292 = vector.multi_reduction <add>, %mul3A_2290, %reduce_sum3A_2291 [0] : vector<8x512xf32> to vector<512xf32>
    %broadcast_in_dim3A_2293 = vector.shape_cast %reduce_sum3A_2292 : vector<512xf32> to vector<1x512xf32>
    %broadcast_in_dim3A_2294 = arith.constant 0.000000e+00 : f32
    %broadcast_in_dim3A_2295 = vector.broadcast %broadcast_in_dim3A_2294 : f32 to vector<1x512xf32>
    %eq3A_2296 = arith.constant 0 : i32
    %eq3A_2297 = vector.broadcast %eq3A_2296 : i32 to vector<1x512xi32>
    %eq3A_2298 = arith.cmpi eq, %broadcast_in_dim3A_2282, %eq3A_2297 : vector<1x512xi32>
    %add3A_2299 = arith.constant 0.000000e+00 : f32
    %add3A_2300 = arith.addf %add3A_2299, %add3A_2143 : f32
    %jit3A_2301 = arith.constant 0.000000e+00 : f32
    %broadcast_in_dim3A_2302 = vector.broadcast %add3A_2300 : f32 to vector<1x512xf32>
    %broadcast_in_dim3A_2303 = vector.broadcast %jit3A_2301 : f32 to vector<1x512xf32>
    %select_n3A_2304 = arith.select %eq3A_2298, %broadcast_in_dim3A_2302, %broadcast_in_dim3A_2303 : vector<1x512xi1>, vector<1x512xf32>
    %add3A_2305 = arith.addf %broadcast_in_dim3A_2295, %select_n3A_2304 : vector<1x512xf32>
    %slice3A_2306 = vector.extract_strided_slice %convert_element_type3A_2287 {offsets = [0, 0], sizes = [1, 512], strides = [1, 1]} : vector<8x512xf32> to vector<1x512xf32>
    %squeeze3A_2307 = vector.shape_cast %slice3A_2306 : vector<1x512xf32> to vector<512xf32>
    %reduce_sum3A_2308 = vector.shape_cast %squeeze3A_2307 : vector<512xf32> to vector<1x512xf32>
    %reduce_sum3A_2309 = arith.constant dense<0.000000e+00> : vector<1xf32>
    %reduce_sum3A_2310 = vector.multi_reduction <add>, %reduce_sum3A_2308, %reduce_sum3A_2309 [1] : vector<1x512xf32> to vector<1xf32>
    %reduce_sum3A_2311 = vector.shape_cast %reduce_sum3A_2310 : vector<1xf32> to vector<1x1xf32>
    %reduce_sum3A_2312 = vector.extract %reduce_sum3A_2311[0, 0] : f32 from vector<1x1xf32>
    %add3A_2313 = arith.addf %add3A_2143, %reduce_sum3A_2312 : f32
    %eq3A_2314 = arith.constant 1 : i32
    %eq3A_2315 = vector.broadcast %eq3A_2314 : i32 to vector<1x512xi32>
    %eq3A_2316 = arith.cmpi eq, %broadcast_in_dim3A_2282, %eq3A_2315 : vector<1x512xi32>
    %convert_element_type3A_2317 = arith.sitofp %add3A_20 : i32 to f32
    %add3A_2318 = arith.addf %convert_element_type3A_2317, %add3A_2161 : f32
    %jit3A_2319 = arith.constant 0.000000e+00 : f32
    %broadcast_in_dim3A_2320 = vector.broadcast %add3A_2318 : f32 to vector<1x512xf32>
    %broadcast_in_dim3A_2321 = vector.broadcast %jit3A_2319 : f32 to vector<1x512xf32>
    %select_n3A_2322 = arith.select %eq3A_2316, %broadcast_in_dim3A_2320, %broadcast_in_dim3A_2321 : vector<1x512xi1>, vector<1x512xf32>
    %add3A_2323 = arith.addf %add3A_2305, %select_n3A_2322 : vector<1x512xf32>
    %slice3A_2324 = vector.extract_strided_slice %convert_element_type3A_2287 {offsets = [1, 0], sizes = [1, 512], strides = [1, 1]} : vector<8x512xf32> to vector<1x512xf32>
    %squeeze3A_2325 = vector.shape_cast %slice3A_2324 : vector<1x512xf32> to vector<512xf32>
    %reduce_sum3A_2326 = vector.shape_cast %squeeze3A_2325 : vector<512xf32> to vector<1x512xf32>
    %reduce_sum3A_2327 = arith.constant dense<0.000000e+00> : vector<1xf32>
    %reduce_sum3A_2328 = vector.multi_reduction <add>, %reduce_sum3A_2326, %reduce_sum3A_2327 [1] : vector<1x512xf32> to vector<1xf32>
    %reduce_sum3A_2329 = vector.shape_cast %reduce_sum3A_2328 : vector<1xf32> to vector<1x1xf32>
    %reduce_sum3A_2330 = vector.extract %reduce_sum3A_2329[0, 0] : f32 from vector<1x1xf32>
    %add3A_2331 = arith.addf %add3A_2161, %reduce_sum3A_2330 : f32
    %eq3A_2332 = arith.constant 2 : i32
    %eq3A_2333 = vector.broadcast %eq3A_2332 : i32 to vector<1x512xi32>
    %eq3A_2334 = arith.cmpi eq, %broadcast_in_dim3A_2282, %eq3A_2333 : vector<1x512xi32>
    %convert_element_type3A_2335 = arith.sitofp %add3A_51 : i32 to f32
    %add3A_2336 = arith.addf %convert_element_type3A_2335, %add3A_2179 : f32
    %jit3A_2337 = arith.constant 0.000000e+00 : f32
    %broadcast_in_dim3A_2338 = vector.broadcast %add3A_2336 : f32 to vector<1x512xf32>
    %broadcast_in_dim3A_2339 = vector.broadcast %jit3A_2337 : f32 to vector<1x512xf32>
    %select_n3A_2340 = arith.select %eq3A_2334, %broadcast_in_dim3A_2338, %broadcast_in_dim3A_2339 : vector<1x512xi1>, vector<1x512xf32>
    %add3A_2341 = arith.addf %add3A_2323, %select_n3A_2340 : vector<1x512xf32>
    %slice3A_2342 = vector.extract_strided_slice %convert_element_type3A_2287 {offsets = [2, 0], sizes = [1, 512], strides = [1, 1]} : vector<8x512xf32> to vector<1x512xf32>
    %squeeze3A_2343 = vector.shape_cast %slice3A_2342 : vector<1x512xf32> to vector<512xf32>
    %reduce_sum3A_2344 = vector.shape_cast %squeeze3A_2343 : vector<512xf32> to vector<1x512xf32>
    %reduce_sum3A_2345 = arith.constant dense<0.000000e+00> : vector<1xf32>
    %reduce_sum3A_2346 = vector.multi_reduction <add>, %reduce_sum3A_2344, %reduce_sum3A_2345 [1] : vector<1x512xf32> to vector<1xf32>
    %reduce_sum3A_2347 = vector.shape_cast %reduce_sum3A_2346 : vector<1xf32> to vector<1x1xf32>
    %reduce_sum3A_2348 = vector.extract %reduce_sum3A_2347[0, 0] : f32 from vector<1x1xf32>
    %add3A_2349 = arith.addf %add3A_2179, %reduce_sum3A_2348 : f32
    %eq3A_2350 = arith.constant 3 : i32
    %eq3A_2351 = vector.broadcast %eq3A_2350 : i32 to vector<1x512xi32>
    %eq3A_2352 = arith.cmpi eq, %broadcast_in_dim3A_2282, %eq3A_2351 : vector<1x512xi32>
    %convert_element_type3A_2353 = arith.sitofp %add3A_82 : i32 to f32
    %add3A_2354 = arith.addf %convert_element_type3A_2353, %add3A_2197 : f32
    %jit3A_2355 = arith.constant 0.000000e+00 : f32
    %broadcast_in_dim3A_2356 = vector.broadcast %add3A_2354 : f32 to vector<1x512xf32>
    %broadcast_in_dim3A_2357 = vector.broadcast %jit3A_2355 : f32 to vector<1x512xf32>
    %select_n3A_2358 = arith.select %eq3A_2352, %broadcast_in_dim3A_2356, %broadcast_in_dim3A_2357 : vector<1x512xi1>, vector<1x512xf32>
    %add3A_2359 = arith.addf %add3A_2341, %select_n3A_2358 : vector<1x512xf32>
    %slice3A_2360 = vector.extract_strided_slice %convert_element_type3A_2287 {offsets = [3, 0], sizes = [1, 512], strides = [1, 1]} : vector<8x512xf32> to vector<1x512xf32>
    %squeeze3A_2361 = vector.shape_cast %slice3A_2360 : vector<1x512xf32> to vector<512xf32>
    %reduce_sum3A_2362 = vector.shape_cast %squeeze3A_2361 : vector<512xf32> to vector<1x512xf32>
    %reduce_sum3A_2363 = arith.constant dense<0.000000e+00> : vector<1xf32>
    %reduce_sum3A_2364 = vector.multi_reduction <add>, %reduce_sum3A_2362, %reduce_sum3A_2363 [1] : vector<1x512xf32> to vector<1xf32>
    %reduce_sum3A_2365 = vector.shape_cast %reduce_sum3A_2364 : vector<1xf32> to vector<1x1xf32>
    %reduce_sum3A_2366 = vector.extract %reduce_sum3A_2365[0, 0] : f32 from vector<1x1xf32>
    %add3A_2367 = arith.addf %add3A_2197, %reduce_sum3A_2366 : f32
    %eq3A_2368 = arith.constant 4 : i32
    %eq3A_2369 = vector.broadcast %eq3A_2368 : i32 to vector<1x512xi32>
    %eq3A_2370 = arith.cmpi eq, %broadcast_in_dim3A_2282, %eq3A_2369 : vector<1x512xi32>
    %convert_element_type3A_2371 = arith.sitofp %add3A_113 : i32 to f32
    %add3A_2372 = arith.addf %convert_element_type3A_2371, %add3A_2215 : f32
    %jit3A_2373 = arith.constant 0.000000e+00 : f32
    %broadcast_in_dim3A_2374 = vector.broadcast %add3A_2372 : f32 to vector<1x512xf32>
    %broadcast_in_dim3A_2375 = vector.broadcast %jit3A_2373 : f32 to vector<1x512xf32>
    %select_n3A_2376 = arith.select %eq3A_2370, %broadcast_in_dim3A_2374, %broadcast_in_dim3A_2375 : vector<1x512xi1>, vector<1x512xf32>
    %add3A_2377 = arith.addf %add3A_2359, %select_n3A_2376 : vector<1x512xf32>
    %slice3A_2378 = vector.extract_strided_slice %convert_element_type3A_2287 {offsets = [4, 0], sizes = [1, 512], strides = [1, 1]} : vector<8x512xf32> to vector<1x512xf32>
    %squeeze3A_2379 = vector.shape_cast %slice3A_2378 : vector<1x512xf32> to vector<512xf32>
    %reduce_sum3A_2380 = vector.shape_cast %squeeze3A_2379 : vector<512xf32> to vector<1x512xf32>
    %reduce_sum3A_2381 = arith.constant dense<0.000000e+00> : vector<1xf32>
    %reduce_sum3A_2382 = vector.multi_reduction <add>, %reduce_sum3A_2380, %reduce_sum3A_2381 [1] : vector<1x512xf32> to vector<1xf32>
    %reduce_sum3A_2383 = vector.shape_cast %reduce_sum3A_2382 : vector<1xf32> to vector<1x1xf32>
    %reduce_sum3A_2384 = vector.extract %reduce_sum3A_2383[0, 0] : f32 from vector<1x1xf32>
    %add3A_2385 = arith.addf %add3A_2215, %reduce_sum3A_2384 : f32
    %eq3A_2386 = arith.constant 5 : i32
    %eq3A_2387 = vector.broadcast %eq3A_2386 : i32 to vector<1x512xi32>
    %eq3A_2388 = arith.cmpi eq, %broadcast_in_dim3A_2282, %eq3A_2387 : vector<1x512xi32>
    %convert_element_type3A_2389 = arith.sitofp %add3A_144 : i32 to f32
    %add3A_2390 = arith.addf %convert_element_type3A_2389, %add3A_2233 : f32
    %jit3A_2391 = arith.constant 0.000000e+00 : f32
    %broadcast_in_dim3A_2392 = vector.broadcast %add3A_2390 : f32 to vector<1x512xf32>
    %broadcast_in_dim3A_2393 = vector.broadcast %jit3A_2391 : f32 to vector<1x512xf32>
    %select_n3A_2394 = arith.select %eq3A_2388, %broadcast_in_dim3A_2392, %broadcast_in_dim3A_2393 : vector<1x512xi1>, vector<1x512xf32>
    %add3A_2395 = arith.addf %add3A_2377, %select_n3A_2394 : vector<1x512xf32>
    %slice3A_2396 = vector.extract_strided_slice %convert_element_type3A_2287 {offsets = [5, 0], sizes = [1, 512], strides = [1, 1]} : vector<8x512xf32> to vector<1x512xf32>
    %squeeze3A_2397 = vector.shape_cast %slice3A_2396 : vector<1x512xf32> to vector<512xf32>
    %reduce_sum3A_2398 = vector.shape_cast %squeeze3A_2397 : vector<512xf32> to vector<1x512xf32>
    %reduce_sum3A_2399 = arith.constant dense<0.000000e+00> : vector<1xf32>
    %reduce_sum3A_2400 = vector.multi_reduction <add>, %reduce_sum3A_2398, %reduce_sum3A_2399 [1] : vector<1x512xf32> to vector<1xf32>
    %reduce_sum3A_2401 = vector.shape_cast %reduce_sum3A_2400 : vector<1xf32> to vector<1x1xf32>
    %reduce_sum3A_2402 = vector.extract %reduce_sum3A_2401[0, 0] : f32 from vector<1x1xf32>
    %add3A_2403 = arith.addf %add3A_2233, %reduce_sum3A_2402 : f32
    %eq3A_2404 = arith.constant 6 : i32
    %eq3A_2405 = vector.broadcast %eq3A_2404 : i32 to vector<1x512xi32>
    %eq3A_2406 = arith.cmpi eq, %broadcast_in_dim3A_2282, %eq3A_2405 : vector<1x512xi32>
    %convert_element_type3A_2407 = arith.sitofp %add3A_175 : i32 to f32
    %add3A_2408 = arith.addf %convert_element_type3A_2407, %add3A_2251 : f32
    %jit3A_2409 = arith.constant 0.000000e+00 : f32
    %broadcast_in_dim3A_2410 = vector.broadcast %add3A_2408 : f32 to vector<1x512xf32>
    %broadcast_in_dim3A_2411 = vector.broadcast %jit3A_2409 : f32 to vector<1x512xf32>
    %select_n3A_2412 = arith.select %eq3A_2406, %broadcast_in_dim3A_2410, %broadcast_in_dim3A_2411 : vector<1x512xi1>, vector<1x512xf32>
    %add3A_2413 = arith.addf %add3A_2395, %select_n3A_2412 : vector<1x512xf32>
    %slice3A_2414 = vector.extract_strided_slice %convert_element_type3A_2287 {offsets = [6, 0], sizes = [1, 512], strides = [1, 1]} : vector<8x512xf32> to vector<1x512xf32>
    %squeeze3A_2415 = vector.shape_cast %slice3A_2414 : vector<1x512xf32> to vector<512xf32>
    %reduce_sum3A_2416 = vector.shape_cast %squeeze3A_2415 : vector<512xf32> to vector<1x512xf32>
    %reduce_sum3A_2417 = arith.constant dense<0.000000e+00> : vector<1xf32>
    %reduce_sum3A_2418 = vector.multi_reduction <add>, %reduce_sum3A_2416, %reduce_sum3A_2417 [1] : vector<1x512xf32> to vector<1xf32>
    %reduce_sum3A_2419 = vector.shape_cast %reduce_sum3A_2418 : vector<1xf32> to vector<1x1xf32>
    %reduce_sum3A_2420 = vector.extract %reduce_sum3A_2419[0, 0] : f32 from vector<1x1xf32>
    %add3A_2421 = arith.addf %add3A_2251, %reduce_sum3A_2420 : f32
    %eq3A_2422 = arith.constant 7 : i32
    %eq3A_2423 = vector.broadcast %eq3A_2422 : i32 to vector<1x512xi32>
    %eq3A_2424 = arith.cmpi eq, %broadcast_in_dim3A_2282, %eq3A_2423 : vector<1x512xi32>
    %convert_element_type3A_2425 = arith.sitofp %add3A_206 : i32 to f32
    %add3A_2426 = arith.addf %convert_element_type3A_2425, %add3A_2269 : f32
    %jit3A_2427 = arith.constant 0.000000e+00 : f32
    %broadcast_in_dim3A_2428 = vector.broadcast %add3A_2426 : f32 to vector<1x512xf32>
    %broadcast_in_dim3A_2429 = vector.broadcast %jit3A_2427 : f32 to vector<1x512xf32>
    %select_n3A_2430 = arith.select %eq3A_2424, %broadcast_in_dim3A_2428, %broadcast_in_dim3A_2429 : vector<1x512xi1>, vector<1x512xf32>
    %add3A_2431 = arith.addf %add3A_2413, %select_n3A_2430 : vector<1x512xf32>
    %slice3A_2432 = vector.extract_strided_slice %convert_element_type3A_2287 {offsets = [7, 0], sizes = [1, 512], strides = [1, 1]} : vector<8x512xf32> to vector<1x512xf32>
    %squeeze3A_2433 = vector.shape_cast %slice3A_2432 : vector<1x512xf32> to vector<512xf32>
    %reduce_sum3A_2434 = vector.shape_cast %squeeze3A_2433 : vector<512xf32> to vector<1x512xf32>
    %reduce_sum3A_2435 = arith.constant dense<0.000000e+00> : vector<1xf32>
    %reduce_sum3A_2436 = vector.multi_reduction <add>, %reduce_sum3A_2434, %reduce_sum3A_2435 [1] : vector<1x512xf32> to vector<1xf32>
    %reduce_sum3A_2437 = vector.shape_cast %reduce_sum3A_2436 : vector<1xf32> to vector<1x1xf32>
    %reduce_sum3A_2438 = vector.extract %reduce_sum3A_2437[0, 0] : f32 from vector<1x1xf32>
    %add3A_2439 = arith.addf %add3A_2269, %reduce_sum3A_2438 : f32
    %add3A_2440 = arith.addf %add3A_2431, %broadcast_in_dim3A_2293 : vector<1x512xf32>
    %convert_element_type3A_2441 = arith.fptosi %add3A_2440 : vector<1x512xf32> to vector<1x512xi32>
    %squeeze3A_2442 = vector.shape_cast %convert_element_type3A_2441 : vector<1x512xi32> to vector<512xi32>
    %swap3A_2443 = arith.constant 10 : index
    %swap3A_2444 = arith.constant 0 : index
    %swap3A_2445 = vector.load %arg3[%swap3A_2443, %swap3A_2444] : memref<16x512xi32, #tpu.memory_space<vmem>>, vector<1x512xi32>
    %swap3A_2446 = vector.shape_cast %swap3A_2445 : vector<1x512xi32> to vector<512xi32>
    %swap3A_2447 = vector.shape_cast %squeeze3A_2442 : vector<512xi32> to vector<1x512xi32>
    tpu.vector_store %arg3[%swap3A_2443, %swap3A_2444], %swap3A_2447 {strides = array<i32>} : memref<16x512xi32, #tpu.memory_space<vmem>>, vector<1x512xi32>,
    %get3A_2448 = arith.constant 11 : index
    %get3A_2449 = arith.constant 0 : index
    %get3A_2450 = vector.load %arg2[%get3A_2448, %get3A_2449] : memref<16x512xi32, #tpu.memory_space<vmem>>, vector<1x512xi32>
    %get3A_2451 = vector.shape_cast %get3A_2450 : vector<1x512xi32> to vector<512xi32>
    %broadcast_in_dim3A_2452 = vector.shape_cast %get3A_2451 : vector<512xi32> to vector<1x512xi32>
    %broadcast_in_dim3A_2453 = vector.shape_cast %broadcast_in_dim3A_2452 : vector<1x512xi32> to vector<1x512xi32>
    %broadcast_in_dim3A_2454 = vector.broadcast %broadcast_in_dim3A_2453 : vector<1x512xi32> to vector<8x512xi32>
    %eq3A_2455 = arith.cmpi eq, %broadcast_in_dim3A_2454, %iota3A_566 : vector<8x512xi32>
    %convert_element_type3A_2456 = arith.extui %eq3A_2455 : vector<8x512xi1> to vector<8x512xi32>
    %convert_element_type3A_2457 = arith.sitofp %convert_element_type3A_2456 : vector<8x512xi32> to vector<8x512xf32>
    %dot_general3A_2458 = arith.constant dense<0.000000e+00> : vector<8x512xf32>
    %dot_general3A_2459 = tpu.matmul %convert_element_type3A_2457, %convert_element_type3A_565, %dot_general3A_2458 {dimension_numbers = #tpu.dot_dimension_numbers<[1], [0], [0], [1], [0, 0, 1, 1], [], []>, transpose_lhs_hint = false} : vector<8x512xf32>, vector<512x512xf32>, vector<8x512xf32> -> vector<8x512xf32>
    %mul3A_2460 = arith.mulf %dot_general3A_2459, %convert_element_type3A_2457 : vector<8x512xf32>
    %reduce_sum3A_2461 = arith.constant dense<0.000000e+00> : vector<512xf32>
    %reduce_sum3A_2462 = vector.multi_reduction <add>, %mul3A_2460, %reduce_sum3A_2461 [0] : vector<8x512xf32> to vector<512xf32>
    %broadcast_in_dim3A_2463 = vector.shape_cast %reduce_sum3A_2462 : vector<512xf32> to vector<1x512xf32>
    %broadcast_in_dim3A_2464 = arith.constant 0.000000e+00 : f32
    %broadcast_in_dim3A_2465 = vector.broadcast %broadcast_in_dim3A_2464 : f32 to vector<1x512xf32>
    %eq3A_2466 = arith.constant 0 : i32
    %eq3A_2467 = vector.broadcast %eq3A_2466 : i32 to vector<1x512xi32>
    %eq3A_2468 = arith.cmpi eq, %broadcast_in_dim3A_2452, %eq3A_2467 : vector<1x512xi32>
    %add3A_2469 = arith.constant 0.000000e+00 : f32
    %add3A_2470 = arith.addf %add3A_2469, %add3A_2313 : f32
    %jit3A_2471 = arith.constant 0.000000e+00 : f32
    %broadcast_in_dim3A_2472 = vector.broadcast %add3A_2470 : f32 to vector<1x512xf32>
    %broadcast_in_dim3A_2473 = vector.broadcast %jit3A_2471 : f32 to vector<1x512xf32>
    %select_n3A_2474 = arith.select %eq3A_2468, %broadcast_in_dim3A_2472, %broadcast_in_dim3A_2473 : vector<1x512xi1>, vector<1x512xf32>
    %add3A_2475 = arith.addf %broadcast_in_dim3A_2465, %select_n3A_2474 : vector<1x512xf32>
    %slice3A_2476 = vector.extract_strided_slice %convert_element_type3A_2457 {offsets = [0, 0], sizes = [1, 512], strides = [1, 1]} : vector<8x512xf32> to vector<1x512xf32>
    %squeeze3A_2477 = vector.shape_cast %slice3A_2476 : vector<1x512xf32> to vector<512xf32>
    %reduce_sum3A_2478 = vector.shape_cast %squeeze3A_2477 : vector<512xf32> to vector<1x512xf32>
    %reduce_sum3A_2479 = arith.constant dense<0.000000e+00> : vector<1xf32>
    %reduce_sum3A_2480 = vector.multi_reduction <add>, %reduce_sum3A_2478, %reduce_sum3A_2479 [1] : vector<1x512xf32> to vector<1xf32>
    %reduce_sum3A_2481 = vector.shape_cast %reduce_sum3A_2480 : vector<1xf32> to vector<1x1xf32>
    %reduce_sum3A_2482 = vector.extract %reduce_sum3A_2481[0, 0] : f32 from vector<1x1xf32>
    %add3A_2483 = arith.addf %add3A_2313, %reduce_sum3A_2482 : f32
    %eq3A_2484 = arith.constant 1 : i32
    %eq3A_2485 = vector.broadcast %eq3A_2484 : i32 to vector<1x512xi32>
    %eq3A_2486 = arith.cmpi eq, %broadcast_in_dim3A_2452, %eq3A_2485 : vector<1x512xi32>
    %convert_element_type3A_2487 = arith.sitofp %add3A_20 : i32 to f32
    %add3A_2488 = arith.addf %convert_element_type3A_2487, %add3A_2331 : f32
    %jit3A_2489 = arith.constant 0.000000e+00 : f32
    %broadcast_in_dim3A_2490 = vector.broadcast %add3A_2488 : f32 to vector<1x512xf32>
    %broadcast_in_dim3A_2491 = vector.broadcast %jit3A_2489 : f32 to vector<1x512xf32>
    %select_n3A_2492 = arith.select %eq3A_2486, %broadcast_in_dim3A_2490, %broadcast_in_dim3A_2491 : vector<1x512xi1>, vector<1x512xf32>
    %add3A_2493 = arith.addf %add3A_2475, %select_n3A_2492 : vector<1x512xf32>
    %slice3A_2494 = vector.extract_strided_slice %convert_element_type3A_2457 {offsets = [1, 0], sizes = [1, 512], strides = [1, 1]} : vector<8x512xf32> to vector<1x512xf32>
    %squeeze3A_2495 = vector.shape_cast %slice3A_2494 : vector<1x512xf32> to vector<512xf32>
    %reduce_sum3A_2496 = vector.shape_cast %squeeze3A_2495 : vector<512xf32> to vector<1x512xf32>
    %reduce_sum3A_2497 = arith.constant dense<0.000000e+00> : vector<1xf32>
    %reduce_sum3A_2498 = vector.multi_reduction <add>, %reduce_sum3A_2496, %reduce_sum3A_2497 [1] : vector<1x512xf32> to vector<1xf32>
    %reduce_sum3A_2499 = vector.shape_cast %reduce_sum3A_2498 : vector<1xf32> to vector<1x1xf32>
    %reduce_sum3A_2500 = vector.extract %reduce_sum3A_2499[0, 0] : f32 from vector<1x1xf32>
    %add3A_2501 = arith.addf %add3A_2331, %reduce_sum3A_2500 : f32
    %eq3A_2502 = arith.constant 2 : i32
    %eq3A_2503 = vector.broadcast %eq3A_2502 : i32 to vector<1x512xi32>
    %eq3A_2504 = arith.cmpi eq, %broadcast_in_dim3A_2452, %eq3A_2503 : vector<1x512xi32>
    %convert_element_type3A_2505 = arith.sitofp %add3A_51 : i32 to f32
    %add3A_2506 = arith.addf %convert_element_type3A_2505, %add3A_2349 : f32
    %jit3A_2507 = arith.constant 0.000000e+00 : f32
    %broadcast_in_dim3A_2508 = vector.broadcast %add3A_2506 : f32 to vector<1x512xf32>
    %broadcast_in_dim3A_2509 = vector.broadcast %jit3A_2507 : f32 to vector<1x512xf32>
    %select_n3A_2510 = arith.select %eq3A_2504, %broadcast_in_dim3A_2508, %broadcast_in_dim3A_2509 : vector<1x512xi1>, vector<1x512xf32>
    %add3A_2511 = arith.addf %add3A_2493, %select_n3A_2510 : vector<1x512xf32>
    %slice3A_2512 = vector.extract_strided_slice %convert_element_type3A_2457 {offsets = [2, 0], sizes = [1, 512], strides = [1, 1]} : vector<8x512xf32> to vector<1x512xf32>
    %squeeze3A_2513 = vector.shape_cast %slice3A_2512 : vector<1x512xf32> to vector<512xf32>
    %reduce_sum3A_2514 = vector.shape_cast %squeeze3A_2513 : vector<512xf32> to vector<1x512xf32>
    %reduce_sum3A_2515 = arith.constant dense<0.000000e+00> : vector<1xf32>
    %reduce_sum3A_2516 = vector.multi_reduction <add>, %reduce_sum3A_2514, %reduce_sum3A_2515 [1] : vector<1x512xf32> to vector<1xf32>
    %reduce_sum3A_2517 = vector.shape_cast %reduce_sum3A_2516 : vector<1xf32> to vector<1x1xf32>
    %reduce_sum3A_2518 = vector.extract %reduce_sum3A_2517[0, 0] : f32 from vector<1x1xf32>
    %add3A_2519 = arith.addf %add3A_2349, %reduce_sum3A_2518 : f32
    %eq3A_2520 = arith.constant 3 : i32
    %eq3A_2521 = vector.broadcast %eq3A_2520 : i32 to vector<1x512xi32>
    %eq3A_2522 = arith.cmpi eq, %broadcast_in_dim3A_2452, %eq3A_2521 : vector<1x512xi32>
    %convert_element_type3A_2523 = arith.sitofp %add3A_82 : i32 to f32
    %add3A_2524 = arith.addf %convert_element_type3A_2523, %add3A_2367 : f32
    %jit3A_2525 = arith.constant 0.000000e+00 : f32
    %broadcast_in_dim3A_2526 = vector.broadcast %add3A_2524 : f32 to vector<1x512xf32>
    %broadcast_in_dim3A_2527 = vector.broadcast %jit3A_2525 : f32 to vector<1x512xf32>
    %select_n3A_2528 = arith.select %eq3A_2522, %broadcast_in_dim3A_2526, %broadcast_in_dim3A_2527 : vector<1x512xi1>, vector<1x512xf32>
    %add3A_2529 = arith.addf %add3A_2511, %select_n3A_2528 : vector<1x512xf32>
    %slice3A_2530 = vector.extract_strided_slice %convert_element_type3A_2457 {offsets = [3, 0], sizes = [1, 512], strides = [1, 1]} : vector<8x512xf32> to vector<1x512xf32>
    %squeeze3A_2531 = vector.shape_cast %slice3A_2530 : vector<1x512xf32> to vector<512xf32>
    %reduce_sum3A_2532 = vector.shape_cast %squeeze3A_2531 : vector<512xf32> to vector<1x512xf32>
    %reduce_sum3A_2533 = arith.constant dense<0.000000e+00> : vector<1xf32>
    %reduce_sum3A_2534 = vector.multi_reduction <add>, %reduce_sum3A_2532, %reduce_sum3A_2533 [1] : vector<1x512xf32> to vector<1xf32>
    %reduce_sum3A_2535 = vector.shape_cast %reduce_sum3A_2534 : vector<1xf32> to vector<1x1xf32>
    %reduce_sum3A_2536 = vector.extract %reduce_sum3A_2535[0, 0] : f32 from vector<1x1xf32>
    %add3A_2537 = arith.addf %add3A_2367, %reduce_sum3A_2536 : f32
    %eq3A_2538 = arith.constant 4 : i32
    %eq3A_2539 = vector.broadcast %eq3A_2538 : i32 to vector<1x512xi32>
    %eq3A_2540 = arith.cmpi eq, %broadcast_in_dim3A_2452, %eq3A_2539 : vector<1x512xi32>
    %convert_element_type3A_2541 = arith.sitofp %add3A_113 : i32 to f32
    %add3A_2542 = arith.addf %convert_element_type3A_2541, %add3A_2385 : f32
    %jit3A_2543 = arith.constant 0.000000e+00 : f32
    %broadcast_in_dim3A_2544 = vector.broadcast %add3A_2542 : f32 to vector<1x512xf32>
    %broadcast_in_dim3A_2545 = vector.broadcast %jit3A_2543 : f32 to vector<1x512xf32>
    %select_n3A_2546 = arith.select %eq3A_2540, %broadcast_in_dim3A_2544, %broadcast_in_dim3A_2545 : vector<1x512xi1>, vector<1x512xf32>
    %add3A_2547 = arith.addf %add3A_2529, %select_n3A_2546 : vector<1x512xf32>
    %slice3A_2548 = vector.extract_strided_slice %convert_element_type3A_2457 {offsets = [4, 0], sizes = [1, 512], strides = [1, 1]} : vector<8x512xf32> to vector<1x512xf32>
    %squeeze3A_2549 = vector.shape_cast %slice3A_2548 : vector<1x512xf32> to vector<512xf32>
    %reduce_sum3A_2550 = vector.shape_cast %squeeze3A_2549 : vector<512xf32> to vector<1x512xf32>
    %reduce_sum3A_2551 = arith.constant dense<0.000000e+00> : vector<1xf32>
    %reduce_sum3A_2552 = vector.multi_reduction <add>, %reduce_sum3A_2550, %reduce_sum3A_2551 [1] : vector<1x512xf32> to vector<1xf32>
    %reduce_sum3A_2553 = vector.shape_cast %reduce_sum3A_2552 : vector<1xf32> to vector<1x1xf32>
    %reduce_sum3A_2554 = vector.extract %reduce_sum3A_2553[0, 0] : f32 from vector<1x1xf32>
    %add3A_2555 = arith.addf %add3A_2385, %reduce_sum3A_2554 : f32
    %eq3A_2556 = arith.constant 5 : i32
    %eq3A_2557 = vector.broadcast %eq3A_2556 : i32 to vector<1x512xi32>
    %eq3A_2558 = arith.cmpi eq, %broadcast_in_dim3A_2452, %eq3A_2557 : vector<1x512xi32>
    %convert_element_type3A_2559 = arith.sitofp %add3A_144 : i32 to f32
    %add3A_2560 = arith.addf %convert_element_type3A_2559, %add3A_2403 : f32
    %jit3A_2561 = arith.constant 0.000000e+00 : f32
    %broadcast_in_dim3A_2562 = vector.broadcast %add3A_2560 : f32 to vector<1x512xf32>
    %broadcast_in_dim3A_2563 = vector.broadcast %jit3A_2561 : f32 to vector<1x512xf32>
    %select_n3A_2564 = arith.select %eq3A_2558, %broadcast_in_dim3A_2562, %broadcast_in_dim3A_2563 : vector<1x512xi1>, vector<1x512xf32>
    %add3A_2565 = arith.addf %add3A_2547, %select_n3A_2564 : vector<1x512xf32>
    %slice3A_2566 = vector.extract_strided_slice %convert_element_type3A_2457 {offsets = [5, 0], sizes = [1, 512], strides = [1, 1]} : vector<8x512xf32> to vector<1x512xf32>
    %squeeze3A_2567 = vector.shape_cast %slice3A_2566 : vector<1x512xf32> to vector<512xf32>
    %reduce_sum3A_2568 = vector.shape_cast %squeeze3A_2567 : vector<512xf32> to vector<1x512xf32>
    %reduce_sum3A_2569 = arith.constant dense<0.000000e+00> : vector<1xf32>
    %reduce_sum3A_2570 = vector.multi_reduction <add>, %reduce_sum3A_2568, %reduce_sum3A_2569 [1] : vector<1x512xf32> to vector<1xf32>
    %reduce_sum3A_2571 = vector.shape_cast %reduce_sum3A_2570 : vector<1xf32> to vector<1x1xf32>
    %reduce_sum3A_2572 = vector.extract %reduce_sum3A_2571[0, 0] : f32 from vector<1x1xf32>
    %add3A_2573 = arith.addf %add3A_2403, %reduce_sum3A_2572 : f32
    %eq3A_2574 = arith.constant 6 : i32
    %eq3A_2575 = vector.broadcast %eq3A_2574 : i32 to vector<1x512xi32>
    %eq3A_2576 = arith.cmpi eq, %broadcast_in_dim3A_2452, %eq3A_2575 : vector<1x512xi32>
    %convert_element_type3A_2577 = arith.sitofp %add3A_175 : i32 to f32
    %add3A_2578 = arith.addf %convert_element_type3A_2577, %add3A_2421 : f32
    %jit3A_2579 = arith.constant 0.000000e+00 : f32
    %broadcast_in_dim3A_2580 = vector.broadcast %add3A_2578 : f32 to vector<1x512xf32>
    %broadcast_in_dim3A_2581 = vector.broadcast %jit3A_2579 : f32 to vector<1x512xf32>
    %select_n3A_2582 = arith.select %eq3A_2576, %broadcast_in_dim3A_2580, %broadcast_in_dim3A_2581 : vector<1x512xi1>, vector<1x512xf32>
    %add3A_2583 = arith.addf %add3A_2565, %select_n3A_2582 : vector<1x512xf32>
    %slice3A_2584 = vector.extract_strided_slice %convert_element_type3A_2457 {offsets = [6, 0], sizes = [1, 512], strides = [1, 1]} : vector<8x512xf32> to vector<1x512xf32>
    %squeeze3A_2585 = vector.shape_cast %slice3A_2584 : vector<1x512xf32> to vector<512xf32>
    %reduce_sum3A_2586 = vector.shape_cast %squeeze3A_2585 : vector<512xf32> to vector<1x512xf32>
    %reduce_sum3A_2587 = arith.constant dense<0.000000e+00> : vector<1xf32>
    %reduce_sum3A_2588 = vector.multi_reduction <add>, %reduce_sum3A_2586, %reduce_sum3A_2587 [1] : vector<1x512xf32> to vector<1xf32>
    %reduce_sum3A_2589 = vector.shape_cast %reduce_sum3A_2588 : vector<1xf32> to vector<1x1xf32>
    %reduce_sum3A_2590 = vector.extract %reduce_sum3A_2589[0, 0] : f32 from vector<1x1xf32>
    %add3A_2591 = arith.addf %add3A_2421, %reduce_sum3A_2590 : f32
    %eq3A_2592 = arith.constant 7 : i32
    %eq3A_2593 = vector.broadcast %eq3A_2592 : i32 to vector<1x512xi32>
    %eq3A_2594 = arith.cmpi eq, %broadcast_in_dim3A_2452, %eq3A_2593 : vector<1x512xi32>
    %convert_element_type3A_2595 = arith.sitofp %add3A_206 : i32 to f32
    %add3A_2596 = arith.addf %convert_element_type3A_2595, %add3A_2439 : f32
    %jit3A_2597 = arith.constant 0.000000e+00 : f32
    %broadcast_in_dim3A_2598 = vector.broadcast %add3A_2596 : f32 to vector<1x512xf32>
    %broadcast_in_dim3A_2599 = vector.broadcast %jit3A_2597 : f32 to vector<1x512xf32>
    %select_n3A_2600 = arith.select %eq3A_2594, %broadcast_in_dim3A_2598, %broadcast_in_dim3A_2599 : vector<1x512xi1>, vector<1x512xf32>
    %add3A_2601 = arith.addf %add3A_2583, %select_n3A_2600 : vector<1x512xf32>
    %slice3A_2602 = vector.extract_strided_slice %convert_element_type3A_2457 {offsets = [7, 0], sizes = [1, 512], strides = [1, 1]} : vector<8x512xf32> to vector<1x512xf32>
    %squeeze3A_2603 = vector.shape_cast %slice3A_2602 : vector<1x512xf32> to vector<512xf32>
    %reduce_sum3A_2604 = vector.shape_cast %squeeze3A_2603 : vector<512xf32> to vector<1x512xf32>
    %reduce_sum3A_2605 = arith.constant dense<0.000000e+00> : vector<1xf32>
    %reduce_sum3A_2606 = vector.multi_reduction <add>, %reduce_sum3A_2604, %reduce_sum3A_2605 [1] : vector<1x512xf32> to vector<1xf32>
    %reduce_sum3A_2607 = vector.shape_cast %reduce_sum3A_2606 : vector<1xf32> to vector<1x1xf32>
    %reduce_sum3A_2608 = vector.extract %reduce_sum3A_2607[0, 0] : f32 from vector<1x1xf32>
    %add3A_2609 = arith.addf %add3A_2439, %reduce_sum3A_2608 : f32
    %add3A_2610 = arith.addf %add3A_2601, %broadcast_in_dim3A_2463 : vector<1x512xf32>
    %convert_element_type3A_2611 = arith.fptosi %add3A_2610 : vector<1x512xf32> to vector<1x512xi32>
    %squeeze3A_2612 = vector.shape_cast %convert_element_type3A_2611 : vector<1x512xi32> to vector<512xi32>
    %swap3A_2613 = arith.constant 11 : index
    %swap3A_2614 = arith.constant 0 : index
    %swap3A_2615 = vector.load %arg3[%swap3A_2613, %swap3A_2614] : memref<16x512xi32, #tpu.memory_space<vmem>>, vector<1x512xi32>
    %swap3A_2616 = vector.shape_cast %swap3A_2615 : vector<1x512xi32> to vector<512xi32>
    %swap3A_2617 = vector.shape_cast %squeeze3A_2612 : vector<512xi32> to vector<1x512xi32>
    tpu.vector_store %arg3[%swap3A_2613, %swap3A_2614], %swap3A_2617 {strides = array<i32>} : memref<16x512xi32, #tpu.memory_space<vmem>>, vector<1x512xi32>,
    %get3A_2618 = arith.constant 12 : index
    %get3A_2619 = arith.constant 0 : index
    %get3A_2620 = vector.load %arg2[%get3A_2618, %get3A_2619] : memref<16x512xi32, #tpu.memory_space<vmem>>, vector<1x512xi32>
    %get3A_2621 = vector.shape_cast %get3A_2620 : vector<1x512xi32> to vector<512xi32>
    %broadcast_in_dim3A_2622 = vector.shape_cast %get3A_2621 : vector<512xi32> to vector<1x512xi32>
    %broadcast_in_dim3A_2623 = vector.shape_cast %broadcast_in_dim3A_2622 : vector<1x512xi32> to vector<1x512xi32>
    %broadcast_in_dim3A_2624 = vector.broadcast %broadcast_in_dim3A_2623 : vector<1x512xi32> to vector<8x512xi32>
    %eq3A_2625 = arith.cmpi eq, %broadcast_in_dim3A_2624, %iota3A_566 : vector<8x512xi32>
    %convert_element_type3A_2626 = arith.extui %eq3A_2625 : vector<8x512xi1> to vector<8x512xi32>
    %convert_element_type3A_2627 = arith.sitofp %convert_element_type3A_2626 : vector<8x512xi32> to vector<8x512xf32>
    %dot_general3A_2628 = arith.constant dense<0.000000e+00> : vector<8x512xf32>
    %dot_general3A_2629 = tpu.matmul %convert_element_type3A_2627, %convert_element_type3A_565, %dot_general3A_2628 {dimension_numbers = #tpu.dot_dimension_numbers<[1], [0], [0], [1], [0, 0, 1, 1], [], []>, transpose_lhs_hint = false} : vector<8x512xf32>, vector<512x512xf32>, vector<8x512xf32> -> vector<8x512xf32>
    %mul3A_2630 = arith.mulf %dot_general3A_2629, %convert_element_type3A_2627 : vector<8x512xf32>
    %reduce_sum3A_2631 = arith.constant dense<0.000000e+00> : vector<512xf32>
    %reduce_sum3A_2632 = vector.multi_reduction <add>, %mul3A_2630, %reduce_sum3A_2631 [0] : vector<8x512xf32> to vector<512xf32>
    %broadcast_in_dim3A_2633 = vector.shape_cast %reduce_sum3A_2632 : vector<512xf32> to vector<1x512xf32>
    %broadcast_in_dim3A_2634 = arith.constant 0.000000e+00 : f32
    %broadcast_in_dim3A_2635 = vector.broadcast %broadcast_in_dim3A_2634 : f32 to vector<1x512xf32>
    %eq3A_2636 = arith.constant 0 : i32
    %eq3A_2637 = vector.broadcast %eq3A_2636 : i32 to vector<1x512xi32>
    %eq3A_2638 = arith.cmpi eq, %broadcast_in_dim3A_2622, %eq3A_2637 : vector<1x512xi32>
    %add3A_2639 = arith.constant 0.000000e+00 : f32
    %add3A_2640 = arith.addf %add3A_2639, %add3A_2483 : f32
    %jit3A_2641 = arith.constant 0.000000e+00 : f32
    %broadcast_in_dim3A_2642 = vector.broadcast %add3A_2640 : f32 to vector<1x512xf32>
    %broadcast_in_dim3A_2643 = vector.broadcast %jit3A_2641 : f32 to vector<1x512xf32>
    %select_n3A_2644 = arith.select %eq3A_2638, %broadcast_in_dim3A_2642, %broadcast_in_dim3A_2643 : vector<1x512xi1>, vector<1x512xf32>
    %add3A_2645 = arith.addf %broadcast_in_dim3A_2635, %select_n3A_2644 : vector<1x512xf32>
    %slice3A_2646 = vector.extract_strided_slice %convert_element_type3A_2627 {offsets = [0, 0], sizes = [1, 512], strides = [1, 1]} : vector<8x512xf32> to vector<1x512xf32>
    %squeeze3A_2647 = vector.shape_cast %slice3A_2646 : vector<1x512xf32> to vector<512xf32>
    %reduce_sum3A_2648 = vector.shape_cast %squeeze3A_2647 : vector<512xf32> to vector<1x512xf32>
    %reduce_sum3A_2649 = arith.constant dense<0.000000e+00> : vector<1xf32>
    %reduce_sum3A_2650 = vector.multi_reduction <add>, %reduce_sum3A_2648, %reduce_sum3A_2649 [1] : vector<1x512xf32> to vector<1xf32>
    %reduce_sum3A_2651 = vector.shape_cast %reduce_sum3A_2650 : vector<1xf32> to vector<1x1xf32>
    %reduce_sum3A_2652 = vector.extract %reduce_sum3A_2651[0, 0] : f32 from vector<1x1xf32>
    %add3A_2653 = arith.addf %add3A_2483, %reduce_sum3A_2652 : f32
    %eq3A_2654 = arith.constant 1 : i32
    %eq3A_2655 = vector.broadcast %eq3A_2654 : i32 to vector<1x512xi32>
    %eq3A_2656 = arith.cmpi eq, %broadcast_in_dim3A_2622, %eq3A_2655 : vector<1x512xi32>
    %convert_element_type3A_2657 = arith.sitofp %add3A_20 : i32 to f32
    %add3A_2658 = arith.addf %convert_element_type3A_2657, %add3A_2501 : f32
    %jit3A_2659 = arith.constant 0.000000e+00 : f32
    %broadcast_in_dim3A_2660 = vector.broadcast %add3A_2658 : f32 to vector<1x512xf32>
    %broadcast_in_dim3A_2661 = vector.broadcast %jit3A_2659 : f32 to vector<1x512xf32>
    %select_n3A_2662 = arith.select %eq3A_2656, %broadcast_in_dim3A_2660, %broadcast_in_dim3A_2661 : vector<1x512xi1>, vector<1x512xf32>
    %add3A_2663 = arith.addf %add3A_2645, %select_n3A_2662 : vector<1x512xf32>
    %slice3A_2664 = vector.extract_strided_slice %convert_element_type3A_2627 {offsets = [1, 0], sizes = [1, 512], strides = [1, 1]} : vector<8x512xf32> to vector<1x512xf32>
    %squeeze3A_2665 = vector.shape_cast %slice3A_2664 : vector<1x512xf32> to vector<512xf32>
    %reduce_sum3A_2666 = vector.shape_cast %squeeze3A_2665 : vector<512xf32> to vector<1x512xf32>
    %reduce_sum3A_2667 = arith.constant dense<0.000000e+00> : vector<1xf32>
    %reduce_sum3A_2668 = vector.multi_reduction <add>, %reduce_sum3A_2666, %reduce_sum3A_2667 [1] : vector<1x512xf32> to vector<1xf32>
    %reduce_sum3A_2669 = vector.shape_cast %reduce_sum3A_2668 : vector<1xf32> to vector<1x1xf32>
    %reduce_sum3A_2670 = vector.extract %reduce_sum3A_2669[0, 0] : f32 from vector<1x1xf32>
    %add3A_2671 = arith.addf %add3A_2501, %reduce_sum3A_2670 : f32
    %eq3A_2672 = arith.constant 2 : i32
    %eq3A_2673 = vector.broadcast %eq3A_2672 : i32 to vector<1x512xi32>
    %eq3A_2674 = arith.cmpi eq, %broadcast_in_dim3A_2622, %eq3A_2673 : vector<1x512xi32>
    %convert_element_type3A_2675 = arith.sitofp %add3A_51 : i32 to f32
    %add3A_2676 = arith.addf %convert_element_type3A_2675, %add3A_2519 : f32
    %jit3A_2677 = arith.constant 0.000000e+00 : f32
    %broadcast_in_dim3A_2678 = vector.broadcast %add3A_2676 : f32 to vector<1x512xf32>
    %broadcast_in_dim3A_2679 = vector.broadcast %jit3A_2677 : f32 to vector<1x512xf32>
    %select_n3A_2680 = arith.select %eq3A_2674, %broadcast_in_dim3A_2678, %broadcast_in_dim3A_2679 : vector<1x512xi1>, vector<1x512xf32>
    %add3A_2681 = arith.addf %add3A_2663, %select_n3A_2680 : vector<1x512xf32>
    %slice3A_2682 = vector.extract_strided_slice %convert_element_type3A_2627 {offsets = [2, 0], sizes = [1, 512], strides = [1, 1]} : vector<8x512xf32> to vector<1x512xf32>
    %squeeze3A_2683 = vector.shape_cast %slice3A_2682 : vector<1x512xf32> to vector<512xf32>
    %reduce_sum3A_2684 = vector.shape_cast %squeeze3A_2683 : vector<512xf32> to vector<1x512xf32>
    %reduce_sum3A_2685 = arith.constant dense<0.000000e+00> : vector<1xf32>
    %reduce_sum3A_2686 = vector.multi_reduction <add>, %reduce_sum3A_2684, %reduce_sum3A_2685 [1] : vector<1x512xf32> to vector<1xf32>
    %reduce_sum3A_2687 = vector.shape_cast %reduce_sum3A_2686 : vector<1xf32> to vector<1x1xf32>
    %reduce_sum3A_2688 = vector.extract %reduce_sum3A_2687[0, 0] : f32 from vector<1x1xf32>
    %add3A_2689 = arith.addf %add3A_2519, %reduce_sum3A_2688 : f32
    %eq3A_2690 = arith.constant 3 : i32
    %eq3A_2691 = vector.broadcast %eq3A_2690 : i32 to vector<1x512xi32>
    %eq3A_2692 = arith.cmpi eq, %broadcast_in_dim3A_2622, %eq3A_2691 : vector<1x512xi32>
    %convert_element_type3A_2693 = arith.sitofp %add3A_82 : i32 to f32
    %add3A_2694 = arith.addf %convert_element_type3A_2693, %add3A_2537 : f32
    %jit3A_2695 = arith.constant 0.000000e+00 : f32
    %broadcast_in_dim3A_2696 = vector.broadcast %add3A_2694 : f32 to vector<1x512xf32>
    %broadcast_in_dim3A_2697 = vector.broadcast %jit3A_2695 : f32 to vector<1x512xf32>
    %select_n3A_2698 = arith.select %eq3A_2692, %broadcast_in_dim3A_2696, %broadcast_in_dim3A_2697 : vector<1x512xi1>, vector<1x512xf32>
    %add3A_2699 = arith.addf %add3A_2681, %select_n3A_2698 : vector<1x512xf32>
    %slice3A_2700 = vector.extract_strided_slice %convert_element_type3A_2627 {offsets = [3, 0], sizes = [1, 512], strides = [1, 1]} : vector<8x512xf32> to vector<1x512xf32>
    %squeeze3A_2701 = vector.shape_cast %slice3A_2700 : vector<1x512xf32> to vector<512xf32>
    %reduce_sum3A_2702 = vector.shape_cast %squeeze3A_2701 : vector<512xf32> to vector<1x512xf32>
    %reduce_sum3A_2703 = arith.constant dense<0.000000e+00> : vector<1xf32>
    %reduce_sum3A_2704 = vector.multi_reduction <add>, %reduce_sum3A_2702, %reduce_sum3A_2703 [1] : vector<1x512xf32> to vector<1xf32>
    %reduce_sum3A_2705 = vector.shape_cast %reduce_sum3A_2704 : vector<1xf32> to vector<1x1xf32>
    %reduce_sum3A_2706 = vector.extract %reduce_sum3A_2705[0, 0] : f32 from vector<1x1xf32>
    %add3A_2707 = arith.addf %add3A_2537, %reduce_sum3A_2706 : f32
    %eq3A_2708 = arith.constant 4 : i32
    %eq3A_2709 = vector.broadcast %eq3A_2708 : i32 to vector<1x512xi32>
    %eq3A_2710 = arith.cmpi eq, %broadcast_in_dim3A_2622, %eq3A_2709 : vector<1x512xi32>
    %convert_element_type3A_2711 = arith.sitofp %add3A_113 : i32 to f32
    %add3A_2712 = arith.addf %convert_element_type3A_2711, %add3A_2555 : f32
    %jit3A_2713 = arith.constant 0.000000e+00 : f32
    %broadcast_in_dim3A_2714 = vector.broadcast %add3A_2712 : f32 to vector<1x512xf32>
    %broadcast_in_dim3A_2715 = vector.broadcast %jit3A_2713 : f32 to vector<1x512xf32>
    %select_n3A_2716 = arith.select %eq3A_2710, %broadcast_in_dim3A_2714, %broadcast_in_dim3A_2715 : vector<1x512xi1>, vector<1x512xf32>
    %add3A_2717 = arith.addf %add3A_2699, %select_n3A_2716 : vector<1x512xf32>
    %slice3A_2718 = vector.extract_strided_slice %convert_element_type3A_2627 {offsets = [4, 0], sizes = [1, 512], strides = [1, 1]} : vector<8x512xf32> to vector<1x512xf32>
    %squeeze3A_2719 = vector.shape_cast %slice3A_2718 : vector<1x512xf32> to vector<512xf32>
    %reduce_sum3A_2720 = vector.shape_cast %squeeze3A_2719 : vector<512xf32> to vector<1x512xf32>
    %reduce_sum3A_2721 = arith.constant dense<0.000000e+00> : vector<1xf32>
    %reduce_sum3A_2722 = vector.multi_reduction <add>, %reduce_sum3A_2720, %reduce_sum3A_2721 [1] : vector<1x512xf32> to vector<1xf32>
    %reduce_sum3A_2723 = vector.shape_cast %reduce_sum3A_2722 : vector<1xf32> to vector<1x1xf32>
    %reduce_sum3A_2724 = vector.extract %reduce_sum3A_2723[0, 0] : f32 from vector<1x1xf32>
    %add3A_2725 = arith.addf %add3A_2555, %reduce_sum3A_2724 : f32
    %eq3A_2726 = arith.constant 5 : i32
    %eq3A_2727 = vector.broadcast %eq3A_2726 : i32 to vector<1x512xi32>
    %eq3A_2728 = arith.cmpi eq, %broadcast_in_dim3A_2622, %eq3A_2727 : vector<1x512xi32>
    %convert_element_type3A_2729 = arith.sitofp %add3A_144 : i32 to f32
    %add3A_2730 = arith.addf %convert_element_type3A_2729, %add3A_2573 : f32
    %jit3A_2731 = arith.constant 0.000000e+00 : f32
    %broadcast_in_dim3A_2732 = vector.broadcast %add3A_2730 : f32 to vector<1x512xf32>
    %broadcast_in_dim3A_2733 = vector.broadcast %jit3A_2731 : f32 to vector<1x512xf32>
    %select_n3A_2734 = arith.select %eq3A_2728, %broadcast_in_dim3A_2732, %broadcast_in_dim3A_2733 : vector<1x512xi1>, vector<1x512xf32>
    %add3A_2735 = arith.addf %add3A_2717, %select_n3A_2734 : vector<1x512xf32>
    %slice3A_2736 = vector.extract_strided_slice %convert_element_type3A_2627 {offsets = [5, 0], sizes = [1, 512], strides = [1, 1]} : vector<8x512xf32> to vector<1x512xf32>
    %squeeze3A_2737 = vector.shape_cast %slice3A_2736 : vector<1x512xf32> to vector<512xf32>
    %reduce_sum3A_2738 = vector.shape_cast %squeeze3A_2737 : vector<512xf32> to vector<1x512xf32>
    %reduce_sum3A_2739 = arith.constant dense<0.000000e+00> : vector<1xf32>
    %reduce_sum3A_2740 = vector.multi_reduction <add>, %reduce_sum3A_2738, %reduce_sum3A_2739 [1] : vector<1x512xf32> to vector<1xf32>
    %reduce_sum3A_2741 = vector.shape_cast %reduce_sum3A_2740 : vector<1xf32> to vector<1x1xf32>
    %reduce_sum3A_2742 = vector.extract %reduce_sum3A_2741[0, 0] : f32 from vector<1x1xf32>
    %add3A_2743 = arith.addf %add3A_2573, %reduce_sum3A_2742 : f32
    %eq3A_2744 = arith.constant 6 : i32
    %eq3A_2745 = vector.broadcast %eq3A_2744 : i32 to vector<1x512xi32>
    %eq3A_2746 = arith.cmpi eq, %broadcast_in_dim3A_2622, %eq3A_2745 : vector<1x512xi32>
    %convert_element_type3A_2747 = arith.sitofp %add3A_175 : i32 to f32
    %add3A_2748 = arith.addf %convert_element_type3A_2747, %add3A_2591 : f32
    %jit3A_2749 = arith.constant 0.000000e+00 : f32
    %broadcast_in_dim3A_2750 = vector.broadcast %add3A_2748 : f32 to vector<1x512xf32>
    %broadcast_in_dim3A_2751 = vector.broadcast %jit3A_2749 : f32 to vector<1x512xf32>
    %select_n3A_2752 = arith.select %eq3A_2746, %broadcast_in_dim3A_2750, %broadcast_in_dim3A_2751 : vector<1x512xi1>, vector<1x512xf32>
    %add3A_2753 = arith.addf %add3A_2735, %select_n3A_2752 : vector<1x512xf32>
    %slice3A_2754 = vector.extract_strided_slice %convert_element_type3A_2627 {offsets = [6, 0], sizes = [1, 512], strides = [1, 1]} : vector<8x512xf32> to vector<1x512xf32>
    %squeeze3A_2755 = vector.shape_cast %slice3A_2754 : vector<1x512xf32> to vector<512xf32>
    %reduce_sum3A_2756 = vector.shape_cast %squeeze3A_2755 : vector<512xf32> to vector<1x512xf32>
    %reduce_sum3A_2757 = arith.constant dense<0.000000e+00> : vector<1xf32>
    %reduce_sum3A_2758 = vector.multi_reduction <add>, %reduce_sum3A_2756, %reduce_sum3A_2757 [1] : vector<1x512xf32> to vector<1xf32>
    %reduce_sum3A_2759 = vector.shape_cast %reduce_sum3A_2758 : vector<1xf32> to vector<1x1xf32>
    %reduce_sum3A_2760 = vector.extract %reduce_sum3A_2759[0, 0] : f32 from vector<1x1xf32>
    %add3A_2761 = arith.addf %add3A_2591, %reduce_sum3A_2760 : f32
    %eq3A_2762 = arith.constant 7 : i32
    %eq3A_2763 = vector.broadcast %eq3A_2762 : i32 to vector<1x512xi32>
    %eq3A_2764 = arith.cmpi eq, %broadcast_in_dim3A_2622, %eq3A_2763 : vector<1x512xi32>
    %convert_element_type3A_2765 = arith.sitofp %add3A_206 : i32 to f32
    %add3A_2766 = arith.addf %convert_element_type3A_2765, %add3A_2609 : f32
    %jit3A_2767 = arith.constant 0.000000e+00 : f32
    %broadcast_in_dim3A_2768 = vector.broadcast %add3A_2766 : f32 to vector<1x512xf32>
    %broadcast_in_dim3A_2769 = vector.broadcast %jit3A_2767 : f32 to vector<1x512xf32>
    %select_n3A_2770 = arith.select %eq3A_2764, %broadcast_in_dim3A_2768, %broadcast_in_dim3A_2769 : vector<1x512xi1>, vector<1x512xf32>
    %add3A_2771 = arith.addf %add3A_2753, %select_n3A_2770 : vector<1x512xf32>
    %slice3A_2772 = vector.extract_strided_slice %convert_element_type3A_2627 {offsets = [7, 0], sizes = [1, 512], strides = [1, 1]} : vector<8x512xf32> to vector<1x512xf32>
    %squeeze3A_2773 = vector.shape_cast %slice3A_2772 : vector<1x512xf32> to vector<512xf32>
    %reduce_sum3A_2774 = vector.shape_cast %squeeze3A_2773 : vector<512xf32> to vector<1x512xf32>
    %reduce_sum3A_2775 = arith.constant dense<0.000000e+00> : vector<1xf32>
    %reduce_sum3A_2776 = vector.multi_reduction <add>, %reduce_sum3A_2774, %reduce_sum3A_2775 [1] : vector<1x512xf32> to vector<1xf32>
    %reduce_sum3A_2777 = vector.shape_cast %reduce_sum3A_2776 : vector<1xf32> to vector<1x1xf32>
    %reduce_sum3A_2778 = vector.extract %reduce_sum3A_2777[0, 0] : f32 from vector<1x1xf32>
    %add3A_2779 = arith.addf %add3A_2609, %reduce_sum3A_2778 : f32
    %add3A_2780 = arith.addf %add3A_2771, %broadcast_in_dim3A_2633 : vector<1x512xf32>
    %convert_element_type3A_2781 = arith.fptosi %add3A_2780 : vector<1x512xf32> to vector<1x512xi32>
    %squeeze3A_2782 = vector.shape_cast %convert_element_type3A_2781 : vector<1x512xi32> to vector<512xi32>
    %swap3A_2783 = arith.constant 12 : index
    %swap3A_2784 = arith.constant 0 : index
    %swap3A_2785 = vector.load %arg3[%swap3A_2783, %swap3A_2784] : memref<16x512xi32, #tpu.memory_space<vmem>>, vector<1x512xi32>
    %swap3A_2786 = vector.shape_cast %swap3A_2785 : vector<1x512xi32> to vector<512xi32>
    %swap3A_2787 = vector.shape_cast %squeeze3A_2782 : vector<512xi32> to vector<1x512xi32>
    tpu.vector_store %arg3[%swap3A_2783, %swap3A_2784], %swap3A_2787 {strides = array<i32>} : memref<16x512xi32, #tpu.memory_space<vmem>>, vector<1x512xi32>,
    %get3A_2788 = arith.constant 13 : index
    %get3A_2789 = arith.constant 0 : index
    %get3A_2790 = vector.load %arg2[%get3A_2788, %get3A_2789] : memref<16x512xi32, #tpu.memory_space<vmem>>, vector<1x512xi32>
    %get3A_2791 = vector.shape_cast %get3A_2790 : vector<1x512xi32> to vector<512xi32>
    %broadcast_in_dim3A_2792 = vector.shape_cast %get3A_2791 : vector<512xi32> to vector<1x512xi32>
    %broadcast_in_dim3A_2793 = vector.shape_cast %broadcast_in_dim3A_2792 : vector<1x512xi32> to vector<1x512xi32>
    %broadcast_in_dim3A_2794 = vector.broadcast %broadcast_in_dim3A_2793 : vector<1x512xi32> to vector<8x512xi32>
    %eq3A_2795 = arith.cmpi eq, %broadcast_in_dim3A_2794, %iota3A_566 : vector<8x512xi32>
    %convert_element_type3A_2796 = arith.extui %eq3A_2795 : vector<8x512xi1> to vector<8x512xi32>
    %convert_element_type3A_2797 = arith.sitofp %convert_element_type3A_2796 : vector<8x512xi32> to vector<8x512xf32>
    %dot_general3A_2798 = arith.constant dense<0.000000e+00> : vector<8x512xf32>
    %dot_general3A_2799 = tpu.matmul %convert_element_type3A_2797, %convert_element_type3A_565, %dot_general3A_2798 {dimension_numbers = #tpu.dot_dimension_numbers<[1], [0], [0], [1], [0, 0, 1, 1], [], []>, transpose_lhs_hint = false} : vector<8x512xf32>, vector<512x512xf32>, vector<8x512xf32> -> vector<8x512xf32>
    %mul3A_2800 = arith.mulf %dot_general3A_2799, %convert_element_type3A_2797 : vector<8x512xf32>
    %reduce_sum3A_2801 = arith.constant dense<0.000000e+00> : vector<512xf32>
    %reduce_sum3A_2802 = vector.multi_reduction <add>, %mul3A_2800, %reduce_sum3A_2801 [0] : vector<8x512xf32> to vector<512xf32>
    %broadcast_in_dim3A_2803 = vector.shape_cast %reduce_sum3A_2802 : vector<512xf32> to vector<1x512xf32>
    %broadcast_in_dim3A_2804 = arith.constant 0.000000e+00 : f32
    %broadcast_in_dim3A_2805 = vector.broadcast %broadcast_in_dim3A_2804 : f32 to vector<1x512xf32>
    %eq3A_2806 = arith.constant 0 : i32
    %eq3A_2807 = vector.broadcast %eq3A_2806 : i32 to vector<1x512xi32>
    %eq3A_2808 = arith.cmpi eq, %broadcast_in_dim3A_2792, %eq3A_2807 : vector<1x512xi32>
    %add3A_2809 = arith.constant 0.000000e+00 : f32
    %add3A_2810 = arith.addf %add3A_2809, %add3A_2653 : f32
    %jit3A_2811 = arith.constant 0.000000e+00 : f32
    %broadcast_in_dim3A_2812 = vector.broadcast %add3A_2810 : f32 to vector<1x512xf32>
    %broadcast_in_dim3A_2813 = vector.broadcast %jit3A_2811 : f32 to vector<1x512xf32>
    %select_n3A_2814 = arith.select %eq3A_2808, %broadcast_in_dim3A_2812, %broadcast_in_dim3A_2813 : vector<1x512xi1>, vector<1x512xf32>
    %add3A_2815 = arith.addf %broadcast_in_dim3A_2805, %select_n3A_2814 : vector<1x512xf32>
    %slice3A_2816 = vector.extract_strided_slice %convert_element_type3A_2797 {offsets = [0, 0], sizes = [1, 512], strides = [1, 1]} : vector<8x512xf32> to vector<1x512xf32>
    %squeeze3A_2817 = vector.shape_cast %slice3A_2816 : vector<1x512xf32> to vector<512xf32>
    %reduce_sum3A_2818 = vector.shape_cast %squeeze3A_2817 : vector<512xf32> to vector<1x512xf32>
    %reduce_sum3A_2819 = arith.constant dense<0.000000e+00> : vector<1xf32>
    %reduce_sum3A_2820 = vector.multi_reduction <add>, %reduce_sum3A_2818, %reduce_sum3A_2819 [1] : vector<1x512xf32> to vector<1xf32>
    %reduce_sum3A_2821 = vector.shape_cast %reduce_sum3A_2820 : vector<1xf32> to vector<1x1xf32>
    %reduce_sum3A_2822 = vector.extract %reduce_sum3A_2821[0, 0] : f32 from vector<1x1xf32>
    %add3A_2823 = arith.addf %add3A_2653, %reduce_sum3A_2822 : f32
    %eq3A_2824 = arith.constant 1 : i32
    %eq3A_2825 = vector.broadcast %eq3A_2824 : i32 to vector<1x512xi32>
    %eq3A_2826 = arith.cmpi eq, %broadcast_in_dim3A_2792, %eq3A_2825 : vector<1x512xi32>
    %convert_element_type3A_2827 = arith.sitofp %add3A_20 : i32 to f32
    %add3A_2828 = arith.addf %convert_element_type3A_2827, %add3A_2671 : f32
    %jit3A_2829 = arith.constant 0.000000e+00 : f32
    %broadcast_in_dim3A_2830 = vector.broadcast %add3A_2828 : f32 to vector<1x512xf32>
    %broadcast_in_dim3A_2831 = vector.broadcast %jit3A_2829 : f32 to vector<1x512xf32>
    %select_n3A_2832 = arith.select %eq3A_2826, %broadcast_in_dim3A_2830, %broadcast_in_dim3A_2831 : vector<1x512xi1>, vector<1x512xf32>
    %add3A_2833 = arith.addf %add3A_2815, %select_n3A_2832 : vector<1x512xf32>
    %slice3A_2834 = vector.extract_strided_slice %convert_element_type3A_2797 {offsets = [1, 0], sizes = [1, 512], strides = [1, 1]} : vector<8x512xf32> to vector<1x512xf32>
    %squeeze3A_2835 = vector.shape_cast %slice3A_2834 : vector<1x512xf32> to vector<512xf32>
    %reduce_sum3A_2836 = vector.shape_cast %squeeze3A_2835 : vector<512xf32> to vector<1x512xf32>
    %reduce_sum3A_2837 = arith.constant dense<0.000000e+00> : vector<1xf32>
    %reduce_sum3A_2838 = vector.multi_reduction <add>, %reduce_sum3A_2836, %reduce_sum3A_2837 [1] : vector<1x512xf32> to vector<1xf32>
    %reduce_sum3A_2839 = vector.shape_cast %reduce_sum3A_2838 : vector<1xf32> to vector<1x1xf32>
    %reduce_sum3A_2840 = vector.extract %reduce_sum3A_2839[0, 0] : f32 from vector<1x1xf32>
    %add3A_2841 = arith.addf %add3A_2671, %reduce_sum3A_2840 : f32
    %eq3A_2842 = arith.constant 2 : i32
    %eq3A_2843 = vector.broadcast %eq3A_2842 : i32 to vector<1x512xi32>
    %eq3A_2844 = arith.cmpi eq, %broadcast_in_dim3A_2792, %eq3A_2843 : vector<1x512xi32>
    %convert_element_type3A_2845 = arith.sitofp %add3A_51 : i32 to f32
    %add3A_2846 = arith.addf %convert_element_type3A_2845, %add3A_2689 : f32
    %jit3A_2847 = arith.constant 0.000000e+00 : f32
    %broadcast_in_dim3A_2848 = vector.broadcast %add3A_2846 : f32 to vector<1x512xf32>
    %broadcast_in_dim3A_2849 = vector.broadcast %jit3A_2847 : f32 to vector<1x512xf32>
    %select_n3A_2850 = arith.select %eq3A_2844, %broadcast_in_dim3A_2848, %broadcast_in_dim3A_2849 : vector<1x512xi1>, vector<1x512xf32>
    %add3A_2851 = arith.addf %add3A_2833, %select_n3A_2850 : vector<1x512xf32>
    %slice3A_2852 = vector.extract_strided_slice %convert_element_type3A_2797 {offsets = [2, 0], sizes = [1, 512], strides = [1, 1]} : vector<8x512xf32> to vector<1x512xf32>
    %squeeze3A_2853 = vector.shape_cast %slice3A_2852 : vector<1x512xf32> to vector<512xf32>
    %reduce_sum3A_2854 = vector.shape_cast %squeeze3A_2853 : vector<512xf32> to vector<1x512xf32>
    %reduce_sum3A_2855 = arith.constant dense<0.000000e+00> : vector<1xf32>
    %reduce_sum3A_2856 = vector.multi_reduction <add>, %reduce_sum3A_2854, %reduce_sum3A_2855 [1] : vector<1x512xf32> to vector<1xf32>
    %reduce_sum3A_2857 = vector.shape_cast %reduce_sum3A_2856 : vector<1xf32> to vector<1x1xf32>
    %reduce_sum3A_2858 = vector.extract %reduce_sum3A_2857[0, 0] : f32 from vector<1x1xf32>
    %add3A_2859 = arith.addf %add3A_2689, %reduce_sum3A_2858 : f32
    %eq3A_2860 = arith.constant 3 : i32
    %eq3A_2861 = vector.broadcast %eq3A_2860 : i32 to vector<1x512xi32>
    %eq3A_2862 = arith.cmpi eq, %broadcast_in_dim3A_2792, %eq3A_2861 : vector<1x512xi32>
    %convert_element_type3A_2863 = arith.sitofp %add3A_82 : i32 to f32
    %add3A_2864 = arith.addf %convert_element_type3A_2863, %add3A_2707 : f32
    %jit3A_2865 = arith.constant 0.000000e+00 : f32
    %broadcast_in_dim3A_2866 = vector.broadcast %add3A_2864 : f32 to vector<1x512xf32>
    %broadcast_in_dim3A_2867 = vector.broadcast %jit3A_2865 : f32 to vector<1x512xf32>
    %select_n3A_2868 = arith.select %eq3A_2862, %broadcast_in_dim3A_2866, %broadcast_in_dim3A_2867 : vector<1x512xi1>, vector<1x512xf32>
    %add3A_2869 = arith.addf %add3A_2851, %select_n3A_2868 : vector<1x512xf32>
    %slice3A_2870 = vector.extract_strided_slice %convert_element_type3A_2797 {offsets = [3, 0], sizes = [1, 512], strides = [1, 1]} : vector<8x512xf32> to vector<1x512xf32>
    %squeeze3A_2871 = vector.shape_cast %slice3A_2870 : vector<1x512xf32> to vector<512xf32>
    %reduce_sum3A_2872 = vector.shape_cast %squeeze3A_2871 : vector<512xf32> to vector<1x512xf32>
    %reduce_sum3A_2873 = arith.constant dense<0.000000e+00> : vector<1xf32>
    %reduce_sum3A_2874 = vector.multi_reduction <add>, %reduce_sum3A_2872, %reduce_sum3A_2873 [1] : vector<1x512xf32> to vector<1xf32>
    %reduce_sum3A_2875 = vector.shape_cast %reduce_sum3A_2874 : vector<1xf32> to vector<1x1xf32>
    %reduce_sum3A_2876 = vector.extract %reduce_sum3A_2875[0, 0] : f32 from vector<1x1xf32>
    %add3A_2877 = arith.addf %add3A_2707, %reduce_sum3A_2876 : f32
    %eq3A_2878 = arith.constant 4 : i32
    %eq3A_2879 = vector.broadcast %eq3A_2878 : i32 to vector<1x512xi32>
    %eq3A_2880 = arith.cmpi eq, %broadcast_in_dim3A_2792, %eq3A_2879 : vector<1x512xi32>
    %convert_element_type3A_2881 = arith.sitofp %add3A_113 : i32 to f32
    %add3A_2882 = arith.addf %convert_element_type3A_2881, %add3A_2725 : f32
    %jit3A_2883 = arith.constant 0.000000e+00 : f32
    %broadcast_in_dim3A_2884 = vector.broadcast %add3A_2882 : f32 to vector<1x512xf32>
    %broadcast_in_dim3A_2885 = vector.broadcast %jit3A_2883 : f32 to vector<1x512xf32>
    %select_n3A_2886 = arith.select %eq3A_2880, %broadcast_in_dim3A_2884, %broadcast_in_dim3A_2885 : vector<1x512xi1>, vector<1x512xf32>
    %add3A_2887 = arith.addf %add3A_2869, %select_n3A_2886 : vector<1x512xf32>
    %slice3A_2888 = vector.extract_strided_slice %convert_element_type3A_2797 {offsets = [4, 0], sizes = [1, 512], strides = [1, 1]} : vector<8x512xf32> to vector<1x512xf32>
    %squeeze3A_2889 = vector.shape_cast %slice3A_2888 : vector<1x512xf32> to vector<512xf32>
    %reduce_sum3A_2890 = vector.shape_cast %squeeze3A_2889 : vector<512xf32> to vector<1x512xf32>
    %reduce_sum3A_2891 = arith.constant dense<0.000000e+00> : vector<1xf32>
    %reduce_sum3A_2892 = vector.multi_reduction <add>, %reduce_sum3A_2890, %reduce_sum3A_2891 [1] : vector<1x512xf32> to vector<1xf32>
    %reduce_sum3A_2893 = vector.shape_cast %reduce_sum3A_2892 : vector<1xf32> to vector<1x1xf32>
    %reduce_sum3A_2894 = vector.extract %reduce_sum3A_2893[0, 0] : f32 from vector<1x1xf32>
    %add3A_2895 = arith.addf %add3A_2725, %reduce_sum3A_2894 : f32
    %eq3A_2896 = arith.constant 5 : i32
    %eq3A_2897 = vector.broadcast %eq3A_2896 : i32 to vector<1x512xi32>
    %eq3A_2898 = arith.cmpi eq, %broadcast_in_dim3A_2792, %eq3A_2897 : vector<1x512xi32>
    %convert_element_type3A_2899 = arith.sitofp %add3A_144 : i32 to f32
    %add3A_2900 = arith.addf %convert_element_type3A_2899, %add3A_2743 : f32
    %jit3A_2901 = arith.constant 0.000000e+00 : f32
    %broadcast_in_dim3A_2902 = vector.broadcast %add3A_2900 : f32 to vector<1x512xf32>
    %broadcast_in_dim3A_2903 = vector.broadcast %jit3A_2901 : f32 to vector<1x512xf32>
    %select_n3A_2904 = arith.select %eq3A_2898, %broadcast_in_dim3A_2902, %broadcast_in_dim3A_2903 : vector<1x512xi1>, vector<1x512xf32>
    %add3A_2905 = arith.addf %add3A_2887, %select_n3A_2904 : vector<1x512xf32>
    %slice3A_2906 = vector.extract_strided_slice %convert_element_type3A_2797 {offsets = [5, 0], sizes = [1, 512], strides = [1, 1]} : vector<8x512xf32> to vector<1x512xf32>
    %squeeze3A_2907 = vector.shape_cast %slice3A_2906 : vector<1x512xf32> to vector<512xf32>
    %reduce_sum3A_2908 = vector.shape_cast %squeeze3A_2907 : vector<512xf32> to vector<1x512xf32>
    %reduce_sum3A_2909 = arith.constant dense<0.000000e+00> : vector<1xf32>
    %reduce_sum3A_2910 = vector.multi_reduction <add>, %reduce_sum3A_2908, %reduce_sum3A_2909 [1] : vector<1x512xf32> to vector<1xf32>
    %reduce_sum3A_2911 = vector.shape_cast %reduce_sum3A_2910 : vector<1xf32> to vector<1x1xf32>
    %reduce_sum3A_2912 = vector.extract %reduce_sum3A_2911[0, 0] : f32 from vector<1x1xf32>
    %add3A_2913 = arith.addf %add3A_2743, %reduce_sum3A_2912 : f32
    %eq3A_2914 = arith.constant 6 : i32
    %eq3A_2915 = vector.broadcast %eq3A_2914 : i32 to vector<1x512xi32>
    %eq3A_2916 = arith.cmpi eq, %broadcast_in_dim3A_2792, %eq3A_2915 : vector<1x512xi32>
    %convert_element_type3A_2917 = arith.sitofp %add3A_175 : i32 to f32
    %add3A_2918 = arith.addf %convert_element_type3A_2917, %add3A_2761 : f32
    %jit3A_2919 = arith.constant 0.000000e+00 : f32
    %broadcast_in_dim3A_2920 = vector.broadcast %add3A_2918 : f32 to vector<1x512xf32>
    %broadcast_in_dim3A_2921 = vector.broadcast %jit3A_2919 : f32 to vector<1x512xf32>
    %select_n3A_2922 = arith.select %eq3A_2916, %broadcast_in_dim3A_2920, %broadcast_in_dim3A_2921 : vector<1x512xi1>, vector<1x512xf32>
    %add3A_2923 = arith.addf %add3A_2905, %select_n3A_2922 : vector<1x512xf32>
    %slice3A_2924 = vector.extract_strided_slice %convert_element_type3A_2797 {offsets = [6, 0], sizes = [1, 512], strides = [1, 1]} : vector<8x512xf32> to vector<1x512xf32>
    %squeeze3A_2925 = vector.shape_cast %slice3A_2924 : vector<1x512xf32> to vector<512xf32>
    %reduce_sum3A_2926 = vector.shape_cast %squeeze3A_2925 : vector<512xf32> to vector<1x512xf32>
    %reduce_sum3A_2927 = arith.constant dense<0.000000e+00> : vector<1xf32>
    %reduce_sum3A_2928 = vector.multi_reduction <add>, %reduce_sum3A_2926, %reduce_sum3A_2927 [1] : vector<1x512xf32> to vector<1xf32>
    %reduce_sum3A_2929 = vector.shape_cast %reduce_sum3A_2928 : vector<1xf32> to vector<1x1xf32>
    %reduce_sum3A_2930 = vector.extract %reduce_sum3A_2929[0, 0] : f32 from vector<1x1xf32>
    %add3A_2931 = arith.addf %add3A_2761, %reduce_sum3A_2930 : f32
    %eq3A_2932 = arith.constant 7 : i32
    %eq3A_2933 = vector.broadcast %eq3A_2932 : i32 to vector<1x512xi32>
    %eq3A_2934 = arith.cmpi eq, %broadcast_in_dim3A_2792, %eq3A_2933 : vector<1x512xi32>
    %convert_element_type3A_2935 = arith.sitofp %add3A_206 : i32 to f32
    %add3A_2936 = arith.addf %convert_element_type3A_2935, %add3A_2779 : f32
    %jit3A_2937 = arith.constant 0.000000e+00 : f32
    %broadcast_in_dim3A_2938 = vector.broadcast %add3A_2936 : f32 to vector<1x512xf32>
    %broadcast_in_dim3A_2939 = vector.broadcast %jit3A_2937 : f32 to vector<1x512xf32>
    %select_n3A_2940 = arith.select %eq3A_2934, %broadcast_in_dim3A_2938, %broadcast_in_dim3A_2939 : vector<1x512xi1>, vector<1x512xf32>
    %add3A_2941 = arith.addf %add3A_2923, %select_n3A_2940 : vector<1x512xf32>
    %slice3A_2942 = vector.extract_strided_slice %convert_element_type3A_2797 {offsets = [7, 0], sizes = [1, 512], strides = [1, 1]} : vector<8x512xf32> to vector<1x512xf32>
    %squeeze3A_2943 = vector.shape_cast %slice3A_2942 : vector<1x512xf32> to vector<512xf32>
    %reduce_sum3A_2944 = vector.shape_cast %squeeze3A_2943 : vector<512xf32> to vector<1x512xf32>
    %reduce_sum3A_2945 = arith.constant dense<0.000000e+00> : vector<1xf32>
    %reduce_sum3A_2946 = vector.multi_reduction <add>, %reduce_sum3A_2944, %reduce_sum3A_2945 [1] : vector<1x512xf32> to vector<1xf32>
    %reduce_sum3A_2947 = vector.shape_cast %reduce_sum3A_2946 : vector<1xf32> to vector<1x1xf32>
    %reduce_sum3A_2948 = vector.extract %reduce_sum3A_2947[0, 0] : f32 from vector<1x1xf32>
    %add3A_2949 = arith.addf %add3A_2779, %reduce_sum3A_2948 : f32
    %add3A_2950 = arith.addf %add3A_2941, %broadcast_in_dim3A_2803 : vector<1x512xf32>
    %convert_element_type3A_2951 = arith.fptosi %add3A_2950 : vector<1x512xf32> to vector<1x512xi32>
    %squeeze3A_2952 = vector.shape_cast %convert_element_type3A_2951 : vector<1x512xi32> to vector<512xi32>
    %swap3A_2953 = arith.constant 13 : index
    %swap3A_2954 = arith.constant 0 : index
    %swap3A_2955 = vector.load %arg3[%swap3A_2953, %swap3A_2954] : memref<16x512xi32, #tpu.memory_space<vmem>>, vector<1x512xi32>
    %swap3A_2956 = vector.shape_cast %swap3A_2955 : vector<1x512xi32> to vector<512xi32>
    %swap3A_2957 = vector.shape_cast %squeeze3A_2952 : vector<512xi32> to vector<1x512xi32>
    tpu.vector_store %arg3[%swap3A_2953, %swap3A_2954], %swap3A_2957 {strides = array<i32>} : memref<16x512xi32, #tpu.memory_space<vmem>>, vector<1x512xi32>,
    %get3A_2958 = arith.constant 14 : index
    %get3A_2959 = arith.constant 0 : index
    %get3A_2960 = vector.load %arg2[%get3A_2958, %get3A_2959] : memref<16x512xi32, #tpu.memory_space<vmem>>, vector<1x512xi32>
    %get3A_2961 = vector.shape_cast %get3A_2960 : vector<1x512xi32> to vector<512xi32>
    %broadcast_in_dim3A_2962 = vector.shape_cast %get3A_2961 : vector<512xi32> to vector<1x512xi32>
    %broadcast_in_dim3A_2963 = vector.shape_cast %broadcast_in_dim3A_2962 : vector<1x512xi32> to vector<1x512xi32>
    %broadcast_in_dim3A_2964 = vector.broadcast %broadcast_in_dim3A_2963 : vector<1x512xi32> to vector<8x512xi32>
    %eq3A_2965 = arith.cmpi eq, %broadcast_in_dim3A_2964, %iota3A_566 : vector<8x512xi32>
    %convert_element_type3A_2966 = arith.extui %eq3A_2965 : vector<8x512xi1> to vector<8x512xi32>
    %convert_element_type3A_2967 = arith.sitofp %convert_element_type3A_2966 : vector<8x512xi32> to vector<8x512xf32>
    %dot_general3A_2968 = arith.constant dense<0.000000e+00> : vector<8x512xf32>
    %dot_general3A_2969 = tpu.matmul %convert_element_type3A_2967, %convert_element_type3A_565, %dot_general3A_2968 {dimension_numbers = #tpu.dot_dimension_numbers<[1], [0], [0], [1], [0, 0, 1, 1], [], []>, transpose_lhs_hint = false} : vector<8x512xf32>, vector<512x512xf32>, vector<8x512xf32> -> vector<8x512xf32>
    %mul3A_2970 = arith.mulf %dot_general3A_2969, %convert_element_type3A_2967 : vector<8x512xf32>
    %reduce_sum3A_2971 = arith.constant dense<0.000000e+00> : vector<512xf32>
    %reduce_sum3A_2972 = vector.multi_reduction <add>, %mul3A_2970, %reduce_sum3A_2971 [0] : vector<8x512xf32> to vector<512xf32>
    %broadcast_in_dim3A_2973 = vector.shape_cast %reduce_sum3A_2972 : vector<512xf32> to vector<1x512xf32>
    %broadcast_in_dim3A_2974 = arith.constant 0.000000e+00 : f32
    %broadcast_in_dim3A_2975 = vector.broadcast %broadcast_in_dim3A_2974 : f32 to vector<1x512xf32>
    %eq3A_2976 = arith.constant 0 : i32
    %eq3A_2977 = vector.broadcast %eq3A_2976 : i32 to vector<1x512xi32>
    %eq3A_2978 = arith.cmpi eq, %broadcast_in_dim3A_2962, %eq3A_2977 : vector<1x512xi32>
    %add3A_2979 = arith.constant 0.000000e+00 : f32
    %add3A_2980 = arith.addf %add3A_2979, %add3A_2823 : f32
    %jit3A_2981 = arith.constant 0.000000e+00 : f32
    %broadcast_in_dim3A_2982 = vector.broadcast %add3A_2980 : f32 to vector<1x512xf32>
    %broadcast_in_dim3A_2983 = vector.broadcast %jit3A_2981 : f32 to vector<1x512xf32>
    %select_n3A_2984 = arith.select %eq3A_2978, %broadcast_in_dim3A_2982, %broadcast_in_dim3A_2983 : vector<1x512xi1>, vector<1x512xf32>
    %add3A_2985 = arith.addf %broadcast_in_dim3A_2975, %select_n3A_2984 : vector<1x512xf32>
    %slice3A_2986 = vector.extract_strided_slice %convert_element_type3A_2967 {offsets = [0, 0], sizes = [1, 512], strides = [1, 1]} : vector<8x512xf32> to vector<1x512xf32>
    %squeeze3A_2987 = vector.shape_cast %slice3A_2986 : vector<1x512xf32> to vector<512xf32>
    %reduce_sum3A_2988 = vector.shape_cast %squeeze3A_2987 : vector<512xf32> to vector<1x512xf32>
    %reduce_sum3A_2989 = arith.constant dense<0.000000e+00> : vector<1xf32>
    %reduce_sum3A_2990 = vector.multi_reduction <add>, %reduce_sum3A_2988, %reduce_sum3A_2989 [1] : vector<1x512xf32> to vector<1xf32>
    %reduce_sum3A_2991 = vector.shape_cast %reduce_sum3A_2990 : vector<1xf32> to vector<1x1xf32>
    %reduce_sum3A_2992 = vector.extract %reduce_sum3A_2991[0, 0] : f32 from vector<1x1xf32>
    %add3A_2993 = arith.addf %add3A_2823, %reduce_sum3A_2992 : f32
    %eq3A_2994 = arith.constant 1 : i32
    %eq3A_2995 = vector.broadcast %eq3A_2994 : i32 to vector<1x512xi32>
    %eq3A_2996 = arith.cmpi eq, %broadcast_in_dim3A_2962, %eq3A_2995 : vector<1x512xi32>
    %convert_element_type3A_2997 = arith.sitofp %add3A_20 : i32 to f32
    %add3A_2998 = arith.addf %convert_element_type3A_2997, %add3A_2841 : f32
    %jit3A_2999 = arith.constant 0.000000e+00 : f32
    %broadcast_in_dim3A_3000 = vector.broadcast %add3A_2998 : f32 to vector<1x512xf32>
    %broadcast_in_dim3A_3001 = vector.broadcast %jit3A_2999 : f32 to vector<1x512xf32>
    %select_n3A_3002 = arith.select %eq3A_2996, %broadcast_in_dim3A_3000, %broadcast_in_dim3A_3001 : vector<1x512xi1>, vector<1x512xf32>
    %add3A_3003 = arith.addf %add3A_2985, %select_n3A_3002 : vector<1x512xf32>
    %slice3A_3004 = vector.extract_strided_slice %convert_element_type3A_2967 {offsets = [1, 0], sizes = [1, 512], strides = [1, 1]} : vector<8x512xf32> to vector<1x512xf32>
    %squeeze3A_3005 = vector.shape_cast %slice3A_3004 : vector<1x512xf32> to vector<512xf32>
    %reduce_sum3A_3006 = vector.shape_cast %squeeze3A_3005 : vector<512xf32> to vector<1x512xf32>
    %reduce_sum3A_3007 = arith.constant dense<0.000000e+00> : vector<1xf32>
    %reduce_sum3A_3008 = vector.multi_reduction <add>, %reduce_sum3A_3006, %reduce_sum3A_3007 [1] : vector<1x512xf32> to vector<1xf32>
    %reduce_sum3A_3009 = vector.shape_cast %reduce_sum3A_3008 : vector<1xf32> to vector<1x1xf32>
    %reduce_sum3A_3010 = vector.extract %reduce_sum3A_3009[0, 0] : f32 from vector<1x1xf32>
    %add3A_3011 = arith.addf %add3A_2841, %reduce_sum3A_3010 : f32
    %eq3A_3012 = arith.constant 2 : i32
    %eq3A_3013 = vector.broadcast %eq3A_3012 : i32 to vector<1x512xi32>
    %eq3A_3014 = arith.cmpi eq, %broadcast_in_dim3A_2962, %eq3A_3013 : vector<1x512xi32>
    %convert_element_type3A_3015 = arith.sitofp %add3A_51 : i32 to f32
    %add3A_3016 = arith.addf %convert_element_type3A_3015, %add3A_2859 : f32
    %jit3A_3017 = arith.constant 0.000000e+00 : f32
    %broadcast_in_dim3A_3018 = vector.broadcast %add3A_3016 : f32 to vector<1x512xf32>
    %broadcast_in_dim3A_3019 = vector.broadcast %jit3A_3017 : f32 to vector<1x512xf32>
    %select_n3A_3020 = arith.select %eq3A_3014, %broadcast_in_dim3A_3018, %broadcast_in_dim3A_3019 : vector<1x512xi1>, vector<1x512xf32>
    %add3A_3021 = arith.addf %add3A_3003, %select_n3A_3020 : vector<1x512xf32>
    %slice3A_3022 = vector.extract_strided_slice %convert_element_type3A_2967 {offsets = [2, 0], sizes = [1, 512], strides = [1, 1]} : vector<8x512xf32> to vector<1x512xf32>
    %squeeze3A_3023 = vector.shape_cast %slice3A_3022 : vector<1x512xf32> to vector<512xf32>
    %reduce_sum3A_3024 = vector.shape_cast %squeeze3A_3023 : vector<512xf32> to vector<1x512xf32>
    %reduce_sum3A_3025 = arith.constant dense<0.000000e+00> : vector<1xf32>
    %reduce_sum3A_3026 = vector.multi_reduction <add>, %reduce_sum3A_3024, %reduce_sum3A_3025 [1] : vector<1x512xf32> to vector<1xf32>
    %reduce_sum3A_3027 = vector.shape_cast %reduce_sum3A_3026 : vector<1xf32> to vector<1x1xf32>
    %reduce_sum3A_3028 = vector.extract %reduce_sum3A_3027[0, 0] : f32 from vector<1x1xf32>
    %add3A_3029 = arith.addf %add3A_2859, %reduce_sum3A_3028 : f32
    %eq3A_3030 = arith.constant 3 : i32
    %eq3A_3031 = vector.broadcast %eq3A_3030 : i32 to vector<1x512xi32>
    %eq3A_3032 = arith.cmpi eq, %broadcast_in_dim3A_2962, %eq3A_3031 : vector<1x512xi32>
    %convert_element_type3A_3033 = arith.sitofp %add3A_82 : i32 to f32
    %add3A_3034 = arith.addf %convert_element_type3A_3033, %add3A_2877 : f32
    %jit3A_3035 = arith.constant 0.000000e+00 : f32
    %broadcast_in_dim3A_3036 = vector.broadcast %add3A_3034 : f32 to vector<1x512xf32>
    %broadcast_in_dim3A_3037 = vector.broadcast %jit3A_3035 : f32 to vector<1x512xf32>
    %select_n3A_3038 = arith.select %eq3A_3032, %broadcast_in_dim3A_3036, %broadcast_in_dim3A_3037 : vector<1x512xi1>, vector<1x512xf32>
    %add3A_3039 = arith.addf %add3A_3021, %select_n3A_3038 : vector<1x512xf32>
    %slice3A_3040 = vector.extract_strided_slice %convert_element_type3A_2967 {offsets = [3, 0], sizes = [1, 512], strides = [1, 1]} : vector<8x512xf32> to vector<1x512xf32>
    %squeeze3A_3041 = vector.shape_cast %slice3A_3040 : vector<1x512xf32> to vector<512xf32>
    %reduce_sum3A_3042 = vector.shape_cast %squeeze3A_3041 : vector<512xf32> to vector<1x512xf32>
    %reduce_sum3A_3043 = arith.constant dense<0.000000e+00> : vector<1xf32>
    %reduce_sum3A_3044 = vector.multi_reduction <add>, %reduce_sum3A_3042, %reduce_sum3A_3043 [1] : vector<1x512xf32> to vector<1xf32>
    %reduce_sum3A_3045 = vector.shape_cast %reduce_sum3A_3044 : vector<1xf32> to vector<1x1xf32>
    %reduce_sum3A_3046 = vector.extract %reduce_sum3A_3045[0, 0] : f32 from vector<1x1xf32>
    %add3A_3047 = arith.addf %add3A_2877, %reduce_sum3A_3046 : f32
    %eq3A_3048 = arith.constant 4 : i32
    %eq3A_3049 = vector.broadcast %eq3A_3048 : i32 to vector<1x512xi32>
    %eq3A_3050 = arith.cmpi eq, %broadcast_in_dim3A_2962, %eq3A_3049 : vector<1x512xi32>
    %convert_element_type3A_3051 = arith.sitofp %add3A_113 : i32 to f32
    %add3A_3052 = arith.addf %convert_element_type3A_3051, %add3A_2895 : f32
    %jit3A_3053 = arith.constant 0.000000e+00 : f32
    %broadcast_in_dim3A_3054 = vector.broadcast %add3A_3052 : f32 to vector<1x512xf32>
    %broadcast_in_dim3A_3055 = vector.broadcast %jit3A_3053 : f32 to vector<1x512xf32>
    %select_n3A_3056 = arith.select %eq3A_3050, %broadcast_in_dim3A_3054, %broadcast_in_dim3A_3055 : vector<1x512xi1>, vector<1x512xf32>
    %add3A_3057 = arith.addf %add3A_3039, %select_n3A_3056 : vector<1x512xf32>
    %slice3A_3058 = vector.extract_strided_slice %convert_element_type3A_2967 {offsets = [4, 0], sizes = [1, 512], strides = [1, 1]} : vector<8x512xf32> to vector<1x512xf32>
    %squeeze3A_3059 = vector.shape_cast %slice3A_3058 : vector<1x512xf32> to vector<512xf32>
    %reduce_sum3A_3060 = vector.shape_cast %squeeze3A_3059 : vector<512xf32> to vector<1x512xf32>
    %reduce_sum3A_3061 = arith.constant dense<0.000000e+00> : vector<1xf32>
    %reduce_sum3A_3062 = vector.multi_reduction <add>, %reduce_sum3A_3060, %reduce_sum3A_3061 [1] : vector<1x512xf32> to vector<1xf32>
    %reduce_sum3A_3063 = vector.shape_cast %reduce_sum3A_3062 : vector<1xf32> to vector<1x1xf32>
    %reduce_sum3A_3064 = vector.extract %reduce_sum3A_3063[0, 0] : f32 from vector<1x1xf32>
    %add3A_3065 = arith.addf %add3A_2895, %reduce_sum3A_3064 : f32
    %eq3A_3066 = arith.constant 5 : i32
    %eq3A_3067 = vector.broadcast %eq3A_3066 : i32 to vector<1x512xi32>
    %eq3A_3068 = arith.cmpi eq, %broadcast_in_dim3A_2962, %eq3A_3067 : vector<1x512xi32>
    %convert_element_type3A_3069 = arith.sitofp %add3A_144 : i32 to f32
    %add3A_3070 = arith.addf %convert_element_type3A_3069, %add3A_2913 : f32
    %jit3A_3071 = arith.constant 0.000000e+00 : f32
    %broadcast_in_dim3A_3072 = vector.broadcast %add3A_3070 : f32 to vector<1x512xf32>
    %broadcast_in_dim3A_3073 = vector.broadcast %jit3A_3071 : f32 to vector<1x512xf32>
    %select_n3A_3074 = arith.select %eq3A_3068, %broadcast_in_dim3A_3072, %broadcast_in_dim3A_3073 : vector<1x512xi1>, vector<1x512xf32>
    %add3A_3075 = arith.addf %add3A_3057, %select_n3A_3074 : vector<1x512xf32>
    %slice3A_3076 = vector.extract_strided_slice %convert_element_type3A_2967 {offsets = [5, 0], sizes = [1, 512], strides = [1, 1]} : vector<8x512xf32> to vector<1x512xf32>
    %squeeze3A_3077 = vector.shape_cast %slice3A_3076 : vector<1x512xf32> to vector<512xf32>
    %reduce_sum3A_3078 = vector.shape_cast %squeeze3A_3077 : vector<512xf32> to vector<1x512xf32>
    %reduce_sum3A_3079 = arith.constant dense<0.000000e+00> : vector<1xf32>
    %reduce_sum3A_3080 = vector.multi_reduction <add>, %reduce_sum3A_3078, %reduce_sum3A_3079 [1] : vector<1x512xf32> to vector<1xf32>
    %reduce_sum3A_3081 = vector.shape_cast %reduce_sum3A_3080 : vector<1xf32> to vector<1x1xf32>
    %reduce_sum3A_3082 = vector.extract %reduce_sum3A_3081[0, 0] : f32 from vector<1x1xf32>
    %add3A_3083 = arith.addf %add3A_2913, %reduce_sum3A_3082 : f32
    %eq3A_3084 = arith.constant 6 : i32
    %eq3A_3085 = vector.broadcast %eq3A_3084 : i32 to vector<1x512xi32>
    %eq3A_3086 = arith.cmpi eq, %broadcast_in_dim3A_2962, %eq3A_3085 : vector<1x512xi32>
    %convert_element_type3A_3087 = arith.sitofp %add3A_175 : i32 to f32
    %add3A_3088 = arith.addf %convert_element_type3A_3087, %add3A_2931 : f32
    %jit3A_3089 = arith.constant 0.000000e+00 : f32
    %broadcast_in_dim3A_3090 = vector.broadcast %add3A_3088 : f32 to vector<1x512xf32>
    %broadcast_in_dim3A_3091 = vector.broadcast %jit3A_3089 : f32 to vector<1x512xf32>
    %select_n3A_3092 = arith.select %eq3A_3086, %broadcast_in_dim3A_3090, %broadcast_in_dim3A_3091 : vector<1x512xi1>, vector<1x512xf32>
    %add3A_3093 = arith.addf %add3A_3075, %select_n3A_3092 : vector<1x512xf32>
    %slice3A_3094 = vector.extract_strided_slice %convert_element_type3A_2967 {offsets = [6, 0], sizes = [1, 512], strides = [1, 1]} : vector<8x512xf32> to vector<1x512xf32>
    %squeeze3A_3095 = vector.shape_cast %slice3A_3094 : vector<1x512xf32> to vector<512xf32>
    %reduce_sum3A_3096 = vector.shape_cast %squeeze3A_3095 : vector<512xf32> to vector<1x512xf32>
    %reduce_sum3A_3097 = arith.constant dense<0.000000e+00> : vector<1xf32>
    %reduce_sum3A_3098 = vector.multi_reduction <add>, %reduce_sum3A_3096, %reduce_sum3A_3097 [1] : vector<1x512xf32> to vector<1xf32>
    %reduce_sum3A_3099 = vector.shape_cast %reduce_sum3A_3098 : vector<1xf32> to vector<1x1xf32>
    %reduce_sum3A_3100 = vector.extract %reduce_sum3A_3099[0, 0] : f32 from vector<1x1xf32>
    %add3A_3101 = arith.addf %add3A_2931, %reduce_sum3A_3100 : f32
    %eq3A_3102 = arith.constant 7 : i32
    %eq3A_3103 = vector.broadcast %eq3A_3102 : i32 to vector<1x512xi32>
    %eq3A_3104 = arith.cmpi eq, %broadcast_in_dim3A_2962, %eq3A_3103 : vector<1x512xi32>
    %convert_element_type3A_3105 = arith.sitofp %add3A_206 : i32 to f32
    %add3A_3106 = arith.addf %convert_element_type3A_3105, %add3A_2949 : f32
    %jit3A_3107 = arith.constant 0.000000e+00 : f32
    %broadcast_in_dim3A_3108 = vector.broadcast %add3A_3106 : f32 to vector<1x512xf32>
    %broadcast_in_dim3A_3109 = vector.broadcast %jit3A_3107 : f32 to vector<1x512xf32>
    %select_n3A_3110 = arith.select %eq3A_3104, %broadcast_in_dim3A_3108, %broadcast_in_dim3A_3109 : vector<1x512xi1>, vector<1x512xf32>
    %add3A_3111 = arith.addf %add3A_3093, %select_n3A_3110 : vector<1x512xf32>
    %slice3A_3112 = vector.extract_strided_slice %convert_element_type3A_2967 {offsets = [7, 0], sizes = [1, 512], strides = [1, 1]} : vector<8x512xf32> to vector<1x512xf32>
    %squeeze3A_3113 = vector.shape_cast %slice3A_3112 : vector<1x512xf32> to vector<512xf32>
    %reduce_sum3A_3114 = vector.shape_cast %squeeze3A_3113 : vector<512xf32> to vector<1x512xf32>
    %reduce_sum3A_3115 = arith.constant dense<0.000000e+00> : vector<1xf32>
    %reduce_sum3A_3116 = vector.multi_reduction <add>, %reduce_sum3A_3114, %reduce_sum3A_3115 [1] : vector<1x512xf32> to vector<1xf32>
    %reduce_sum3A_3117 = vector.shape_cast %reduce_sum3A_3116 : vector<1xf32> to vector<1x1xf32>
    %reduce_sum3A_3118 = vector.extract %reduce_sum3A_3117[0, 0] : f32 from vector<1x1xf32>
    %add3A_3119 = arith.addf %add3A_2949, %reduce_sum3A_3118 : f32
    %add3A_3120 = arith.addf %add3A_3111, %broadcast_in_dim3A_2973 : vector<1x512xf32>
    %convert_element_type3A_3121 = arith.fptosi %add3A_3120 : vector<1x512xf32> to vector<1x512xi32>
    %squeeze3A_3122 = vector.shape_cast %convert_element_type3A_3121 : vector<1x512xi32> to vector<512xi32>
    %swap3A_3123 = arith.constant 14 : index
    %swap3A_3124 = arith.constant 0 : index
    %swap3A_3125 = vector.load %arg3[%swap3A_3123, %swap3A_3124] : memref<16x512xi32, #tpu.memory_space<vmem>>, vector<1x512xi32>
    %swap3A_3126 = vector.shape_cast %swap3A_3125 : vector<1x512xi32> to vector<512xi32>
    %swap3A_3127 = vector.shape_cast %squeeze3A_3122 : vector<512xi32> to vector<1x512xi32>
    tpu.vector_store %arg3[%swap3A_3123, %swap3A_3124], %swap3A_3127 {strides = array<i32>} : memref<16x512xi32, #tpu.memory_space<vmem>>, vector<1x512xi32>,
    %get3A_3128 = arith.constant 15 : index
    %get3A_3129 = arith.constant 0 : index
    %get3A_3130 = vector.load %arg2[%get3A_3128, %get3A_3129] : memref<16x512xi32, #tpu.memory_space<vmem>>, vector<1x512xi32>
    %get3A_3131 = vector.shape_cast %get3A_3130 : vector<1x512xi32> to vector<512xi32>
    %broadcast_in_dim3A_3132 = vector.shape_cast %get3A_3131 : vector<512xi32> to vector<1x512xi32>
    %broadcast_in_dim3A_3133 = vector.shape_cast %broadcast_in_dim3A_3132 : vector<1x512xi32> to vector<1x512xi32>
    %broadcast_in_dim3A_3134 = vector.broadcast %broadcast_in_dim3A_3133 : vector<1x512xi32> to vector<8x512xi32>
    %eq3A_3135 = arith.cmpi eq, %broadcast_in_dim3A_3134, %iota3A_566 : vector<8x512xi32>
    %convert_element_type3A_3136 = arith.extui %eq3A_3135 : vector<8x512xi1> to vector<8x512xi32>
    %convert_element_type3A_3137 = arith.sitofp %convert_element_type3A_3136 : vector<8x512xi32> to vector<8x512xf32>
    %dot_general3A_3138 = arith.constant dense<0.000000e+00> : vector<8x512xf32>
    %dot_general3A_3139 = tpu.matmul %convert_element_type3A_3137, %convert_element_type3A_565, %dot_general3A_3138 {dimension_numbers = #tpu.dot_dimension_numbers<[1], [0], [0], [1], [0, 0, 1, 1], [], []>, transpose_lhs_hint = false} : vector<8x512xf32>, vector<512x512xf32>, vector<8x512xf32> -> vector<8x512xf32>
    %mul3A_3140 = arith.mulf %dot_general3A_3139, %convert_element_type3A_3137 : vector<8x512xf32>
    %reduce_sum3A_3141 = arith.constant dense<0.000000e+00> : vector<512xf32>
    %reduce_sum3A_3142 = vector.multi_reduction <add>, %mul3A_3140, %reduce_sum3A_3141 [0] : vector<8x512xf32> to vector<512xf32>
    %broadcast_in_dim3A_3143 = vector.shape_cast %reduce_sum3A_3142 : vector<512xf32> to vector<1x512xf32>
    %broadcast_in_dim3A_3144 = arith.constant 0.000000e+00 : f32
    %broadcast_in_dim3A_3145 = vector.broadcast %broadcast_in_dim3A_3144 : f32 to vector<1x512xf32>
    %eq3A_3146 = arith.constant 0 : i32
    %eq3A_3147 = vector.broadcast %eq3A_3146 : i32 to vector<1x512xi32>
    %eq3A_3148 = arith.cmpi eq, %broadcast_in_dim3A_3132, %eq3A_3147 : vector<1x512xi32>
    %add3A_3149 = arith.constant 0.000000e+00 : f32
    %add3A_3150 = arith.addf %add3A_3149, %add3A_2993 : f32
    %jit3A_3151 = arith.constant 0.000000e+00 : f32
    %broadcast_in_dim3A_3152 = vector.broadcast %add3A_3150 : f32 to vector<1x512xf32>
    %broadcast_in_dim3A_3153 = vector.broadcast %jit3A_3151 : f32 to vector<1x512xf32>
    %select_n3A_3154 = arith.select %eq3A_3148, %broadcast_in_dim3A_3152, %broadcast_in_dim3A_3153 : vector<1x512xi1>, vector<1x512xf32>
    %add3A_3155 = arith.addf %broadcast_in_dim3A_3145, %select_n3A_3154 : vector<1x512xf32>
    %eq3A_3156 = arith.constant 1 : i32
    %eq3A_3157 = vector.broadcast %eq3A_3156 : i32 to vector<1x512xi32>
    %eq3A_3158 = arith.cmpi eq, %broadcast_in_dim3A_3132, %eq3A_3157 : vector<1x512xi32>
    %convert_element_type3A_3159 = arith.sitofp %add3A_20 : i32 to f32
    %add3A_3160 = arith.addf %convert_element_type3A_3159, %add3A_3011 : f32
    %jit3A_3161 = arith.constant 0.000000e+00 : f32
    %broadcast_in_dim3A_3162 = vector.broadcast %add3A_3160 : f32 to vector<1x512xf32>
    %broadcast_in_dim3A_3163 = vector.broadcast %jit3A_3161 : f32 to vector<1x512xf32>
    %select_n3A_3164 = arith.select %eq3A_3158, %broadcast_in_dim3A_3162, %broadcast_in_dim3A_3163 : vector<1x512xi1>, vector<1x512xf32>
    %add3A_3165 = arith.addf %add3A_3155, %select_n3A_3164 : vector<1x512xf32>
    %eq3A_3166 = arith.constant 2 : i32
    %eq3A_3167 = vector.broadcast %eq3A_3166 : i32 to vector<1x512xi32>
    %eq3A_3168 = arith.cmpi eq, %broadcast_in_dim3A_3132, %eq3A_3167 : vector<1x512xi32>
    %convert_element_type3A_3169 = arith.sitofp %add3A_51 : i32 to f32
    %add3A_3170 = arith.addf %convert_element_type3A_3169, %add3A_3029 : f32
    %jit3A_3171 = arith.constant 0.000000e+00 : f32
    %broadcast_in_dim3A_3172 = vector.broadcast %add3A_3170 : f32 to vector<1x512xf32>
    %broadcast_in_dim3A_3173 = vector.broadcast %jit3A_3171 : f32 to vector<1x512xf32>
    %select_n3A_3174 = arith.select %eq3A_3168, %broadcast_in_dim3A_3172, %broadcast_in_dim3A_3173 : vector<1x512xi1>, vector<1x512xf32>
    %add3A_3175 = arith.addf %add3A_3165, %select_n3A_3174 : vector<1x512xf32>
    %eq3A_3176 = arith.constant 3 : i32
    %eq3A_3177 = vector.broadcast %eq3A_3176 : i32 to vector<1x512xi32>
    %eq3A_3178 = arith.cmpi eq, %broadcast_in_dim3A_3132, %eq3A_3177 : vector<1x512xi32>
    %convert_element_type3A_3179 = arith.sitofp %add3A_82 : i32 to f32
    %add3A_3180 = arith.addf %convert_element_type3A_3179, %add3A_3047 : f32
    %jit3A_3181 = arith.constant 0.000000e+00 : f32
    %broadcast_in_dim3A_3182 = vector.broadcast %add3A_3180 : f32 to vector<1x512xf32>
    %broadcast_in_dim3A_3183 = vector.broadcast %jit3A_3181 : f32 to vector<1x512xf32>
    %select_n3A_3184 = arith.select %eq3A_3178, %broadcast_in_dim3A_3182, %broadcast_in_dim3A_3183 : vector<1x512xi1>, vector<1x512xf32>
    %add3A_3185 = arith.addf %add3A_3175, %select_n3A_3184 : vector<1x512xf32>
    %eq3A_3186 = arith.constant 4 : i32
    %eq3A_3187 = vector.broadcast %eq3A_3186 : i32 to vector<1x512xi32>
    %eq3A_3188 = arith.cmpi eq, %broadcast_in_dim3A_3132, %eq3A_3187 : vector<1x512xi32>
    %convert_element_type3A_3189 = arith.sitofp %add3A_113 : i32 to f32
    %add3A_3190 = arith.addf %convert_element_type3A_3189, %add3A_3065 : f32
    %jit3A_3191 = arith.constant 0.000000e+00 : f32
    %broadcast_in_dim3A_3192 = vector.broadcast %add3A_3190 : f32 to vector<1x512xf32>
    %broadcast_in_dim3A_3193 = vector.broadcast %jit3A_3191 : f32 to vector<1x512xf32>
    %select_n3A_3194 = arith.select %eq3A_3188, %broadcast_in_dim3A_3192, %broadcast_in_dim3A_3193 : vector<1x512xi1>, vector<1x512xf32>
    %add3A_3195 = arith.addf %add3A_3185, %select_n3A_3194 : vector<1x512xf32>
    %eq3A_3196 = arith.constant 5 : i32
    %eq3A_3197 = vector.broadcast %eq3A_3196 : i32 to vector<1x512xi32>
    %eq3A_3198 = arith.cmpi eq, %broadcast_in_dim3A_3132, %eq3A_3197 : vector<1x512xi32>
    %convert_element_type3A_3199 = arith.sitofp %add3A_144 : i32 to f32
    %add3A_3200 = arith.addf %convert_element_type3A_3199, %add3A_3083 : f32
    %jit3A_3201 = arith.constant 0.000000e+00 : f32
    %broadcast_in_dim3A_3202 = vector.broadcast %add3A_3200 : f32 to vector<1x512xf32>
    %broadcast_in_dim3A_3203 = vector.broadcast %jit3A_3201 : f32 to vector<1x512xf32>
    %select_n3A_3204 = arith.select %eq3A_3198, %broadcast_in_dim3A_3202, %broadcast_in_dim3A_3203 : vector<1x512xi1>, vector<1x512xf32>
    %add3A_3205 = arith.addf %add3A_3195, %select_n3A_3204 : vector<1x512xf32>
    %eq3A_3206 = arith.constant 6 : i32
    %eq3A_3207 = vector.broadcast %eq3A_3206 : i32 to vector<1x512xi32>
    %eq3A_3208 = arith.cmpi eq, %broadcast_in_dim3A_3132, %eq3A_3207 : vector<1x512xi32>
    %convert_element_type3A_3209 = arith.sitofp %add3A_175 : i32 to f32
    %add3A_3210 = arith.addf %convert_element_type3A_3209, %add3A_3101 : f32
    %jit3A_3211 = arith.constant 0.000000e+00 : f32
    %broadcast_in_dim3A_3212 = vector.broadcast %add3A_3210 : f32 to vector<1x512xf32>
    %broadcast_in_dim3A_3213 = vector.broadcast %jit3A_3211 : f32 to vector<1x512xf32>
    %select_n3A_3214 = arith.select %eq3A_3208, %broadcast_in_dim3A_3212, %broadcast_in_dim3A_3213 : vector<1x512xi1>, vector<1x512xf32>
    %add3A_3215 = arith.addf %add3A_3205, %select_n3A_3214 : vector<1x512xf32>
    %eq3A_3216 = arith.constant 7 : i32
    %eq3A_3217 = vector.broadcast %eq3A_3216 : i32 to vector<1x512xi32>
    %eq3A_3218 = arith.cmpi eq, %broadcast_in_dim3A_3132, %eq3A_3217 : vector<1x512xi32>
    %convert_element_type3A_3219 = arith.sitofp %add3A_206 : i32 to f32
    %add3A_3220 = arith.addf %convert_element_type3A_3219, %add3A_3119 : f32
    %jit3A_3221 = arith.constant 0.000000e+00 : f32
    %broadcast_in_dim3A_3222 = vector.broadcast %add3A_3220 : f32 to vector<1x512xf32>
    %broadcast_in_dim3A_3223 = vector.broadcast %jit3A_3221 : f32 to vector<1x512xf32>
    %select_n3A_3224 = arith.select %eq3A_3218, %broadcast_in_dim3A_3222, %broadcast_in_dim3A_3223 : vector<1x512xi1>, vector<1x512xf32>
    %add3A_3225 = arith.addf %add3A_3215, %select_n3A_3224 : vector<1x512xf32>
    %add3A_3226 = arith.addf %add3A_3225, %broadcast_in_dim3A_3143 : vector<1x512xf32>
    %convert_element_type3A_3227 = arith.fptosi %add3A_3226 : vector<1x512xf32> to vector<1x512xi32>
    %squeeze3A_3228 = vector.shape_cast %convert_element_type3A_3227 : vector<1x512xi32> to vector<512xi32>
    %swap3A_3229 = arith.constant 15 : index
    %swap3A_3230 = arith.constant 0 : index
    %swap3A_3231 = vector.load %arg3[%swap3A_3229, %swap3A_3230] : memref<16x512xi32, #tpu.memory_space<vmem>>, vector<1x512xi32>
    %swap3A_3232 = vector.shape_cast %swap3A_3231 : vector<1x512xi32> to vector<512xi32>
    %swap3A_3233 = vector.shape_cast %squeeze3A_3228 : vector<512xi32> to vector<1x512xi32>
    tpu.vector_store %arg3[%swap3A_3229, %swap3A_3230], %swap3A_3233 {strides = array<i32>} : memref<16x512xi32, #tpu.memory_space<vmem>>, vector<1x512xi32>,
    return
  }
  func.func @transform_0(%arg0: i32, %arg1: memref<8xi32, #tpu.memory_space<smem>>) -> (i32, i32) {
    %c0_i32 = arith.constant 0 : i32
    %c0_i32_0 = arith.constant 0 : i32
    %c0_i32_1 = arith.constant 0 : i32
    return %c0_i32, %c0_i32_0 : i32, i32
  }
  func.func @transform_1(%arg0: i32, %arg1: memref<8xi32, #tpu.memory_space<smem>>) -> (i32, i32) {
    %c0_i32 = arith.constant 0 : i32
    %c0_i32_0 = arith.constant 0 : i32
    %c0_i32_1 = arith.constant 0 : i32
    return %c0_i32, %c0_i32_0 : i32, i32
  }
  func.func @transform_2(%arg0: i32, %arg1: memref<8xi32, #tpu.memory_space<smem>>) -> (i32, i32) {
    %c0_i32 = arith.constant 0 : i32
    %c0_i32_0 = arith.constant 0 : i32
    %c0_i32_1 = arith.constant 0 : i32
    return %c0_i32, %c0_i32_0 : i32, i32
  }
  func.func @transform_3(%arg0: i32, %arg1: memref<8xi32, #tpu.memory_space<smem>>) -> (i32, i32) {
    %c0_i32 = arith.constant 0 : i32
    %c0_i32_0 = arith.constant 0 : i32
    %c0_i32_1 = arith.constant 0 : i32
    return %c0_i32, %c0_i32_0 : i32, i32
  }
}

</mosaic_0001>

<sc_bundles>
// kernel: kernel.11.cloned.1.call-start
scs
__scs_entry_jumppad:
0x0: {  	(pc) =	sbr.rel $0x88, $3  }
0x1: {  	(tag) =	ssettag $0x0;
	lr =	simm.s32 $0x1  }
0x2: {  	[smem:$0x3F9B] =	sst lr;
	_ =	strace $0xD0000000  }
0x3: {  	_ = 	snop  }
0x4: {  	_ = 	snop  }
0x5: {  	_ = 	snop  }
0x6: {  	_ = 	snop  }
0x7: {  	_ = 	snop  }
__scs_overlays_trampoline_lowered:
0x8: {  	[smem:$0x3FAA] =	sst s0  }
0x9: {  	[smem:$0x3FAB] =	sst s1  }
0xa: {  	[smem:$0x3FAC] =	sst s2  }
0xb: {  	[smem:$0x3FAD] =	sst s3  }
0xc: {  	[smem:$0x3FAE] =	sst s4  }
0xd: {  	[smem:$0x3FAF] =	sst s5  }
0xe: {  	[smem:$0x3FB0] =	sst s6  }
0xf: {  	[smem:$0x3FB1] =	sst s7  }
0x10: {  	[smem:$0x3FB2] =	sst s8  }
0x11: {  	[smem:$0x3FB3] =	sst s9;
	s0 =	simm.s32 @!p0 $0x0  }
0x12: {  	s1 =	sld [smem:$0x3F99];
	s0 =	simm.s32 @p0 $0x1  }
0x13: {  	[smem:$0x3FB4] =	sst s0;
	s0 =	simm.s32 @!p1 $0x0  }
0x14: {  	s2 =	sld [smem:$0x3F98];
	s0 =	simm.s32 @p1 $0x1  }
0x15: {  	[smem:$0x3FB5] =	sst s0;
	s0 =	simm.s32 @!p2 $0x0  }
0x16: {  	s3 =	sld [smem:$0x3FDB];
	s0 =	simm.s32 @p2 $0x1  }
0x17: {  	s4 =	simm.s32 $0x1BF5;
	[smem:$0x3FB7] =	sst s0  }
0x18: {  	s0 =	sld [smem:$0x3F9A];
	_ =	swait.ge [sflag:s4], $0x0  }
0x19: {  	s7 =	sld [smem:$0x3F9B]  }
0x1a: {  	s8 =	sadd.s32 $0xFFFFE003, lr  }
0x1b: {  	s9 =	sadd.s32 $0xFFFFFEF7, lr;
	s5 =	simm.s32 $0xFFFFFFFF;
	p2 =	slt.u32 s8, $0xFFFFF086  }
0x1c: {  	p1 =	slt.u32 s9, $0xF7A;
	s5 =	simm.s32 @!p2 $0x0  }
0x1d: {  	s5 =	simm.s32 @p1 $0x1;
	p0 =	seq.s32 s7, s2  }
0x1e: {  	s7 =	smul.u32 @!p0 $0xF7A, s2;
	p2 =	seq.s32 @!p0 s5, $0x0  }
0x1f: {  	s9 =	smul.u32 $0xF7A, s1;
	s8 =	simm.s32 @!p0 $0x1BF5;
	p2 =	por !p2, p0  }
0x20: {  	[sflag:s8] =	ssyncset.s32 @!p0 $0xFFFFF086;
	s6 =	sadd.s32 @!p0 s3, s7;
	s7 =	simm.s32 @!p0 $0x108  }
0x21: {  	s3 =	sadd.s32 s3, s9;
	s6 =	sadd.s32 @!p0 $0x88, s6;
	s7 =	simm.s32 @p2 $0x1082  }
0x22: {  	[simem:s7], [sflag:s8] =	dma.local @!p0 [hbm:s6], $0xF7A  }
0x23: {  	s9 =	sor.u32 $0xD0000000, s2;
	s6 =	simm.s32 $0x108;
	_ =	swait.ge @!p0 [sflag:s8], $0x0  }
0x24: {  	s3 =	sadd.s32 $0x88, s3;
	s6 =	simm.s32 @!p1 $0x1082;
	[sflag:s4] =	ssyncset.s32 $0xFFFFF086  }
0x25: {  	[simem:s6], [sflag:s4] =	dma.local [hbm:s3], $0xF7A  }
0x26: {  	[smem:$0x3F9B] =	sst s1;
	(tag) =	ssettag s2;
	_ =	strace s9  }
0x27: {  	s1 =	sld [smem:$0x3FAB]  }
0x28: {  	s2 =	sld [smem:$0x3FAC]  }
0x29: {  	s4 =	sld [smem:$0x3FAE]  }
0x2a: {  	p0 =	seq.s32 s5, $0x0;
	s5 =	sld [smem:$0x3FAF]  }
0x2b: {  	s6 =	sld [smem:$0x3FB0]  }
0x2c: {  	s7 =	sld [smem:$0x3FB1]  }
0x2d: {  	s3 =	simm.s32 $0x108;
	s8 =	sld [smem:$0x3FB2]  }
0x2e: {  	s3 =	simm.s32 @!p0 $0x1082;
	s9 =	sld [smem:$0x3FB3]  }
0x2f: {  	lr =	sadd.s32 s0, s3;
	s0 =	sld [smem:$0x3FAA]  }
0x30: {  	s3 =	sld [smem:$0x3FAD]  }
0x31: {  	[smem:$0x3FB6] =	sst s10  }
0x32: {  	s10 =	sld [smem:$0x3FB4];
	_ =	sdelay $0x3  }
0x33: {  	p0 =	seq.s32 s10, $0x1;
	s10 =	sld [smem:$0x3FB6];
	_ =	sdelay $0x3  }
0x34: {  	[smem:$0x3FB6] =	sst s10  }
0x35: {  	s10 =	sld [smem:$0x3FB5];
	_ =	sdelay $0x3  }
0x36: {  	p1 =	seq.s32 s10, $0x1;
	s10 =	sld [smem:$0x3FB6];
	_ =	sdelay $0x3  }
0x37: {  	[smem:$0x3FB6] =	sst s10  }
0x38: {  	s10 =	sld [smem:$0x3FB7]  }
0x39: {  	_ = 	snop;
	(pc) =	sbr.ind lr, $3  }
0x3a: {  	_ = 	snop  }
0x3b: {  	_ = 	snop  }
0x3c: {  	p2 =	seq.s32 s10, $0x1;
	s10 =	sld [smem:$0x3FB6]  }
0x3d: {  	_ =	shalt  }
0x3e: {  	_ =	shalt  }
0x3f: {  	_ =	shalt  }
0x40: {  	_ =	shalt  }
0x41: {  	_ =	shalt  }
0x42: {  	_ =	shalt  }
0x43: {  	_ =	shalt  }
0x44: {  	_ =	shalt  }
0x45: {  	_ =	shalt  }
0x46: {  	_ =	shalt  }
0x47: {  	_ =	shalt  }
0x48: {  	_ =	shalt  }
0x49: {  	_ =	shalt  }
0x4a: {  	_ =	shalt  }
0x4b: {  	_ =	shalt  }
0x4c: {  	_ =	shalt  }
0x4d: {  	_ =	shalt  }
0x4e: {  	_ =	shalt  }
0x4f: {  	_ =	shalt  }
0x50: {  	_ =	shalt  }
0x51: {  	_ =	shalt  }
0x52: {  	_ =	shalt  }
0x53: {  	_ =	shalt  }
0x54: {  	_ =	shalt  }
0x55: {  	_ =	shalt  }
0x56: {  	_ =	shalt  }
0x57: {  	_ =	shalt  }
0x58: {  	_ =	shalt  }
0x59: {  	_ =	shalt  }
0x5a: {  	_ =	shalt  }
0x5b: {  	_ =	shalt  }
0x5c: {  	_ =	shalt  }
0x5d: {  	_ =	shalt  }
0x5e: {  	_ =	shalt  }
0x5f: {  	_ =	shalt  }
0x60: {  	_ =	shalt  }
0x61: {  	_ =	shalt  }
0x62: {  	_ =	shalt  }
0x63: {  	_ =	shalt  }
0x64: {  	_ =	shalt  }
0x65: {  	_ =	shalt  }
0x66: {  	_ =	shalt  }
0x67: {  	_ =	shalt  }
0x68: {  	_ =	shalt  }
0x69: {  	_ =	shalt  }
0x6a: {  	_ =	shalt  }
0x6b: {  	_ =	shalt  }
0x6c: {  	_ =	shalt  }
0x6d: {  	_ =	shalt  }
0x6e: {  	_ =	shalt  }
0x6f: {  	_ =	shalt  }
0x70: {  	_ =	shalt  }
0x71: {  	_ =	shalt  }
0x72: {  	_ =	shalt  }
0x73: {  	_ =	shalt  }
0x74: {  	_ =	shalt  }
0x75: {  	_ =	shalt  }
0x76: {  	_ =	shalt  }
0x77: {  	_ =	shalt  }
0x78: {  	_ =	shalt  }
0x79: {  	_ =	shalt  }
0x7a: {  	_ =	shalt  }
0x7b: {  	_ =	shalt  }
0x7c: {  	_ =	shalt  }
0x7d: {  	_ =	shalt  }
0x7e: {  	_ =	shalt  }
0x7f: {  	_ =	shalt  }
0x80: {  	_ =	shalt  }
0x81: {  	_ =	shalt  }
0x82: {  	_ =	shalt  }
0x83: {  	_ =	shalt  }
0x84: {  	_ =	shalt  }
0x85: {  	_ =	shalt  }
0x86: {  	_ =	shalt  }
0x87: {  	_ =	shalt  }
.Lfunc_end0:
.L_simem_size_0:
called_computation.1_lowered:
.L_overlay_start_0:
0x88: {  	s2 =	sld [smem:$0x3FD9]  }
0x89: {  	s3 =	sld [smem:$0x3FFE];
	_ =	sdelay $0x1  }
0x8a: {  	s1 =	srdreg.scid  }
0x8b: {  	s0 =	sand.u32 $0x1, s1  }
0x8c: {  	s14 =	sshll.u32 s0, $0xA;
	s2 =	sadd.s32 s3, s2  }
0x8d: {  	s2 =	sadd.s32 s2, s14  }
0x8e: {  	[smem:$0x3FC2] =	sst s2  }
0x8f: {  	_ = 	snop  }
0x90: {  	s2 =	sld [smem:$0x3FD0];
	_ =	sdelay $0x2  }
0x91: {  	s15 =	simm.s32 $0xA;
	s4 =	simm.s32 $0x10  }
0x92: {  	[smem:s4], [sflag:s15] =	dma.local [hbm:s2], $0x1  }
0x93: {  	_ =	swait.eq [sflag:s15], $0x1  }
0x94: {  	[sflag:s15] =	ssyncset.done $0x0  }
0x95: {  	[sflag:s15] =	ssyncadd.s32 $0xFFFFFFFF  }
0x96: {  	s16 =	sld [smem:$0x10];
	(tm) =	ssettm $0x1  }
0x97: {  	s17 =	sld [smem:$0x3FFB];
	_ =	sdelay $0x3  }
0x98: {  	_ =	strace s17  }
0x99: {  	s3 =	sld [smem:$0x3FFC];
	_ =	sdelay $0x3  }
0x9a: {  	_ =	strace s3  }
0x9b: {  	s3 =	sld [smem:$0x3FFD];
	_ =	sdelay $0x3  }
0x9c: {  	_ =	strace s3  }
0x9d: {  	_ =	strace $0x8FFFFFFF  }
0x9e: {  	s18 =	sld [smem:$0x3FDB];
	_ =	sdelay $0x1  }
0x9f: {  	s19 =	simm.s32 $_scs_section_size  }
0xa0: {  	s5 =	simm.s32 $_size__tile_overlayer_lowered;
	s6 =	simm.s32 $_tile_overlayer_lowered  }
0xa1: {  	s22 =	simm.s32 $0x1BFF;
	s21 =	sshll.u32 s6, $0x1;
	s3 =	sadd.s32 s19, s18  }
0xa2: {  	s7 =	simm.s32 $0x0;
	s20 =	sshll.u32 s5, $0x1;
	s5 =	sadd.s32 s21, s3  }
0xa3: {  	[timem:s7], [sflag:s22] =	dma.local [hbm:s5], s20  }
0xa4: {  	_ =	swait.ge [sflag:s22], s20  }
0xa5: {  	s4 =	ssub.s32 $0x0, s20;
	[sflag:s22] =	ssyncset.done $0x0  }
0xa6: {  	[sflag:s22] =	ssyncadd.s32 s4;
	_ =	sdelay $0x1  }
0xa7: {  	s23 =	simm.s32 $0x1B8B  }
0xa8: {  	_ =	swait.ge [sflag:s23], $0x1  }
0xa9: {  	[sflag:s23] =	ssyncset.done $0x0  }
0xaa: {  	s25 =	simm.s32 $0x1B8E;
	s24 =	sld [smem:$0x3FFE];
	[sflag:s23] =	ssyncadd.s32 $0xFFFFFFFF  }
0xab: {  	s26 =	simm.s32 $execute0_lowered;
	[smem:$0x3FD2] =	sst s25  }
0xac: {  	s5 =	sshll.u32 s26, $0x1;
	_ =	strace $0x80000049;
	[dreg:$0x1] =	wrdreg $0xFFFFFFFF  }
0xad: {  	s28 =	simm.s32 $_size_execute0_lowered;
	s3 =	sadd.s32 s3, s5;
	[dreg:$0x0] =	wrdreg $0x0  }
0xae: {  	s5 =	sshll.u32 s28, $0x1;
	[dreg:$0x2] =	wrdreg s3  }
0xaf: {  	[dreg:$0x3] =	wrdreg s5  }
0xb0: {  	[dreg:$0x4] =	wrdreg $0xC0  }
0xb1: {  	_ =	task [dreg:s7], $0x5FFFF  }
0xb2: {  	[dreg:$0x1] =	wrdreg $0xFFFFFFFF  }
0xb3: {  	[dreg:$0x0] =	wrdreg $0x60  }
0xb4: {  	[dreg:$0x2] =	wrdreg s24  }
0xb5: {  	[dreg:$0x3] =	wrdreg s16  }
0xb6: {  	[dreg:$0x4] =	wrdreg $0x9  }
0xb7: {  	_ =	task.clear_ibuf [dreg:s7], $0x5FFFF;
	_ =	strace $0x90000049  }
0xb8: {  	s29 =	simm.s32 $0x9;
	_ =	strace $0x8000004B  }
0xb9: {  	_ =	swait.ge [sflag:s29], $0x1  }
0xba: {  	[sflag:s29] =	ssyncadd.s32 $0xFFFFFFFF  }
0xbb: {  	_ =	strace $0x9000004B  }
0xbc: {  	_ =	sfence  }
0xbd: {  	s30 =	sld [smem:$0x0];
	_ =	sdelay $0x2  }
0xbe: {  	s31 =	sshll.u32 s1, $0xD;
	s1 =	sshrl.u32 s1, $0x2  }
0xbf: {  	s3 =	sand.u32 $0x4000, s31;
	s1 =	sadd.s32 s1, s30  }
0xc0: {  	s0 =	sor.u32 s3, s0;
	s1 =	sshll.u32 s1, $0x11  }
0xc1: {  	s0 =	sor.u32 s1, s0  }
0xc2: {  	s0 =	sadd.s32 $0x8F2B, s0  }
0xc3: {  	[sflag:s0] =	ssyncadd.remote.s32 $0x1  }
0xc4: {  	_ =	sfence.sel $0xFFFF  }
0xc5: {  	[dreg:$0x0] =	wrdreg $0xFFFFFFFF;
	(pc) =	sbr.abs _section_cstart, $3  }
0xc6: {  	[dreg:$0x1] =	wrdreg $0xFFFFFFFF  }
0xc7: {  	_ =	task.clear_ibuf [dreg:s7], $0x2FFFF;
	_ =	strace $0x9FFFFFFF  }
0xc8: {  	(tm) =	ssettm $0x7FFFFFFF  }
0xc9: {  	_ =	shalt  }
tec
execute0_lowered:
.L_overlay_start_1:
0x0: {  	(tag) =	ssettag $0x1  }
0x1: {  	s0 =	rddreg [dreg:$0x0]  }
0x2: {  	s1 =	rddreg [dreg:$0x1];
	s2 =	srdreg.scid  }
0x3: {  	s3 =	stileid.u32;
	s28 =	simm.s32 $0x100;
	s4 =	sand.u32 $0x1, s2  }
0x4: {  	s2 =	simm.s32 $0x0;
	s3 =	sshll.u32 s3, $0x8;
	s6 =	sadd.s32 $0x1A2000, s0  }
0x5: {  	s7 =	sadd.s32 $0x1A1E00, s0;
	s11 =	sadd.s32 $0x21E00, s0;
	s5 =	sshll.u32 s4, $0x7  }
0x6: {  	[smem:$0x7FF] =	sst s2;
	s4 =	ssub.s32 $0x2, s4;
	s5 =	sor.u32 s5, s3  }
0x7: {  	_ =	strace $0x8000004A;
	s25 =	sshrl.u32 s4, $0x1;
	s3 =	sshrl.u32 s5, $0x3  }
0x8: {  	s8 =	sor.u32 $0x20, s5;
	s13 =	sshll.u32 s5, $0x7;
	s9 =	sadd.s32 s6, s3  }
0x9: {  	s12 =	sor.u32 $0x40, s5;
	s3 =	sadd.s32 s7, s3;
	[dreg:$0x3] =	wrdreg s9  }
0xa: {  	s5 =	sor.u32 $0x60, s5;
	s14 =	sadd.s32 s1, s13;
	[dreg:$0x4] =	wrdreg s3  }
0xb: {  	s10 =	sshrl.u32 s8, $0x3;
	s16 =	sadd.s32 s11, s13;
	[dreg:$0x5] =	wrdreg s14  }
0xc: {  	s30 =	ssub.s32 s4, s25;
	s15 =	sadd.s32 s6, s10;
	[dreg:$0x7] =	wrdreg s16  }
0xd: {  	s8 =	sshll.u32 s8, $0x7;
	s17 =	sadd.s32 s7, s10;
	[dreg:$0x6] =	wrdreg s15  }
0xe: {  	s19 =	sshrl.u32 s12, $0x3;
	s18 =	sadd.s32 s1, s8;
	[dreg:$0x8] =	wrdreg s17  }
0xf: {  	s4 =	sadd.s32 $0x1A2300, s0;
	s20 =	sadd.s32 s6, s19;
	[dreg:$0x9] =	wrdreg s18  }
0x10: {  	s22 =	sshll.u32 s12, $0x7;
	s8 =	sadd.s32 s11, s8;
	[dreg:$0xa] =	wrdreg s20  }
0x11: {  	s24 =	sshrl.u32 s5, $0x3;
	s21 =	sadd.s32 s7, s19;
	[dreg:$0xb] =	wrdreg s8  }
0x12: {  	s5 =	sshll.u32 s5, $0x7;
	s23 =	sadd.s32 s1, s22;
	[dreg:$0xc] =	wrdreg s21  }
0x13: {  	s3 =	sadd.s32 $0x1A2200, s0;
	s6 =	sadd.s32 s6, s24;
	[dreg:$0xd] =	wrdreg s23  }
0x14: {  	s26 =	sadd.s32 s11, s22;
	s29 =	sadd.s32 s7, s24;
	[dreg:$0xe] =	wrdreg s6  }
0x15: {  	s1 =	sadd.s32 s1, s5;
	s31 =	sadd.s32 s11, s5;
	[dreg:$0xf] =	wrdreg s26  }
0x16: {  	s5 =	sadd.s32 $0x1A2400, s0;
	s7 =	smax.u32 s30, $0x1;
	[dreg:$0x10] =	wrdreg s29  }
0x17: {  	v2 =	vlaneseq.u32;
	s19 =	simm.s32 $0x1;
	s22 =	simm.s32 $0x4;
	[dreg:$0x11] =	wrdreg s1  }
0x18: {  	vm0 =	vmmov $0xffff;
	v1 =	vshrl.u32 v2, $0x3;
	s6 =	sadd.s32 $0x1A2500, s0;
	[dreg:$0x12] =	wrdreg s31;
	s8 =	simm.s32 $0x5  }
0x19: {  	v0 =	vand.u32 $0x7, v2;
	v2 =	vor.u32 $0x8, v2;
	v1 =	vmul.u32 $0x8, v1;
	s26 =	simm.s32 $0x8100;
	s20 =	simm.s32 $0x3;
	s21 =	simm.s32 $0x2  }
.LBB2_1:
0x1a: {  	s23 =	rddreg [dreg:$0x3]  }
0x1b: {  	[tilespmem:s2], [sflag:$0x5] =	stream.linear.gather [hbm4b:s23+s2], $0x20, $0x38;
	[tilespmem:$0x10100] =	vst v63  }
0x1c: {  	_ =	swait.ge [sflag:s8], $0x20  }
0x1d: {  	[sflag:s8] =	ssyncset.done $0x0  }
0x1e: {  	[sflag:s8] =	ssyncadd.s32 $0xFFFFFFE0  }
0x1f: {  	v3 =	vld [tilespmem:$0x0];
	_ =	sdelay $0x4  }
0x20: {  	v4 =	vshll.u32 v3, $0x3  }
0x21: {  	v3 =	vand.u32 $0x7, v3;
	v4 =	vand.u32 $0xFFFFFFC0, v4  }
0x22: {  	v3 =	vor.u32 v3, v4  }
0x23: {  	v4 =	vperm.xlane v3, v0;
	_ =	sdelay $0x1  }
0x24: {  	v4 =	vadd.s32 v1, v4;
	_ =	sdelay $0x4  }
0x25: {  	[tilespmem:s28], [sflag:$0x1] =	stream.indirect_vreg.gather [hbm4b:s3+s2], $0x80, v4, vm0, $0xb8;
	[tilespmem:$0x10100] =	vst v63  }
0x26: {  	s0 =	simm.s32 $0x900;
	v3 =	vperm.xlane v3, v2  }
0x27: {  	[tilespmem:s0], [sflag:$0x1] =	stream.indirect_vreg.gather [hbm4b:s4+s2], $0x80, v4, vm0, $0xb8;
	[tilespmem:$0x10100] =	vst v63  }
0x28: {  	s10 =	simm.s32 $0x1100;
	v3 =	vadd.s32 v1, v3  }
0x29: {  	[tilespmem:s10], [sflag:$0x1] =	stream.indirect_vreg.gather [hbm4b:s5+s2], $0x80, v4, vm0, $0xb8;
	[tilespmem:$0x10100] =	vst v63  }
0x2a: {  	s11 =	simm.s32 $0x1900  }
0x2b: {  	[tilespmem:s11], [sflag:$0x1] =	stream.indirect_vreg.gather [hbm4b:s6+s2], $0x80, v4, vm0, $0xb8;
	[tilespmem:$0x10100] =	vst v63  }
0x2c: {  	s12 =	simm.s32 $0x2100  }
0x2d: {  	[tilespmem:s12], [sflag:$0x1] =	stream.indirect_vreg.gather [hbm4b:s3+s2], $0x80, v3, vm0, $0xb8;
	[tilespmem:$0x10100] =	vst v63  }
0x2e: {  	s13 =	simm.s32 $0x2900  }
0x2f: {  	[tilespmem:s13], [sflag:$0x1] =	stream.indirect_vreg.gather [hbm4b:s4+s2], $0x80, v3, vm0, $0xb8;
	[tilespmem:$0x10100] =	vst v63  }
0x30: {  	s14 =	simm.s32 $0x3100  }
0x31: {  	[tilespmem:s14], [sflag:$0x1] =	stream.indirect_vreg.gather [hbm4b:s5+s2], $0x80, v3, vm0, $0xb8;
	[tilespmem:$0x10100] =	vst v63  }
0x32: {  	s15 =	simm.s32 $0x3900  }
0x33: {  	[tilespmem:s15], [sflag:$0x1] =	stream.indirect_vreg.gather [hbm4b:s6+s2], $0x80, v3, vm0, $0xb8;
	[tilespmem:$0x10100] =	vst v63  }
0x34: {  	v3 =	vld [tilespmem:$0x10];
	_ =	sdelay $0x4  }
0x35: {  	v49 =	vshll.u32 v3, $0x3  }
0x36: {  	v3 =	vand.u32 $0x7, v3;
	v4 =	vand.u32 $0xFFFFFFC0, v49  }
0x37: {  	v3 =	vor.u32 v3, v4  }
0x38: {  	v4 =	vperm.xlane v3, v0;
	_ =	sdelay $0x1  }
0x39: {  	v4 =	vadd.s32 v1, v4;
	_ =	sdelay $0x3  }
0x3a: {  	s16 =	simm.s32 $0x4100  }
0x3b: {  	[tilespmem:s16], [sflag:$0x1] =	stream.indirect_vreg.gather [hbm4b:s3+s2], $0x80, v4, vm0, $0xb8;
	[tilespmem:$0x10100] =	vst v63  }
0x3c: {  	s17 =	simm.s32 $0x4900;
	v3 =	vperm.xlane v3, v2  }
0x3d: {  	[tilespmem:s17], [sflag:$0x1] =	stream.indirect_vreg.gather [hbm4b:s4+s2], $0x80, v4, vm0, $0xb8;
	[tilespmem:$0x10100] =	vst v63  }
0x3e: {  	s18 =	simm.s32 $0x5100;
	v3 =	vadd.s32 v1, v3  }
0x3f: {  	[tilespmem:s18], [sflag:$0x1] =	stream.indirect_vreg.gather [hbm4b:s5+s2], $0x80, v4, vm0, $0xb8;
	[tilespmem:$0x10100] =	vst v63  }
0x40: {  	s23 =	simm.s32 $0x5900  }
0x41: {  	[tilespmem:s23], [sflag:$0x1] =	stream.indirect_vreg.gather [hbm4b:s6+s2], $0x80, v4, vm0, $0xb8;
	[tilespmem:$0x10100] =	vst v63  }
0x42: {  	s24 =	simm.s32 $0x6100  }
0x43: {  	[tilespmem:s24], [sflag:$0x1] =	stream.indirect_vreg.gather [hbm4b:s3+s2], $0x80, v3, vm0, $0xb8;
	[tilespmem:$0x10100] =	vst v63  }
0x44: {  	s25 =	simm.s32 $0x6900  }
0x45: {  	[tilespmem:s25], [sflag:$0x1] =	stream.indirect_vreg.gather [hbm4b:s4+s2], $0x80, v3, vm0, $0xb8;
	[tilespmem:$0x10100] =	vst v63  }
0x46: {  	s29 =	simm.s32 $0x7100  }
0x47: {  	[tilespmem:s29], [sflag:$0x1] =	stream.indirect_vreg.gather [hbm4b:s5+s2], $0x80, v3, vm0, $0xb8;
	[tilespmem:$0x10100] =	vst v63  }
0x48: {  	s31 =	simm.s32 $0x7900  }
0x49: {  	[tilespmem:s31], [sflag:$0x1] =	stream.indirect_vreg.gather [hbm4b:s6+s2], $0x80, v3, vm0, $0xb8;
	[tilespmem:$0x10100] =	vst v63  }
0x4a: {  	s9 =	simm.s32 $0x80;
	s30 =	rddreg [dreg:$0x4]  }
0x4b: {  	[tilespmem:s9], [sflag:$0x5] =	stream.linear.gather [hbm4b:s30+s2], $0x20, $0x38;
	[tilespmem:$0x10100] =	vst v63  }
0x4c: {  	_ =	swait.ge [sflag:s8], $0x20  }
0x4d: {  	[sflag:s8] =	ssyncset.done $0x0  }
0x4e: {  	[sflag:s8] =	ssyncadd.s32 $0xFFFFFFE0  }
0x4f: {  	v3 =	vld [tilespmem:$0x80];
	_ =	sdelay $0x4  }
0x50: {  	v50 =	vshll.u32 v3, $0x3  }
0x51: {  	v3 =	vand.u32 $0x7, v3;
	v4 =	vand.u32 $0xFFFFFFC0, v50  }
0x52: {  	v3 =	vor.u32 v3, v4  }
0x53: {  	v4 =	vperm.xlane v3, v0;
	_ =	sdelay $0x1  }
0x54: {  	v4 =	vadd.s32 v1, v4;
	_ =	sdelay $0x4  }
0x55: {  	[tilespmem:s26], [sflag:$0x2] =	stream.indirect_vreg.gather [hbm4b:s3+s2], $0x80, v4, vm0, $0xb8;
	[tilespmem:$0x10100] =	vst v63  }
0x56: {  	s10 =	simm.s32 $0x8900;
	v3 =	vperm.xlane v3, v2  }
0x57: {  	[tilespmem:s10], [sflag:$0x2] =	stream.indirect_vreg.gather [hbm4b:s4+s2], $0x80, v4, vm0, $0xb8;
	[tilespmem:$0x10100] =	vst v63  }
0x58: {  	s11 =	simm.s32 $0x9100;
	v3 =	vadd.s32 v1, v3  }
0x59: {  	[tilespmem:s11], [sflag:$0x2] =	stream.indirect_vreg.gather [hbm4b:s5+s2], $0x80, v4, vm0, $0xb8;
	[tilespmem:$0x10100] =	vst v63  }
0x5a: {  	s12 =	simm.s32 $0x9900  }
0x5b: {  	[tilespmem:s12], [sflag:$0x2] =	stream.indirect_vreg.gather [hbm4b:s6+s2], $0x80, v4, vm0, $0xb8;
	[tilespmem:$0x10100] =	vst v63  }
0x5c: {  	s16 =	simm.s32 $0xA100  }
0x5d: {  	[tilespmem:s16], [sflag:$0x2] =	stream.indirect_vreg.gather [hbm4b:s3+s2], $0x80, v3, vm0, $0xb8;
	[tilespmem:$0x10100] =	vst v63  }
0x5e: {  	s17 =	simm.s32 $0xA900  }
0x5f: {  	[tilespmem:s17], [sflag:$0x2] =	stream.indirect_vreg.gather [hbm4b:s4+s2], $0x80, v3, vm0, $0xb8;
	[tilespmem:$0x10100] =	vst v63  }
0x60: {  	s18 =	simm.s32 $0xB100  }
0x61: {  	[tilespmem:s18], [sflag:$0x2] =	stream.indirect_vreg.gather [hbm4b:s5+s2], $0x80, v3, vm0, $0xb8;
	[tilespmem:$0x10100] =	vst v63  }
0x62: {  	s25 =	simm.s32 $0xB900  }
0x63: {  	[tilespmem:s25], [sflag:$0x2] =	stream.indirect_vreg.gather [hbm4b:s6+s2], $0x80, v3, vm0, $0xb8;
	[tilespmem:$0x10100] =	vst v63  }
0x64: {  	v3 =	vld [tilespmem:$0x90];
	_ =	sdelay $0x4  }
0x65: {  	v51 =	vshll.u32 v3, $0x3  }
0x66: {  	v3 =	vand.u32 $0x7, v3;
	v4 =	vand.u32 $0xFFFFFFC0, v51  }
0x67: {  	v3 =	vor.u32 v3, v4  }
0x68: {  	v4 =	vperm.xlane v3, v0;
	_ =	sdelay $0x1  }
0x69: {  	v4 =	vadd.s32 v1, v4;
	_ =	sdelay $0x3  }
0x6a: {  	s29 =	simm.s32 $0xC100  }
0x6b: {  	[tilespmem:s29], [sflag:$0x2] =	stream.indirect_vreg.gather [hbm4b:s3+s2], $0x80, v4, vm0, $0xb8;
	[tilespmem:$0x10100] =	vst v63  }
0x6c: {  	s30 =	simm.s32 $0xC900;
	v3 =	vperm.xlane v3, v2  }
0x6d: {  	[tilespmem:s30], [sflag:$0x2] =	stream.indirect_vreg.gather [hbm4b:s4+s2], $0x80, v4, vm0, $0xb8;
	[tilespmem:$0x10100] =	vst v63  }
0x6e: {  	s0 =	simm.s32 $0xD100;
	v3 =	vadd.s32 v1, v3  }
0x6f: {  	[tilespmem:s0], [sflag:$0x2] =	stream.indirect_vreg.gather [hbm4b:s5+s2], $0x80, v4, vm0, $0xb8;
	[tilespmem:$0x10100] =	vst v63  }
0x70: {  	s9 =	simm.s32 $0xD900  }
0x71: {  	[tilespmem:s9], [sflag:$0x2] =	stream.indirect_vreg.gather [hbm4b:s6+s2], $0x80, v4, vm0, $0xb8;
	[tilespmem:$0x10100] =	vst v63  }
0x72: {  	s10 =	simm.s32 $0xE100  }
0x73: {  	[tilespmem:s10], [sflag:$0x2] =	stream.indirect_vreg.gather [hbm4b:s3+s2], $0x80, v3, vm0, $0xb8;
	[tilespmem:$0x10100] =	vst v63  }
0x74: {  	s11 =	simm.s32 $0xE900  }
0x75: {  	[tilespmem:s11], [sflag:$0x2] =	stream.indirect_vreg.gather [hbm4b:s4+s2], $0x80, v3, vm0, $0xb8;
	[tilespmem:$0x10100] =	vst v63  }
0x76: {  	s12 =	simm.s32 $0xF100  }
0x77: {  	[tilespmem:s12], [sflag:$0x2] =	stream.indirect_vreg.gather [hbm4b:s5+s2], $0x80, v3, vm0, $0xb8;
	[tilespmem:$0x10100] =	vst v63  }
0x78: {  	s16 =	simm.s32 $0xF900  }
0x79: {  	[tilespmem:s16], [sflag:$0x2] =	stream.indirect_vreg.gather [hbm4b:s6+s2], $0x80, v3, vm0, $0xb8;
	[tilespmem:$0x10100] =	vst v63  }
0x7a: {  	_ =	swait.ge [sflag:s19], $0x8000  }
0x7b: {  	[sflag:s19] =	ssyncset.done $0x0  }
0x7c: {  	s17 =	rddreg [dreg:$0x5];
	[sflag:s19] =	ssyncadd.s32 $0xFFFF8000  }
0x7d: {  	[hbm4b:s17+s2] =	stream.linear.scatter [tilespmem:s28], [sflag:$0x3], $0x8000, $0x38;
	[tilespmem:$0x10100] =	vst v63  }
0x7e: {  	_ =	swait.ge [sflag:s20], $0x8000  }
0x7f: {  	[sflag:s20] =	ssyncset.done $0x0  }
0x80: {  	s18 =	rddreg [dreg:$0x6];
	[sflag:s20] =	ssyncadd.s32 $0xFFFF8000  }
0x81: {  	[tilespmem:s2], [sflag:$0x5] =	stream.linear.gather [hbm4b:s18+s2], $0x20, $0x38;
	[tilespmem:$0x10100] =	vst v63  }
0x82: {  	_ =	swait.ge [sflag:s8], $0x20  }
0x83: {  	[sflag:s8] =	ssyncset.done $0x0  }
0x84: {  	[sflag:s8] =	ssyncadd.s32 $0xFFFFFFE0  }
0x85: {  	v3 =	vld [tilespmem:$0x0];
	_ =	sdelay $0x4  }
0x86: {  	v52 =	vshll.u32 v3, $0x3  }
0x87: {  	v3 =	vand.u32 $0x7, v3;
	v4 =	vand.u32 $0xFFFFFFC0, v52  }
0x88: {  	v3 =	vor.u32 v3, v4  }
0x89: {  	v4 =	vperm.xlane v3, v0;
	_ =	sdelay $0x1  }
0x8a: {  	v4 =	vadd.s32 v1, v4;
	_ =	sdelay $0x4  }
0x8b: {  	[tilespmem:s28], [sflag:$0x1] =	stream.indirect_vreg.gather [hbm4b:s3+s2], $0x80, v4, vm0, $0xb8;
	[tilespmem:$0x10100] =	vst v63  }
0x8c: {  	s1 =	simm.s32 $0x900;
	v3 =	vperm.xlane v3, v2  }
0x8d: {  	[tilespmem:s1], [sflag:$0x1] =	stream.indirect_vreg.gather [hbm4b:s4+s2], $0x80, v4, vm0, $0xb8;
	[tilespmem:$0x10100] =	vst v63  }
0x8e: {  	v3 =	vadd.s32 v1, v3;
	s1 =	simm.s32 $0x1100  }
0x8f: {  	[tilespmem:s1], [sflag:$0x1] =	stream.indirect_vreg.gather [hbm4b:s5+s2], $0x80, v4, vm0, $0xb8;
	[tilespmem:$0x10100] =	vst v63  }
0x90: {  	s9 =	simm.s32 $0x1900  }
0x91: {  	[tilespmem:s9], [sflag:$0x1] =	stream.indirect_vreg.gather [hbm4b:s6+s2], $0x80, v4, vm0, $0xb8;
	[tilespmem:$0x10100] =	vst v63  }
0x92: {  	s10 =	simm.s32 $0x2100  }
0x93: {  	[tilespmem:s10], [sflag:$0x1] =	stream.indirect_vreg.gather [hbm4b:s3+s2], $0x80, v3, vm0, $0xb8;
	[tilespmem:$0x10100] =	vst v63  }
0x94: {  	s11 =	simm.s32 $0x2900  }
0x95: {  	[tilespmem:s11], [sflag:$0x1] =	stream.indirect_vreg.gather [hbm4b:s4+s2], $0x80, v3, vm0, $0xb8;
	[tilespmem:$0x10100] =	vst v63  }
0x96: {  	s12 =	simm.s32 $0x3100  }
0x97: {  	[tilespmem:s12], [sflag:$0x1] =	stream.indirect_vreg.gather [hbm4b:s5+s2], $0x80, v3, vm0, $0xb8;
	[tilespmem:$0x10100] =	vst v63  }
0x98: {  	s13 =	simm.s32 $0x3900  }
0x99: {  	[tilespmem:s13], [sflag:$0x1] =	stream.indirect_vreg.gather [hbm4b:s6+s2], $0x80, v3, vm0, $0xb8;
	[tilespmem:$0x10100] =	vst v63  }
0x9a: {  	v3 =	vld [tilespmem:$0x10];
	_ =	sdelay $0x4  }
0x9b: {  	v53 =	vshll.u32 v3, $0x3  }
0x9c: {  	v3 =	vand.u32 $0x7, v3;
	v4 =	vand.u32 $0xFFFFFFC0, v53  }
0x9d: {  	v3 =	vor.u32 v3, v4  }
0x9e: {  	v4 =	vperm.xlane v3, v0;
	_ =	sdelay $0x1  }
0x9f: {  	v4 =	vadd.s32 v1, v4;
	_ =	sdelay $0x3  }
0xa0: {  	s14 =	simm.s32 $0x4100  }
0xa1: {  	[tilespmem:s14], [sflag:$0x1] =	stream.indirect_vreg.gather [hbm4b:s3+s2], $0x80, v4, vm0, $0xb8;
	[tilespmem:$0x10100] =	vst v63  }
0xa2: {  	s15 =	simm.s32 $0x4900;
	v3 =	vperm.xlane v3, v2  }
0xa3: {  	[tilespmem:s15], [sflag:$0x1] =	stream.indirect_vreg.gather [hbm4b:s4+s2], $0x80, v4, vm0, $0xb8;
	[tilespmem:$0x10100] =	vst v63  }
0xa4: {  	s13 =	simm.s32 $0x5100;
	v3 =	vadd.s32 v1, v3  }
0xa5: {  	[tilespmem:s13], [sflag:$0x1] =	stream.indirect_vreg.gather [hbm4b:s5+s2], $0x80, v4, vm0, $0xb8;
	[tilespmem:$0x10100] =	vst v63  }
0xa6: {  	s14 =	simm.s32 $0x5900  }
0xa7: {  	[tilespmem:s14], [sflag:$0x1] =	stream.indirect_vreg.gather [hbm4b:s6+s2], $0x80, v4, vm0, $0xb8;
	[tilespmem:$0x10100] =	vst v63  }
0xa8: {  	s15 =	simm.s32 $0x6100  }
0xa9: {  	[tilespmem:s15], [sflag:$0x1] =	stream.indirect_vreg.gather [hbm4b:s3+s2], $0x80, v3, vm0, $0xb8;
	[tilespmem:$0x10100] =	vst v63  }
0xaa: {  	s16 =	simm.s32 $0x6900  }
0xab: {  	[tilespmem:s16], [sflag:$0x1] =	stream.indirect_vreg.gather [hbm4b:s4+s2], $0x80, v3, vm0, $0xb8;
	[tilespmem:$0x10100] =	vst v63  }
0xac: {  	s17 =	simm.s32 $0x7100  }
0xad: {  	[tilespmem:s17], [sflag:$0x1] =	stream.indirect_vreg.gather [hbm4b:s5+s2], $0x80, v3, vm0, $0xb8;
	[tilespmem:$0x10100] =	vst v63  }
0xae: {  	s18 =	simm.s32 $0x7900  }
0xaf: {  	[tilespmem:s18], [sflag:$0x1] =	stream.indirect_vreg.gather [hbm4b:s6+s2], $0x80, v3, vm0, $0xb8;
	[tilespmem:$0x10100] =	vst v63  }
0xb0: {  	_ =	swait.ge [sflag:s21], $0x8000  }
0xb1: {  	[sflag:s21] =	ssyncset.done $0x0  }
0xb2: {  	s0 =	rddreg [dreg:$0x7];
	[sflag:s21] =	ssyncadd.s32 $0xFFFF8000  }
0xb3: {  	[hbm4b:s0+s2] =	stream.linear.scatter [tilespmem:s26], [sflag:$0x4], $0x8000, $0x38;
	[tilespmem:$0x10100] =	vst v63  }
0xb4: {  	_ =	swait.ge [sflag:s22], $0x8000  }
0xb5: {  	[sflag:s22] =	ssyncset.done $0x0  }
0xb6: {  	s0 =	simm.s32 $0x80;
	s23 =	rddreg [dreg:$0x8];
	[sflag:s22] =	ssyncadd.s32 $0xFFFF8000  }
0xb7: {  	[tilespmem:s0], [sflag:$0x5] =	stream.linear.gather [hbm4b:s23+s2], $0x20, $0x38;
	[tilespmem:$0x10100] =	vst v63  }
0xb8: {  	_ =	swait.ge [sflag:s8], $0x20  }
0xb9: {  	[sflag:s8] =	ssyncset.done $0x0  }
0xba: {  	[sflag:s8] =	ssyncadd.s32 $0xFFFFFFE0  }
0xbb: {  	v3 =	vld [tilespmem:$0x80];
	_ =	sdelay $0x4  }
0xbc: {  	v54 =	vshll.u32 v3, $0x3  }
0xbd: {  	v3 =	vand.u32 $0x7, v3;
	v4 =	vand.u32 $0xFFFFFFC0, v54  }
0xbe: {  	v3 =	vor.u32 v3, v4  }
0xbf: {  	v4 =	vperm.xlane v3, v0;
	_ =	sdelay $0x1  }
0xc0: {  	v4 =	vadd.s32 v1, v4;
	_ =	sdelay $0x4  }
0xc1: {  	[tilespmem:s26], [sflag:$0x2] =	stream.indirect_vreg.gather [hbm4b:s3+s2], $0x80, v4, vm0, $0xb8;
	[tilespmem:$0x10100] =	vst v63  }
0xc2: {  	s24 =	simm.s32 $0x8900;
	v3 =	vperm.xlane v3, v2  }
0xc3: {  	[tilespmem:s24], [sflag:$0x2] =	stream.indirect_vreg.gather [hbm4b:s4+s2], $0x80, v4, vm0, $0xb8;
	[tilespmem:$0x10100] =	vst v63  }
0xc4: {  	v3 =	vadd.s32 v1, v3;
	s24 =	simm.s32 $0x9100  }
0xc5: {  	[tilespmem:s24], [sflag:$0x2] =	stream.indirect_vreg.gather [hbm4b:s5+s2], $0x80, v4, vm0, $0xb8;
	[tilespmem:$0x10100] =	vst v63  }
0xc6: {  	s23 =	simm.s32 $0x9900  }
0xc7: {  	[tilespmem:s23], [sflag:$0x2] =	stream.indirect_vreg.gather [hbm4b:s6+s2], $0x80, v4, vm0, $0xb8;
	[tilespmem:$0x10100] =	vst v63  }
0xc8: {  	s23 =	simm.s32 $0xA100  }
0xc9: {  	[tilespmem:s23], [sflag:$0x2] =	stream.indirect_vreg.gather [hbm4b:s3+s2], $0x80, v3, vm0, $0xb8;
	[tilespmem:$0x10100] =	vst v63  }
0xca: {  	s23 =	simm.s32 $0xA900  }
0xcb: {  	[tilespmem:s23], [sflag:$0x2] =	stream.indirect_vreg.gather [hbm4b:s4+s2], $0x80, v3, vm0, $0xb8;
	[tilespmem:$0x10100] =	vst v63  }
0xcc: {  	s23 =	simm.s32 $0xB100  }
0xcd: {  	[tilespmem:s23], [sflag:$0x2] =	stream.indirect_vreg.gather [hbm4b:s5+s2], $0x80, v3, vm0, $0xb8;
	[tilespmem:$0x10100] =	vst v63  }
0xce: {  	s31 =	simm.s32 $0xB900  }
0xcf: {  	[tilespmem:s31], [sflag:$0x2] =	stream.indirect_vreg.gather [hbm4b:s6+s2], $0x80, v3, vm0, $0xb8;
	[tilespmem:$0x10100] =	vst v63  }
0xd0: {  	v3 =	vld [tilespmem:$0x90];
	_ =	sdelay $0x4  }
0xd1: {  	v55 =	vshll.u32 v3, $0x3  }
0xd2: {  	v3 =	vand.u32 $0x7, v3;
	v4 =	vand.u32 $0xFFFFFFC0, v55  }
0xd3: {  	v3 =	vor.u32 v3, v4  }
0xd4: {  	v4 =	vperm.xlane v3, v0;
	_ =	sdelay $0x1  }
0xd5: {  	v4 =	vadd.s32 v1, v4;
	_ =	sdelay $0x3  }
0xd6: {  	s25 =	simm.s32 $0xC100  }
0xd7: {  	[tilespmem:s25], [sflag:$0x2] =	stream.indirect_vreg.gather [hbm4b:s3+s2], $0x80, v4, vm0, $0xb8;
	[tilespmem:$0x10100] =	vst v63  }
0xd8: {  	s29 =	simm.s32 $0xC900;
	v3 =	vperm.xlane v3, v2  }
0xd9: {  	[tilespmem:s29], [sflag:$0x2] =	stream.indirect_vreg.gather [hbm4b:s4+s2], $0x80, v4, vm0, $0xb8;
	[tilespmem:$0x10100] =	vst v63  }
0xda: {  	v3 =	vadd.s32 v1, v3;
	s25 =	simm.s32 $0xD100  }
0xdb: {  	[tilespmem:s25], [sflag:$0x2] =	stream.indirect_vreg.gather [hbm4b:s5+s2], $0x80, v4, vm0, $0xb8;
	[tilespmem:$0x10100] =	vst v63  }
0xdc: {  	s29 =	simm.s32 $0xD900  }
0xdd: {  	[tilespmem:s29], [sflag:$0x2] =	stream.indirect_vreg.gather [hbm4b:s6+s2], $0x80, v4, vm0, $0xb8;
	[tilespmem:$0x10100] =	vst v63  }
0xde: {  	s31 =	simm.s32 $0xE100  }
0xdf: {  	[tilespmem:s31], [sflag:$0x2] =	stream.indirect_vreg.gather [hbm4b:s3+s2], $0x80, v3, vm0, $0xb8;
	[tilespmem:$0x10100] =	vst v63  }
0xe0: {  	s25 =	simm.s32 $0xE900  }
0xe1: {  	[tilespmem:s25], [sflag:$0x2] =	stream.indirect_vreg.gather [hbm4b:s4+s2], $0x80, v3, vm0, $0xb8;
	[tilespmem:$0x10100] =	vst v63  }
0xe2: {  	s29 =	simm.s32 $0xF100  }
0xe3: {  	[tilespmem:s29], [sflag:$0x2] =	stream.indirect_vreg.gather [hbm4b:s5+s2], $0x80, v3, vm0, $0xb8;
	[tilespmem:$0x10100] =	vst v63  }
0xe4: {  	s30 =	simm.s32 $0xF900  }
0xe5: {  	[tilespmem:s30], [sflag:$0x2] =	stream.indirect_vreg.gather [hbm4b:s6+s2], $0x80, v3, vm0, $0xb8;
	[tilespmem:$0x10100] =	vst v63  }
0xe6: {  	_ =	swait.ge [sflag:s19], $0x8000  }
0xe7: {  	[sflag:s19] =	ssyncset.done $0x0  }
0xe8: {  	s31 =	rddreg [dreg:$0x9];
	[sflag:s19] =	ssyncadd.s32 $0xFFFF8000  }
0xe9: {  	[hbm4b:s31+s2] =	stream.linear.scatter [tilespmem:s28], [sflag:$0x3], $0x8000, $0x38;
	[tilespmem:$0x10100] =	vst v63  }
0xea: {  	_ =	swait.ge [sflag:s20], $0x8000  }
0xeb: {  	[sflag:s20] =	ssyncset.done $0x0  }
0xec: {  	s25 =	rddreg [dreg:$0xa];
	[sflag:s20] =	ssyncadd.s32 $0xFFFF8000  }
0xed: {  	[tilespmem:s2], [sflag:$0x5] =	stream.linear.gather [hbm4b:s25+s2], $0x20, $0x38;
	[tilespmem:$0x10100] =	vst v63  }
0xee: {  	_ =	swait.ge [sflag:s8], $0x20  }
0xef: {  	[sflag:s8] =	ssyncset.done $0x0  }
0xf0: {  	[sflag:s8] =	ssyncadd.s32 $0xFFFFFFE0  }
0xf1: {  	v3 =	vld [tilespmem:$0x0];
	_ =	sdelay $0x4  }
0xf2: {  	v56 =	vshll.u32 v3, $0x3  }
0xf3: {  	v3 =	vand.u32 $0x7, v3;
	v4 =	vand.u32 $0xFFFFFFC0, v56  }
0xf4: {  	v3 =	vor.u32 v3, v4  }
0xf5: {  	v4 =	vperm.xlane v3, v0;
	_ =	sdelay $0x1  }
0xf6: {  	v4 =	vadd.s32 v1, v4;
	_ =	sdelay $0x4  }
0xf7: {  	[tilespmem:s28], [sflag:$0x1] =	stream.indirect_vreg.gather [hbm4b:s3+s2], $0x80, v4, vm0, $0xb8;
	[tilespmem:$0x10100] =	vst v63  }
0xf8: {  	s29 =	simm.s32 $0x900;
	v3 =	vperm.xlane v3, v2  }
0xf9: {  	[tilespmem:s29], [sflag:$0x1] =	stream.indirect_vreg.gather [hbm4b:s4+s2], $0x80, v4, vm0, $0xb8;
	[tilespmem:$0x10100] =	vst v63  }
0xfa: {  	v3 =	vadd.s32 v1, v3  }
0xfb: {  	[tilespmem:s1], [sflag:$0x1] =	stream.indirect_vreg.gather [hbm4b:s5+s2], $0x80, v4, vm0, $0xb8;
	[tilespmem:$0x10100] =	vst v63  }
0xfc: {  	_ = 	snop  }
0xfd: {  	[tilespmem:s9], [sflag:$0x1] =	stream.indirect_vreg.gather [hbm4b:s6+s2], $0x80, v4, vm0, $0xb8;
	[tilespmem:$0x10100] =	vst v63  }
0xfe: {  	_ = 	snop  }
0xff: {  	[tilespmem:s10], [sflag:$0x1] =	stream.indirect_vreg.gather [hbm4b:s3+s2], $0x80, v3, vm0, $0xb8;
	[tilespmem:$0x10100] =	vst v63  }
0x100: {  	_ = 	snop  }
0x101: {  	[tilespmem:s11], [sflag:$0x1] =	stream.indirect_vreg.gather [hbm4b:s4+s2], $0x80, v3, vm0, $0xb8;
	[tilespmem:$0x10100] =	vst v63  }
0x102: {  	_ = 	snop  }
0x103: {  	[tilespmem:s12], [sflag:$0x1] =	stream.indirect_vreg.gather [hbm4b:s5+s2], $0x80, v3, vm0, $0xb8;
	[tilespmem:$0x10100] =	vst v63  }
0x104: {  	s30 =	simm.s32 $0x3900  }
0x105: {  	[tilespmem:s30], [sflag:$0x1] =	stream.indirect_vreg.gather [hbm4b:s6+s2], $0x80, v3, vm0, $0xb8;
	[tilespmem:$0x10100] =	vst v63  }
0x106: {  	v3 =	vld [tilespmem:$0x10];
	_ =	sdelay $0x4  }
0x107: {  	v57 =	vshll.u32 v3, $0x3  }
0x108: {  	v3 =	vand.u32 $0x7, v3;
	v4 =	vand.u32 $0xFFFFFFC0, v57  }
0x109: {  	v3 =	vor.u32 v3, v4  }
0x10a: {  	v4 =	vperm.xlane v3, v0;
	_ =	sdelay $0x1  }
0x10b: {  	v4 =	vadd.s32 v1, v4;
	_ =	sdelay $0x3  }
0x10c: {  	s31 =	simm.s32 $0x4100  }
0x10d: {  	[tilespmem:s31], [sflag:$0x1] =	stream.indirect_vreg.gather [hbm4b:s3+s2], $0x80, v4, vm0, $0xb8;
	[tilespmem:$0x10100] =	vst v63  }
0x10e: {  	s25 =	simm.s32 $0x4900;
	v3 =	vperm.xlane v3, v2  }
0x10f: {  	[tilespmem:s25], [sflag:$0x1] =	stream.indirect_vreg.gather [hbm4b:s4+s2], $0x80, v4, vm0, $0xb8;
	[tilespmem:$0x10100] =	vst v63  }
0x110: {  	v3 =	vadd.s32 v1, v3  }
0x111: {  	[tilespmem:s13], [sflag:$0x1] =	stream.indirect_vreg.gather [hbm4b:s5+s2], $0x80, v4, vm0, $0xb8;
	[tilespmem:$0x10100] =	vst v63  }
0x112: {  	_ = 	snop  }
0x113: {  	[tilespmem:s14], [sflag:$0x1] =	stream.indirect_vreg.gather [hbm4b:s6+s2], $0x80, v4, vm0, $0xb8;
	[tilespmem:$0x10100] =	vst v63  }
0x114: {  	_ = 	snop  }
0x115: {  	[tilespmem:s15], [sflag:$0x1] =	stream.indirect_vreg.gather [hbm4b:s3+s2], $0x80, v3, vm0, $0xb8;
	[tilespmem:$0x10100] =	vst v63  }
0x116: {  	_ = 	snop  }
0x117: {  	[tilespmem:s16], [sflag:$0x1] =	stream.indirect_vreg.gather [hbm4b:s4+s2], $0x80, v3, vm0, $0xb8;
	[tilespmem:$0x10100] =	vst v63  }
0x118: {  	_ = 	snop  }
0x119: {  	[tilespmem:s17], [sflag:$0x1] =	stream.indirect_vreg.gather [hbm4b:s5+s2], $0x80, v3, vm0, $0xb8;
	[tilespmem:$0x10100] =	vst v63  }
0x11a: {  	_ = 	snop  }
0x11b: {  	[tilespmem:s18], [sflag:$0x1] =	stream.indirect_vreg.gather [hbm4b:s6+s2], $0x80, v3, vm0, $0xb8;
	[tilespmem:$0x10100] =	vst v63  }
0x11c: {  	_ =	swait.ge [sflag:s21], $0x8000  }
0x11d: {  	[sflag:s21] =	ssyncset.done $0x0  }
0x11e: {  	s29 =	rddreg [dreg:$0xb];
	[sflag:s21] =	ssyncadd.s32 $0xFFFF8000  }
0x11f: {  	[hbm4b:s29+s2] =	stream.linear.scatter [tilespmem:s26], [sflag:$0x4], $0x8000, $0x38;
	[tilespmem:$0x10100] =	vst v63  }
0x120: {  	_ =	swait.ge [sflag:s22], $0x8000  }
0x121: {  	[sflag:s22] =	ssyncset.done $0x0  }
0x122: {  	s30 =	rddreg [dreg:$0xc];
	[sflag:s22] =	ssyncadd.s32 $0xFFFF8000  }
0x123: {  	[tilespmem:s0], [sflag:$0x5] =	stream.linear.gather [hbm4b:s30+s2], $0x20, $0x38;
	[tilespmem:$0x10100] =	vst v63  }
0x124: {  	_ =	swait.ge [sflag:s8], $0x20  }
0x125: {  	[sflag:s8] =	ssyncset.done $0x0  }
0x126: {  	[sflag:s8] =	ssyncadd.s32 $0xFFFFFFE0  }
0x127: {  	v3 =	vld [tilespmem:$0x80];
	_ =	sdelay $0x4  }
0x128: {  	v58 =	vshll.u32 v3, $0x3  }
0x129: {  	v3 =	vand.u32 $0x7, v3;
	v4 =	vand.u32 $0xFFFFFFC0, v58  }
0x12a: {  	v3 =	vor.u32 v3, v4  }
0x12b: {  	v4 =	vperm.xlane v3, v0;
	_ =	sdelay $0x1  }
0x12c: {  	v4 =	vadd.s32 v1, v4;
	_ =	sdelay $0x4  }
0x12d: {  	[tilespmem:s26], [sflag:$0x2] =	stream.indirect_vreg.gather [hbm4b:s3+s2], $0x80, v4, vm0, $0xb8;
	[tilespmem:$0x10100] =	vst v63  }
0x12e: {  	s31 =	simm.s32 $0x8900;
	v3 =	vperm.xlane v3, v2  }
0x12f: {  	[tilespmem:s31], [sflag:$0x2] =	stream.indirect_vreg.gather [hbm4b:s4+s2], $0x80, v4, vm0, $0xb8;
	[tilespmem:$0x10100] =	vst v63  }
0x130: {  	s24 =	simm.s32 $0x9100;
	v3 =	vadd.s32 v1, v3  }
0x131: {  	[tilespmem:s24], [sflag:$0x2] =	stream.indirect_vreg.gather [hbm4b:s5+s2], $0x80, v4, vm0, $0xb8;
	[tilespmem:$0x10100] =	vst v63  }
0x132: {  	s24 =	simm.s32 $0x9900  }
0x133: {  	[tilespmem:s24], [sflag:$0x2] =	stream.indirect_vreg.gather [hbm4b:s6+s2], $0x80, v4, vm0, $0xb8;
	[tilespmem:$0x10100] =	vst v63  }
0x134: {  	s25 =	simm.s32 $0xA100  }
0x135: {  	[tilespmem:s25], [sflag:$0x2] =	stream.indirect_vreg.gather [hbm4b:s3+s2], $0x80, v3, vm0, $0xb8;
	[tilespmem:$0x10100] =	vst v63  }
0x136: {  	s29 =	simm.s32 $0xA900  }
0x137: {  	[tilespmem:s29], [sflag:$0x2] =	stream.indirect_vreg.gather [hbm4b:s4+s2], $0x80, v3, vm0, $0xb8;
	[tilespmem:$0x10100] =	vst v63  }
0x138: {  	s31 =	simm.s32 $0xB100  }
0x139: {  	[tilespmem:s31], [sflag:$0x2] =	stream.indirect_vreg.gather [hbm4b:s5+s2], $0x80, v3, vm0, $0xb8;
	[tilespmem:$0x10100] =	vst v63  }
0x13a: {  	s23 =	simm.s32 $0xB900  }
0x13b: {  	[tilespmem:s23], [sflag:$0x2] =	stream.indirect_vreg.gather [hbm4b:s6+s2], $0x80, v3, vm0, $0xb8;
	[tilespmem:$0x10100] =	vst v63  }
0x13c: {  	v3 =	vld [tilespmem:$0x90];
	_ =	sdelay $0x4  }
0x13d: {  	v59 =	vshll.u32 v3, $0x3  }
0x13e: {  	v3 =	vand.u32 $0x7, v3;
	v4 =	vand.u32 $0xFFFFFFC0, v59  }
0x13f: {  	v3 =	vor.u32 v3, v4  }
0x140: {  	v4 =	vperm.xlane v3, v0;
	_ =	sdelay $0x1  }
0x141: {  	v4 =	vadd.s32 v1, v4;
	_ =	sdelay $0x3  }
0x142: {  	s23 =	simm.s32 $0xC100  }
0x143: {  	[tilespmem:s23], [sflag:$0x2] =	stream.indirect_vreg.gather [hbm4b:s3+s2], $0x80, v4, vm0, $0xb8;
	[tilespmem:$0x10100] =	vst v63  }
0x144: {  	v3 =	vperm.xlane v3, v2;
	s23 =	simm.s32 $0xC900  }
0x145: {  	[tilespmem:s23], [sflag:$0x2] =	stream.indirect_vreg.gather [hbm4b:s4+s2], $0x80, v4, vm0, $0xb8;
	[tilespmem:$0x10100] =	vst v63  }
0x146: {  	v3 =	vadd.s32 v1, v3;
	s23 =	simm.s32 $0xD100  }
0x147: {  	[tilespmem:s23], [sflag:$0x2] =	stream.indirect_vreg.gather [hbm4b:s5+s2], $0x80, v4, vm0, $0xb8;
	[tilespmem:$0x10100] =	vst v63  }
0x148: {  	s23 =	simm.s32 $0xD900  }
0x149: {  	[tilespmem:s23], [sflag:$0x2] =	stream.indirect_vreg.gather [hbm4b:s6+s2], $0x80, v4, vm0, $0xb8;
	[tilespmem:$0x10100] =	vst v63  }
0x14a: {  	s23 =	simm.s32 $0xE100  }
0x14b: {  	[tilespmem:s23], [sflag:$0x2] =	stream.indirect_vreg.gather [hbm4b:s3+s2], $0x80, v3, vm0, $0xb8;
	[tilespmem:$0x10100] =	vst v63  }
0x14c: {  	s23 =	simm.s32 $0xE900  }
0x14d: {  	[tilespmem:s23], [sflag:$0x2] =	stream.indirect_vreg.gather [hbm4b:s4+s2], $0x80, v3, vm0, $0xb8;
	[tilespmem:$0x10100] =	vst v63  }
0x14e: {  	s23 =	simm.s32 $0xF100  }
0x14f: {  	[tilespmem:s23], [sflag:$0x2] =	stream.indirect_vreg.gather [hbm4b:s5+s2], $0x80, v3, vm0, $0xb8;
	[tilespmem:$0x10100] =	vst v63  }
0x150: {  	s23 =	simm.s32 $0xF900  }
0x151: {  	[tilespmem:s23], [sflag:$0x2] =	stream.indirect_vreg.gather [hbm4b:s6+s2], $0x80, v3, vm0, $0xb8;
	[tilespmem:$0x10100] =	vst v63  }
0x152: {  	_ =	swait.ge [sflag:s19], $0x8000  }
0x153: {  	[sflag:s19] =	ssyncset.done $0x0  }
0x154: {  	s23 =	rddreg [dreg:$0xd];
	[sflag:s19] =	ssyncadd.s32 $0xFFFF8000  }
0x155: {  	[hbm4b:s23+s2] =	stream.linear.scatter [tilespmem:s28], [sflag:$0x3], $0x8000, $0x38;
	[tilespmem:$0x10100] =	vst v63  }
0x156: {  	_ =	swait.ge [sflag:s20], $0x8000  }
0x157: {  	[sflag:s20] =	ssyncset.done $0x0  }
0x158: {  	s23 =	rddreg [dreg:$0xe];
	[sflag:s20] =	ssyncadd.s32 $0xFFFF8000  }
0x159: {  	[tilespmem:s2], [sflag:$0x5] =	stream.linear.gather [hbm4b:s23+s2], $0x20, $0x38;
	[tilespmem:$0x10100] =	vst v63  }
0x15a: {  	_ =	swait.ge [sflag:s8], $0x20  }
0x15b: {  	[sflag:s8] =	ssyncset.done $0x0  }
0x15c: {  	[sflag:s8] =	ssyncadd.s32 $0xFFFFFFE0  }
0x15d: {  	v3 =	vld [tilespmem:$0x0];
	_ =	sdelay $0x4  }
0x15e: {  	v60 =	vshll.u32 v3, $0x3  }
0x15f: {  	v3 =	vand.u32 $0x7, v3;
	v4 =	vand.u32 $0xFFFFFFC0, v60  }
0x160: {  	v3 =	vor.u32 v3, v4  }
0x161: {  	v4 =	vperm.xlane v3, v0;
	_ =	sdelay $0x1  }
0x162: {  	v4 =	vadd.s32 v1, v4;
	_ =	sdelay $0x4  }
0x163: {  	[tilespmem:s28], [sflag:$0x1] =	stream.indirect_vreg.gather [hbm4b:s3+s2], $0x80, v4, vm0, $0xb8;
	[tilespmem:$0x10100] =	vst v63  }
0x164: {  	s23 =	simm.s32 $0x900;
	v3 =	vperm.xlane v3, v2  }
0x165: {  	[tilespmem:s23], [sflag:$0x1] =	stream.indirect_vreg.gather [hbm4b:s4+s2], $0x80, v4, vm0, $0xb8;
	[tilespmem:$0x10100] =	vst v63  }
0x166: {  	s1 =	simm.s32 $0x1100;
	v3 =	vadd.s32 v1, v3  }
0x167: {  	[tilespmem:s1], [sflag:$0x1] =	stream.indirect_vreg.gather [hbm4b:s5+s2], $0x80, v4, vm0, $0xb8;
	[tilespmem:$0x10100] =	vst v63  }
0x168: {  	s9 =	simm.s32 $0x1900  }
0x169: {  	[tilespmem:s9], [sflag:$0x1] =	stream.indirect_vreg.gather [hbm4b:s6+s2], $0x80, v4, vm0, $0xb8;
	[tilespmem:$0x10100] =	vst v63  }
0x16a: {  	s10 =	simm.s32 $0x2100  }
0x16b: {  	[tilespmem:s10], [sflag:$0x1] =	stream.indirect_vreg.gather [hbm4b:s3+s2], $0x80, v3, vm0, $0xb8;
	[tilespmem:$0x10100] =	vst v63  }
0x16c: {  	s11 =	simm.s32 $0x2900  }
0x16d: {  	[tilespmem:s11], [sflag:$0x1] =	stream.indirect_vreg.gather [hbm4b:s4+s2], $0x80, v3, vm0, $0xb8;
	[tilespmem:$0x10100] =	vst v63  }
0x16e: {  	s12 =	simm.s32 $0x3100  }
0x16f: {  	[tilespmem:s12], [sflag:$0x1] =	stream.indirect_vreg.gather [hbm4b:s5+s2], $0x80, v3, vm0, $0xb8;
	[tilespmem:$0x10100] =	vst v63  }
0x170: {  	s23 =	simm.s32 $0x3900  }
0x171: {  	[tilespmem:s23], [sflag:$0x1] =	stream.indirect_vreg.gather [hbm4b:s6+s2], $0x80, v3, vm0, $0xb8;
	[tilespmem:$0x10100] =	vst v63  }
0x172: {  	v3 =	vld [tilespmem:$0x10];
	_ =	sdelay $0x4  }
0x173: {  	v61 =	vshll.u32 v3, $0x3  }
0x174: {  	v3 =	vand.u32 $0x7, v3;
	v4 =	vand.u32 $0xFFFFFFC0, v61  }
0x175: {  	v3 =	vor.u32 v3, v4  }
0x176: {  	v4 =	vperm.xlane v3, v0;
	_ =	sdelay $0x1  }
0x177: {  	v4 =	vadd.s32 v1, v4;
	_ =	sdelay $0x3  }
0x178: {  	s9 =	simm.s32 $0x4100  }
0x179: {  	[tilespmem:s9], [sflag:$0x1] =	stream.indirect_vreg.gather [hbm4b:s3+s2], $0x80, v4, vm0, $0xb8;
	[tilespmem:$0x10100] =	vst v63  }
0x17a: {  	s10 =	simm.s32 $0x4900;
	v3 =	vperm.xlane v3, v2  }
0x17b: {  	[tilespmem:s10], [sflag:$0x1] =	stream.indirect_vreg.gather [hbm4b:s4+s2], $0x80, v4, vm0, $0xb8;
	[tilespmem:$0x10100] =	vst v63  }
0x17c: {  	s13 =	simm.s32 $0x5100;
	v3 =	vadd.s32 v1, v3  }
0x17d: {  	[tilespmem:s13], [sflag:$0x1] =	stream.indirect_vreg.gather [hbm4b:s5+s2], $0x80, v4, vm0, $0xb8;
	[tilespmem:$0x10100] =	vst v63  }
0x17e: {  	s14 =	simm.s32 $0x5900  }
0x17f: {  	[tilespmem:s14], [sflag:$0x1] =	stream.indirect_vreg.gather [hbm4b:s6+s2], $0x80, v4, vm0, $0xb8;
	[tilespmem:$0x10100] =	vst v63  }
0x180: {  	s15 =	simm.s32 $0x6100  }
0x181: {  	[tilespmem:s15], [sflag:$0x1] =	stream.indirect_vreg.gather [hbm4b:s3+s2], $0x80, v3, vm0, $0xb8;
	[tilespmem:$0x10100] =	vst v63  }
0x182: {  	s16 =	simm.s32 $0x6900  }
0x183: {  	[tilespmem:s16], [sflag:$0x1] =	stream.indirect_vreg.gather [hbm4b:s4+s2], $0x80, v3, vm0, $0xb8;
	[tilespmem:$0x10100] =	vst v63  }
0x184: {  	s17 =	simm.s32 $0x7100  }
0x185: {  	[tilespmem:s17], [sflag:$0x1] =	stream.indirect_vreg.gather [hbm4b:s5+s2], $0x80, v3, vm0, $0xb8;
	[tilespmem:$0x10100] =	vst v63  }
0x186: {  	s18 =	simm.s32 $0x7900  }
0x187: {  	[tilespmem:s18], [sflag:$0x1] =	stream.indirect_vreg.gather [hbm4b:s6+s2], $0x80, v3, vm0, $0xb8;
	[tilespmem:$0x10100] =	vst v63  }
0x188: {  	_ =	swait.ge [sflag:s21], $0x8000  }
0x189: {  	[sflag:s21] =	ssyncset.done $0x0  }
0x18a: {  	s11 =	rddreg [dreg:$0xf];
	[sflag:s21] =	ssyncadd.s32 $0xFFFF8000  }
0x18b: {  	[hbm4b:s11+s2] =	stream.linear.scatter [tilespmem:s26], [sflag:$0x4], $0x8000, $0x38;
	[tilespmem:$0x10100] =	vst v63  }
0x18c: {  	_ =	swait.ge [sflag:s22], $0x8000  }
0x18d: {  	[sflag:s22] =	ssyncset.done $0x0  }
0x18e: {  	s0 =	simm.s32 $0x80;
	s12 =	rddreg [dreg:$0x10];
	[sflag:s22] =	ssyncadd.s32 $0xFFFF8000  }
0x18f: {  	[tilespmem:s0], [sflag:$0x5] =	stream.linear.gather [hbm4b:s12+s2], $0x20, $0x38;
	[tilespmem:$0x10100] =	vst v63  }
0x190: {  	_ =	swait.ge [sflag:s8], $0x20  }
0x191: {  	[sflag:s8] =	ssyncset.done $0x0  }
0x192: {  	[sflag:s8] =	ssyncadd.s32 $0xFFFFFFE0  }
0x193: {  	v3 =	vld [tilespmem:$0x80];
	_ =	sdelay $0x4  }
0x194: {  	v62 =	vshll.u32 v3, $0x3  }
0x195: {  	v3 =	vand.u32 $0x7, v3;
	v4 =	vand.u32 $0xFFFFFFC0, v62  }
0x196: {  	v3 =	vor.u32 v3, v4  }
0x197: {  	v4 =	vperm.xlane v3, v0;
	_ =	sdelay $0x1  }
0x198: {  	v4 =	vadd.s32 v1, v4;
	_ =	sdelay $0x4  }
0x199: {  	[tilespmem:s26], [sflag:$0x2] =	stream.indirect_vreg.gather [hbm4b:s3+s2], $0x80, v4, vm0, $0xb8;
	[tilespmem:$0x10100] =	vst v63  }
0x19a: {  	s13 =	simm.s32 $0x8900;
	v3 =	vperm.xlane v3, v2  }
0x19b: {  	[tilespmem:s13], [sflag:$0x2] =	stream.indirect_vreg.gather [hbm4b:s4+s2], $0x80, v4, vm0, $0xb8;
	[tilespmem:$0x10100] =	vst v63  }
0x19c: {  	s30 =	simm.s32 $0x9100;
	v3 =	vadd.s32 v1, v3  }
0x19d: {  	[tilespmem:s30], [sflag:$0x2] =	stream.indirect_vreg.gather [hbm4b:s5+s2], $0x80, v4, vm0, $0xb8;
	[tilespmem:$0x10100] =	vst v63  }
0x19e: {  	s24 =	simm.s32 $0x9900  }
0x19f: {  	[tilespmem:s24], [sflag:$0x2] =	stream.indirect_vreg.gather [hbm4b:s6+s2], $0x80, v4, vm0, $0xb8;
	[tilespmem:$0x10100] =	vst v63  }
0x1a0: {  	s25 =	simm.s32 $0xA100  }
0x1a1: {  	[tilespmem:s25], [sflag:$0x2] =	stream.indirect_vreg.gather [hbm4b:s3+s2], $0x80, v3, vm0, $0xb8;
	[tilespmem:$0x10100] =	vst v63  }
0x1a2: {  	s29 =	simm.s32 $0xA900  }
0x1a3: {  	[tilespmem:s29], [sflag:$0x2] =	stream.indirect_vreg.gather [hbm4b:s4+s2], $0x80, v3, vm0, $0xb8;
	[tilespmem:$0x10100] =	vst v63  }
0x1a4: {  	s31 =	simm.s32 $0xB100  }
0x1a5: {  	[tilespmem:s31], [sflag:$0x2] =	stream.indirect_vreg.gather [hbm4b:s5+s2], $0x80, v3, vm0, $0xb8;
	[tilespmem:$0x10100] =	vst v63  }
0x1a6: {  	s14 =	simm.s32 $0xB900  }
0x1a7: {  	[tilespmem:s14], [sflag:$0x2] =	stream.indirect_vreg.gather [hbm4b:s6+s2], $0x80, v3, vm0, $0xb8;
	[tilespmem:$0x10100] =	vst v63  }
0x1a8: {  	v3 =	vld [tilespmem:$0x90];
	_ =	sdelay $0x4  }
0x1a9: {  	v63 =	vshll.u32 v3, $0x3  }
0x1aa: {  	v3 =	vand.u32 $0x7, v3;
	v4 =	vand.u32 $0xFFFFFFC0, v63  }
0x1ab: {  	v3 =	vor.u32 v3, v4  }
0x1ac: {  	v4 =	vperm.xlane v3, v0;
	_ =	sdelay $0x1  }
0x1ad: {  	v4 =	vadd.s32 v1, v4;
	_ =	sdelay $0x3  }
0x1ae: {  	s15 =	simm.s32 $0xC100  }
0x1af: {  	[tilespmem:s15], [sflag:$0x2] =	stream.indirect_vreg.gather [hbm4b:s3+s2], $0x80, v4, vm0, $0xb8;
	[tilespmem:$0x10100] =	vst v63  }
0x1b0: {  	s16 =	simm.s32 $0xC900;
	v3 =	vperm.xlane v3, v2  }
0x1b1: {  	[tilespmem:s16], [sflag:$0x2] =	stream.indirect_vreg.gather [hbm4b:s4+s2], $0x80, v4, vm0, $0xb8;
	[tilespmem:$0x10100] =	vst v63  }
0x1b2: {  	s17 =	simm.s32 $0xD100;
	v3 =	vadd.s32 v1, v3  }
0x1b3: {  	[tilespmem:s17], [sflag:$0x2] =	stream.indirect_vreg.gather [hbm4b:s5+s2], $0x80, v4, vm0, $0xb8;
	[tilespmem:$0x10100] =	vst v63  }
0x1b4: {  	s18 =	simm.s32 $0xD900  }
0x1b5: {  	[tilespmem:s18], [sflag:$0x2] =	stream.indirect_vreg.gather [hbm4b:s6+s2], $0x80, v4, vm0, $0xb8;
	[tilespmem:$0x10100] =	vst v63  }
0x1b6: {  	s23 =	simm.s32 $0xE100  }
0x1b7: {  	[tilespmem:s23], [sflag:$0x2] =	stream.indirect_vreg.gather [hbm4b:s3+s2], $0x80, v3, vm0, $0xb8;
	[tilespmem:$0x10100] =	vst v63  }
0x1b8: {  	s24 =	simm.s32 $0xE900  }
0x1b9: {  	[tilespmem:s24], [sflag:$0x2] =	stream.indirect_vreg.gather [hbm4b:s4+s2], $0x80, v3, vm0, $0xb8;
	[tilespmem:$0x10100] =	vst v63  }
0x1ba: {  	s25 =	simm.s32 $0xF100  }
0x1bb: {  	[tilespmem:s25], [sflag:$0x2] =	stream.indirect_vreg.gather [hbm4b:s5+s2], $0x80, v3, vm0, $0xb8;
	[tilespmem:$0x10100] =	vst v63  }
0x1bc: {  	s29 =	simm.s32 $0xF900  }
0x1bd: {  	[tilespmem:s29], [sflag:$0x2] =	stream.indirect_vreg.gather [hbm4b:s6+s2], $0x80, v3, vm0, $0xb8;
	[tilespmem:$0x10100] =	vst v63  }
0x1be: {  	_ =	swait.ge [sflag:s19], $0x8000  }
0x1bf: {  	[sflag:s19] =	ssyncset.done $0x0  }
0x1c0: {  	s30 =	rddreg [dreg:$0x11];
	[sflag:s19] =	ssyncadd.s32 $0xFFFF8000  }
0x1c1: {  	[hbm4b:s30+s2] =	stream.linear.scatter [tilespmem:s28], [sflag:$0x3], $0x8000, $0x38;
	[tilespmem:$0x10100] =	vst v63  }
0x1c2: {  	_ =	swait.ge [sflag:s21], $0x8000  }
0x1c3: {  	[sflag:s21] =	ssyncset.done $0x0  }
0x1c4: {  	s31 =	rddreg [dreg:$0x12];
	[sflag:s21] =	ssyncadd.s32 $0xFFFF8000  }
0x1c5: {  	[hbm4b:s31+s2] =	stream.linear.scatter [tilespmem:s26], [sflag:$0x4], $0x8000, $0x38;
	[tilespmem:$0x10100] =	vst v63  }
0x1c6: {  	p0 =	sne.s32 s7, $0x1;
	_ =	swait.ge [sflag:s20], $0x8000  }
.Ltmp0:
0x1c7: {  	[sflag:s20] =	ssyncset.done $0x0;
	(pc) =	sbr.rel @p0 .LBB2_1-.Ltmp0, $4  }
0x1c8: {  	[sflag:s20] =	ssyncadd.s32 $0xFFFF8000  }
0x1c9: {  	_ =	swait.ge [sflag:s22], $0x8000  }
0x1ca: {  	[sflag:s22] =	ssyncset.done $0x0  }
0x1cb: {  	s7 =	sadd.s32 $0xFFFFFFFF, s7;
	[sflag:s22] =	ssyncadd.s32 $0xFFFF8000  }
0x1cc: {  	_ =	sfence.sel $0x180000  }
0x1cd: {  	[bflag:$0x0] =	sbarrier.arrive $0xFFFF  }
0x1ce: {  	_ =	strace $0x9000004A  }
0x1cf: {  	s0 =	stileid.u32;
	[bflag:$0x2] =	sbarrier.arrive $0xFFFF  }
0x1d0: {  	p0 =	sne.s32 s0, $0x0;
	s0 =	rddreg [dreg:$0x2]  }
0x1d1: {  	s0 =	sadd.s32 @!p0 $0x100000, s0  }
0x1d2: {  	[sflag:s0] =	ssyncadd.tile.s32 @!p0 $0x1;
	_ =	shalt  }
.Lfunc_end2:
_tile_overlayer_lowered:
.L_overlay_start_2:
0x1d3: {  	(tag) =	ssettag $0x2  }
0x1d4: {  	s0 =	rddreg [dreg:$0x0];
	s2 =	stileid.u32  }
0x1d5: {  	s1 =	rddreg [dreg:$0x1];
	p0 =	sne.s32 s2, $0x0  }
0x1d6: {  	s3 =	rddreg [dreg:$0x2];
	[bflag:$0x3] =	sbarrier.arrive $0xFFFF;
	s2 =	simm.s32 @!p0 $0x1C05  }
0x1d7: {  	[timem:s3], [sflag:s2] =	dma.local @!p0 [hbm:s0], s1  }
0x1d8: {  	s0 =	simm.s32 @!p0 $0x5  }
0x1d9: {  	_ =	swait.ge @!p0 [sflag:s0], s1  }
0x1da: {  	s1 =	ssub.s32 @!p0 $0x0, s1;
	[sflag:s0] =	ssyncset.done @!p0 $0x0  }
0x1db: {  	[sflag:s0] =	ssyncadd.s32 @!p0 s1  }
0x1dc: {  	[bflag:$0x3] =	sbarrier.arrive $0xFFFF  }
0x1dd: {  	_ =	shalt  }

// kernel: kernel.8.cloned.1.call-start
scs
__scs_entry_jumppad:
0x0: {  	(pc) =	sbr.rel $0x88, $3  }
0x1: {  	(tag) =	ssettag $0x0;
	lr =	simm.s32 $0x1  }
0x2: {  	[smem:$0x3F9B] =	sst lr;
	_ =	strace $0xD0000000  }
0x3: {  	_ = 	snop  }
0x4: {  	_ = 	snop  }
0x5: {  	_ = 	snop  }
0x6: {  	_ = 	snop  }
0x7: {  	_ = 	snop  }
__scs_overlays_trampoline_lowered:
0x8: {  	[smem:$0x3FAA] =	sst s0  }
0x9: {  	[smem:$0x3FAB] =	sst s1  }
0xa: {  	[smem:$0x3FAC] =	sst s2  }
0xb: {  	[smem:$0x3FAD] =	sst s3  }
0xc: {  	[smem:$0x3FAE] =	sst s4  }
0xd: {  	[smem:$0x3FAF] =	sst s5  }
0xe: {  	[smem:$0x3FB0] =	sst s6  }
0xf: {  	[smem:$0x3FB1] =	sst s7  }
0x10: {  	[smem:$0x3FB2] =	sst s8  }
0x11: {  	[smem:$0x3FB3] =	sst s9;
	s0 =	simm.s32 @!p0 $0x0  }
0x12: {  	s1 =	sld [smem:$0x3F99];
	s0 =	simm.s32 @p0 $0x1  }
0x13: {  	[smem:$0x3FB4] =	sst s0;
	s0 =	simm.s32 @!p1 $0x0  }
0x14: {  	s2 =	sld [smem:$0x3F98];
	s0 =	simm.s32 @p1 $0x1  }
0x15: {  	[smem:$0x3FB5] =	sst s0;
	s0 =	simm.s32 @!p2 $0x0  }
0x16: {  	s3 =	sld [smem:$0x3FDB];
	s0 =	simm.s32 @p2 $0x1  }
0x17: {  	s4 =	simm.s32 $0x1BF5;
	[smem:$0x3FB7] =	sst s0  }
0x18: {  	s0 =	sld [smem:$0x3F9A];
	_ =	swait.ge [sflag:s4], $0x0  }
0x19: {  	s7 =	sld [smem:$0x3F9B]  }
0x1a: {  	s8 =	sadd.s32 $0xFFFFE003, lr  }
0x1b: {  	s9 =	sadd.s32 $0xFFFFFEF7, lr;
	s5 =	simm.s32 $0xFFFFFFFF;
	p2 =	slt.u32 s8, $0xFFFFF086  }
0x1c: {  	p1 =	slt.u32 s9, $0xF7A;
	s5 =	simm.s32 @!p2 $0x0  }
0x1d: {  	s5 =	simm.s32 @p1 $0x1;
	p0 =	seq.s32 s7, s2  }
0x1e: {  	s7 =	smul.u32 @!p0 $0xF7A, s2;
	p2 =	seq.s32 @!p0 s5, $0x0  }
0x1f: {  	s9 =	smul.u32 $0xF7A, s1;
	s8 =	simm.s32 @!p0 $0x1BF5;
	p2 =	por !p2, p0  }
0x20: {  	[sflag:s8] =	ssyncset.s32 @!p0 $0xFFFFF086;
	s6 =	sadd.s32 @!p0 s3, s7;
	s7 =	simm.s32 @!p0 $0x108  }
0x21: {  	s3 =	sadd.s32 s3, s9;
	s6 =	sadd.s32 @!p0 $0x88, s6;
	s7 =	simm.s32 @p2 $0x1082  }
0x22: {  	[simem:s7], [sflag:s8] =	dma.local @!p0 [hbm:s6], $0xF7A  }
0x23: {  	s9 =	sor.u32 $0xD0000000, s2;
	s6 =	simm.s32 $0x108;
	_ =	swait.ge @!p0 [sflag:s8], $0x0  }
0x24: {  	s3 =	sadd.s32 $0x88, s3;
	s6 =	simm.s32 @!p1 $0x1082;
	[sflag:s4] =	ssyncset.s32 $0xFFFFF086  }
0x25: {  	[simem:s6], [sflag:s4] =	dma.local [hbm:s3], $0xF7A  }
0x26: {  	[smem:$0x3F9B] =	sst s1;
	(tag) =	ssettag s2;
	_ =	strace s9  }
0x27: {  	s1 =	sld [smem:$0x3FAB]  }
0x28: {  	s2 =	sld [smem:$0x3FAC]  }
0x29: {  	s4 =	sld [smem:$0x3FAE]  }
0x2a: {  	p0 =	seq.s32 s5, $0x0;
	s5 =	sld [smem:$0x3FAF]  }
0x2b: {  	s6 =	sld [smem:$0x3FB0]  }
0x2c: {  	s7 =	sld [smem:$0x3FB1]  }
0x2d: {  	s3 =	simm.s32 $0x108;
	s8 =	sld [smem:$0x3FB2]  }
0x2e: {  	s3 =	simm.s32 @!p0 $0x1082;
	s9 =	sld [smem:$0x3FB3]  }
0x2f: {  	lr =	sadd.s32 s0, s3;
	s0 =	sld [smem:$0x3FAA]  }
0x30: {  	s3 =	sld [smem:$0x3FAD]  }
0x31: {  	[smem:$0x3FB6] =	sst s10  }
0x32: {  	s10 =	sld [smem:$0x3FB4];
	_ =	sdelay $0x3  }
0x33: {  	p0 =	seq.s32 s10, $0x1;
	s10 =	sld [smem:$0x3FB6];
	_ =	sdelay $0x3  }
0x34: {  	[smem:$0x3FB6] =	sst s10  }
0x35: {  	s10 =	sld [smem:$0x3FB5];
	_ =	sdelay $0x3  }
0x36: {  	p1 =	seq.s32 s10, $0x1;
	s10 =	sld [smem:$0x3FB6];
	_ =	sdelay $0x3  }
0x37: {  	[smem:$0x3FB6] =	sst s10  }
0x38: {  	s10 =	sld [smem:$0x3FB7]  }
0x39: {  	_ = 	snop;
	(pc) =	sbr.ind lr, $3  }
0x3a: {  	_ = 	snop  }
0x3b: {  	_ = 	snop  }
0x3c: {  	p2 =	seq.s32 s10, $0x1;
	s10 =	sld [smem:$0x3FB6]  }
0x3d: {  	_ =	shalt  }
0x3e: {  	_ =	shalt  }
0x3f: {  	_ =	shalt  }
0x40: {  	_ =	shalt  }
0x41: {  	_ =	shalt  }
0x42: {  	_ =	shalt  }
0x43: {  	_ =	shalt  }
0x44: {  	_ =	shalt  }
0x45: {  	_ =	shalt  }
0x46: {  	_ =	shalt  }
0x47: {  	_ =	shalt  }
0x48: {  	_ =	shalt  }
0x49: {  	_ =	shalt  }
0x4a: {  	_ =	shalt  }
0x4b: {  	_ =	shalt  }
0x4c: {  	_ =	shalt  }
0x4d: {  	_ =	shalt  }
0x4e: {  	_ =	shalt  }
0x4f: {  	_ =	shalt  }
0x50: {  	_ =	shalt  }
0x51: {  	_ =	shalt  }
0x52: {  	_ =	shalt  }
0x53: {  	_ =	shalt  }
0x54: {  	_ =	shalt  }
0x55: {  	_ =	shalt  }
0x56: {  	_ =	shalt  }
0x57: {  	_ =	shalt  }
0x58: {  	_ =	shalt  }
0x59: {  	_ =	shalt  }
0x5a: {  	_ =	shalt  }
0x5b: {  	_ =	shalt  }
0x5c: {  	_ =	shalt  }
0x5d: {  	_ =	shalt  }
0x5e: {  	_ =	shalt  }
0x5f: {  	_ =	shalt  }
0x60: {  	_ =	shalt  }
0x61: {  	_ =	shalt  }
0x62: {  	_ =	shalt  }
0x63: {  	_ =	shalt  }
0x64: {  	_ =	shalt  }
0x65: {  	_ =	shalt  }
0x66: {  	_ =	shalt  }
0x67: {  	_ =	shalt  }
0x68: {  	_ =	shalt  }
0x69: {  	_ =	shalt  }
0x6a: {  	_ =	shalt  }
0x6b: {  	_ =	shalt  }
0x6c: {  	_ =	shalt  }
0x6d: {  	_ =	shalt  }
0x6e: {  	_ =	shalt  }
0x6f: {  	_ =	shalt  }
0x70: {  	_ =	shalt  }
0x71: {  	_ =	shalt  }
0x72: {  	_ =	shalt  }
0x73: {  	_ =	shalt  }
0x74: {  	_ =	shalt  }
0x75: {  	_ =	shalt  }
0x76: {  	_ =	shalt  }
0x77: {  	_ =	shalt  }
0x78: {  	_ =	shalt  }
0x79: {  	_ =	shalt  }
0x7a: {  	_ =	shalt  }
0x7b: {  	_ =	shalt  }
0x7c: {  	_ =	shalt  }
0x7d: {  	_ =	shalt  }
0x7e: {  	_ =	shalt  }
0x7f: {  	_ =	shalt  }
0x80: {  	_ =	shalt  }
0x81: {  	_ =	shalt  }
0x82: {  	_ =	shalt  }
0x83: {  	_ =	shalt  }
0x84: {  	_ =	shalt  }
0x85: {  	_ =	shalt  }
0x86: {  	_ =	shalt  }
0x87: {  	_ =	shalt  }
.Lfunc_end0:
.L_simem_size_0:
called_computation_lowered:
.L_overlay_start_0:
0x88: {  	s2 =	sld [smem:$0x3FD9]  }
0x89: {  	s3 =	sld [smem:$0x3FFE];
	_ =	sdelay $0x1  }
0x8a: {  	s1 =	srdreg.scid  }
0x8b: {  	s0 =	sand.u32 $0x1, s1  }
0x8c: {  	s14 =	sshll.u32 s0, $0xA;
	s2 =	sadd.s32 s3, s2  }
0x8d: {  	s2 =	sadd.s32 s2, s14  }
0x8e: {  	[smem:$0x3FC2] =	sst s2  }
0x8f: {  	_ = 	snop  }
0x90: {  	s2 =	sld [smem:$0x3FD0];
	_ =	sdelay $0x2  }
0x91: {  	s4 =	simm.s32 $0xA;
	s5 =	simm.s32 $0x10;
	s15 =	sld [smem:$0x3FC9]  }
0x92: {  	[smem:s5], [sflag:s4] =	dma.local [hbm:s2], $0x1  }
0x93: {  	_ =	swait.eq [sflag:s4], $0x1  }
0x94: {  	[sflag:s4] =	ssyncset.done $0x0  }
0x95: {  	[sflag:s4] =	ssyncadd.s32 $0xFFFFFFFF  }
0x96: {  	s16 =	sld [smem:$0x10];
	(tm) =	ssettm $0x1  }
0x97: {  	s17 =	sld [smem:$0x3FFB];
	_ =	sdelay $0x3  }
0x98: {  	_ =	strace s17  }
0x99: {  	s4 =	sld [smem:$0x3FFC];
	_ =	sdelay $0x3  }
0x9a: {  	_ =	strace s4  }
0x9b: {  	s4 =	sld [smem:$0x3FFD];
	_ =	sdelay $0x3  }
0x9c: {  	_ =	strace s4  }
0x9d: {  	_ =	strace $0x8FFFFFFF  }
0x9e: {  	s18 =	sld [smem:$0x3FDB];
	_ =	sdelay $0x1  }
0x9f: {  	s19 =	simm.s32 $_scs_section_size  }
0xa0: {  	s6 =	simm.s32 $_size__tile_overlayer_lowered;
	s7 =	simm.s32 $_tile_overlayer_lowered  }
0xa1: {  	s22 =	simm.s32 $0x1BFF;
	s21 =	sshll.u32 s7, $0x1;
	s4 =	sadd.s32 s19, s18  }
0xa2: {  	s8 =	simm.s32 $0x0;
	s20 =	sshll.u32 s6, $0x1;
	s6 =	sadd.s32 s21, s4  }
0xa3: {  	[timem:s8], [sflag:s22] =	dma.local [hbm:s6], s20  }
0xa4: {  	_ =	swait.ge [sflag:s22], s20  }
0xa5: {  	s5 =	ssub.s32 $0x0, s20;
	[sflag:s22] =	ssyncset.done $0x0  }
0xa6: {  	[sflag:s22] =	ssyncadd.s32 s5;
	_ =	sdelay $0x1  }
0xa7: {  	s23 =	simm.s32 $0x1B8B  }
0xa8: {  	_ =	swait.ge [sflag:s23], $0x1  }
0xa9: {  	[sflag:s23] =	ssyncset.done $0x0  }
0xaa: {  	s25 =	simm.s32 $0x1B8E;
	s24 =	sld [smem:$0x3FFE];
	[sflag:s23] =	ssyncadd.s32 $0xFFFFFFFF  }
0xab: {  	s26 =	simm.s32 $execute0_lowered;
	[smem:$0x3FD2] =	sst s25  }
0xac: {  	s6 =	sshll.u32 s26, $0x1;
	_ =	strace $0x80000046;
	[dreg:$0x1] =	wrdreg $0xFFFFFFFF  }
0xad: {  	s28 =	simm.s32 $_size_execute0_lowered;
	s4 =	sadd.s32 s4, s6;
	[dreg:$0x0] =	wrdreg $0x0  }
0xae: {  	s6 =	sshll.u32 s28, $0x1;
	[dreg:$0x2] =	wrdreg s4  }
0xaf: {  	[dreg:$0x3] =	wrdreg s6  }
0xb0: {  	[dreg:$0x4] =	wrdreg $0xC0  }
0xb1: {  	_ =	task [dreg:s8], $0x5FFFF  }
0xb2: {  	[dreg:$0x1] =	wrdreg $0xFFFFFFFF  }
0xb3: {  	[dreg:$0x0] =	wrdreg $0x60  }
0xb4: {  	[dreg:$0x2] =	wrdreg s16  }
0xb5: {  	[dreg:$0x3] =	wrdreg s15  }
0xb6: {  	[dreg:$0x4] =	wrdreg s24  }
0xb7: {  	[dreg:$0x5] =	wrdreg $0x9  }
0xb8: {  	_ =	task.clear_ibuf [dreg:s8], $0x6FFFF;
	_ =	strace $0x90000046  }
0xb9: {  	s29 =	simm.s32 $0x9;
	_ =	strace $0x80000048  }
0xba: {  	_ =	swait.ge [sflag:s29], $0x1  }
0xbb: {  	[sflag:s29] =	ssyncadd.s32 $0xFFFFFFFF  }
0xbc: {  	_ =	strace $0x90000048  }
0xbd: {  	_ =	sfence  }
0xbe: {  	s30 =	sld [smem:$0x0];
	_ =	sdelay $0x2  }
0xbf: {  	s31 =	sshll.u32 s1, $0xD;
	s1 =	sshrl.u32 s1, $0x2  }
0xc0: {  	s3 =	sand.u32 $0x4000, s31;
	s1 =	sadd.s32 s1, s30  }
0xc1: {  	s0 =	sor.u32 s3, s0;
	s1 =	sshll.u32 s1, $0x11  }
0xc2: {  	s0 =	sor.u32 s1, s0  }
0xc3: {  	s0 =	sadd.s32 $0x8F2B, s0  }
0xc4: {  	[sflag:s0] =	ssyncadd.remote.s32 $0x1  }
0xc5: {  	_ =	sfence.sel $0xFFFF  }
0xc6: {  	[dreg:$0x0] =	wrdreg $0xFFFFFFFF;
	(pc) =	sbr.abs _section_cstart, $3  }
0xc7: {  	[dreg:$0x1] =	wrdreg $0xFFFFFFFF  }
0xc8: {  	_ =	task.clear_ibuf [dreg:s8], $0x2FFFF;
	_ =	strace $0x9FFFFFFF  }
0xc9: {  	(tm) =	ssettm $0x7FFFFFFF  }
tec
execute0_lowered:
.L_overlay_start_1:
0x0: {  	(tag) =	ssettag $0x1  }
0x1: {  	s1 =	srdreg.scid  }
0x2: {  	s2 =	stileid.u32;
	s1 =	sand.u32 $0x1, s1  }
0x3: {  	s0 =	rddreg [dreg:$0x0];
	s2 =	sshll.u32 s2, $0x9;
	s5 =	sshll.u32 s1, $0x8  }
0x4: {  	s3 =	rddreg [dreg:$0x1];
	s5 =	sor.u32 s5, s2  }
0x5: {  	s4 =	rddreg [dreg:$0x2];
	s2 =	simm.s32 $0x0;
	s6 =	sshrl.u32 s5, $0x3  }
0x6: {  	[smem:$0x7FF] =	sst s2;
	s6 =	sadd.s32 s0, s6  }
0x7: {  	_ =	strace $0x80000047;
	s15 =	sadd.s32 $0x4, s6;
	[dreg:$0x12] =	wrdreg s6  }
0x8: {  	s10 =	simm.s32 $0x5;
	s17 =	sadd.s32 $0x8, s6;
	[dreg:$0x4] =	wrdreg s15  }
0x9: {  	s31 =	simm.s32 $0x3;
	s19 =	sadd.s32 $0xC, s6;
	[dreg:$0x6] =	wrdreg s17  }
0xa: {  	s8 =	sadd.s32 $0x22100, s4;
	s21 =	sadd.s32 $0x10, s6;
	[dreg:$0x8] =	wrdreg s19  }
0xb: {  	s1 =	ssub.s32 $0x2, s1;
	s23 =	sadd.s32 $0x14, s6;
	[dreg:$0xa] =	wrdreg s21  }
0xc: {  	s5 =	sshll.u32 s5, $0x7;
	s25 =	sadd.s32 $0x18, s6;
	[dreg:$0xc] =	wrdreg s23  }
0xd: {  	s14 =	sand.u32 $0x78000, s5;
	s29 =	sadd.s32 $0x1C, s6;
	[dreg:$0xe] =	wrdreg s25  }
0xe: {  	s26 =	sshrl.u32 s1, $0x1;
	s7 =	sadd.s32 s3, s14;
	[dreg:$0x10] =	wrdreg s29  }
0xf: {  	s1 =	ssub.s32 s1, s26;
	s16 =	sadd.s32 $0x1000, s7;
	[dreg:$0x13] =	wrdreg s7  }
0x10: {  	s26 =	simm.s32 $0x4;
	s18 =	sadd.s32 $0x2000, s7;
	[dreg:$0x5] =	wrdreg s16  }
0x11: {  	s5 =	sadd.s32 $0x21E00, s4;
	s20 =	sadd.s32 $0x3000, s7;
	[dreg:$0x7] =	wrdreg s18  }
0x12: {  	s9 =	smax.u32 s1, $0x1;
	s22 =	sadd.s32 $0x4000, s7;
	[dreg:$0x9] =	wrdreg s20  }
0x13: {  	s1 =	simm.s32 $0x2;
	s24 =	sadd.s32 $0x5000, s7;
	[dreg:$0xb] =	wrdreg s22  }
0x14: {  	v2 =	vlaneseq.u32;
	s6 =	sadd.s32 $0x21F00, s4;
	s28 =	sadd.s32 $0x6000, s7;
	[dreg:$0xd] =	wrdreg s24  }
0x15: {  	vm0 =	vmmov $0xffff;
	v1 =	vshrl.u32 v2, $0x3;
	s14 =	simm.s32 $0x1;
	s30 =	sadd.s32 $0x7000, s7;
	[dreg:$0xf] =	wrdreg s28  }
0x16: {  	v0 =	vand.u32 $0x7, v2;
	v2 =	vor.u32 $0x8, v2;
	v1 =	vmul.u32 $0x8, v1;
	s3 =	simm.s32 $0x8100;
	s7 =	sadd.s32 $0x22000, s4;
	[dreg:$0x11] =	wrdreg s30  }
.LBB2_1:
0x17: {  	s28 =	rddreg [dreg:$0x12]  }
0x18: {  	[tilespmem:s2], [sflag:$0x5] =	stream.linear.gather [hbm4b:s28+s2], $0x20, $0x38;
	[tilespmem:$0x10100] =	vst v63  }
0x19: {  	_ =	swait.ge [sflag:s10], $0x20  }
0x1a: {  	[sflag:s10] =	ssyncset.done $0x0  }
0x1b: {  	s13 =	simm.s32 $0x100;
	s29 =	rddreg [dreg:$0x13];
	[sflag:s10] =	ssyncadd.s32 $0xFFFFFFE0  }
0x1c: {  	[tilespmem:s13], [sflag:$0x1] =	stream.linear.gather [hbm4b:s29+s2], $0x8000, $0x38;
	[tilespmem:$0x10100] =	vst v63  }
0x1d: {  	s0 =	simm.s32 $0x80;
	s23 =	rddreg [dreg:$0x4]  }
0x1e: {  	[tilespmem:s0], [sflag:$0x5] =	stream.linear.gather [hbm4b:s23+s2], $0x20, $0x38;
	[tilespmem:$0x10100] =	vst v63  }
0x1f: {  	_ =	swait.ge [sflag:s10], $0x20  }
0x20: {  	[sflag:s10] =	ssyncset.done $0x0  }
0x21: {  	s24 =	rddreg [dreg:$0x5];
	[sflag:s10] =	ssyncadd.s32 $0xFFFFFFE0  }
0x22: {  	[tilespmem:s3], [sflag:$0x2] =	stream.linear.gather [hbm4b:s24+s2], $0x8000, $0x38;
	[tilespmem:$0x10100] =	vst v63  }
0x23: {  	_ =	swait.ge [sflag:s14], $0x8000  }
0x24: {  	[sflag:s14] =	ssyncset.done $0x0  }
0x25: {  	[sflag:s14] =	ssyncadd.s32 $0xFFFF8000  }
0x26: {  	v3 =	vld [tilespmem:$0x0];
	_ =	sdelay $0x4  }
0x27: {  	v4 =	vshll.u32 v3, $0x3  }
0x28: {  	v3 =	vand.u32 $0x7, v3;
	v4 =	vand.u32 $0xFFFFFFC0, v4  }
0x29: {  	v3 =	vor.u32 v3, v4  }
0x2a: {  	v4 =	vperm.xlane v3, v0;
	_ =	sdelay $0x1  }
0x2b: {  	v4 =	vadd.s32 v1, v4;
	_ =	sdelay $0x4  }
0x2c: {  	[hbm4b:s5+s2] =	stream.indirect_vreg.scatter [tilespmem:s13], [sflag:$0x3], $0x80, v4, vm0, $0xb8;
	[tilespmem:$0x10100] =	vst v63  }
0x2d: {  	s25 =	simm.s32 $0x900;
	v3 =	vperm.xlane v3, v2  }
0x2e: {  	[hbm4b:s6+s2] =	stream.indirect_vreg.scatter [tilespmem:s25], [sflag:$0x3], $0x80, v4, vm0, $0xb8;
	[tilespmem:$0x10100] =	vst v63  }
0x2f: {  	s28 =	simm.s32 $0x1100;
	v3 =	vadd.s32 v1, v3  }
0x30: {  	[hbm4b:s7+s2] =	stream.indirect_vreg.scatter [tilespmem:s28], [sflag:$0x3], $0x80, v4, vm0, $0xb8;
	[tilespmem:$0x10100] =	vst v63  }
0x31: {  	s29 =	simm.s32 $0x1900  }
0x32: {  	[hbm4b:s8+s2] =	stream.indirect_vreg.scatter [tilespmem:s29], [sflag:$0x3], $0x80, v4, vm0, $0xb8;
	[tilespmem:$0x10100] =	vst v63  }
0x33: {  	s30 =	simm.s32 $0x2100  }
0x34: {  	[hbm4b:s5+s2] =	stream.indirect_vreg.scatter [tilespmem:s30], [sflag:$0x3], $0x80, v3, vm0, $0xb8;
	[tilespmem:$0x10100] =	vst v63  }
0x35: {  	s12 =	simm.s32 $0x2900  }
0x36: {  	[hbm4b:s6+s2] =	stream.indirect_vreg.scatter [tilespmem:s12], [sflag:$0x3], $0x80, v3, vm0, $0xb8;
	[tilespmem:$0x10100] =	vst v63  }
0x37: {  	s15 =	simm.s32 $0x3100  }
0x38: {  	[hbm4b:s7+s2] =	stream.indirect_vreg.scatter [tilespmem:s15], [sflag:$0x3], $0x80, v3, vm0, $0xb8;
	[tilespmem:$0x10100] =	vst v63  }
0x39: {  	s16 =	simm.s32 $0x3900  }
0x3a: {  	[hbm4b:s8+s2] =	stream.indirect_vreg.scatter [tilespmem:s16], [sflag:$0x3], $0x80, v3, vm0, $0xb8;
	[tilespmem:$0x10100] =	vst v63  }
0x3b: {  	v3 =	vld [tilespmem:$0x10];
	_ =	sdelay $0x4  }
0x3c: {  	v49 =	vshll.u32 v3, $0x3  }
0x3d: {  	v3 =	vand.u32 $0x7, v3;
	v4 =	vand.u32 $0xFFFFFFC0, v49  }
0x3e: {  	v3 =	vor.u32 v3, v4  }
0x3f: {  	v4 =	vperm.xlane v3, v0;
	_ =	sdelay $0x1  }
0x40: {  	v4 =	vadd.s32 v1, v4;
	_ =	sdelay $0x3  }
0x41: {  	s17 =	simm.s32 $0x4100  }
0x42: {  	[hbm4b:s5+s2] =	stream.indirect_vreg.scatter [tilespmem:s17], [sflag:$0x3], $0x80, v4, vm0, $0xb8;
	[tilespmem:$0x10100] =	vst v63  }
0x43: {  	s18 =	simm.s32 $0x4900;
	v3 =	vperm.xlane v3, v2  }
0x44: {  	[hbm4b:s6+s2] =	stream.indirect_vreg.scatter [tilespmem:s18], [sflag:$0x3], $0x80, v4, vm0, $0xb8;
	[tilespmem:$0x10100] =	vst v63  }
0x45: {  	s19 =	simm.s32 $0x5100;
	v3 =	vadd.s32 v1, v3  }
0x46: {  	[hbm4b:s7+s2] =	stream.indirect_vreg.scatter [tilespmem:s19], [sflag:$0x3], $0x80, v4, vm0, $0xb8;
	[tilespmem:$0x10100] =	vst v63  }
0x47: {  	s20 =	simm.s32 $0x5900  }
0x48: {  	[hbm4b:s8+s2] =	stream.indirect_vreg.scatter [tilespmem:s20], [sflag:$0x3], $0x80, v4, vm0, $0xb8;
	[tilespmem:$0x10100] =	vst v63  }
0x49: {  	s21 =	simm.s32 $0x6100  }
0x4a: {  	[hbm4b:s5+s2] =	stream.indirect_vreg.scatter [tilespmem:s21], [sflag:$0x3], $0x80, v3, vm0, $0xb8;
	[tilespmem:$0x10100] =	vst v63  }
0x4b: {  	s22 =	simm.s32 $0x6900  }
0x4c: {  	[hbm4b:s6+s2] =	stream.indirect_vreg.scatter [tilespmem:s22], [sflag:$0x3], $0x80, v3, vm0, $0xb8;
	[tilespmem:$0x10100] =	vst v63  }
0x4d: {  	s23 =	simm.s32 $0x7100  }
0x4e: {  	[hbm4b:s7+s2] =	stream.indirect_vreg.scatter [tilespmem:s23], [sflag:$0x3], $0x80, v3, vm0, $0xb8;
	[tilespmem:$0x10100] =	vst v63  }
0x4f: {  	s24 =	simm.s32 $0x7900  }
0x50: {  	[hbm4b:s8+s2] =	stream.indirect_vreg.scatter [tilespmem:s24], [sflag:$0x3], $0x80, v3, vm0, $0xb8;
	[tilespmem:$0x10100] =	vst v63  }
0x51: {  	_ =	swait.ge [sflag:s31], $0x8000  }
0x52: {  	[sflag:s31] =	ssyncset.done $0x0  }
0x53: {  	s25 =	rddreg [dreg:$0x6];
	[sflag:s31] =	ssyncadd.s32 $0xFFFF8000  }
0x54: {  	[tilespmem:s2], [sflag:$0x5] =	stream.linear.gather [hbm4b:s25+s2], $0x20, $0x38;
	[tilespmem:$0x10100] =	vst v63  }
0x55: {  	_ =	swait.ge [sflag:s10], $0x20  }
0x56: {  	[sflag:s10] =	ssyncset.done $0x0  }
0x57: {  	s29 =	rddreg [dreg:$0x7];
	[sflag:s10] =	ssyncadd.s32 $0xFFFFFFE0  }
0x58: {  	[tilespmem:s13], [sflag:$0x1] =	stream.linear.gather [hbm4b:s29+s2], $0x8000, $0x38;
	[tilespmem:$0x10100] =	vst v63  }
0x59: {  	_ =	swait.ge [sflag:s1], $0x8000  }
0x5a: {  	[sflag:s1] =	ssyncset.done $0x0  }
0x5b: {  	[sflag:s1] =	ssyncadd.s32 $0xFFFF8000  }
0x5c: {  	v3 =	vld [tilespmem:$0x80];
	_ =	sdelay $0x4  }
0x5d: {  	v50 =	vshll.u32 v3, $0x3  }
0x5e: {  	v3 =	vand.u32 $0x7, v3;
	v4 =	vand.u32 $0xFFFFFFC0, v50  }
0x5f: {  	v3 =	vor.u32 v3, v4  }
0x60: {  	v4 =	vperm.xlane v3, v0;
	_ =	sdelay $0x1  }
0x61: {  	v4 =	vadd.s32 v1, v4;
	_ =	sdelay $0x4  }
0x62: {  	[hbm4b:s5+s2] =	stream.indirect_vreg.scatter [tilespmem:s3], [sflag:$0x4], $0x80, v4, vm0, $0xb8;
	[tilespmem:$0x10100] =	vst v63  }
0x63: {  	s30 =	simm.s32 $0x8900;
	v3 =	vperm.xlane v3, v2  }
0x64: {  	[hbm4b:s6+s2] =	stream.indirect_vreg.scatter [tilespmem:s30], [sflag:$0x4], $0x80, v4, vm0, $0xb8;
	[tilespmem:$0x10100] =	vst v63  }
0x65: {  	s12 =	simm.s32 $0x9100;
	v3 =	vadd.s32 v1, v3  }
0x66: {  	[hbm4b:s7+s2] =	stream.indirect_vreg.scatter [tilespmem:s12], [sflag:$0x4], $0x80, v4, vm0, $0xb8;
	[tilespmem:$0x10100] =	vst v63  }
0x67: {  	s18 =	simm.s32 $0x9900  }
0x68: {  	[hbm4b:s8+s2] =	stream.indirect_vreg.scatter [tilespmem:s18], [sflag:$0x4], $0x80, v4, vm0, $0xb8;
	[tilespmem:$0x10100] =	vst v63  }
0x69: {  	s19 =	simm.s32 $0xA100  }
0x6a: {  	[hbm4b:s5+s2] =	stream.indirect_vreg.scatter [tilespmem:s19], [sflag:$0x4], $0x80, v3, vm0, $0xb8;
	[tilespmem:$0x10100] =	vst v63  }
0x6b: {  	s23 =	simm.s32 $0xA900  }
0x6c: {  	[hbm4b:s6+s2] =	stream.indirect_vreg.scatter [tilespmem:s23], [sflag:$0x4], $0x80, v3, vm0, $0xb8;
	[tilespmem:$0x10100] =	vst v63  }
0x6d: {  	s24 =	simm.s32 $0xB100  }
0x6e: {  	[hbm4b:s7+s2] =	stream.indirect_vreg.scatter [tilespmem:s24], [sflag:$0x4], $0x80, v3, vm0, $0xb8;
	[tilespmem:$0x10100] =	vst v63  }
0x6f: {  	s25 =	simm.s32 $0xB900  }
0x70: {  	[hbm4b:s8+s2] =	stream.indirect_vreg.scatter [tilespmem:s25], [sflag:$0x4], $0x80, v3, vm0, $0xb8;
	[tilespmem:$0x10100] =	vst v63  }
0x71: {  	v3 =	vld [tilespmem:$0x90];
	_ =	sdelay $0x4  }
0x72: {  	v51 =	vshll.u32 v3, $0x3  }
0x73: {  	v3 =	vand.u32 $0x7, v3;
	v4 =	vand.u32 $0xFFFFFFC0, v51  }
0x74: {  	v3 =	vor.u32 v3, v4  }
0x75: {  	v4 =	vperm.xlane v3, v0;
	_ =	sdelay $0x1  }
0x76: {  	v4 =	vadd.s32 v1, v4;
	_ =	sdelay $0x3  }
0x77: {  	s28 =	simm.s32 $0xC100  }
0x78: {  	[hbm4b:s5+s2] =	stream.indirect_vreg.scatter [tilespmem:s28], [sflag:$0x4], $0x80, v4, vm0, $0xb8;
	[tilespmem:$0x10100] =	vst v63  }
0x79: {  	s29 =	simm.s32 $0xC900;
	v3 =	vperm.xlane v3, v2  }
0x7a: {  	[hbm4b:s6+s2] =	stream.indirect_vreg.scatter [tilespmem:s29], [sflag:$0x4], $0x80, v4, vm0, $0xb8;
	[tilespmem:$0x10100] =	vst v63  }
0x7b: {  	s12 =	simm.s32 $0xD100;
	v3 =	vadd.s32 v1, v3  }
0x7c: {  	[hbm4b:s7+s2] =	stream.indirect_vreg.scatter [tilespmem:s12], [sflag:$0x4], $0x80, v4, vm0, $0xb8;
	[tilespmem:$0x10100] =	vst v63  }
0x7d: {  	s18 =	simm.s32 $0xD900  }
0x7e: {  	[hbm4b:s8+s2] =	stream.indirect_vreg.scatter [tilespmem:s18], [sflag:$0x4], $0x80, v4, vm0, $0xb8;
	[tilespmem:$0x10100] =	vst v63  }
0x7f: {  	s19 =	simm.s32 $0xE100  }
0x80: {  	[hbm4b:s5+s2] =	stream.indirect_vreg.scatter [tilespmem:s19], [sflag:$0x4], $0x80, v3, vm0, $0xb8;
	[tilespmem:$0x10100] =	vst v63  }
0x81: {  	s28 =	simm.s32 $0xE900  }
0x82: {  	[hbm4b:s6+s2] =	stream.indirect_vreg.scatter [tilespmem:s28], [sflag:$0x4], $0x80, v3, vm0, $0xb8;
	[tilespmem:$0x10100] =	vst v63  }
0x83: {  	s29 =	simm.s32 $0xF100  }
0x84: {  	[hbm4b:s7+s2] =	stream.indirect_vreg.scatter [tilespmem:s29], [sflag:$0x4], $0x80, v3, vm0, $0xb8;
	[tilespmem:$0x10100] =	vst v63  }
0x85: {  	s12 =	simm.s32 $0xF900  }
0x86: {  	[hbm4b:s8+s2] =	stream.indirect_vreg.scatter [tilespmem:s12], [sflag:$0x4], $0x80, v3, vm0, $0xb8;
	[tilespmem:$0x10100] =	vst v63  }
0x87: {  	_ =	swait.ge [sflag:s26], $0x8000  }
0x88: {  	[sflag:s26] =	ssyncset.done $0x0  }
0x89: {  	s11 =	simm.s32 $0x80;
	s18 =	rddreg [dreg:$0x8];
	[sflag:s26] =	ssyncadd.s32 $0xFFFF8000  }
0x8a: {  	[tilespmem:s11], [sflag:$0x5] =	stream.linear.gather [hbm4b:s18+s2], $0x20, $0x38;
	[tilespmem:$0x10100] =	vst v63  }
0x8b: {  	_ =	swait.ge [sflag:s10], $0x20  }
0x8c: {  	[sflag:s10] =	ssyncset.done $0x0  }
0x8d: {  	s19 =	rddreg [dreg:$0x9];
	[sflag:s10] =	ssyncadd.s32 $0xFFFFFFE0  }
0x8e: {  	[tilespmem:s3], [sflag:$0x2] =	stream.linear.gather [hbm4b:s19+s2], $0x8000, $0x38;
	[tilespmem:$0x10100] =	vst v63  }
0x8f: {  	_ =	swait.ge [sflag:s14], $0x8000  }
0x90: {  	[sflag:s14] =	ssyncset.done $0x0  }
0x91: {  	[sflag:s14] =	ssyncadd.s32 $0xFFFF8000  }
0x92: {  	v3 =	vld [tilespmem:$0x0];
	_ =	sdelay $0x4  }
0x93: {  	v52 =	vshll.u32 v3, $0x3  }
0x94: {  	v3 =	vand.u32 $0x7, v3;
	v4 =	vand.u32 $0xFFFFFFC0, v52  }
0x95: {  	v3 =	vor.u32 v3, v4  }
0x96: {  	v4 =	vperm.xlane v3, v0;
	_ =	sdelay $0x1  }
0x97: {  	v4 =	vadd.s32 v1, v4;
	_ =	sdelay $0x4  }
0x98: {  	[hbm4b:s5+s2] =	stream.indirect_vreg.scatter [tilespmem:s13], [sflag:$0x3], $0x80, v4, vm0, $0xb8;
	[tilespmem:$0x10100] =	vst v63  }
0x99: {  	s4 =	simm.s32 $0x900;
	v3 =	vperm.xlane v3, v2  }
0x9a: {  	[hbm4b:s6+s2] =	stream.indirect_vreg.scatter [tilespmem:s4], [sflag:$0x3], $0x80, v4, vm0, $0xb8;
	[tilespmem:$0x10100] =	vst v63  }
0x9b: {  	s29 =	simm.s32 $0x1100;
	v3 =	vadd.s32 v1, v3  }
0x9c: {  	[hbm4b:s7+s2] =	stream.indirect_vreg.scatter [tilespmem:s29], [sflag:$0x3], $0x80, v4, vm0, $0xb8;
	[tilespmem:$0x10100] =	vst v63  }
0x9d: {  	s29 =	simm.s32 $0x1900  }
0x9e: {  	[hbm4b:s8+s2] =	stream.indirect_vreg.scatter [tilespmem:s29], [sflag:$0x3], $0x80, v4, vm0, $0xb8;
	[tilespmem:$0x10100] =	vst v63  }
0x9f: {  	s4 =	simm.s32 $0x2100  }
0xa0: {  	[hbm4b:s5+s2] =	stream.indirect_vreg.scatter [tilespmem:s4], [sflag:$0x3], $0x80, v3, vm0, $0xb8;
	[tilespmem:$0x10100] =	vst v63  }
0xa1: {  	s11 =	simm.s32 $0x2900  }
0xa2: {  	[hbm4b:s6+s2] =	stream.indirect_vreg.scatter [tilespmem:s11], [sflag:$0x3], $0x80, v3, vm0, $0xb8;
	[tilespmem:$0x10100] =	vst v63  }
0xa3: {  	s12 =	simm.s32 $0x3100  }
0xa4: {  	[hbm4b:s7+s2] =	stream.indirect_vreg.scatter [tilespmem:s12], [sflag:$0x3], $0x80, v3, vm0, $0xb8;
	[tilespmem:$0x10100] =	vst v63  }
0xa5: {  	s15 =	simm.s32 $0x3900  }
0xa6: {  	[hbm4b:s8+s2] =	stream.indirect_vreg.scatter [tilespmem:s15], [sflag:$0x3], $0x80, v3, vm0, $0xb8;
	[tilespmem:$0x10100] =	vst v63  }
0xa7: {  	v3 =	vld [tilespmem:$0x10];
	_ =	sdelay $0x4  }
0xa8: {  	v53 =	vshll.u32 v3, $0x3  }
0xa9: {  	v3 =	vand.u32 $0x7, v3;
	v4 =	vand.u32 $0xFFFFFFC0, v53  }
0xaa: {  	v3 =	vor.u32 v3, v4  }
0xab: {  	v4 =	vperm.xlane v3, v0;
	_ =	sdelay $0x1  }
0xac: {  	v4 =	vadd.s32 v1, v4;
	_ =	sdelay $0x3  }
0xad: {  	s16 =	simm.s32 $0x4100  }
0xae: {  	[hbm4b:s5+s2] =	stream.indirect_vreg.scatter [tilespmem:s16], [sflag:$0x3], $0x80, v4, vm0, $0xb8;
	[tilespmem:$0x10100] =	vst v63  }
0xaf: {  	s17 =	simm.s32 $0x4900;
	v3 =	vperm.xlane v3, v2  }
0xb0: {  	[hbm4b:s6+s2] =	stream.indirect_vreg.scatter [tilespmem:s17], [sflag:$0x3], $0x80, v4, vm0, $0xb8;
	[tilespmem:$0x10100] =	vst v63  }
0xb1: {  	s15 =	simm.s32 $0x5100;
	v3 =	vadd.s32 v1, v3  }
0xb2: {  	[hbm4b:s7+s2] =	stream.indirect_vreg.scatter [tilespmem:s15], [sflag:$0x3], $0x80, v4, vm0, $0xb8;
	[tilespmem:$0x10100] =	vst v63  }
0xb3: {  	s16 =	simm.s32 $0x5900  }
0xb4: {  	[hbm4b:s8+s2] =	stream.indirect_vreg.scatter [tilespmem:s16], [sflag:$0x3], $0x80, v4, vm0, $0xb8;
	[tilespmem:$0x10100] =	vst v63  }
0xb5: {  	s17 =	simm.s32 $0x6100  }
0xb6: {  	[hbm4b:s5+s2] =	stream.indirect_vreg.scatter [tilespmem:s17], [sflag:$0x3], $0x80, v3, vm0, $0xb8;
	[tilespmem:$0x10100] =	vst v63  }
0xb7: {  	s18 =	simm.s32 $0x6900  }
0xb8: {  	[hbm4b:s6+s2] =	stream.indirect_vreg.scatter [tilespmem:s18], [sflag:$0x3], $0x80, v3, vm0, $0xb8;
	[tilespmem:$0x10100] =	vst v63  }
0xb9: {  	s19 =	simm.s32 $0x7100  }
0xba: {  	[hbm4b:s7+s2] =	stream.indirect_vreg.scatter [tilespmem:s19], [sflag:$0x3], $0x80, v3, vm0, $0xb8;
	[tilespmem:$0x10100] =	vst v63  }
0xbb: {  	s21 =	simm.s32 $0x7900  }
0xbc: {  	[hbm4b:s8+s2] =	stream.indirect_vreg.scatter [tilespmem:s21], [sflag:$0x3], $0x80, v3, vm0, $0xb8;
	[tilespmem:$0x10100] =	vst v63  }
0xbd: {  	_ =	swait.ge [sflag:s31], $0x8000  }
0xbe: {  	[sflag:s31] =	ssyncset.done $0x0  }
0xbf: {  	s0 =	rddreg [dreg:$0xa];
	[sflag:s31] =	ssyncadd.s32 $0xFFFF8000  }
0xc0: {  	[tilespmem:s2], [sflag:$0x5] =	stream.linear.gather [hbm4b:s0+s2], $0x20, $0x38;
	[tilespmem:$0x10100] =	vst v63  }
0xc1: {  	_ =	swait.ge [sflag:s10], $0x20  }
0xc2: {  	[sflag:s10] =	ssyncset.done $0x0  }
0xc3: {  	s21 =	rddreg [dreg:$0xb];
	[sflag:s10] =	ssyncadd.s32 $0xFFFFFFE0  }
0xc4: {  	[tilespmem:s13], [sflag:$0x1] =	stream.linear.gather [hbm4b:s21+s2], $0x8000, $0x38;
	[tilespmem:$0x10100] =	vst v63  }
0xc5: {  	_ =	swait.ge [sflag:s1], $0x8000  }
0xc6: {  	[sflag:s1] =	ssyncset.done $0x0  }
0xc7: {  	[sflag:s1] =	ssyncadd.s32 $0xFFFF8000  }
0xc8: {  	v3 =	vld [tilespmem:$0x80];
	_ =	sdelay $0x4  }
0xc9: {  	v54 =	vshll.u32 v3, $0x3  }
0xca: {  	v3 =	vand.u32 $0x7, v3;
	v4 =	vand.u32 $0xFFFFFFC0, v54  }
0xcb: {  	v3 =	vor.u32 v3, v4  }
0xcc: {  	v4 =	vperm.xlane v3, v0;
	_ =	sdelay $0x1  }
0xcd: {  	v4 =	vadd.s32 v1, v4;
	_ =	sdelay $0x4  }
0xce: {  	[hbm4b:s5+s2] =	stream.indirect_vreg.scatter [tilespmem:s3], [sflag:$0x4], $0x80, v4, vm0, $0xb8;
	[tilespmem:$0x10100] =	vst v63  }
0xcf: {  	s30 =	simm.s32 $0x8900;
	v3 =	vperm.xlane v3, v2  }
0xd0: {  	[hbm4b:s6+s2] =	stream.indirect_vreg.scatter [tilespmem:s30], [sflag:$0x4], $0x80, v4, vm0, $0xb8;
	[tilespmem:$0x10100] =	vst v63  }
0xd1: {  	s22 =	simm.s32 $0x9100;
	v3 =	vadd.s32 v1, v3  }
0xd2: {  	[hbm4b:s7+s2] =	stream.indirect_vreg.scatter [tilespmem:s22], [sflag:$0x4], $0x80, v4, vm0, $0xb8;
	[tilespmem:$0x10100] =	vst v63  }
0xd3: {  	s20 =	simm.s32 $0x9900  }
0xd4: {  	[hbm4b:s8+s2] =	stream.indirect_vreg.scatter [tilespmem:s20], [sflag:$0x4], $0x80, v4, vm0, $0xb8;
	[tilespmem:$0x10100] =	vst v63  }
0xd5: {  	s21 =	simm.s32 $0xA100  }
0xd6: {  	[hbm4b:s5+s2] =	stream.indirect_vreg.scatter [tilespmem:s21], [sflag:$0x4], $0x80, v3, vm0, $0xb8;
	[tilespmem:$0x10100] =	vst v63  }
0xd7: {  	s20 =	simm.s32 $0xA900  }
0xd8: {  	[hbm4b:s6+s2] =	stream.indirect_vreg.scatter [tilespmem:s20], [sflag:$0x4], $0x80, v3, vm0, $0xb8;
	[tilespmem:$0x10100] =	vst v63  }
0xd9: {  	s22 =	simm.s32 $0xB100  }
0xda: {  	[hbm4b:s7+s2] =	stream.indirect_vreg.scatter [tilespmem:s22], [sflag:$0x4], $0x80, v3, vm0, $0xb8;
	[tilespmem:$0x10100] =	vst v63  }
0xdb: {  	s23 =	simm.s32 $0xB900  }
0xdc: {  	[hbm4b:s8+s2] =	stream.indirect_vreg.scatter [tilespmem:s23], [sflag:$0x4], $0x80, v3, vm0, $0xb8;
	[tilespmem:$0x10100] =	vst v63  }
0xdd: {  	v3 =	vld [tilespmem:$0x90];
	_ =	sdelay $0x4  }
0xde: {  	v55 =	vshll.u32 v3, $0x3  }
0xdf: {  	v3 =	vand.u32 $0x7, v3;
	v4 =	vand.u32 $0xFFFFFFC0, v55  }
0xe0: {  	v3 =	vor.u32 v3, v4  }
0xe1: {  	v4 =	vperm.xlane v3, v0;
	_ =	sdelay $0x1  }
0xe2: {  	v4 =	vadd.s32 v1, v4;
	_ =	sdelay $0x3  }
0xe3: {  	s24 =	simm.s32 $0xC100  }
0xe4: {  	[hbm4b:s5+s2] =	stream.indirect_vreg.scatter [tilespmem:s24], [sflag:$0x4], $0x80, v4, vm0, $0xb8;
	[tilespmem:$0x10100] =	vst v63  }
0xe5: {  	s25 =	simm.s32 $0xC900;
	v3 =	vperm.xlane v3, v2  }
0xe6: {  	[hbm4b:s6+s2] =	stream.indirect_vreg.scatter [tilespmem:s25], [sflag:$0x4], $0x80, v4, vm0, $0xb8;
	[tilespmem:$0x10100] =	vst v63  }
0xe7: {  	s23 =	simm.s32 $0xD100;
	v3 =	vadd.s32 v1, v3  }
0xe8: {  	[hbm4b:s7+s2] =	stream.indirect_vreg.scatter [tilespmem:s23], [sflag:$0x4], $0x80, v4, vm0, $0xb8;
	[tilespmem:$0x10100] =	vst v63  }
0xe9: {  	s24 =	simm.s32 $0xD900  }
0xea: {  	[hbm4b:s8+s2] =	stream.indirect_vreg.scatter [tilespmem:s24], [sflag:$0x4], $0x80, v4, vm0, $0xb8;
	[tilespmem:$0x10100] =	vst v63  }
0xeb: {  	s25 =	simm.s32 $0xE100  }
0xec: {  	[hbm4b:s5+s2] =	stream.indirect_vreg.scatter [tilespmem:s25], [sflag:$0x4], $0x80, v3, vm0, $0xb8;
	[tilespmem:$0x10100] =	vst v63  }
0xed: {  	s30 =	simm.s32 $0xE900  }
0xee: {  	[hbm4b:s6+s2] =	stream.indirect_vreg.scatter [tilespmem:s30], [sflag:$0x4], $0x80, v3, vm0, $0xb8;
	[tilespmem:$0x10100] =	vst v63  }
0xef: {  	s0 =	simm.s32 $0xF100  }
0xf0: {  	[hbm4b:s7+s2] =	stream.indirect_vreg.scatter [tilespmem:s0], [sflag:$0x4], $0x80, v3, vm0, $0xb8;
	[tilespmem:$0x10100] =	vst v63  }
0xf1: {  	s28 =	simm.s32 $0xF900  }
0xf2: {  	[hbm4b:s8+s2] =	stream.indirect_vreg.scatter [tilespmem:s28], [sflag:$0x4], $0x80, v3, vm0, $0xb8;
	[tilespmem:$0x10100] =	vst v63  }
0xf3: {  	_ =	swait.ge [sflag:s26], $0x8000  }
0xf4: {  	[sflag:s26] =	ssyncset.done $0x0  }
0xf5: {  	s0 =	simm.s32 $0x80;
	s28 =	rddreg [dreg:$0xc];
	[sflag:s26] =	ssyncadd.s32 $0xFFFF8000  }
0xf6: {  	[tilespmem:s0], [sflag:$0x5] =	stream.linear.gather [hbm4b:s28+s2], $0x20, $0x38;
	[tilespmem:$0x10100] =	vst v63  }
0xf7: {  	_ =	swait.ge [sflag:s10], $0x20  }
0xf8: {  	[sflag:s10] =	ssyncset.done $0x0  }
0xf9: {  	s0 =	rddreg [dreg:$0xd];
	[sflag:s10] =	ssyncadd.s32 $0xFFFFFFE0  }
0xfa: {  	[tilespmem:s3], [sflag:$0x2] =	stream.linear.gather [hbm4b:s0+s2], $0x8000, $0x38;
	[tilespmem:$0x10100] =	vst v63  }
0xfb: {  	_ =	swait.ge [sflag:s14], $0x8000  }
0xfc: {  	[sflag:s14] =	ssyncset.done $0x0  }
0xfd: {  	[sflag:s14] =	ssyncadd.s32 $0xFFFF8000  }
0xfe: {  	v3 =	vld [tilespmem:$0x0];
	_ =	sdelay $0x4  }
0xff: {  	v56 =	vshll.u32 v3, $0x3  }
0x100: {  	v3 =	vand.u32 $0x7, v3;
	v4 =	vand.u32 $0xFFFFFFC0, v56  }
0x101: {  	v3 =	vor.u32 v3, v4  }
0x102: {  	v4 =	vperm.xlane v3, v0;
	_ =	sdelay $0x1  }
0x103: {  	v4 =	vadd.s32 v1, v4;
	_ =	sdelay $0x4  }
0x104: {  	[hbm4b:s5+s2] =	stream.indirect_vreg.scatter [tilespmem:s13], [sflag:$0x3], $0x80, v4, vm0, $0xb8;
	[tilespmem:$0x10100] =	vst v63  }
0x105: {  	s28 =	simm.s32 $0x900;
	v3 =	vperm.xlane v3, v2  }
0x106: {  	[hbm4b:s6+s2] =	stream.indirect_vreg.scatter [tilespmem:s28], [sflag:$0x3], $0x80, v4, vm0, $0xb8;
	[tilespmem:$0x10100] =	vst v63  }
0x107: {  	v3 =	vadd.s32 v1, v3;
	s28 =	simm.s32 $0x1100  }
0x108: {  	[hbm4b:s7+s2] =	stream.indirect_vreg.scatter [tilespmem:s28], [sflag:$0x3], $0x80, v4, vm0, $0xb8;
	[tilespmem:$0x10100] =	vst v63  }
0x109: {  	_ = 	snop  }
0x10a: {  	[hbm4b:s8+s2] =	stream.indirect_vreg.scatter [tilespmem:s29], [sflag:$0x3], $0x80, v4, vm0, $0xb8;
	[tilespmem:$0x10100] =	vst v63  }
0x10b: {  	_ = 	snop  }
0x10c: {  	[hbm4b:s5+s2] =	stream.indirect_vreg.scatter [tilespmem:s4], [sflag:$0x3], $0x80, v3, vm0, $0xb8;
	[tilespmem:$0x10100] =	vst v63  }
0x10d: {  	_ = 	snop  }
0x10e: {  	[hbm4b:s6+s2] =	stream.indirect_vreg.scatter [tilespmem:s11], [sflag:$0x3], $0x80, v3, vm0, $0xb8;
	[tilespmem:$0x10100] =	vst v63  }
0x10f: {  	_ = 	snop  }
0x110: {  	[hbm4b:s7+s2] =	stream.indirect_vreg.scatter [tilespmem:s12], [sflag:$0x3], $0x80, v3, vm0, $0xb8;
	[tilespmem:$0x10100] =	vst v63  }
0x111: {  	s4 =	simm.s32 $0x3900  }
0x112: {  	[hbm4b:s8+s2] =	stream.indirect_vreg.scatter [tilespmem:s4], [sflag:$0x3], $0x80, v3, vm0, $0xb8;
	[tilespmem:$0x10100] =	vst v63  }
0x113: {  	v3 =	vld [tilespmem:$0x10];
	_ =	sdelay $0x4  }
0x114: {  	v57 =	vshll.u32 v3, $0x3  }
0x115: {  	v3 =	vand.u32 $0x7, v3;
	v4 =	vand.u32 $0xFFFFFFC0, v57  }
0x116: {  	v3 =	vor.u32 v3, v4  }
0x117: {  	v4 =	vperm.xlane v3, v0;
	_ =	sdelay $0x1  }
0x118: {  	v4 =	vadd.s32 v1, v4;
	_ =	sdelay $0x3  }
0x119: {  	s11 =	simm.s32 $0x4100  }
0x11a: {  	[hbm4b:s5+s2] =	stream.indirect_vreg.scatter [tilespmem:s11], [sflag:$0x3], $0x80, v4, vm0, $0xb8;
	[tilespmem:$0x10100] =	vst v63  }
0x11b: {  	s12 =	simm.s32 $0x4900;
	v3 =	vperm.xlane v3, v2  }
0x11c: {  	[hbm4b:s6+s2] =	stream.indirect_vreg.scatter [tilespmem:s12], [sflag:$0x3], $0x80, v4, vm0, $0xb8;
	[tilespmem:$0x10100] =	vst v63  }
0x11d: {  	v3 =	vadd.s32 v1, v3  }
0x11e: {  	[hbm4b:s7+s2] =	stream.indirect_vreg.scatter [tilespmem:s15], [sflag:$0x3], $0x80, v4, vm0, $0xb8;
	[tilespmem:$0x10100] =	vst v63  }
0x11f: {  	_ = 	snop  }
0x120: {  	[hbm4b:s8+s2] =	stream.indirect_vreg.scatter [tilespmem:s16], [sflag:$0x3], $0x80, v4, vm0, $0xb8;
	[tilespmem:$0x10100] =	vst v63  }
0x121: {  	_ = 	snop  }
0x122: {  	[hbm4b:s5+s2] =	stream.indirect_vreg.scatter [tilespmem:s17], [sflag:$0x3], $0x80, v3, vm0, $0xb8;
	[tilespmem:$0x10100] =	vst v63  }
0x123: {  	_ = 	snop  }
0x124: {  	[hbm4b:s6+s2] =	stream.indirect_vreg.scatter [tilespmem:s18], [sflag:$0x3], $0x80, v3, vm0, $0xb8;
	[tilespmem:$0x10100] =	vst v63  }
0x125: {  	_ = 	snop  }
0x126: {  	[hbm4b:s7+s2] =	stream.indirect_vreg.scatter [tilespmem:s19], [sflag:$0x3], $0x80, v3, vm0, $0xb8;
	[tilespmem:$0x10100] =	vst v63  }
0x127: {  	s28 =	simm.s32 $0x7900  }
0x128: {  	[hbm4b:s8+s2] =	stream.indirect_vreg.scatter [tilespmem:s28], [sflag:$0x3], $0x80, v3, vm0, $0xb8;
	[tilespmem:$0x10100] =	vst v63  }
0x129: {  	_ =	swait.ge [sflag:s31], $0x8000  }
0x12a: {  	[sflag:s31] =	ssyncset.done $0x0  }
0x12b: {  	s0 =	rddreg [dreg:$0xe];
	[sflag:s31] =	ssyncadd.s32 $0xFFFF8000  }
0x12c: {  	[tilespmem:s2], [sflag:$0x5] =	stream.linear.gather [hbm4b:s0+s2], $0x20, $0x38;
	[tilespmem:$0x10100] =	vst v63  }
0x12d: {  	_ =	swait.ge [sflag:s10], $0x20  }
0x12e: {  	[sflag:s10] =	ssyncset.done $0x0  }
0x12f: {  	s4 =	rddreg [dreg:$0xf];
	[sflag:s10] =	ssyncadd.s32 $0xFFFFFFE0  }
0x130: {  	[tilespmem:s13], [sflag:$0x1] =	stream.linear.gather [hbm4b:s4+s2], $0x8000, $0x38;
	[tilespmem:$0x10100] =	vst v63  }
0x131: {  	_ =	swait.ge [sflag:s1], $0x8000  }
0x132: {  	[sflag:s1] =	ssyncset.done $0x0  }
0x133: {  	[sflag:s1] =	ssyncadd.s32 $0xFFFF8000  }
0x134: {  	v3 =	vld [tilespmem:$0x80];
	_ =	sdelay $0x4  }
0x135: {  	v58 =	vshll.u32 v3, $0x3  }
0x136: {  	v3 =	vand.u32 $0x7, v3;
	v4 =	vand.u32 $0xFFFFFFC0, v58  }
0x137: {  	v3 =	vor.u32 v3, v4  }
0x138: {  	v4 =	vperm.xlane v3, v0;
	_ =	sdelay $0x1  }
0x139: {  	v4 =	vadd.s32 v1, v4;
	_ =	sdelay $0x4  }
0x13a: {  	[hbm4b:s5+s2] =	stream.indirect_vreg.scatter [tilespmem:s3], [sflag:$0x4], $0x80, v4, vm0, $0xb8;
	[tilespmem:$0x10100] =	vst v63  }
0x13b: {  	s11 =	simm.s32 $0x8900;
	v3 =	vperm.xlane v3, v2  }
0x13c: {  	[hbm4b:s6+s2] =	stream.indirect_vreg.scatter [tilespmem:s11], [sflag:$0x4], $0x80, v4, vm0, $0xb8;
	[tilespmem:$0x10100] =	vst v63  }
0x13d: {  	s12 =	simm.s32 $0x9100;
	v3 =	vadd.s32 v1, v3  }
0x13e: {  	[hbm4b:s7+s2] =	stream.indirect_vreg.scatter [tilespmem:s12], [sflag:$0x4], $0x80, v4, vm0, $0xb8;
	[tilespmem:$0x10100] =	vst v63  }
0x13f: {  	s15 =	simm.s32 $0x9900  }
0x140: {  	[hbm4b:s8+s2] =	stream.indirect_vreg.scatter [tilespmem:s15], [sflag:$0x4], $0x80, v4, vm0, $0xb8;
	[tilespmem:$0x10100] =	vst v63  }
0x141: {  	_ = 	snop  }
0x142: {  	[hbm4b:s5+s2] =	stream.indirect_vreg.scatter [tilespmem:s21], [sflag:$0x4], $0x80, v3, vm0, $0xb8;
	[tilespmem:$0x10100] =	vst v63  }
0x143: {  	_ = 	snop  }
0x144: {  	[hbm4b:s6+s2] =	stream.indirect_vreg.scatter [tilespmem:s20], [sflag:$0x4], $0x80, v3, vm0, $0xb8;
	[tilespmem:$0x10100] =	vst v63  }
0x145: {  	_ = 	snop  }
0x146: {  	[hbm4b:s7+s2] =	stream.indirect_vreg.scatter [tilespmem:s22], [sflag:$0x4], $0x80, v3, vm0, $0xb8;
	[tilespmem:$0x10100] =	vst v63  }
0x147: {  	s16 =	simm.s32 $0xB900  }
0x148: {  	[hbm4b:s8+s2] =	stream.indirect_vreg.scatter [tilespmem:s16], [sflag:$0x4], $0x80, v3, vm0, $0xb8;
	[tilespmem:$0x10100] =	vst v63  }
0x149: {  	v3 =	vld [tilespmem:$0x90];
	_ =	sdelay $0x4  }
0x14a: {  	v59 =	vshll.u32 v3, $0x3  }
0x14b: {  	v3 =	vand.u32 $0x7, v3;
	v4 =	vand.u32 $0xFFFFFFC0, v59  }
0x14c: {  	v3 =	vor.u32 v3, v4  }
0x14d: {  	v4 =	vperm.xlane v3, v0;
	_ =	sdelay $0x1  }
0x14e: {  	v4 =	vadd.s32 v1, v4;
	_ =	sdelay $0x3  }
0x14f: {  	s19 =	simm.s32 $0xC100  }
0x150: {  	[hbm4b:s5+s2] =	stream.indirect_vreg.scatter [tilespmem:s19], [sflag:$0x4], $0x80, v4, vm0, $0xb8;
	[tilespmem:$0x10100] =	vst v63  }
0x151: {  	s28 =	simm.s32 $0xC900;
	v3 =	vperm.xlane v3, v2  }
0x152: {  	[hbm4b:s6+s2] =	stream.indirect_vreg.scatter [tilespmem:s28], [sflag:$0x4], $0x80, v4, vm0, $0xb8;
	[tilespmem:$0x10100] =	vst v63  }
0x153: {  	v3 =	vadd.s32 v1, v3  }
0x154: {  	[hbm4b:s7+s2] =	stream.indirect_vreg.scatter [tilespmem:s23], [sflag:$0x4], $0x80, v4, vm0, $0xb8;
	[tilespmem:$0x10100] =	vst v63  }
0x155: {  	_ = 	snop  }
0x156: {  	[hbm4b:s8+s2] =	stream.indirect_vreg.scatter [tilespmem:s24], [sflag:$0x4], $0x80, v4, vm0, $0xb8;
	[tilespmem:$0x10100] =	vst v63  }
0x157: {  	_ = 	snop  }
0x158: {  	[hbm4b:s5+s2] =	stream.indirect_vreg.scatter [tilespmem:s25], [sflag:$0x4], $0x80, v3, vm0, $0xb8;
	[tilespmem:$0x10100] =	vst v63  }
0x159: {  	_ = 	snop  }
0x15a: {  	[hbm4b:s6+s2] =	stream.indirect_vreg.scatter [tilespmem:s30], [sflag:$0x4], $0x80, v3, vm0, $0xb8;
	[tilespmem:$0x10100] =	vst v63  }
0x15b: {  	s4 =	simm.s32 $0xF100  }
0x15c: {  	[hbm4b:s7+s2] =	stream.indirect_vreg.scatter [tilespmem:s4], [sflag:$0x4], $0x80, v3, vm0, $0xb8;
	[tilespmem:$0x10100] =	vst v63  }
0x15d: {  	s0 =	simm.s32 $0xF900  }
0x15e: {  	[hbm4b:s8+s2] =	stream.indirect_vreg.scatter [tilespmem:s0], [sflag:$0x4], $0x80, v3, vm0, $0xb8;
	[tilespmem:$0x10100] =	vst v63  }
0x15f: {  	_ =	swait.ge [sflag:s26], $0x8000  }
0x160: {  	[sflag:s26] =	ssyncset.done $0x0  }
0x161: {  	s19 =	simm.s32 $0x80;
	s28 =	rddreg [dreg:$0x10];
	[sflag:s26] =	ssyncadd.s32 $0xFFFF8000  }
0x162: {  	[tilespmem:s19], [sflag:$0x5] =	stream.linear.gather [hbm4b:s28+s2], $0x20, $0x38;
	[tilespmem:$0x10100] =	vst v63  }
0x163: {  	_ =	swait.ge [sflag:s10], $0x20  }
0x164: {  	[sflag:s10] =	ssyncset.done $0x0  }
0x165: {  	s19 =	rddreg [dreg:$0x11];
	[sflag:s10] =	ssyncadd.s32 $0xFFFFFFE0  }
0x166: {  	[tilespmem:s3], [sflag:$0x2] =	stream.linear.gather [hbm4b:s19+s2], $0x8000, $0x38;
	[tilespmem:$0x10100] =	vst v63  }
0x167: {  	_ =	swait.ge [sflag:s14], $0x8000  }
0x168: {  	[sflag:s14] =	ssyncset.done $0x0  }
0x169: {  	[sflag:s14] =	ssyncadd.s32 $0xFFFF8000  }
0x16a: {  	v3 =	vld [tilespmem:$0x0];
	_ =	sdelay $0x4  }
0x16b: {  	v60 =	vshll.u32 v3, $0x3  }
0x16c: {  	v3 =	vand.u32 $0x7, v3;
	v4 =	vand.u32 $0xFFFFFFC0, v60  }
0x16d: {  	v3 =	vor.u32 v3, v4  }
0x16e: {  	v4 =	vperm.xlane v3, v0;
	_ =	sdelay $0x1  }
0x16f: {  	v4 =	vadd.s32 v1, v4;
	_ =	sdelay $0x4  }
0x170: {  	[hbm4b:s5+s2] =	stream.indirect_vreg.scatter [tilespmem:s13], [sflag:$0x3], $0x80, v4, vm0, $0xb8;
	[tilespmem:$0x10100] =	vst v63  }
0x171: {  	s19 =	simm.s32 $0x900;
	v3 =	vperm.xlane v3, v2  }
0x172: {  	[hbm4b:s6+s2] =	stream.indirect_vreg.scatter [tilespmem:s19], [sflag:$0x3], $0x80, v4, vm0, $0xb8;
	[tilespmem:$0x10100] =	vst v63  }
0x173: {  	s28 =	simm.s32 $0x1100;
	v3 =	vadd.s32 v1, v3  }
0x174: {  	[hbm4b:s7+s2] =	stream.indirect_vreg.scatter [tilespmem:s28], [sflag:$0x3], $0x80, v4, vm0, $0xb8;
	[tilespmem:$0x10100] =	vst v63  }
0x175: {  	s29 =	simm.s32 $0x1900  }
0x176: {  	[hbm4b:s8+s2] =	stream.indirect_vreg.scatter [tilespmem:s29], [sflag:$0x3], $0x80, v4, vm0, $0xb8;
	[tilespmem:$0x10100] =	vst v63  }
0x177: {  	s19 =	simm.s32 $0x2100  }
0x178: {  	[hbm4b:s5+s2] =	stream.indirect_vreg.scatter [tilespmem:s19], [sflag:$0x3], $0x80, v3, vm0, $0xb8;
	[tilespmem:$0x10100] =	vst v63  }
0x179: {  	s28 =	simm.s32 $0x2900  }
0x17a: {  	[hbm4b:s6+s2] =	stream.indirect_vreg.scatter [tilespmem:s28], [sflag:$0x3], $0x80, v3, vm0, $0xb8;
	[tilespmem:$0x10100] =	vst v63  }
0x17b: {  	s29 =	simm.s32 $0x3100  }
0x17c: {  	[hbm4b:s7+s2] =	stream.indirect_vreg.scatter [tilespmem:s29], [sflag:$0x3], $0x80, v3, vm0, $0xb8;
	[tilespmem:$0x10100] =	vst v63  }
0x17d: {  	s19 =	simm.s32 $0x3900  }
0x17e: {  	[hbm4b:s8+s2] =	stream.indirect_vreg.scatter [tilespmem:s19], [sflag:$0x3], $0x80, v3, vm0, $0xb8;
	[tilespmem:$0x10100] =	vst v63  }
0x17f: {  	v3 =	vld [tilespmem:$0x10];
	_ =	sdelay $0x4  }
0x180: {  	v61 =	vshll.u32 v3, $0x3  }
0x181: {  	v3 =	vand.u32 $0x7, v3;
	v4 =	vand.u32 $0xFFFFFFC0, v61  }
0x182: {  	v3 =	vor.u32 v3, v4  }
0x183: {  	v4 =	vperm.xlane v3, v0;
	_ =	sdelay $0x1  }
0x184: {  	v4 =	vadd.s32 v1, v4;
	_ =	sdelay $0x3  }
0x185: {  	s28 =	simm.s32 $0x4100  }
0x186: {  	[hbm4b:s5+s2] =	stream.indirect_vreg.scatter [tilespmem:s28], [sflag:$0x3], $0x80, v4, vm0, $0xb8;
	[tilespmem:$0x10100] =	vst v63  }
0x187: {  	s29 =	simm.s32 $0x4900;
	v3 =	vperm.xlane v3, v2  }
0x188: {  	[hbm4b:s6+s2] =	stream.indirect_vreg.scatter [tilespmem:s29], [sflag:$0x3], $0x80, v4, vm0, $0xb8;
	[tilespmem:$0x10100] =	vst v63  }
0x189: {  	s19 =	simm.s32 $0x5100;
	v3 =	vadd.s32 v1, v3  }
0x18a: {  	[hbm4b:s7+s2] =	stream.indirect_vreg.scatter [tilespmem:s19], [sflag:$0x3], $0x80, v4, vm0, $0xb8;
	[tilespmem:$0x10100] =	vst v63  }
0x18b: {  	s28 =	simm.s32 $0x5900  }
0x18c: {  	[hbm4b:s8+s2] =	stream.indirect_vreg.scatter [tilespmem:s28], [sflag:$0x3], $0x80, v4, vm0, $0xb8;
	[tilespmem:$0x10100] =	vst v63  }
0x18d: {  	s29 =	simm.s32 $0x6100  }
0x18e: {  	[hbm4b:s5+s2] =	stream.indirect_vreg.scatter [tilespmem:s29], [sflag:$0x3], $0x80, v3, vm0, $0xb8;
	[tilespmem:$0x10100] =	vst v63  }
0x18f: {  	s19 =	simm.s32 $0x6900  }
0x190: {  	[hbm4b:s6+s2] =	stream.indirect_vreg.scatter [tilespmem:s19], [sflag:$0x3], $0x80, v3, vm0, $0xb8;
	[tilespmem:$0x10100] =	vst v63  }
0x191: {  	s28 =	simm.s32 $0x7100  }
0x192: {  	[hbm4b:s7+s2] =	stream.indirect_vreg.scatter [tilespmem:s28], [sflag:$0x3], $0x80, v3, vm0, $0xb8;
	[tilespmem:$0x10100] =	vst v63  }
0x193: {  	s29 =	simm.s32 $0x7900  }
0x194: {  	[hbm4b:s8+s2] =	stream.indirect_vreg.scatter [tilespmem:s29], [sflag:$0x3], $0x80, v3, vm0, $0xb8;
	[tilespmem:$0x10100] =	vst v63  }
0x195: {  	_ =	swait.ge [sflag:s1], $0x8000  }
0x196: {  	[sflag:s1] =	ssyncset.done $0x0  }
0x197: {  	[sflag:s1] =	ssyncadd.s32 $0xFFFF8000  }
0x198: {  	v3 =	vld [tilespmem:$0x80];
	_ =	sdelay $0x4  }
0x199: {  	v62 =	vshll.u32 v3, $0x3  }
0x19a: {  	v3 =	vand.u32 $0x7, v3;
	v4 =	vand.u32 $0xFFFFFFC0, v62  }
0x19b: {  	v3 =	vor.u32 v3, v4  }
0x19c: {  	v4 =	vperm.xlane v3, v0;
	_ =	sdelay $0x1  }
0x19d: {  	v4 =	vadd.s32 v1, v4;
	_ =	sdelay $0x4  }
0x19e: {  	[hbm4b:s5+s2] =	stream.indirect_vreg.scatter [tilespmem:s3], [sflag:$0x4], $0x80, v4, vm0, $0xb8;
	[tilespmem:$0x10100] =	vst v63  }
0x19f: {  	s17 =	simm.s32 $0x8900;
	v3 =	vperm.xlane v3, v2  }
0x1a0: {  	[hbm4b:s6+s2] =	stream.indirect_vreg.scatter [tilespmem:s17], [sflag:$0x4], $0x80, v4, vm0, $0xb8;
	[tilespmem:$0x10100] =	vst v63  }
0x1a1: {  	s18 =	simm.s32 $0x9100;
	v3 =	vadd.s32 v1, v3  }
0x1a2: {  	[hbm4b:s7+s2] =	stream.indirect_vreg.scatter [tilespmem:s18], [sflag:$0x4], $0x80, v4, vm0, $0xb8;
	[tilespmem:$0x10100] =	vst v63  }
0x1a3: {  	s11 =	simm.s32 $0x9900  }
0x1a4: {  	[hbm4b:s8+s2] =	stream.indirect_vreg.scatter [tilespmem:s11], [sflag:$0x4], $0x80, v4, vm0, $0xb8;
	[tilespmem:$0x10100] =	vst v63  }
0x1a5: {  	s21 =	simm.s32 $0xA100  }
0x1a6: {  	[hbm4b:s5+s2] =	stream.indirect_vreg.scatter [tilespmem:s21], [sflag:$0x4], $0x80, v3, vm0, $0xb8;
	[tilespmem:$0x10100] =	vst v63  }
0x1a7: {  	s20 =	simm.s32 $0xA900  }
0x1a8: {  	[hbm4b:s6+s2] =	stream.indirect_vreg.scatter [tilespmem:s20], [sflag:$0x4], $0x80, v3, vm0, $0xb8;
	[tilespmem:$0x10100] =	vst v63  }
0x1a9: {  	s22 =	simm.s32 $0xB100  }
0x1aa: {  	[hbm4b:s7+s2] =	stream.indirect_vreg.scatter [tilespmem:s22], [sflag:$0x4], $0x80, v3, vm0, $0xb8;
	[tilespmem:$0x10100] =	vst v63  }
0x1ab: {  	s12 =	simm.s32 $0xB900  }
0x1ac: {  	[hbm4b:s8+s2] =	stream.indirect_vreg.scatter [tilespmem:s12], [sflag:$0x4], $0x80, v3, vm0, $0xb8;
	[tilespmem:$0x10100] =	vst v63  }
0x1ad: {  	v3 =	vld [tilespmem:$0x90];
	_ =	sdelay $0x4  }
0x1ae: {  	v63 =	vshll.u32 v3, $0x3  }
0x1af: {  	v3 =	vand.u32 $0x7, v3;
	v4 =	vand.u32 $0xFFFFFFC0, v63  }
0x1b0: {  	v3 =	vor.u32 v3, v4  }
0x1b1: {  	v4 =	vperm.xlane v3, v0;
	_ =	sdelay $0x1  }
0x1b2: {  	v4 =	vadd.s32 v1, v4;
	_ =	sdelay $0x3  }
0x1b3: {  	s15 =	simm.s32 $0xC100  }
0x1b4: {  	[hbm4b:s5+s2] =	stream.indirect_vreg.scatter [tilespmem:s15], [sflag:$0x4], $0x80, v4, vm0, $0xb8;
	[tilespmem:$0x10100] =	vst v63  }
0x1b5: {  	s16 =	simm.s32 $0xC900;
	v3 =	vperm.xlane v3, v2  }
0x1b6: {  	[hbm4b:s6+s2] =	stream.indirect_vreg.scatter [tilespmem:s16], [sflag:$0x4], $0x80, v4, vm0, $0xb8;
	[tilespmem:$0x10100] =	vst v63  }
0x1b7: {  	s23 =	simm.s32 $0xD100;
	v3 =	vadd.s32 v1, v3  }
0x1b8: {  	[hbm4b:s7+s2] =	stream.indirect_vreg.scatter [tilespmem:s23], [sflag:$0x4], $0x80, v4, vm0, $0xb8;
	[tilespmem:$0x10100] =	vst v63  }
0x1b9: {  	s24 =	simm.s32 $0xD900  }
0x1ba: {  	[hbm4b:s8+s2] =	stream.indirect_vreg.scatter [tilespmem:s24], [sflag:$0x4], $0x80, v4, vm0, $0xb8;
	[tilespmem:$0x10100] =	vst v63  }
0x1bb: {  	s25 =	simm.s32 $0xE100  }
0x1bc: {  	[hbm4b:s5+s2] =	stream.indirect_vreg.scatter [tilespmem:s25], [sflag:$0x4], $0x80, v3, vm0, $0xb8;
	[tilespmem:$0x10100] =	vst v63  }
0x1bd: {  	s30 =	simm.s32 $0xE900  }
0x1be: {  	[hbm4b:s6+s2] =	stream.indirect_vreg.scatter [tilespmem:s30], [sflag:$0x4], $0x80, v3, vm0, $0xb8;
	[tilespmem:$0x10100] =	vst v63  }
0x1bf: {  	s4 =	simm.s32 $0xF100  }
0x1c0: {  	[hbm4b:s7+s2] =	stream.indirect_vreg.scatter [tilespmem:s4], [sflag:$0x4], $0x80, v3, vm0, $0xb8;
	[tilespmem:$0x10100] =	vst v63  }
0x1c1: {  	_ = 	snop  }
0x1c2: {  	[hbm4b:s8+s2] =	stream.indirect_vreg.scatter [tilespmem:s0], [sflag:$0x4], $0x80, v3, vm0, $0xb8;
	[tilespmem:$0x10100] =	vst v63  }
0x1c3: {  	p0 =	sne.s32 s9, $0x1;
	_ =	swait.ge [sflag:s31], $0x8000  }
.Ltmp0:
0x1c4: {  	[sflag:s31] =	ssyncset.done $0x0;
	(pc) =	sbr.rel @p0 .LBB2_1-.Ltmp0, $4  }
0x1c5: {  	[sflag:s31] =	ssyncadd.s32 $0xFFFF8000  }
0x1c6: {  	_ =	swait.ge [sflag:s26], $0x8000  }
0x1c7: {  	[sflag:s26] =	ssyncset.done $0x0  }
0x1c8: {  	s9 =	sadd.s32 $0xFFFFFFFF, s9;
	[sflag:s26] =	ssyncadd.s32 $0xFFFF8000  }
0x1c9: {  	_ =	sfence.sel $0x180000  }
0x1ca: {  	[bflag:$0x0] =	sbarrier.arrive $0xFFFF  }
0x1cb: {  	_ =	strace $0x90000047  }
0x1cc: {  	s0 =	stileid.u32;
	[bflag:$0x2] =	sbarrier.arrive $0xFFFF  }
0x1cd: {  	p0 =	sne.s32 s0, $0x0;
	s0 =	rddreg [dreg:$0x3]  }
0x1ce: {  	s0 =	sadd.s32 @!p0 $0x100000, s0  }
0x1cf: {  	[sflag:s0] =	ssyncadd.tile.s32 @!p0 $0x1;
	_ =	shalt  }
.Lfunc_end2:
_tile_overlayer_lowered:
.L_overlay_start_2:
0x1d0: {  	(tag) =	ssettag $0x2  }
0x1d1: {  	s0 =	rddreg [dreg:$0x0];
	s2 =	stileid.u32  }
0x1d2: {  	s1 =	rddreg [dreg:$0x1];
	p0 =	sne.s32 s2, $0x0  }
0x1d3: {  	s3 =	rddreg [dreg:$0x2];
	[bflag:$0x3] =	sbarrier.arrive $0xFFFF;
	s2 =	simm.s32 @!p0 $0x1C05  }
0x1d4: {  	[timem:s3], [sflag:s2] =	dma.local @!p0 [hbm:s0], s1  }
0x1d5: {  	s0 =	simm.s32 @!p0 $0x5  }
0x1d6: {  	_ =	swait.ge @!p0 [sflag:s0], s1  }
0x1d7: {  	s1 =	ssub.s32 @!p0 $0x0, s1;
	[sflag:s0] =	ssyncset.done @!p0 $0x0  }
0x1d8: {  	[sflag:s0] =	ssyncadd.s32 @!p0 s1  }
0x1d9: {  	[bflag:$0x3] =	sbarrier.arrive $0xFFFF  }
0x1da: {  	_ =	shalt  }

</sc_bundles>
